<compile_context>
chip_gen: v7x
topology: tpu7x:2x2x1
jax: 0.10.2.dev20260603
libtpu: 0.0.44.dev20260713+nightly
codegen_flags: <defaults>
</compile_context>

<pallas_src>
import jax
import jax.numpy as jnp
from jax import lax
from jax.experimental import pallas as pl
from jax.experimental.pallas import tpu as pltpu
from jax.experimental.pallas import tpu_sc as plsc

NUM_BINS = 381
B, L = 16384, 200

_N = B * L
_NC, _NS, _LANES = 2, 16, 16
_NW = _NC * _NS
_PER_W = _N // _NW
_CH = 10240
_NCHUNK = _PER_W // _CH
_NBUF = 2
_LUT_LEN = NUM_BINS * 3
_LUT_PAD = 1152


def _lut_body(tt_ref, w1_ref, b1_ref, w2t_ref, b2_ref, w3t_ref, b3_ref, o_ref):
    h = lax.dot_general(tt_ref[:], w1_ref[:], (((0,), (0,)), ((), ())),
                        preferred_element_type=jnp.float32)
    h = jnp.maximum(h + b1_ref[:], 0.0)
    h = lax.dot_general(h, w2t_ref[:], (((1,), (1,)), ((), ())),
                        preferred_element_type=jnp.float32)
    h = jnp.maximum(h + b2_ref[:], 0.0)
    z = lax.dot_general(h, w3t_ref[:], (((1,), (1,)), ((), ())),
                        preferred_element_type=jnp.float32) + b3_ref[:]
    o_ref[:] = jax.nn.sigmoid(z)


_lut_call = pl.pallas_call(
    _lut_body,
    out_shape=jax.ShapeDtypeStruct((NUM_BINS, 3), jnp.float32),
)


def _gather_body(lut_hbm, idx_hbm, amp_hbm, out_hbm, lut_v, *bufs):
    idx_b = bufs[0:_NBUF]
    amp_b = bufs[_NBUF:2 * _NBUF]
    out_b = tuple(bufs[2 * _NBUF + 3 * j:2 * _NBUF + 3 * (j + 1)]
                  for j in range(_NBUF))
    sin = bufs[5 * _NBUF:6 * _NBUF]
    sout = bufs[6 * _NBUF:7 * _NBUF]

    wid = lax.axis_index("s") * _NC + lax.axis_index("c")
    base = wid * _PER_W

    def start_in(k):
        b = k % _NBUF
        off = base + k * _CH
        h1 = pltpu.async_copy(idx_hbm.at[pl.ds(off, _CH)], idx_b[b], sin[b])
        h2 = pltpu.async_copy(amp_hbm.at[pl.ds(off, _CH)], amp_b[b], sin[b])
        return (h1, h2)

    in_handles = {0: start_in(0)}
    pltpu.sync_copy(lut_hbm, lut_v)
    out_handles = {}
    for k in range(_NCHUNK):
        b = k % _NBUF
        if k + 1 < _NCHUNK:
            in_handles[k + 1] = start_in(k + 1)
        for h in in_handles.pop(k):
            h.wait()
        if k >= _NBUF:
            for h in out_handles.pop(k - _NBUF):
                h.wait()

        idx_v, amp_v = idx_b[b], amp_b[b]
        o0, o1, o2 = out_b[b]

        @plsc.parallel_loop(0, _CH // _LANES, unroll=10)
        def vec(i):
            s = i * _LANES
            idx = idx_v[pl.ds(s, _LANES)]
            amp = amp_v[pl.ds(s, _LANES)]
            bright = 0.3 + 0.7 * amp
            g = idx * 3
            o0[pl.ds(s, _LANES)] = plsc.load_gather(lut_v, [g]) * bright
            o1[pl.ds(s, _LANES)] = plsc.load_gather(lut_v, [g + 1]) * bright
            o2[pl.ds(s, _LANES)] = plsc.load_gather(lut_v, [g + 2]) * bright

        off = base + k * _CH
        out_handles[k] = tuple(
            pltpu.async_copy(ov, out_hbm.at[pl.ds(c * _N + off, _CH)], sout[b])
            for c, ov in enumerate((o0, o1, o2)))
    for k in range(_NCHUNK - _NBUF, _NCHUNK):
        for h in out_handles.pop(k):
            h.wait()


_gather_call = pl.kernel(
    _gather_body,
    out_type=jax.ShapeDtypeStruct((3 * _N,), jnp.float32),
    mesh=plsc.VectorSubcoreMesh(core_axis_name="c", subcore_axis_name="s"),
    compiler_params=pltpu.CompilerParams(needs_layout_passes=False),
    scratch_types=(
        [pltpu.VMEM((_LUT_PAD,), jnp.float32)]
        + [pltpu.VMEM((_CH,), jnp.int32) for _ in range(_NBUF)]
        + [pltpu.VMEM((_CH,), jnp.float32) for _ in range(4 * _NBUF)]
        + [pltpu.SemaphoreType.DMA for _ in range(2 * _NBUF)]
    ),
)


def kernel(freq_indices, amplitude, table, W1, b1, W2, b2, W3, b3):
    lut_full = _lut_call(table.T, W1, b1[None, :], W2.T, b2[None, :],
                         W3.T, b3[None, :])
    lut_flat = jnp.pad(lut_full.reshape(-1), (0, _LUT_PAD - _LUT_LEN))
    idx_flat = (freq_indices.T.reshape(L // 8, 8, B // 128, 128)
                .transpose(0, 2, 1, 3).reshape(-1).astype(jnp.int32))
    amp_flat = (amplitude.T.reshape(L // 8, 8, B // 128, 128)
                .transpose(0, 2, 1, 3).reshape(-1))
    out3 = _gather_call(lut_flat, idx_flat, amp_flat)
    return (out3.reshape(3, L // 8, B // 128, 8, 128)
            .transpose(0, 1, 3, 2, 4)
            .reshape(3, L, B)
            .transpose(2, 1, 0))

# --- scband reference (transcript-rebuilt; emitter-appended) ---
"""Pipeline reference for scband-learnable-color-encoder-12678743458081 (READ-ONLY COPY).

The authoritative reference and input builder live on the scoring server;
editing this copy changes nothing except your own understanding.
"""

import jax, jax.numpy as jnp
import numpy as np

NUM_BINS = 381
EMB_DIM = 64
B, L = 16384, 200


def setup_inputs(seed: int = 0) -> dict:
    key = jax.random.key(seed)
    ks = jax.random.split(key, 10)
    freq_indices = jax.random.randint(ks[0], (B, L), 0, NUM_BINS, dtype=jnp.int64 if jax.config.jax_enable_x64 else jnp.int32)
    amplitude = jax.random.uniform(ks[1], (B, L), dtype=jnp.float32)
    # freq_embedding table, initialized like _init_from_chromesthesia
    table = jax.random.normal(ks[2], (NUM_BINS, EMB_DIM), dtype=jnp.float32) * 0.1
    hue = (jnp.arange(NUM_BINS, dtype=jnp.float32) / NUM_BINS) * 0.8
    table = table.at[:, 0].set(hue * 2.0 - 1.0)
    # color_net: Linear(64->64), ReLU, Linear(64->32), ReLU, Linear(32->3), Sigmoid
    W1 = jax.random.uniform(ks[3], (EMB_DIM, 64), dtype=jnp.float32, minval=-1.0, maxval=1.0) / np.sqrt(EMB_DIM)
    b1 = jnp.zeros((64,), dtype=jnp.float32)
    W2 = jax.random.uniform(ks[4], (64, 32), dtype=jnp.float32, minval=-1.0, maxval=1.0) / np.sqrt(64)
    b2 = jnp.zeros((32,), dtype=jnp.float32)
    W3 = jax.random.uniform(ks[5], (32, 3), dtype=jnp.float32, minval=-1.0, maxval=1.0) / np.sqrt(32)
    b3 = jnp.zeros((3,), dtype=jnp.float32)
    return {
        'freq_indices': freq_indices,
        'amplitude': amplitude,
        'table': table,
        'W1': W1, 'b1': b1,
        'W2': W2, 'b2': b2,
        'W3': W3, 'b3': b3,
    }


def reference(freq_indices, amplitude, table, W1, b1, W2, b2, W3, b3):
    # embedding lookup (gather)
    emb = jnp.take(table, freq_indices, axis=0)  # [B, L, 64]
    # color_net MLP
    h = jax.nn.relu(emb @ W1 + b1)
    h = jax.nn.relu(h @ W2 + b2)
    colors = jax.nn.sigmoid(h @ W3 + b3)  # [B, L, 3]
    # amplitude brightness modulation
    brightness = 0.3 + 0.7 * amplitude[..., None]
    colors = colors * brightness
    return colors

if __name__ == "__main__":
    import jax
    _d = setup_inputs()
    print(jax.jit(kernel)(*tuple(_d.values())))

</pallas_src>

<mosaic_0001>
#map = affine_map<(d0, d1) -> (0)>
module attributes {stable_mosaic.version = 14 : i64} {
  func.func @_gather_body(%arg0: i32, %arg1: i32, %arg2: memref<1152xf32, #tpu.memory_space<hbm>>, %arg3: memref<3276800xi32, #tpu.memory_space<hbm>>, %arg4: memref<3276800xf32, #tpu.memory_space<hbm>>, %arg5: memref<9830400xf32, #tpu.memory_space<hbm>>, %arg6: memref<1152xf32, #tpu.memory_space<vmem>>, %arg7: memref<10240xi32, #tpu.memory_space<vmem>>, %arg8: memref<10240xi32, #tpu.memory_space<vmem>>, %arg9: memref<10240xf32, #tpu.memory_space<vmem>>, %arg10: memref<10240xf32, #tpu.memory_space<vmem>>, %arg11: memref<10240xf32, #tpu.memory_space<vmem>>, %arg12: memref<10240xf32, #tpu.memory_space<vmem>>, %arg13: memref<10240xf32, #tpu.memory_space<vmem>>, %arg14: memref<10240xf32, #tpu.memory_space<vmem>>, %arg15: memref<10240xf32, #tpu.memory_space<vmem>>, %arg16: memref<10240xf32, #tpu.memory_space<vmem>>, %arg17: memref<!tpu.dma_semaphore, #tpu.memory_space<semaphore_mem>>, %arg18: memref<!tpu.dma_semaphore, #tpu.memory_space<semaphore_mem>>, %arg19: memref<!tpu.dma_semaphore, #tpu.memory_space<semaphore_mem>>, %arg20: memref<!tpu.dma_semaphore, #tpu.memory_space<semaphore_mem>>) attributes {dimension_semantics = [#tpu.dimension_semantics<core_parallel>, #tpu.dimension_semantics<subcore_parallel>], iteration_bounds = array<i64: 2, 16>, scalar_prefetch = 0 : i64, scratch_operands = 15 : i64, tpu.core_type = #tpu.core_type<sc_vector_subcore>, window_params = [{transform_indices = #map}, {transform_indices = #map}, {transform_indices = #map}, {transform_indices = #map}]} {
    %mul3A = arith.constant 2 : i32
    %mul3A_0 = arith.muli %arg1, %mul3A : i32
    %add3A = arith.addi %mul3A_0, %arg0 : i32
    %mul3A_1 = arith.constant 102400 : i32
    %mul3A_2 = arith.muli %add3A, %mul3A_1 : i32
    %add3A_3 = arith.constant 0 : i32
    %add3A_4 = arith.addi %mul3A_2, %add3A_3 : i32
    %dma_start3A = tpu.memref_slice %arg3[%add3A_4] : memref<3276800xi32, #tpu.memory_space<hbm>> -> memref<10240xi32, #tpu.memory_space<hbm>>
    %dma_start3A_5 = tpu.memref_slice %arg3[%add3A_4] : memref<3276800xi32, #tpu.memory_space<hbm>> -> memref<10240xi32, #tpu.memory_space<hbm>>
    tpu.enqueue_dma source(%dma_start3A_5 : memref<10240xi32, #tpu.memory_space<hbm>>) target(%arg7 : memref<10240xi32, #tpu.memory_space<vmem>>) target_semaphore(%arg17 : memref<!tpu.dma_semaphore, #tpu.memory_space<semaphore_mem>>)
    %dma_start3A_6 = tpu.memref_slice %arg4[%add3A_4] : memref<3276800xf32, #tpu.memory_space<hbm>> -> memref<10240xf32, #tpu.memory_space<hbm>>
    %dma_start3A_7 = tpu.memref_slice %arg4[%add3A_4] : memref<3276800xf32, #tpu.memory_space<hbm>> -> memref<10240xf32, #tpu.memory_space<hbm>>
    tpu.enqueue_dma source(%dma_start3A_7 : memref<10240xf32, #tpu.memory_space<hbm>>) target(%arg9 : memref<10240xf32, #tpu.memory_space<vmem>>) target_semaphore(%arg17 : memref<!tpu.dma_semaphore, #tpu.memory_space<semaphore_mem>>)
    "tpu.region"() ({
      %run_scoped3A = tpu.sem_alloc : memref<!tpu.dma_semaphore, #tpu.memory_space<semaphore_mem>>
      tpu.enqueue_dma source(%arg2 : memref<1152xf32, #tpu.memory_space<hbm>>) target(%arg6 : memref<1152xf32, #tpu.memory_space<vmem>>) target_semaphore(%run_scoped3A : memref<!tpu.dma_semaphore, #tpu.memory_space<semaphore_mem>>)
      tpu.wait_dma2 semaphore(%run_scoped3A : memref<!tpu.dma_semaphore, #tpu.memory_space<semaphore_mem>>) src(%arg2 : memref<1152xf32, #tpu.memory_space<hbm>>) dst(%arg6 : memref<1152xf32, #tpu.memory_space<vmem>>)
      tpu.yield
    }) : () -> ()
    %add3A_8 = arith.constant 10240 : i32
    %add3A_9 = arith.addi %mul3A_2, %add3A_8 : i32
    %dma_start3A_10 = tpu.memref_slice %arg3[%add3A_9] : memref<3276800xi32, #tpu.memory_space<hbm>> -> memref<10240xi32, #tpu.memory_space<hbm>>
    %dma_start3A_11 = tpu.memref_slice %arg3[%add3A_9] : memref<3276800xi32, #tpu.memory_space<hbm>> -> memref<10240xi32, #tpu.memory_space<hbm>>
    tpu.enqueue_dma source(%dma_start3A_11 : memref<10240xi32, #tpu.memory_space<hbm>>) target(%arg8 : memref<10240xi32, #tpu.memory_space<vmem>>) target_semaphore(%arg18 : memref<!tpu.dma_semaphore, #tpu.memory_space<semaphore_mem>>)
    %dma_start3A_12 = tpu.memref_slice %arg4[%add3A_9] : memref<3276800xf32, #tpu.memory_space<hbm>> -> memref<10240xf32, #tpu.memory_space<hbm>>
    %dma_start3A_13 = tpu.memref_slice %arg4[%add3A_9] : memref<3276800xf32, #tpu.memory_space<hbm>> -> memref<10240xf32, #tpu.memory_space<hbm>>
    tpu.enqueue_dma source(%dma_start3A_13 : memref<10240xf32, #tpu.memory_space<hbm>>) target(%arg10 : memref<10240xf32, #tpu.memory_space<vmem>>) target_semaphore(%arg18 : memref<!tpu.dma_semaphore, #tpu.memory_space<semaphore_mem>>)
    %dma_wait3A = tpu.memref_slice %arg3[%add3A_4] : memref<3276800xi32, #tpu.memory_space<hbm>> -> memref<10240xi32, #tpu.memory_space<hbm>>
    %dma_wait3A_14 = tpu.memref_slice %arg3[%add3A_4] : memref<3276800xi32, #tpu.memory_space<hbm>> -> memref<10240xi32, #tpu.memory_space<hbm>>
    tpu.wait_dma2 semaphore(%arg17 : memref<!tpu.dma_semaphore, #tpu.memory_space<semaphore_mem>>) src(%dma_wait3A_14 : memref<10240xi32, #tpu.memory_space<hbm>>) dst(%arg7 : memref<10240xi32, #tpu.memory_space<vmem>>)
    %dma_wait3A_15 = tpu.memref_slice %arg4[%add3A_4] : memref<3276800xf32, #tpu.memory_space<hbm>> -> memref<10240xf32, #tpu.memory_space<hbm>>
    %dma_wait3A_16 = tpu.memref_slice %arg4[%add3A_4] : memref<3276800xf32, #tpu.memory_space<hbm>> -> memref<10240xf32, #tpu.memory_space<hbm>>
    tpu.wait_dma2 semaphore(%arg17 : memref<!tpu.dma_semaphore, #tpu.memory_space<semaphore_mem>>) src(%dma_wait3A_16 : memref<10240xf32, #tpu.memory_space<hbm>>) dst(%arg9 : memref<10240xf32, #tpu.memory_space<vmem>>)
    %parallel_loop3A = arith.constant 0 : i32
    %parallel_loop3A_17 = arith.constant 640 : i32
    %parallel_loop3A_18 = arith.constant 1 : i32
    scf.for %parallel_loop3A_330 = %parallel_loop3A to %parallel_loop3A_17 step %parallel_loop3A_18  : i32 {
      %parallel_loop3A_331 = arith.constant 16 : i32
      %parallel_loop3A_332 = arith.muli %parallel_loop3A_330, %parallel_loop3A_331 : i32
      %parallel_loop3A_333 = arith.index_cast %parallel_loop3A_332 : i32 to index
      %parallel_loop3A_334 = tpu.vector_load %arg7[%parallel_loop3A_333] {strides = array<i32>} : memref<10240xi32, #tpu.memory_space<vmem>>, vector<16xi32>,
      %parallel_loop3A_335 = arith.index_cast %parallel_loop3A_332 : i32 to index
      %parallel_loop3A_336 = tpu.vector_load %arg9[%parallel_loop3A_335] {strides = array<i32>} : memref<10240xf32, #tpu.memory_space<vmem>>, vector<16xf32>,
      %parallel_loop3A_337 = arith.constant 0.699999988 : f32
      %parallel_loop3A_338 = vector.broadcast %parallel_loop3A_337 : f32 to vector<16xf32>
      %parallel_loop3A_339 = arith.mulf %parallel_loop3A_338, %parallel_loop3A_336 : vector<16xf32>
      %parallel_loop3A_340 = arith.constant 3.000000e-01 : f32
      %parallel_loop3A_341 = vector.broadcast %parallel_loop3A_340 : f32 to vector<16xf32>
      %parallel_loop3A_342 = arith.addf %parallel_loop3A_341, %parallel_loop3A_339 : vector<16xf32>
      %parallel_loop3A_343 = arith.constant 3 : i32
      %parallel_loop3A_344 = vector.broadcast %parallel_loop3A_343 : i32 to vector<16xi32>
      %parallel_loop3A_345 = arith.muli %parallel_loop3A_334, %parallel_loop3A_344 : vector<16xi32>
      %parallel_loop3A_346 = tpu.vector_load_idx %arg6[%parallel_loop3A_345] : memref<1152xf32, #tpu.memory_space<vmem>>[vector<16xi32>], vector<16xf32>,
      %parallel_loop3A_347 = arith.mulf %parallel_loop3A_346, %parallel_loop3A_342 : vector<16xf32>
      %parallel_loop3A_348 = arith.index_cast %parallel_loop3A_332 : i32 to index
      %parallel_loop3A_349 = tpu.vector_load %arg11[%parallel_loop3A_348] {strides = array<i32>} : memref<10240xf32, #tpu.memory_space<vmem>>, vector<16xf32>,
      tpu.vector_store %arg11[%parallel_loop3A_348], %parallel_loop3A_347 {strides = array<i32>} : memref<10240xf32, #tpu.memory_space<vmem>>, vector<16xf32>,
      %parallel_loop3A_350 = arith.constant 1 : i32
      %parallel_loop3A_351 = vector.broadcast %parallel_loop3A_350 : i32 to vector<16xi32>
      %parallel_loop3A_352 = arith.addi %parallel_loop3A_345, %parallel_loop3A_351 : vector<16xi32>
      %parallel_loop3A_353 = tpu.vector_load_idx %arg6[%parallel_loop3A_352] : memref<1152xf32, #tpu.memory_space<vmem>>[vector<16xi32>], vector<16xf32>,
      %parallel_loop3A_354 = arith.mulf %parallel_loop3A_353, %parallel_loop3A_342 : vector<16xf32>
      %parallel_loop3A_355 = arith.index_cast %parallel_loop3A_332 : i32 to index
      %parallel_loop3A_356 = tpu.vector_load %arg12[%parallel_loop3A_355] {strides = array<i32>} : memref<10240xf32, #tpu.memory_space<vmem>>, vector<16xf32>,
      tpu.vector_store %arg12[%parallel_loop3A_355], %parallel_loop3A_354 {strides = array<i32>} : memref<10240xf32, #tpu.memory_space<vmem>>, vector<16xf32>,
      %parallel_loop3A_357 = arith.constant 2 : i32
      %parallel_loop3A_358 = vector.broadcast %parallel_loop3A_357 : i32 to vector<16xi32>
      %parallel_loop3A_359 = arith.addi %parallel_loop3A_345, %parallel_loop3A_358 : vector<16xi32>
      %parallel_loop3A_360 = tpu.vector_load_idx %arg6[%parallel_loop3A_359] : memref<1152xf32, #tpu.memory_space<vmem>>[vector<16xi32>], vector<16xf32>,
      %parallel_loop3A_361 = arith.mulf %parallel_loop3A_360, %parallel_loop3A_342 : vector<16xf32>
      %parallel_loop3A_362 = arith.index_cast %parallel_loop3A_332 : i32 to index
      %parallel_loop3A_363 = tpu.vector_load %arg13[%parallel_loop3A_362] {strides = array<i32>} : memref<10240xf32, #tpu.memory_space<vmem>>, vector<16xf32>,
      tpu.vector_store %arg13[%parallel_loop3A_362], %parallel_loop3A_361 {strides = array<i32>} : memref<10240xf32, #tpu.memory_space<vmem>>, vector<16xf32>,
    } {sc.loop_unroll_factor = 10 : i64, sc.parallel_access}
    %add3A_19 = arith.constant 0 : i32
    %add3A_20 = arith.addi %mul3A_2, %add3A_19 : i32
    %add3A_21 = arith.constant 0 : i32
    %add3A_22 = arith.addi %add3A_21, %add3A_20 : i32
    %dma_start3A_23 = tpu.memref_slice %arg5[%add3A_22] : memref<9830400xf32, #tpu.memory_space<hbm>> -> memref<10240xf32, #tpu.memory_space<hbm>>
    %dma_start3A_24 = tpu.memref_slice %arg5[%add3A_22] : memref<9830400xf32, #tpu.memory_space<hbm>> -> memref<10240xf32, #tpu.memory_space<hbm>>
    tpu.enqueue_dma source(%arg11 : memref<10240xf32, #tpu.memory_space<vmem>>) target(%dma_start3A_24 : memref<10240xf32, #tpu.memory_space<hbm>>) target_semaphore(%arg19 : memref<!tpu.dma_semaphore, #tpu.memory_space<semaphore_mem>>)
    %add3A_25 = arith.constant 3276800 : i32
    %add3A_26 = arith.addi %add3A_25, %add3A_20 : i32
    %dma_start3A_27 = tpu.memref_slice %arg5[%add3A_26] : memref<9830400xf32, #tpu.memory_space<hbm>> -> memref<10240xf32, #tpu.memory_space<hbm>>
    %dma_start3A_28 = tpu.memref_slice %arg5[%add3A_26] : memref<9830400xf32, #tpu.memory_space<hbm>> -> memref<10240xf32, #tpu.memory_space<hbm>>
    tpu.enqueue_dma source(%arg12 : memref<10240xf32, #tpu.memory_space<vmem>>) target(%dma_start3A_28 : memref<10240xf32, #tpu.memory_space<hbm>>) target_semaphore(%arg19 : memref<!tpu.dma_semaphore, #tpu.memory_space<semaphore_mem>>)
    %add3A_29 = arith.constant 6553600 : i32
    %add3A_30 = arith.addi %add3A_29, %add3A_20 : i32
    %dma_start3A_31 = tpu.memref_slice %arg5[%add3A_30] : memref<9830400xf32, #tpu.memory_space<hbm>> -> memref<10240xf32, #tpu.memory_space<hbm>>
    %dma_start3A_32 = tpu.memref_slice %arg5[%add3A_30] : memref<9830400xf32, #tpu.memory_space<hbm>> -> memref<10240xf32, #tpu.memory_space<hbm>>
    tpu.enqueue_dma source(%arg13 : memref<10240xf32, #tpu.memory_space<vmem>>) target(%dma_start3A_32 : memref<10240xf32, #tpu.memory_space<hbm>>) target_semaphore(%arg19 : memref<!tpu.dma_semaphore, #tpu.memory_space<semaphore_mem>>)
    %add3A_33 = arith.constant 20480 : i32
    %add3A_34 = arith.addi %mul3A_2, %add3A_33 : i32
    %dma_start3A_35 = tpu.memref_slice %arg3[%add3A_34] : memref<3276800xi32, #tpu.memory_space<hbm>> -> memref<10240xi32, #tpu.memory_space<hbm>>
    %dma_start3A_36 = tpu.memref_slice %arg3[%add3A_34] : memref<3276800xi32, #tpu.memory_space<hbm>> -> memref<10240xi32, #tpu.memory_space<hbm>>
    tpu.enqueue_dma source(%dma_start3A_36 : memref<10240xi32, #tpu.memory_space<hbm>>) target(%arg7 : memref<10240xi32, #tpu.memory_space<vmem>>) target_semaphore(%arg17 : memref<!tpu.dma_semaphore, #tpu.memory_space<semaphore_mem>>)
    %dma_start3A_37 = tpu.memref_slice %arg4[%add3A_34] : memref<3276800xf32, #tpu.memory_space<hbm>> -> memref<10240xf32, #tpu.memory_space<hbm>>
    %dma_start3A_38 = tpu.memref_slice %arg4[%add3A_34] : memref<3276800xf32, #tpu.memory_space<hbm>> -> memref<10240xf32, #tpu.memory_space<hbm>>
    tpu.enqueue_dma source(%dma_start3A_38 : memref<10240xf32, #tpu.memory_space<hbm>>) target(%arg9 : memref<10240xf32, #tpu.memory_space<vmem>>) target_semaphore(%arg17 : memref<!tpu.dma_semaphore, #tpu.memory_space<semaphore_mem>>)
    %dma_wait3A_39 = tpu.memref_slice %arg3[%add3A_9] : memref<3276800xi32, #tpu.memory_space<hbm>> -> memref<10240xi32, #tpu.memory_space<hbm>>
    %dma_wait3A_40 = tpu.memref_slice %arg3[%add3A_9] : memref<3276800xi32, #tpu.memory_space<hbm>> -> memref<10240xi32, #tpu.memory_space<hbm>>
    tpu.wait_dma2 semaphore(%arg18 : memref<!tpu.dma_semaphore, #tpu.memory_space<semaphore_mem>>) src(%dma_wait3A_40 : memref<10240xi32, #tpu.memory_space<hbm>>) dst(%arg8 : memref<10240xi32, #tpu.memory_space<vmem>>)
    %dma_wait3A_41 = tpu.memref_slice %arg4[%add3A_9] : memref<3276800xf32, #tpu.memory_space<hbm>> -> memref<10240xf32, #tpu.memory_space<hbm>>
    %dma_wait3A_42 = tpu.memref_slice %arg4[%add3A_9] : memref<3276800xf32, #tpu.memory_space<hbm>> -> memref<10240xf32, #tpu.memory_space<hbm>>
    tpu.wait_dma2 semaphore(%arg18 : memref<!tpu.dma_semaphore, #tpu.memory_space<semaphore_mem>>) src(%dma_wait3A_42 : memref<10240xf32, #tpu.memory_space<hbm>>) dst(%arg10 : memref<10240xf32, #tpu.memory_space<vmem>>)
    %parallel_loop3A_43 = arith.constant 0 : i32
    %parallel_loop3A_44 = arith.constant 640 : i32
    %parallel_loop3A_45 = arith.constant 1 : i32
    scf.for %parallel_loop3A_330 = %parallel_loop3A_43 to %parallel_loop3A_44 step %parallel_loop3A_45  : i32 {
      %parallel_loop3A_331 = arith.constant 16 : i32
      %parallel_loop3A_332 = arith.muli %parallel_loop3A_330, %parallel_loop3A_331 : i32
      %parallel_loop3A_333 = arith.index_cast %parallel_loop3A_332 : i32 to index
      %parallel_loop3A_334 = tpu.vector_load %arg8[%parallel_loop3A_333] {strides = array<i32>} : memref<10240xi32, #tpu.memory_space<vmem>>, vector<16xi32>,
      %parallel_loop3A_335 = arith.index_cast %parallel_loop3A_332 : i32 to index
      %parallel_loop3A_336 = tpu.vector_load %arg10[%parallel_loop3A_335] {strides = array<i32>} : memref<10240xf32, #tpu.memory_space<vmem>>, vector<16xf32>,
      %parallel_loop3A_337 = arith.constant 0.699999988 : f32
      %parallel_loop3A_338 = vector.broadcast %parallel_loop3A_337 : f32 to vector<16xf32>
      %parallel_loop3A_339 = arith.mulf %parallel_loop3A_338, %parallel_loop3A_336 : vector<16xf32>
      %parallel_loop3A_340 = arith.constant 3.000000e-01 : f32
      %parallel_loop3A_341 = vector.broadcast %parallel_loop3A_340 : f32 to vector<16xf32>
      %parallel_loop3A_342 = arith.addf %parallel_loop3A_341, %parallel_loop3A_339 : vector<16xf32>
      %parallel_loop3A_343 = arith.constant 3 : i32
      %parallel_loop3A_344 = vector.broadcast %parallel_loop3A_343 : i32 to vector<16xi32>
      %parallel_loop3A_345 = arith.muli %parallel_loop3A_334, %parallel_loop3A_344 : vector<16xi32>
      %parallel_loop3A_346 = tpu.vector_load_idx %arg6[%parallel_loop3A_345] : memref<1152xf32, #tpu.memory_space<vmem>>[vector<16xi32>], vector<16xf32>,
      %parallel_loop3A_347 = arith.mulf %parallel_loop3A_346, %parallel_loop3A_342 : vector<16xf32>
      %parallel_loop3A_348 = arith.index_cast %parallel_loop3A_332 : i32 to index
      %parallel_loop3A_349 = tpu.vector_load %arg14[%parallel_loop3A_348] {strides = array<i32>} : memref<10240xf32, #tpu.memory_space<vmem>>, vector<16xf32>,
      tpu.vector_store %arg14[%parallel_loop3A_348], %parallel_loop3A_347 {strides = array<i32>} : memref<10240xf32, #tpu.memory_space<vmem>>, vector<16xf32>,
      %parallel_loop3A_350 = arith.constant 1 : i32
      %parallel_loop3A_351 = vector.broadcast %parallel_loop3A_350 : i32 to vector<16xi32>
      %parallel_loop3A_352 = arith.addi %parallel_loop3A_345, %parallel_loop3A_351 : vector<16xi32>
      %parallel_loop3A_353 = tpu.vector_load_idx %arg6[%parallel_loop3A_352] : memref<1152xf32, #tpu.memory_space<vmem>>[vector<16xi32>], vector<16xf32>,
      %parallel_loop3A_354 = arith.mulf %parallel_loop3A_353, %parallel_loop3A_342 : vector<16xf32>
      %parallel_loop3A_355 = arith.index_cast %parallel_loop3A_332 : i32 to index
      %parallel_loop3A_356 = tpu.vector_load %arg15[%parallel_loop3A_355] {strides = array<i32>} : memref<10240xf32, #tpu.memory_space<vmem>>, vector<16xf32>,
      tpu.vector_store %arg15[%parallel_loop3A_355], %parallel_loop3A_354 {strides = array<i32>} : memref<10240xf32, #tpu.memory_space<vmem>>, vector<16xf32>,
      %parallel_loop3A_357 = arith.constant 2 : i32
      %parallel_loop3A_358 = vector.broadcast %parallel_loop3A_357 : i32 to vector<16xi32>
      %parallel_loop3A_359 = arith.addi %parallel_loop3A_345, %parallel_loop3A_358 : vector<16xi32>
      %parallel_loop3A_360 = tpu.vector_load_idx %arg6[%parallel_loop3A_359] : memref<1152xf32, #tpu.memory_space<vmem>>[vector<16xi32>], vector<16xf32>,
      %parallel_loop3A_361 = arith.mulf %parallel_loop3A_360, %parallel_loop3A_342 : vector<16xf32>
      %parallel_loop3A_362 = arith.index_cast %parallel_loop3A_332 : i32 to index
      %parallel_loop3A_363 = tpu.vector_load %arg16[%parallel_loop3A_362] {strides = array<i32>} : memref<10240xf32, #tpu.memory_space<vmem>>, vector<16xf32>,
      tpu.vector_store %arg16[%parallel_loop3A_362], %parallel_loop3A_361 {strides = array<i32>} : memref<10240xf32, #tpu.memory_space<vmem>>, vector<16xf32>,
    } {sc.loop_unroll_factor = 10 : i64, sc.parallel_access}
    %add3A_46 = arith.constant 10240 : i32
    %add3A_47 = arith.addi %mul3A_2, %add3A_46 : i32
    %add3A_48 = arith.constant 0 : i32
    %add3A_49 = arith.addi %add3A_48, %add3A_47 : i32
    %dma_start3A_50 = tpu.memref_slice %arg5[%add3A_49] : memref<9830400xf32, #tpu.memory_space<hbm>> -> memref<10240xf32, #tpu.memory_space<hbm>>
    %dma_start3A_51 = tpu.memref_slice %arg5[%add3A_49] : memref<9830400xf32, #tpu.memory_space<hbm>> -> memref<10240xf32, #tpu.memory_space<hbm>>
    tpu.enqueue_dma source(%arg14 : memref<10240xf32, #tpu.memory_space<vmem>>) target(%dma_start3A_51 : memref<10240xf32, #tpu.memory_space<hbm>>) target_semaphore(%arg20 : memref<!tpu.dma_semaphore, #tpu.memory_space<semaphore_mem>>)
    %add3A_52 = arith.constant 3276800 : i32
    %add3A_53 = arith.addi %add3A_52, %add3A_47 : i32
    %dma_start3A_54 = tpu.memref_slice %arg5[%add3A_53] : memref<9830400xf32, #tpu.memory_space<hbm>> -> memref<10240xf32, #tpu.memory_space<hbm>>
    %dma_start3A_55 = tpu.memref_slice %arg5[%add3A_53] : memref<9830400xf32, #tpu.memory_space<hbm>> -> memref<10240xf32, #tpu.memory_space<hbm>>
    tpu.enqueue_dma source(%arg15 : memref<10240xf32, #tpu.memory_space<vmem>>) target(%dma_start3A_55 : memref<10240xf32, #tpu.memory_space<hbm>>) target_semaphore(%arg20 : memref<!tpu.dma_semaphore, #tpu.memory_space<semaphore_mem>>)
    %add3A_56 = arith.constant 6553600 : i32
    %add3A_57 = arith.addi %add3A_56, %add3A_47 : i32
    %dma_start3A_58 = tpu.memref_slice %arg5[%add3A_57] : memref<9830400xf32, #tpu.memory_space<hbm>> -> memref<10240xf32, #tpu.memory_space<hbm>>
    %dma_start3A_59 = tpu.memref_slice %arg5[%add3A_57] : memref<9830400xf32, #tpu.memory_space<hbm>> -> memref<10240xf32, #tpu.memory_space<hbm>>
    tpu.enqueue_dma source(%arg16 : memref<10240xf32, #tpu.memory_space<vmem>>) target(%dma_start3A_59 : memref<10240xf32, #tpu.memory_space<hbm>>) target_semaphore(%arg20 : memref<!tpu.dma_semaphore, #tpu.memory_space<semaphore_mem>>)
    %add3A_60 = arith.constant 30720 : i32
    %add3A_61 = arith.addi %mul3A_2, %add3A_60 : i32
    %dma_start3A_62 = tpu.memref_slice %arg3[%add3A_61] : memref<3276800xi32, #tpu.memory_space<hbm>> -> memref<10240xi32, #tpu.memory_space<hbm>>
    %dma_start3A_63 = tpu.memref_slice %arg3[%add3A_61] : memref<3276800xi32, #tpu.memory_space<hbm>> -> memref<10240xi32, #tpu.memory_space<hbm>>
    tpu.enqueue_dma source(%dma_start3A_63 : memref<10240xi32, #tpu.memory_space<hbm>>) target(%arg8 : memref<10240xi32, #tpu.memory_space<vmem>>) target_semaphore(%arg18 : memref<!tpu.dma_semaphore, #tpu.memory_space<semaphore_mem>>)
    %dma_start3A_64 = tpu.memref_slice %arg4[%add3A_61] : memref<3276800xf32, #tpu.memory_space<hbm>> -> memref<10240xf32, #tpu.memory_space<hbm>>
    %dma_start3A_65 = tpu.memref_slice %arg4[%add3A_61] : memref<3276800xf32, #tpu.memory_space<hbm>> -> memref<10240xf32, #tpu.memory_space<hbm>>
    tpu.enqueue_dma source(%dma_start3A_65 : memref<10240xf32, #tpu.memory_space<hbm>>) target(%arg10 : memref<10240xf32, #tpu.memory_space<vmem>>) target_semaphore(%arg18 : memref<!tpu.dma_semaphore, #tpu.memory_space<semaphore_mem>>)
    %dma_wait3A_66 = tpu.memref_slice %arg3[%add3A_34] : memref<3276800xi32, #tpu.memory_space<hbm>> -> memref<10240xi32, #tpu.memory_space<hbm>>
    %dma_wait3A_67 = tpu.memref_slice %arg3[%add3A_34] : memref<3276800xi32, #tpu.memory_space<hbm>> -> memref<10240xi32, #tpu.memory_space<hbm>>
    tpu.wait_dma2 semaphore(%arg17 : memref<!tpu.dma_semaphore, #tpu.memory_space<semaphore_mem>>) src(%dma_wait3A_67 : memref<10240xi32, #tpu.memory_space<hbm>>) dst(%arg7 : memref<10240xi32, #tpu.memory_space<vmem>>)
    %dma_wait3A_68 = tpu.memref_slice %arg4[%add3A_34] : memref<3276800xf32, #tpu.memory_space<hbm>> -> memref<10240xf32, #tpu.memory_space<hbm>>
    %dma_wait3A_69 = tpu.memref_slice %arg4[%add3A_34] : memref<3276800xf32, #tpu.memory_space<hbm>> -> memref<10240xf32, #tpu.memory_space<hbm>>
    tpu.wait_dma2 semaphore(%arg17 : memref<!tpu.dma_semaphore, #tpu.memory_space<semaphore_mem>>) src(%dma_wait3A_69 : memref<10240xf32, #tpu.memory_space<hbm>>) dst(%arg9 : memref<10240xf32, #tpu.memory_space<vmem>>)
    %dma_wait3A_70 = tpu.memref_slice %arg5[%add3A_22] : memref<9830400xf32, #tpu.memory_space<hbm>> -> memref<10240xf32, #tpu.memory_space<hbm>>
    %dma_wait3A_71 = tpu.memref_slice %arg5[%add3A_22] : memref<9830400xf32, #tpu.memory_space<hbm>> -> memref<10240xf32, #tpu.memory_space<hbm>>
    tpu.wait_dma2 semaphore(%arg19 : memref<!tpu.dma_semaphore, #tpu.memory_space<semaphore_mem>>) src(%arg11 : memref<10240xf32, #tpu.memory_space<vmem>>) dst(%dma_wait3A_71 : memref<10240xf32, #tpu.memory_space<hbm>>)
    %dma_wait3A_72 = tpu.memref_slice %arg5[%add3A_26] : memref<9830400xf32, #tpu.memory_space<hbm>> -> memref<10240xf32, #tpu.memory_space<hbm>>
    %dma_wait3A_73 = tpu.memref_slice %arg5[%add3A_26] : memref<9830400xf32, #tpu.memory_space<hbm>> -> memref<10240xf32, #tpu.memory_space<hbm>>
    tpu.wait_dma2 semaphore(%arg19 : memref<!tpu.dma_semaphore, #tpu.memory_space<semaphore_mem>>) src(%arg12 : memref<10240xf32, #tpu.memory_space<vmem>>) dst(%dma_wait3A_73 : memref<10240xf32, #tpu.memory_space<hbm>>)
    %dma_wait3A_74 = tpu.memref_slice %arg5[%add3A_30] : memref<9830400xf32, #tpu.memory_space<hbm>> -> memref<10240xf32, #tpu.memory_space<hbm>>
    %dma_wait3A_75 = tpu.memref_slice %arg5[%add3A_30] : memref<9830400xf32, #tpu.memory_space<hbm>> -> memref<10240xf32, #tpu.memory_space<hbm>>
    tpu.wait_dma2 semaphore(%arg19 : memref<!tpu.dma_semaphore, #tpu.memory_space<semaphore_mem>>) src(%arg13 : memref<10240xf32, #tpu.memory_space<vmem>>) dst(%dma_wait3A_75 : memref<10240xf32, #tpu.memory_space<hbm>>)
    %parallel_loop3A_76 = arith.constant 0 : i32
    %parallel_loop3A_77 = arith.constant 640 : i32
    %parallel_loop3A_78 = arith.constant 1 : i32
    scf.for %parallel_loop3A_330 = %parallel_loop3A_76 to %parallel_loop3A_77 step %parallel_loop3A_78  : i32 {
      %parallel_loop3A_331 = arith.constant 16 : i32
      %parallel_loop3A_332 = arith.muli %parallel_loop3A_330, %parallel_loop3A_331 : i32
      %parallel_loop3A_333 = arith.index_cast %parallel_loop3A_332 : i32 to index
      %parallel_loop3A_334 = tpu.vector_load %arg7[%parallel_loop3A_333] {strides = array<i32>} : memref<10240xi32, #tpu.memory_space<vmem>>, vector<16xi32>,
      %parallel_loop3A_335 = arith.index_cast %parallel_loop3A_332 : i32 to index
      %parallel_loop3A_336 = tpu.vector_load %arg9[%parallel_loop3A_335] {strides = array<i32>} : memref<10240xf32, #tpu.memory_space<vmem>>, vector<16xf32>,
      %parallel_loop3A_337 = arith.constant 0.699999988 : f32
      %parallel_loop3A_338 = vector.broadcast %parallel_loop3A_337 : f32 to vector<16xf32>
      %parallel_loop3A_339 = arith.mulf %parallel_loop3A_338, %parallel_loop3A_336 : vector<16xf32>
      %parallel_loop3A_340 = arith.constant 3.000000e-01 : f32
      %parallel_loop3A_341 = vector.broadcast %parallel_loop3A_340 : f32 to vector<16xf32>
      %parallel_loop3A_342 = arith.addf %parallel_loop3A_341, %parallel_loop3A_339 : vector<16xf32>
      %parallel_loop3A_343 = arith.constant 3 : i32
      %parallel_loop3A_344 = vector.broadcast %parallel_loop3A_343 : i32 to vector<16xi32>
      %parallel_loop3A_345 = arith.muli %parallel_loop3A_334, %parallel_loop3A_344 : vector<16xi32>
      %parallel_loop3A_346 = tpu.vector_load_idx %arg6[%parallel_loop3A_345] : memref<1152xf32, #tpu.memory_space<vmem>>[vector<16xi32>], vector<16xf32>,
      %parallel_loop3A_347 = arith.mulf %parallel_loop3A_346, %parallel_loop3A_342 : vector<16xf32>
      %parallel_loop3A_348 = arith.index_cast %parallel_loop3A_332 : i32 to index
      %parallel_loop3A_349 = tpu.vector_load %arg11[%parallel_loop3A_348] {strides = array<i32>} : memref<10240xf32, #tpu.memory_space<vmem>>, vector<16xf32>,
      tpu.vector_store %arg11[%parallel_loop3A_348], %parallel_loop3A_347 {strides = array<i32>} : memref<10240xf32, #tpu.memory_space<vmem>>, vector<16xf32>,
      %parallel_loop3A_350 = arith.constant 1 : i32
      %parallel_loop3A_351 = vector.broadcast %parallel_loop3A_350 : i32 to vector<16xi32>
      %parallel_loop3A_352 = arith.addi %parallel_loop3A_345, %parallel_loop3A_351 : vector<16xi32>
      %parallel_loop3A_353 = tpu.vector_load_idx %arg6[%parallel_loop3A_352] : memref<1152xf32, #tpu.memory_space<vmem>>[vector<16xi32>], vector<16xf32>,
      %parallel_loop3A_354 = arith.mulf %parallel_loop3A_353, %parallel_loop3A_342 : vector<16xf32>
      %parallel_loop3A_355 = arith.index_cast %parallel_loop3A_332 : i32 to index
      %parallel_loop3A_356 = tpu.vector_load %arg12[%parallel_loop3A_355] {strides = array<i32>} : memref<10240xf32, #tpu.memory_space<vmem>>, vector<16xf32>,
      tpu.vector_store %arg12[%parallel_loop3A_355], %parallel_loop3A_354 {strides = array<i32>} : memref<10240xf32, #tpu.memory_space<vmem>>, vector<16xf32>,
      %parallel_loop3A_357 = arith.constant 2 : i32
      %parallel_loop3A_358 = vector.broadcast %parallel_loop3A_357 : i32 to vector<16xi32>
      %parallel_loop3A_359 = arith.addi %parallel_loop3A_345, %parallel_loop3A_358 : vector<16xi32>
      %parallel_loop3A_360 = tpu.vector_load_idx %arg6[%parallel_loop3A_359] : memref<1152xf32, #tpu.memory_space<vmem>>[vector<16xi32>], vector<16xf32>,
      %parallel_loop3A_361 = arith.mulf %parallel_loop3A_360, %parallel_loop3A_342 : vector<16xf32>
      %parallel_loop3A_362 = arith.index_cast %parallel_loop3A_332 : i32 to index
      %parallel_loop3A_363 = tpu.vector_load %arg13[%parallel_loop3A_362] {strides = array<i32>} : memref<10240xf32, #tpu.memory_space<vmem>>, vector<16xf32>,
      tpu.vector_store %arg13[%parallel_loop3A_362], %parallel_loop3A_361 {strides = array<i32>} : memref<10240xf32, #tpu.memory_space<vmem>>, vector<16xf32>,
    } {sc.loop_unroll_factor = 10 : i64, sc.parallel_access}
    %add3A_79 = arith.constant 20480 : i32
    %add3A_80 = arith.addi %mul3A_2, %add3A_79 : i32
    %add3A_81 = arith.constant 0 : i32
    %add3A_82 = arith.addi %add3A_81, %add3A_80 : i32
    %dma_start3A_83 = tpu.memref_slice %arg5[%add3A_82] : memref<9830400xf32, #tpu.memory_space<hbm>> -> memref<10240xf32, #tpu.memory_space<hbm>>
    %dma_start3A_84 = tpu.memref_slice %arg5[%add3A_82] : memref<9830400xf32, #tpu.memory_space<hbm>> -> memref<10240xf32, #tpu.memory_space<hbm>>
    tpu.enqueue_dma source(%arg11 : memref<10240xf32, #tpu.memory_space<vmem>>) target(%dma_start3A_84 : memref<10240xf32, #tpu.memory_space<hbm>>) target_semaphore(%arg19 : memref<!tpu.dma_semaphore, #tpu.memory_space<semaphore_mem>>)
    %add3A_85 = arith.constant 3276800 : i32
    %add3A_86 = arith.addi %add3A_85, %add3A_80 : i32
    %dma_start3A_87 = tpu.memref_slice %arg5[%add3A_86] : memref<9830400xf32, #tpu.memory_space<hbm>> -> memref<10240xf32, #tpu.memory_space<hbm>>
    %dma_start3A_88 = tpu.memref_slice %arg5[%add3A_86] : memref<9830400xf32, #tpu.memory_space<hbm>> -> memref<10240xf32, #tpu.memory_space<hbm>>
    tpu.enqueue_dma source(%arg12 : memref<10240xf32, #tpu.memory_space<vmem>>) target(%dma_start3A_88 : memref<10240xf32, #tpu.memory_space<hbm>>) target_semaphore(%arg19 : memref<!tpu.dma_semaphore, #tpu.memory_space<semaphore_mem>>)
    %add3A_89 = arith.constant 6553600 : i32
    %add3A_90 = arith.addi %add3A_89, %add3A_80 : i32
    %dma_start3A_91 = tpu.memref_slice %arg5[%add3A_90] : memref<9830400xf32, #tpu.memory_space<hbm>> -> memref<10240xf32, #tpu.memory_space<hbm>>
    %dma_start3A_92 = tpu.memref_slice %arg5[%add3A_90] : memref<9830400xf32, #tpu.memory_space<hbm>> -> memref<10240xf32, #tpu.memory_space<hbm>>
    tpu.enqueue_dma source(%arg13 : memref<10240xf32, #tpu.memory_space<vmem>>) target(%dma_start3A_92 : memref<10240xf32, #tpu.memory_space<hbm>>) target_semaphore(%arg19 : memref<!tpu.dma_semaphore, #tpu.memory_space<semaphore_mem>>)
    %add3A_93 = arith.constant 40960 : i32
    %add3A_94 = arith.addi %mul3A_2, %add3A_93 : i32
    %dma_start3A_95 = tpu.memref_slice %arg3[%add3A_94] : memref<3276800xi32, #tpu.memory_space<hbm>> -> memref<10240xi32, #tpu.memory_space<hbm>>
    %dma_start3A_96 = tpu.memref_slice %arg3[%add3A_94] : memref<3276800xi32, #tpu.memory_space<hbm>> -> memref<10240xi32, #tpu.memory_space<hbm>>
    tpu.enqueue_dma source(%dma_start3A_96 : memref<10240xi32, #tpu.memory_space<hbm>>) target(%arg7 : memref<10240xi32, #tpu.memory_space<vmem>>) target_semaphore(%arg17 : memref<!tpu.dma_semaphore, #tpu.memory_space<semaphore_mem>>)
    %dma_start3A_97 = tpu.memref_slice %arg4[%add3A_94] : memref<3276800xf32, #tpu.memory_space<hbm>> -> memref<10240xf32, #tpu.memory_space<hbm>>
    %dma_start3A_98 = tpu.memref_slice %arg4[%add3A_94] : memref<3276800xf32, #tpu.memory_space<hbm>> -> memref<10240xf32, #tpu.memory_space<hbm>>
    tpu.enqueue_dma source(%dma_start3A_98 : memref<10240xf32, #tpu.memory_space<hbm>>) target(%arg9 : memref<10240xf32, #tpu.memory_space<vmem>>) target_semaphore(%arg17 : memref<!tpu.dma_semaphore, #tpu.memory_space<semaphore_mem>>)
    %dma_wait3A_99 = tpu.memref_slice %arg3[%add3A_61] : memref<3276800xi32, #tpu.memory_space<hbm>> -> memref<10240xi32, #tpu.memory_space<hbm>>
    %dma_wait3A_100 = tpu.memref_slice %arg3[%add3A_61] : memref<3276800xi32, #tpu.memory_space<hbm>> -> memref<10240xi32, #tpu.memory_space<hbm>>
    tpu.wait_dma2 semaphore(%arg18 : memref<!tpu.dma_semaphore, #tpu.memory_space<semaphore_mem>>) src(%dma_wait3A_100 : memref<10240xi32, #tpu.memory_space<hbm>>) dst(%arg8 : memref<10240xi32, #tpu.memory_space<vmem>>)
    %dma_wait3A_101 = tpu.memref_slice %arg4[%add3A_61] : memref<3276800xf32, #tpu.memory_space<hbm>> -> memref<10240xf32, #tpu.memory_space<hbm>>
    %dma_wait3A_102 = tpu.memref_slice %arg4[%add3A_61] : memref<3276800xf32, #tpu.memory_space<hbm>> -> memref<10240xf32, #tpu.memory_space<hbm>>
    tpu.wait_dma2 semaphore(%arg18 : memref<!tpu.dma_semaphore, #tpu.memory_space<semaphore_mem>>) src(%dma_wait3A_102 : memref<10240xf32, #tpu.memory_space<hbm>>) dst(%arg10 : memref<10240xf32, #tpu.memory_space<vmem>>)
    %dma_wait3A_103 = tpu.memref_slice %arg5[%add3A_49] : memref<9830400xf32, #tpu.memory_space<hbm>> -> memref<10240xf32, #tpu.memory_space<hbm>>
    %dma_wait3A_104 = tpu.memref_slice %arg5[%add3A_49] : memref<9830400xf32, #tpu.memory_space<hbm>> -> memref<10240xf32, #tpu.memory_space<hbm>>
    tpu.wait_dma2 semaphore(%arg20 : memref<!tpu.dma_semaphore, #tpu.memory_space<semaphore_mem>>) src(%arg14 : memref<10240xf32, #tpu.memory_space<vmem>>) dst(%dma_wait3A_104 : memref<10240xf32, #tpu.memory_space<hbm>>)
    %dma_wait3A_105 = tpu.memref_slice %arg5[%add3A_53] : memref<9830400xf32, #tpu.memory_space<hbm>> -> memref<10240xf32, #tpu.memory_space<hbm>>
    %dma_wait3A_106 = tpu.memref_slice %arg5[%add3A_53] : memref<9830400xf32, #tpu.memory_space<hbm>> -> memref<10240xf32, #tpu.memory_space<hbm>>
    tpu.wait_dma2 semaphore(%arg20 : memref<!tpu.dma_semaphore, #tpu.memory_space<semaphore_mem>>) src(%arg15 : memref<10240xf32, #tpu.memory_space<vmem>>) dst(%dma_wait3A_106 : memref<10240xf32, #tpu.memory_space<hbm>>)
    %dma_wait3A_107 = tpu.memref_slice %arg5[%add3A_57] : memref<9830400xf32, #tpu.memory_space<hbm>> -> memref<10240xf32, #tpu.memory_space<hbm>>
    %dma_wait3A_108 = tpu.memref_slice %arg5[%add3A_57] : memref<9830400xf32, #tpu.memory_space<hbm>> -> memref<10240xf32, #tpu.memory_space<hbm>>
    tpu.wait_dma2 semaphore(%arg20 : memref<!tpu.dma_semaphore, #tpu.memory_space<semaphore_mem>>) src(%arg16 : memref<10240xf32, #tpu.memory_space<vmem>>) dst(%dma_wait3A_108 : memref<10240xf32, #tpu.memory_space<hbm>>)
    %parallel_loop3A_109 = arith.constant 0 : i32
    %parallel_loop3A_110 = arith.constant 640 : i32
    %parallel_loop3A_111 = arith.constant 1 : i32
    scf.for %parallel_loop3A_330 = %parallel_loop3A_109 to %parallel_loop3A_110 step %parallel_loop3A_111  : i32 {
      %parallel_loop3A_331 = arith.constant 16 : i32
      %parallel_loop3A_332 = arith.muli %parallel_loop3A_330, %parallel_loop3A_331 : i32
      %parallel_loop3A_333 = arith.index_cast %parallel_loop3A_332 : i32 to index
      %parallel_loop3A_334 = tpu.vector_load %arg8[%parallel_loop3A_333] {strides = array<i32>} : memref<10240xi32, #tpu.memory_space<vmem>>, vector<16xi32>,
      %parallel_loop3A_335 = arith.index_cast %parallel_loop3A_332 : i32 to index
      %parallel_loop3A_336 = tpu.vector_load %arg10[%parallel_loop3A_335] {strides = array<i32>} : memref<10240xf32, #tpu.memory_space<vmem>>, vector<16xf32>,
      %parallel_loop3A_337 = arith.constant 0.699999988 : f32
      %parallel_loop3A_338 = vector.broadcast %parallel_loop3A_337 : f32 to vector<16xf32>
      %parallel_loop3A_339 = arith.mulf %parallel_loop3A_338, %parallel_loop3A_336 : vector<16xf32>
      %parallel_loop3A_340 = arith.constant 3.000000e-01 : f32
      %parallel_loop3A_341 = vector.broadcast %parallel_loop3A_340 : f32 to vector<16xf32>
      %parallel_loop3A_342 = arith.addf %parallel_loop3A_341, %parallel_loop3A_339 : vector<16xf32>
      %parallel_loop3A_343 = arith.constant 3 : i32
      %parallel_loop3A_344 = vector.broadcast %parallel_loop3A_343 : i32 to vector<16xi32>
      %parallel_loop3A_345 = arith.muli %parallel_loop3A_334, %parallel_loop3A_344 : vector<16xi32>
      %parallel_loop3A_346 = tpu.vector_load_idx %arg6[%parallel_loop3A_345] : memref<1152xf32, #tpu.memory_space<vmem>>[vector<16xi32>], vector<16xf32>,
      %parallel_loop3A_347 = arith.mulf %parallel_loop3A_346, %parallel_loop3A_342 : vector<16xf32>
      %parallel_loop3A_348 = arith.index_cast %parallel_loop3A_332 : i32 to index
      %parallel_loop3A_349 = tpu.vector_load %arg14[%parallel_loop3A_348] {strides = array<i32>} : memref<10240xf32, #tpu.memory_space<vmem>>, vector<16xf32>,
      tpu.vector_store %arg14[%parallel_loop3A_348], %parallel_loop3A_347 {strides = array<i32>} : memref<10240xf32, #tpu.memory_space<vmem>>, vector<16xf32>,
      %parallel_loop3A_350 = arith.constant 1 : i32
      %parallel_loop3A_351 = vector.broadcast %parallel_loop3A_350 : i32 to vector<16xi32>
      %parallel_loop3A_352 = arith.addi %parallel_loop3A_345, %parallel_loop3A_351 : vector<16xi32>
      %parallel_loop3A_353 = tpu.vector_load_idx %arg6[%parallel_loop3A_352] : memref<1152xf32, #tpu.memory_space<vmem>>[vector<16xi32>], vector<16xf32>,
      %parallel_loop3A_354 = arith.mulf %parallel_loop3A_353, %parallel_loop3A_342 : vector<16xf32>
      %parallel_loop3A_355 = arith.index_cast %parallel_loop3A_332 : i32 to index
      %parallel_loop3A_356 = tpu.vector_load %arg15[%parallel_loop3A_355] {strides = array<i32>} : memref<10240xf32, #tpu.memory_space<vmem>>, vector<16xf32>,
      tpu.vector_store %arg15[%parallel_loop3A_355], %parallel_loop3A_354 {strides = array<i32>} : memref<10240xf32, #tpu.memory_space<vmem>>, vector<16xf32>,
      %parallel_loop3A_357 = arith.constant 2 : i32
      %parallel_loop3A_358 = vector.broadcast %parallel_loop3A_357 : i32 to vector<16xi32>
      %parallel_loop3A_359 = arith.addi %parallel_loop3A_345, %parallel_loop3A_358 : vector<16xi32>
      %parallel_loop3A_360 = tpu.vector_load_idx %arg6[%parallel_loop3A_359] : memref<1152xf32, #tpu.memory_space<vmem>>[vector<16xi32>], vector<16xf32>,
      %parallel_loop3A_361 = arith.mulf %parallel_loop3A_360, %parallel_loop3A_342 : vector<16xf32>
      %parallel_loop3A_362 = arith.index_cast %parallel_loop3A_332 : i32 to index
      %parallel_loop3A_363 = tpu.vector_load %arg16[%parallel_loop3A_362] {strides = array<i32>} : memref<10240xf32, #tpu.memory_space<vmem>>, vector<16xf32>,
      tpu.vector_store %arg16[%parallel_loop3A_362], %parallel_loop3A_361 {strides = array<i32>} : memref<10240xf32, #tpu.memory_space<vmem>>, vector<16xf32>,
    } {sc.loop_unroll_factor = 10 : i64, sc.parallel_access}
    %add3A_112 = arith.constant 30720 : i32
    %add3A_113 = arith.addi %mul3A_2, %add3A_112 : i32
    %add3A_114 = arith.constant 0 : i32
    %add3A_115 = arith.addi %add3A_114, %add3A_113 : i32
    %dma_start3A_116 = tpu.memref_slice %arg5[%add3A_115] : memref<9830400xf32, #tpu.memory_space<hbm>> -> memref<10240xf32, #tpu.memory_space<hbm>>
    %dma_start3A_117 = tpu.memref_slice %arg5[%add3A_115] : memref<9830400xf32, #tpu.memory_space<hbm>> -> memref<10240xf32, #tpu.memory_space<hbm>>
    tpu.enqueue_dma source(%arg14 : memref<10240xf32, #tpu.memory_space<vmem>>) target(%dma_start3A_117 : memref<10240xf32, #tpu.memory_space<hbm>>) target_semaphore(%arg20 : memref<!tpu.dma_semaphore, #tpu.memory_space<semaphore_mem>>)
    %add3A_118 = arith.constant 3276800 : i32
    %add3A_119 = arith.addi %add3A_118, %add3A_113 : i32
    %dma_start3A_120 = tpu.memref_slice %arg5[%add3A_119] : memref<9830400xf32, #tpu.memory_space<hbm>> -> memref<10240xf32, #tpu.memory_space<hbm>>
    %dma_start3A_121 = tpu.memref_slice %arg5[%add3A_119] : memref<9830400xf32, #tpu.memory_space<hbm>> -> memref<10240xf32, #tpu.memory_space<hbm>>
    tpu.enqueue_dma source(%arg15 : memref<10240xf32, #tpu.memory_space<vmem>>) target(%dma_start3A_121 : memref<10240xf32, #tpu.memory_space<hbm>>) target_semaphore(%arg20 : memref<!tpu.dma_semaphore, #tpu.memory_space<semaphore_mem>>)
    %add3A_122 = arith.constant 6553600 : i32
    %add3A_123 = arith.addi %add3A_122, %add3A_113 : i32
    %dma_start3A_124 = tpu.memref_slice %arg5[%add3A_123] : memref<9830400xf32, #tpu.memory_space<hbm>> -> memref<10240xf32, #tpu.memory_space<hbm>>
    %dma_start3A_125 = tpu.memref_slice %arg5[%add3A_123] : memref<9830400xf32, #tpu.memory_space<hbm>> -> memref<10240xf32, #tpu.memory_space<hbm>>
    tpu.enqueue_dma source(%arg16 : memref<10240xf32, #tpu.memory_space<vmem>>) target(%dma_start3A_125 : memref<10240xf32, #tpu.memory_space<hbm>>) target_semaphore(%arg20 : memref<!tpu.dma_semaphore, #tpu.memory_space<semaphore_mem>>)
    %add3A_126 = arith.constant 51200 : i32
    %add3A_127 = arith.addi %mul3A_2, %add3A_126 : i32
    %dma_start3A_128 = tpu.memref_slice %arg3[%add3A_127] : memref<3276800xi32, #tpu.memory_space<hbm>> -> memref<10240xi32, #tpu.memory_space<hbm>>
    %dma_start3A_129 = tpu.memref_slice %arg3[%add3A_127] : memref<3276800xi32, #tpu.memory_space<hbm>> -> memref<10240xi32, #tpu.memory_space<hbm>>
    tpu.enqueue_dma source(%dma_start3A_129 : memref<10240xi32, #tpu.memory_space<hbm>>) target(%arg8 : memref<10240xi32, #tpu.memory_space<vmem>>) target_semaphore(%arg18 : memref<!tpu.dma_semaphore, #tpu.memory_space<semaphore_mem>>)
    %dma_start3A_130 = tpu.memref_slice %arg4[%add3A_127] : memref<3276800xf32, #tpu.memory_space<hbm>> -> memref<10240xf32, #tpu.memory_space<hbm>>
    %dma_start3A_131 = tpu.memref_slice %arg4[%add3A_127] : memref<3276800xf32, #tpu.memory_space<hbm>> -> memref<10240xf32, #tpu.memory_space<hbm>>
    tpu.enqueue_dma source(%dma_start3A_131 : memref<10240xf32, #tpu.memory_space<hbm>>) target(%arg10 : memref<10240xf32, #tpu.memory_space<vmem>>) target_semaphore(%arg18 : memref<!tpu.dma_semaphore, #tpu.memory_space<semaphore_mem>>)
    %dma_wait3A_132 = tpu.memref_slice %arg3[%add3A_94] : memref<3276800xi32, #tpu.memory_space<hbm>> -> memref<10240xi32, #tpu.memory_space<hbm>>
    %dma_wait3A_133 = tpu.memref_slice %arg3[%add3A_94] : memref<3276800xi32, #tpu.memory_space<hbm>> -> memref<10240xi32, #tpu.memory_space<hbm>>
    tpu.wait_dma2 semaphore(%arg17 : memref<!tpu.dma_semaphore, #tpu.memory_space<semaphore_mem>>) src(%dma_wait3A_133 : memref<10240xi32, #tpu.memory_space<hbm>>) dst(%arg7 : memref<10240xi32, #tpu.memory_space<vmem>>)
    %dma_wait3A_134 = tpu.memref_slice %arg4[%add3A_94] : memref<3276800xf32, #tpu.memory_space<hbm>> -> memref<10240xf32, #tpu.memory_space<hbm>>
    %dma_wait3A_135 = tpu.memref_slice %arg4[%add3A_94] : memref<3276800xf32, #tpu.memory_space<hbm>> -> memref<10240xf32, #tpu.memory_space<hbm>>
    tpu.wait_dma2 semaphore(%arg17 : memref<!tpu.dma_semaphore, #tpu.memory_space<semaphore_mem>>) src(%dma_wait3A_135 : memref<10240xf32, #tpu.memory_space<hbm>>) dst(%arg9 : memref<10240xf32, #tpu.memory_space<vmem>>)
    %dma_wait3A_136 = tpu.memref_slice %arg5[%add3A_82] : memref<9830400xf32, #tpu.memory_space<hbm>> -> memref<10240xf32, #tpu.memory_space<hbm>>
    %dma_wait3A_137 = tpu.memref_slice %arg5[%add3A_82] : memref<9830400xf32, #tpu.memory_space<hbm>> -> memref<10240xf32, #tpu.memory_space<hbm>>
    tpu.wait_dma2 semaphore(%arg19 : memref<!tpu.dma_semaphore, #tpu.memory_space<semaphore_mem>>) src(%arg11 : memref<10240xf32, #tpu.memory_space<vmem>>) dst(%dma_wait3A_137 : memref<10240xf32, #tpu.memory_space<hbm>>)
    %dma_wait3A_138 = tpu.memref_slice %arg5[%add3A_86] : memref<9830400xf32, #tpu.memory_space<hbm>> -> memref<10240xf32, #tpu.memory_space<hbm>>
    %dma_wait3A_139 = tpu.memref_slice %arg5[%add3A_86] : memref<9830400xf32, #tpu.memory_space<hbm>> -> memref<10240xf32, #tpu.memory_space<hbm>>
    tpu.wait_dma2 semaphore(%arg19 : memref<!tpu.dma_semaphore, #tpu.memory_space<semaphore_mem>>) src(%arg12 : memref<10240xf32, #tpu.memory_space<vmem>>) dst(%dma_wait3A_139 : memref<10240xf32, #tpu.memory_space<hbm>>)
    %dma_wait3A_140 = tpu.memref_slice %arg5[%add3A_90] : memref<9830400xf32, #tpu.memory_space<hbm>> -> memref<10240xf32, #tpu.memory_space<hbm>>
    %dma_wait3A_141 = tpu.memref_slice %arg5[%add3A_90] : memref<9830400xf32, #tpu.memory_space<hbm>> -> memref<10240xf32, #tpu.memory_space<hbm>>
    tpu.wait_dma2 semaphore(%arg19 : memref<!tpu.dma_semaphore, #tpu.memory_space<semaphore_mem>>) src(%arg13 : memref<10240xf32, #tpu.memory_space<vmem>>) dst(%dma_wait3A_141 : memref<10240xf32, #tpu.memory_space<hbm>>)
    %parallel_loop3A_142 = arith.constant 0 : i32
    %parallel_loop3A_143 = arith.constant 640 : i32
    %parallel_loop3A_144 = arith.constant 1 : i32
    scf.for %parallel_loop3A_330 = %parallel_loop3A_142 to %parallel_loop3A_143 step %parallel_loop3A_144  : i32 {
      %parallel_loop3A_331 = arith.constant 16 : i32
      %parallel_loop3A_332 = arith.muli %parallel_loop3A_330, %parallel_loop3A_331 : i32
      %parallel_loop3A_333 = arith.index_cast %parallel_loop3A_332 : i32 to index
      %parallel_loop3A_334 = tpu.vector_load %arg7[%parallel_loop3A_333] {strides = array<i32>} : memref<10240xi32, #tpu.memory_space<vmem>>, vector<16xi32>,
      %parallel_loop3A_335 = arith.index_cast %parallel_loop3A_332 : i32 to index
      %parallel_loop3A_336 = tpu.vector_load %arg9[%parallel_loop3A_335] {strides = array<i32>} : memref<10240xf32, #tpu.memory_space<vmem>>, vector<16xf32>,
      %parallel_loop3A_337 = arith.constant 0.699999988 : f32
      %parallel_loop3A_338 = vector.broadcast %parallel_loop3A_337 : f32 to vector<16xf32>
      %parallel_loop3A_339 = arith.mulf %parallel_loop3A_338, %parallel_loop3A_336 : vector<16xf32>
      %parallel_loop3A_340 = arith.constant 3.000000e-01 : f32
      %parallel_loop3A_341 = vector.broadcast %parallel_loop3A_340 : f32 to vector<16xf32>
      %parallel_loop3A_342 = arith.addf %parallel_loop3A_341, %parallel_loop3A_339 : vector<16xf32>
      %parallel_loop3A_343 = arith.constant 3 : i32
      %parallel_loop3A_344 = vector.broadcast %parallel_loop3A_343 : i32 to vector<16xi32>
      %parallel_loop3A_345 = arith.muli %parallel_loop3A_334, %parallel_loop3A_344 : vector<16xi32>
      %parallel_loop3A_346 = tpu.vector_load_idx %arg6[%parallel_loop3A_345] : memref<1152xf32, #tpu.memory_space<vmem>>[vector<16xi32>], vector<16xf32>,
      %parallel_loop3A_347 = arith.mulf %parallel_loop3A_346, %parallel_loop3A_342 : vector<16xf32>
      %parallel_loop3A_348 = arith.index_cast %parallel_loop3A_332 : i32 to index
      %parallel_loop3A_349 = tpu.vector_load %arg11[%parallel_loop3A_348] {strides = array<i32>} : memref<10240xf32, #tpu.memory_space<vmem>>, vector<16xf32>,
      tpu.vector_store %arg11[%parallel_loop3A_348], %parallel_loop3A_347 {strides = array<i32>} : memref<10240xf32, #tpu.memory_space<vmem>>, vector<16xf32>,
      %parallel_loop3A_350 = arith.constant 1 : i32
      %parallel_loop3A_351 = vector.broadcast %parallel_loop3A_350 : i32 to vector<16xi32>
      %parallel_loop3A_352 = arith.addi %parallel_loop3A_345, %parallel_loop3A_351 : vector<16xi32>
      %parallel_loop3A_353 = tpu.vector_load_idx %arg6[%parallel_loop3A_352] : memref<1152xf32, #tpu.memory_space<vmem>>[vector<16xi32>], vector<16xf32>,
      %parallel_loop3A_354 = arith.mulf %parallel_loop3A_353, %parallel_loop3A_342 : vector<16xf32>
      %parallel_loop3A_355 = arith.index_cast %parallel_loop3A_332 : i32 to index
      %parallel_loop3A_356 = tpu.vector_load %arg12[%parallel_loop3A_355] {strides = array<i32>} : memref<10240xf32, #tpu.memory_space<vmem>>, vector<16xf32>,
      tpu.vector_store %arg12[%parallel_loop3A_355], %parallel_loop3A_354 {strides = array<i32>} : memref<10240xf32, #tpu.memory_space<vmem>>, vector<16xf32>,
      %parallel_loop3A_357 = arith.constant 2 : i32
      %parallel_loop3A_358 = vector.broadcast %parallel_loop3A_357 : i32 to vector<16xi32>
      %parallel_loop3A_359 = arith.addi %parallel_loop3A_345, %parallel_loop3A_358 : vector<16xi32>
      %parallel_loop3A_360 = tpu.vector_load_idx %arg6[%parallel_loop3A_359] : memref<1152xf32, #tpu.memory_space<vmem>>[vector<16xi32>], vector<16xf32>,
      %parallel_loop3A_361 = arith.mulf %parallel_loop3A_360, %parallel_loop3A_342 : vector<16xf32>
      %parallel_loop3A_362 = arith.index_cast %parallel_loop3A_332 : i32 to index
      %parallel_loop3A_363 = tpu.vector_load %arg13[%parallel_loop3A_362] {strides = array<i32>} : memref<10240xf32, #tpu.memory_space<vmem>>, vector<16xf32>,
      tpu.vector_store %arg13[%parallel_loop3A_362], %parallel_loop3A_361 {strides = array<i32>} : memref<10240xf32, #tpu.memory_space<vmem>>, vector<16xf32>,
    } {sc.loop_unroll_factor = 10 : i64, sc.parallel_access}
    %add3A_145 = arith.constant 40960 : i32
    %add3A_146 = arith.addi %mul3A_2, %add3A_145 : i32
    %add3A_147 = arith.constant 0 : i32
    %add3A_148 = arith.addi %add3A_147, %add3A_146 : i32
    %dma_start3A_149 = tpu.memref_slice %arg5[%add3A_148] : memref<9830400xf32, #tpu.memory_space<hbm>> -> memref<10240xf32, #tpu.memory_space<hbm>>
    %dma_start3A_150 = tpu.memref_slice %arg5[%add3A_148] : memref<9830400xf32, #tpu.memory_space<hbm>> -> memref<10240xf32, #tpu.memory_space<hbm>>
    tpu.enqueue_dma source(%arg11 : memref<10240xf32, #tpu.memory_space<vmem>>) target(%dma_start3A_150 : memref<10240xf32, #tpu.memory_space<hbm>>) target_semaphore(%arg19 : memref<!tpu.dma_semaphore, #tpu.memory_space<semaphore_mem>>)
    %add3A_151 = arith.constant 3276800 : i32
    %add3A_152 = arith.addi %add3A_151, %add3A_146 : i32
    %dma_start3A_153 = tpu.memref_slice %arg5[%add3A_152] : memref<9830400xf32, #tpu.memory_space<hbm>> -> memref<10240xf32, #tpu.memory_space<hbm>>
    %dma_start3A_154 = tpu.memref_slice %arg5[%add3A_152] : memref<9830400xf32, #tpu.memory_space<hbm>> -> memref<10240xf32, #tpu.memory_space<hbm>>
    tpu.enqueue_dma source(%arg12 : memref<10240xf32, #tpu.memory_space<vmem>>) target(%dma_start3A_154 : memref<10240xf32, #tpu.memory_space<hbm>>) target_semaphore(%arg19 : memref<!tpu.dma_semaphore, #tpu.memory_space<semaphore_mem>>)
    %add3A_155 = arith.constant 6553600 : i32
    %add3A_156 = arith.addi %add3A_155, %add3A_146 : i32
    %dma_start3A_157 = tpu.memref_slice %arg5[%add3A_156] : memref<9830400xf32, #tpu.memory_space<hbm>> -> memref<10240xf32, #tpu.memory_space<hbm>>
    %dma_start3A_158 = tpu.memref_slice %arg5[%add3A_156] : memref<9830400xf32, #tpu.memory_space<hbm>> -> memref<10240xf32, #tpu.memory_space<hbm>>
    tpu.enqueue_dma source(%arg13 : memref<10240xf32, #tpu.memory_space<vmem>>) target(%dma_start3A_158 : memref<10240xf32, #tpu.memory_space<hbm>>) target_semaphore(%arg19 : memref<!tpu.dma_semaphore, #tpu.memory_space<semaphore_mem>>)
    %add3A_159 = arith.constant 61440 : i32
    %add3A_160 = arith.addi %mul3A_2, %add3A_159 : i32
    %dma_start3A_161 = tpu.memref_slice %arg3[%add3A_160] : memref<3276800xi32, #tpu.memory_space<hbm>> -> memref<10240xi32, #tpu.memory_space<hbm>>
    %dma_start3A_162 = tpu.memref_slice %arg3[%add3A_160] : memref<3276800xi32, #tpu.memory_space<hbm>> -> memref<10240xi32, #tpu.memory_space<hbm>>
    tpu.enqueue_dma source(%dma_start3A_162 : memref<10240xi32, #tpu.memory_space<hbm>>) target(%arg7 : memref<10240xi32, #tpu.memory_space<vmem>>) target_semaphore(%arg17 : memref<!tpu.dma_semaphore, #tpu.memory_space<semaphore_mem>>)
    %dma_start3A_163 = tpu.memref_slice %arg4[%add3A_160] : memref<3276800xf32, #tpu.memory_space<hbm>> -> memref<10240xf32, #tpu.memory_space<hbm>>
    %dma_start3A_164 = tpu.memref_slice %arg4[%add3A_160] : memref<3276800xf32, #tpu.memory_space<hbm>> -> memref<10240xf32, #tpu.memory_space<hbm>>
    tpu.enqueue_dma source(%dma_start3A_164 : memref<10240xf32, #tpu.memory_space<hbm>>) target(%arg9 : memref<10240xf32, #tpu.memory_space<vmem>>) target_semaphore(%arg17 : memref<!tpu.dma_semaphore, #tpu.memory_space<semaphore_mem>>)
    %dma_wait3A_165 = tpu.memref_slice %arg3[%add3A_127] : memref<3276800xi32, #tpu.memory_space<hbm>> -> memref<10240xi32, #tpu.memory_space<hbm>>
    %dma_wait3A_166 = tpu.memref_slice %arg3[%add3A_127] : memref<3276800xi32, #tpu.memory_space<hbm>> -> memref<10240xi32, #tpu.memory_space<hbm>>
    tpu.wait_dma2 semaphore(%arg18 : memref<!tpu.dma_semaphore, #tpu.memory_space<semaphore_mem>>) src(%dma_wait3A_166 : memref<10240xi32, #tpu.memory_space<hbm>>) dst(%arg8 : memref<10240xi32, #tpu.memory_space<vmem>>)
    %dma_wait3A_167 = tpu.memref_slice %arg4[%add3A_127] : memref<3276800xf32, #tpu.memory_space<hbm>> -> memref<10240xf32, #tpu.memory_space<hbm>>
    %dma_wait3A_168 = tpu.memref_slice %arg4[%add3A_127] : memref<3276800xf32, #tpu.memory_space<hbm>> -> memref<10240xf32, #tpu.memory_space<hbm>>
    tpu.wait_dma2 semaphore(%arg18 : memref<!tpu.dma_semaphore, #tpu.memory_space<semaphore_mem>>) src(%dma_wait3A_168 : memref<10240xf32, #tpu.memory_space<hbm>>) dst(%arg10 : memref<10240xf32, #tpu.memory_space<vmem>>)
    %dma_wait3A_169 = tpu.memref_slice %arg5[%add3A_115] : memref<9830400xf32, #tpu.memory_space<hbm>> -> memref<10240xf32, #tpu.memory_space<hbm>>
    %dma_wait3A_170 = tpu.memref_slice %arg5[%add3A_115] : memref<9830400xf32, #tpu.memory_space<hbm>> -> memref<10240xf32, #tpu.memory_space<hbm>>
    tpu.wait_dma2 semaphore(%arg20 : memref<!tpu.dma_semaphore, #tpu.memory_space<semaphore_mem>>) src(%arg14 : memref<10240xf32, #tpu.memory_space<vmem>>) dst(%dma_wait3A_170 : memref<10240xf32, #tpu.memory_space<hbm>>)
    %dma_wait3A_171 = tpu.memref_slice %arg5[%add3A_119] : memref<9830400xf32, #tpu.memory_space<hbm>> -> memref<10240xf32, #tpu.memory_space<hbm>>
    %dma_wait3A_172 = tpu.memref_slice %arg5[%add3A_119] : memref<9830400xf32, #tpu.memory_space<hbm>> -> memref<10240xf32, #tpu.memory_space<hbm>>
    tpu.wait_dma2 semaphore(%arg20 : memref<!tpu.dma_semaphore, #tpu.memory_space<semaphore_mem>>) src(%arg15 : memref<10240xf32, #tpu.memory_space<vmem>>) dst(%dma_wait3A_172 : memref<10240xf32, #tpu.memory_space<hbm>>)
    %dma_wait3A_173 = tpu.memref_slice %arg5[%add3A_123] : memref<9830400xf32, #tpu.memory_space<hbm>> -> memref<10240xf32, #tpu.memory_space<hbm>>
    %dma_wait3A_174 = tpu.memref_slice %arg5[%add3A_123] : memref<9830400xf32, #tpu.memory_space<hbm>> -> memref<10240xf32, #tpu.memory_space<hbm>>
    tpu.wait_dma2 semaphore(%arg20 : memref<!tpu.dma_semaphore, #tpu.memory_space<semaphore_mem>>) src(%arg16 : memref<10240xf32, #tpu.memory_space<vmem>>) dst(%dma_wait3A_174 : memref<10240xf32, #tpu.memory_space<hbm>>)
    %parallel_loop3A_175 = arith.constant 0 : i32
    %parallel_loop3A_176 = arith.constant 640 : i32
    %parallel_loop3A_177 = arith.constant 1 : i32
    scf.for %parallel_loop3A_330 = %parallel_loop3A_175 to %parallel_loop3A_176 step %parallel_loop3A_177  : i32 {
      %parallel_loop3A_331 = arith.constant 16 : i32
      %parallel_loop3A_332 = arith.muli %parallel_loop3A_330, %parallel_loop3A_331 : i32
      %parallel_loop3A_333 = arith.index_cast %parallel_loop3A_332 : i32 to index
      %parallel_loop3A_334 = tpu.vector_load %arg8[%parallel_loop3A_333] {strides = array<i32>} : memref<10240xi32, #tpu.memory_space<vmem>>, vector<16xi32>,
      %parallel_loop3A_335 = arith.index_cast %parallel_loop3A_332 : i32 to index
      %parallel_loop3A_336 = tpu.vector_load %arg10[%parallel_loop3A_335] {strides = array<i32>} : memref<10240xf32, #tpu.memory_space<vmem>>, vector<16xf32>,
      %parallel_loop3A_337 = arith.constant 0.699999988 : f32
      %parallel_loop3A_338 = vector.broadcast %parallel_loop3A_337 : f32 to vector<16xf32>
      %parallel_loop3A_339 = arith.mulf %parallel_loop3A_338, %parallel_loop3A_336 : vector<16xf32>
      %parallel_loop3A_340 = arith.constant 3.000000e-01 : f32
      %parallel_loop3A_341 = vector.broadcast %parallel_loop3A_340 : f32 to vector<16xf32>
      %parallel_loop3A_342 = arith.addf %parallel_loop3A_341, %parallel_loop3A_339 : vector<16xf32>
      %parallel_loop3A_343 = arith.constant 3 : i32
      %parallel_loop3A_344 = vector.broadcast %parallel_loop3A_343 : i32 to vector<16xi32>
      %parallel_loop3A_345 = arith.muli %parallel_loop3A_334, %parallel_loop3A_344 : vector<16xi32>
      %parallel_loop3A_346 = tpu.vector_load_idx %arg6[%parallel_loop3A_345] : memref<1152xf32, #tpu.memory_space<vmem>>[vector<16xi32>], vector<16xf32>,
      %parallel_loop3A_347 = arith.mulf %parallel_loop3A_346, %parallel_loop3A_342 : vector<16xf32>
      %parallel_loop3A_348 = arith.index_cast %parallel_loop3A_332 : i32 to index
      %parallel_loop3A_349 = tpu.vector_load %arg14[%parallel_loop3A_348] {strides = array<i32>} : memref<10240xf32, #tpu.memory_space<vmem>>, vector<16xf32>,
      tpu.vector_store %arg14[%parallel_loop3A_348], %parallel_loop3A_347 {strides = array<i32>} : memref<10240xf32, #tpu.memory_space<vmem>>, vector<16xf32>,
      %parallel_loop3A_350 = arith.constant 1 : i32
      %parallel_loop3A_351 = vector.broadcast %parallel_loop3A_350 : i32 to vector<16xi32>
      %parallel_loop3A_352 = arith.addi %parallel_loop3A_345, %parallel_loop3A_351 : vector<16xi32>
      %parallel_loop3A_353 = tpu.vector_load_idx %arg6[%parallel_loop3A_352] : memref<1152xf32, #tpu.memory_space<vmem>>[vector<16xi32>], vector<16xf32>,
      %parallel_loop3A_354 = arith.mulf %parallel_loop3A_353, %parallel_loop3A_342 : vector<16xf32>
      %parallel_loop3A_355 = arith.index_cast %parallel_loop3A_332 : i32 to index
      %parallel_loop3A_356 = tpu.vector_load %arg15[%parallel_loop3A_355] {strides = array<i32>} : memref<10240xf32, #tpu.memory_space<vmem>>, vector<16xf32>,
      tpu.vector_store %arg15[%parallel_loop3A_355], %parallel_loop3A_354 {strides = array<i32>} : memref<10240xf32, #tpu.memory_space<vmem>>, vector<16xf32>,
      %parallel_loop3A_357 = arith.constant 2 : i32
      %parallel_loop3A_358 = vector.broadcast %parallel_loop3A_357 : i32 to vector<16xi32>
      %parallel_loop3A_359 = arith.addi %parallel_loop3A_345, %parallel_loop3A_358 : vector<16xi32>
      %parallel_loop3A_360 = tpu.vector_load_idx %arg6[%parallel_loop3A_359] : memref<1152xf32, #tpu.memory_space<vmem>>[vector<16xi32>], vector<16xf32>,
      %parallel_loop3A_361 = arith.mulf %parallel_loop3A_360, %parallel_loop3A_342 : vector<16xf32>
      %parallel_loop3A_362 = arith.index_cast %parallel_loop3A_332 : i32 to index
      %parallel_loop3A_363 = tpu.vector_load %arg16[%parallel_loop3A_362] {strides = array<i32>} : memref<10240xf32, #tpu.memory_space<vmem>>, vector<16xf32>,
      tpu.vector_store %arg16[%parallel_loop3A_362], %parallel_loop3A_361 {strides = array<i32>} : memref<10240xf32, #tpu.memory_space<vmem>>, vector<16xf32>,
    } {sc.loop_unroll_factor = 10 : i64, sc.parallel_access}
    %add3A_178 = arith.constant 51200 : i32
    %add3A_179 = arith.addi %mul3A_2, %add3A_178 : i32
    %add3A_180 = arith.constant 0 : i32
    %add3A_181 = arith.addi %add3A_180, %add3A_179 : i32
    %dma_start3A_182 = tpu.memref_slice %arg5[%add3A_181] : memref<9830400xf32, #tpu.memory_space<hbm>> -> memref<10240xf32, #tpu.memory_space<hbm>>
    %dma_start3A_183 = tpu.memref_slice %arg5[%add3A_181] : memref<9830400xf32, #tpu.memory_space<hbm>> -> memref<10240xf32, #tpu.memory_space<hbm>>
    tpu.enqueue_dma source(%arg14 : memref<10240xf32, #tpu.memory_space<vmem>>) target(%dma_start3A_183 : memref<10240xf32, #tpu.memory_space<hbm>>) target_semaphore(%arg20 : memref<!tpu.dma_semaphore, #tpu.memory_space<semaphore_mem>>)
    %add3A_184 = arith.constant 3276800 : i32
    %add3A_185 = arith.addi %add3A_184, %add3A_179 : i32
    %dma_start3A_186 = tpu.memref_slice %arg5[%add3A_185] : memref<9830400xf32, #tpu.memory_space<hbm>> -> memref<10240xf32, #tpu.memory_space<hbm>>
    %dma_start3A_187 = tpu.memref_slice %arg5[%add3A_185] : memref<9830400xf32, #tpu.memory_space<hbm>> -> memref<10240xf32, #tpu.memory_space<hbm>>
    tpu.enqueue_dma source(%arg15 : memref<10240xf32, #tpu.memory_space<vmem>>) target(%dma_start3A_187 : memref<10240xf32, #tpu.memory_space<hbm>>) target_semaphore(%arg20 : memref<!tpu.dma_semaphore, #tpu.memory_space<semaphore_mem>>)
    %add3A_188 = arith.constant 6553600 : i32
    %add3A_189 = arith.addi %add3A_188, %add3A_179 : i32
    %dma_start3A_190 = tpu.memref_slice %arg5[%add3A_189] : memref<9830400xf32, #tpu.memory_space<hbm>> -> memref<10240xf32, #tpu.memory_space<hbm>>
    %dma_start3A_191 = tpu.memref_slice %arg5[%add3A_189] : memref<9830400xf32, #tpu.memory_space<hbm>> -> memref<10240xf32, #tpu.memory_space<hbm>>
    tpu.enqueue_dma source(%arg16 : memref<10240xf32, #tpu.memory_space<vmem>>) target(%dma_start3A_191 : memref<10240xf32, #tpu.memory_space<hbm>>) target_semaphore(%arg20 : memref<!tpu.dma_semaphore, #tpu.memory_space<semaphore_mem>>)
    %add3A_192 = arith.constant 71680 : i32
    %add3A_193 = arith.addi %mul3A_2, %add3A_192 : i32
    %dma_start3A_194 = tpu.memref_slice %arg3[%add3A_193] : memref<3276800xi32, #tpu.memory_space<hbm>> -> memref<10240xi32, #tpu.memory_space<hbm>>
    %dma_start3A_195 = tpu.memref_slice %arg3[%add3A_193] : memref<3276800xi32, #tpu.memory_space<hbm>> -> memref<10240xi32, #tpu.memory_space<hbm>>
    tpu.enqueue_dma source(%dma_start3A_195 : memref<10240xi32, #tpu.memory_space<hbm>>) target(%arg8 : memref<10240xi32, #tpu.memory_space<vmem>>) target_semaphore(%arg18 : memref<!tpu.dma_semaphore, #tpu.memory_space<semaphore_mem>>)
    %dma_start3A_196 = tpu.memref_slice %arg4[%add3A_193] : memref<3276800xf32, #tpu.memory_space<hbm>> -> memref<10240xf32, #tpu.memory_space<hbm>>
    %dma_start3A_197 = tpu.memref_slice %arg4[%add3A_193] : memref<3276800xf32, #tpu.memory_space<hbm>> -> memref<10240xf32, #tpu.memory_space<hbm>>
    tpu.enqueue_dma source(%dma_start3A_197 : memref<10240xf32, #tpu.memory_space<hbm>>) target(%arg10 : memref<10240xf32, #tpu.memory_space<vmem>>) target_semaphore(%arg18 : memref<!tpu.dma_semaphore, #tpu.memory_space<semaphore_mem>>)
    %dma_wait3A_198 = tpu.memref_slice %arg3[%add3A_160] : memref<3276800xi32, #tpu.memory_space<hbm>> -> memref<10240xi32, #tpu.memory_space<hbm>>
    %dma_wait3A_199 = tpu.memref_slice %arg3[%add3A_160] : memref<3276800xi32, #tpu.memory_space<hbm>> -> memref<10240xi32, #tpu.memory_space<hbm>>
    tpu.wait_dma2 semaphore(%arg17 : memref<!tpu.dma_semaphore, #tpu.memory_space<semaphore_mem>>) src(%dma_wait3A_199 : memref<10240xi32, #tpu.memory_space<hbm>>) dst(%arg7 : memref<10240xi32, #tpu.memory_space<vmem>>)
    %dma_wait3A_200 = tpu.memref_slice %arg4[%add3A_160] : memref<3276800xf32, #tpu.memory_space<hbm>> -> memref<10240xf32, #tpu.memory_space<hbm>>
    %dma_wait3A_201 = tpu.memref_slice %arg4[%add3A_160] : memref<3276800xf32, #tpu.memory_space<hbm>> -> memref<10240xf32, #tpu.memory_space<hbm>>
    tpu.wait_dma2 semaphore(%arg17 : memref<!tpu.dma_semaphore, #tpu.memory_space<semaphore_mem>>) src(%dma_wait3A_201 : memref<10240xf32, #tpu.memory_space<hbm>>) dst(%arg9 : memref<10240xf32, #tpu.memory_space<vmem>>)
    %dma_wait3A_202 = tpu.memref_slice %arg5[%add3A_148] : memref<9830400xf32, #tpu.memory_space<hbm>> -> memref<10240xf32, #tpu.memory_space<hbm>>
    %dma_wait3A_203 = tpu.memref_slice %arg5[%add3A_148] : memref<9830400xf32, #tpu.memory_space<hbm>> -> memref<10240xf32, #tpu.memory_space<hbm>>
    tpu.wait_dma2 semaphore(%arg19 : memref<!tpu.dma_semaphore, #tpu.memory_space<semaphore_mem>>) src(%arg11 : memref<10240xf32, #tpu.memory_space<vmem>>) dst(%dma_wait3A_203 : memref<10240xf32, #tpu.memory_space<hbm>>)
    %dma_wait3A_204 = tpu.memref_slice %arg5[%add3A_152] : memref<9830400xf32, #tpu.memory_space<hbm>> -> memref<10240xf32, #tpu.memory_space<hbm>>
    %dma_wait3A_205 = tpu.memref_slice %arg5[%add3A_152] : memref<9830400xf32, #tpu.memory_space<hbm>> -> memref<10240xf32, #tpu.memory_space<hbm>>
    tpu.wait_dma2 semaphore(%arg19 : memref<!tpu.dma_semaphore, #tpu.memory_space<semaphore_mem>>) src(%arg12 : memref<10240xf32, #tpu.memory_space<vmem>>) dst(%dma_wait3A_205 : memref<10240xf32, #tpu.memory_space<hbm>>)
    %dma_wait3A_206 = tpu.memref_slice %arg5[%add3A_156] : memref<9830400xf32, #tpu.memory_space<hbm>> -> memref<10240xf32, #tpu.memory_space<hbm>>
    %dma_wait3A_207 = tpu.memref_slice %arg5[%add3A_156] : memref<9830400xf32, #tpu.memory_space<hbm>> -> memref<10240xf32, #tpu.memory_space<hbm>>
    tpu.wait_dma2 semaphore(%arg19 : memref<!tpu.dma_semaphore, #tpu.memory_space<semaphore_mem>>) src(%arg13 : memref<10240xf32, #tpu.memory_space<vmem>>) dst(%dma_wait3A_207 : memref<10240xf32, #tpu.memory_space<hbm>>)
    %parallel_loop3A_208 = arith.constant 0 : i32
    %parallel_loop3A_209 = arith.constant 640 : i32
    %parallel_loop3A_210 = arith.constant 1 : i32
    scf.for %parallel_loop3A_330 = %parallel_loop3A_208 to %parallel_loop3A_209 step %parallel_loop3A_210  : i32 {
      %parallel_loop3A_331 = arith.constant 16 : i32
      %parallel_loop3A_332 = arith.muli %parallel_loop3A_330, %parallel_loop3A_331 : i32
      %parallel_loop3A_333 = arith.index_cast %parallel_loop3A_332 : i32 to index
      %parallel_loop3A_334 = tpu.vector_load %arg7[%parallel_loop3A_333] {strides = array<i32>} : memref<10240xi32, #tpu.memory_space<vmem>>, vector<16xi32>,
      %parallel_loop3A_335 = arith.index_cast %parallel_loop3A_332 : i32 to index
      %parallel_loop3A_336 = tpu.vector_load %arg9[%parallel_loop3A_335] {strides = array<i32>} : memref<10240xf32, #tpu.memory_space<vmem>>, vector<16xf32>,
      %parallel_loop3A_337 = arith.constant 0.699999988 : f32
      %parallel_loop3A_338 = vector.broadcast %parallel_loop3A_337 : f32 to vector<16xf32>
      %parallel_loop3A_339 = arith.mulf %parallel_loop3A_338, %parallel_loop3A_336 : vector<16xf32>
      %parallel_loop3A_340 = arith.constant 3.000000e-01 : f32
      %parallel_loop3A_341 = vector.broadcast %parallel_loop3A_340 : f32 to vector<16xf32>
      %parallel_loop3A_342 = arith.addf %parallel_loop3A_341, %parallel_loop3A_339 : vector<16xf32>
      %parallel_loop3A_343 = arith.constant 3 : i32
      %parallel_loop3A_344 = vector.broadcast %parallel_loop3A_343 : i32 to vector<16xi32>
      %parallel_loop3A_345 = arith.muli %parallel_loop3A_334, %parallel_loop3A_344 : vector<16xi32>
      %parallel_loop3A_346 = tpu.vector_load_idx %arg6[%parallel_loop3A_345] : memref<1152xf32, #tpu.memory_space<vmem>>[vector<16xi32>], vector<16xf32>,
      %parallel_loop3A_347 = arith.mulf %parallel_loop3A_346, %parallel_loop3A_342 : vector<16xf32>
      %parallel_loop3A_348 = arith.index_cast %parallel_loop3A_332 : i32 to index
      %parallel_loop3A_349 = tpu.vector_load %arg11[%parallel_loop3A_348] {strides = array<i32>} : memref<10240xf32, #tpu.memory_space<vmem>>, vector<16xf32>,
      tpu.vector_store %arg11[%parallel_loop3A_348], %parallel_loop3A_347 {strides = array<i32>} : memref<10240xf32, #tpu.memory_space<vmem>>, vector<16xf32>,
      %parallel_loop3A_350 = arith.constant 1 : i32
      %parallel_loop3A_351 = vector.broadcast %parallel_loop3A_350 : i32 to vector<16xi32>
      %parallel_loop3A_352 = arith.addi %parallel_loop3A_345, %parallel_loop3A_351 : vector<16xi32>
      %parallel_loop3A_353 = tpu.vector_load_idx %arg6[%parallel_loop3A_352] : memref<1152xf32, #tpu.memory_space<vmem>>[vector<16xi32>], vector<16xf32>,
      %parallel_loop3A_354 = arith.mulf %parallel_loop3A_353, %parallel_loop3A_342 : vector<16xf32>
      %parallel_loop3A_355 = arith.index_cast %parallel_loop3A_332 : i32 to index
      %parallel_loop3A_356 = tpu.vector_load %arg12[%parallel_loop3A_355] {strides = array<i32>} : memref<10240xf32, #tpu.memory_space<vmem>>, vector<16xf32>,
      tpu.vector_store %arg12[%parallel_loop3A_355], %parallel_loop3A_354 {strides = array<i32>} : memref<10240xf32, #tpu.memory_space<vmem>>, vector<16xf32>,
      %parallel_loop3A_357 = arith.constant 2 : i32
      %parallel_loop3A_358 = vector.broadcast %parallel_loop3A_357 : i32 to vector<16xi32>
      %parallel_loop3A_359 = arith.addi %parallel_loop3A_345, %parallel_loop3A_358 : vector<16xi32>
      %parallel_loop3A_360 = tpu.vector_load_idx %arg6[%parallel_loop3A_359] : memref<1152xf32, #tpu.memory_space<vmem>>[vector<16xi32>], vector<16xf32>,
      %parallel_loop3A_361 = arith.mulf %parallel_loop3A_360, %parallel_loop3A_342 : vector<16xf32>
      %parallel_loop3A_362 = arith.index_cast %parallel_loop3A_332 : i32 to index
      %parallel_loop3A_363 = tpu.vector_load %arg13[%parallel_loop3A_362] {strides = array<i32>} : memref<10240xf32, #tpu.memory_space<vmem>>, vector<16xf32>,
      tpu.vector_store %arg13[%parallel_loop3A_362], %parallel_loop3A_361 {strides = array<i32>} : memref<10240xf32, #tpu.memory_space<vmem>>, vector<16xf32>,
    } {sc.loop_unroll_factor = 10 : i64, sc.parallel_access}
    %add3A_211 = arith.constant 61440 : i32
    %add3A_212 = arith.addi %mul3A_2, %add3A_211 : i32
    %add3A_213 = arith.constant 0 : i32
    %add3A_214 = arith.addi %add3A_213, %add3A_212 : i32
    %dma_start3A_215 = tpu.memref_slice %arg5[%add3A_214] : memref<9830400xf32, #tpu.memory_space<hbm>> -> memref<10240xf32, #tpu.memory_space<hbm>>
    %dma_start3A_216 = tpu.memref_slice %arg5[%add3A_214] : memref<9830400xf32, #tpu.memory_space<hbm>> -> memref<10240xf32, #tpu.memory_space<hbm>>
    tpu.enqueue_dma source(%arg11 : memref<10240xf32, #tpu.memory_space<vmem>>) target(%dma_start3A_216 : memref<10240xf32, #tpu.memory_space<hbm>>) target_semaphore(%arg19 : memref<!tpu.dma_semaphore, #tpu.memory_space<semaphore_mem>>)
    %add3A_217 = arith.constant 3276800 : i32
    %add3A_218 = arith.addi %add3A_217, %add3A_212 : i32
    %dma_start3A_219 = tpu.memref_slice %arg5[%add3A_218] : memref<9830400xf32, #tpu.memory_space<hbm>> -> memref<10240xf32, #tpu.memory_space<hbm>>
    %dma_start3A_220 = tpu.memref_slice %arg5[%add3A_218] : memref<9830400xf32, #tpu.memory_space<hbm>> -> memref<10240xf32, #tpu.memory_space<hbm>>
    tpu.enqueue_dma source(%arg12 : memref<10240xf32, #tpu.memory_space<vmem>>) target(%dma_start3A_220 : memref<10240xf32, #tpu.memory_space<hbm>>) target_semaphore(%arg19 : memref<!tpu.dma_semaphore, #tpu.memory_space<semaphore_mem>>)
    %add3A_221 = arith.constant 6553600 : i32
    %add3A_222 = arith.addi %add3A_221, %add3A_212 : i32
    %dma_start3A_223 = tpu.memref_slice %arg5[%add3A_222] : memref<9830400xf32, #tpu.memory_space<hbm>> -> memref<10240xf32, #tpu.memory_space<hbm>>
    %dma_start3A_224 = tpu.memref_slice %arg5[%add3A_222] : memref<9830400xf32, #tpu.memory_space<hbm>> -> memref<10240xf32, #tpu.memory_space<hbm>>
    tpu.enqueue_dma source(%arg13 : memref<10240xf32, #tpu.memory_space<vmem>>) target(%dma_start3A_224 : memref<10240xf32, #tpu.memory_space<hbm>>) target_semaphore(%arg19 : memref<!tpu.dma_semaphore, #tpu.memory_space<semaphore_mem>>)
    %add3A_225 = arith.constant 81920 : i32
    %add3A_226 = arith.addi %mul3A_2, %add3A_225 : i32
    %dma_start3A_227 = tpu.memref_slice %arg3[%add3A_226] : memref<3276800xi32, #tpu.memory_space<hbm>> -> memref<10240xi32, #tpu.memory_space<hbm>>
    %dma_start3A_228 = tpu.memref_slice %arg3[%add3A_226] : memref<3276800xi32, #tpu.memory_space<hbm>> -> memref<10240xi32, #tpu.memory_space<hbm>>
    tpu.enqueue_dma source(%dma_start3A_228 : memref<10240xi32, #tpu.memory_space<hbm>>) target(%arg7 : memref<10240xi32, #tpu.memory_space<vmem>>) target_semaphore(%arg17 : memref<!tpu.dma_semaphore, #tpu.memory_space<semaphore_mem>>)
    %dma_start3A_229 = tpu.memref_slice %arg4[%add3A_226] : memref<3276800xf32, #tpu.memory_space<hbm>> -> memref<10240xf32, #tpu.memory_space<hbm>>
    %dma_start3A_230 = tpu.memref_slice %arg4[%add3A_226] : memref<3276800xf32, #tpu.memory_space<hbm>> -> memref<10240xf32, #tpu.memory_space<hbm>>
    tpu.enqueue_dma source(%dma_start3A_230 : memref<10240xf32, #tpu.memory_space<hbm>>) target(%arg9 : memref<10240xf32, #tpu.memory_space<vmem>>) target_semaphore(%arg17 : memref<!tpu.dma_semaphore, #tpu.memory_space<semaphore_mem>>)
    %dma_wait3A_231 = tpu.memref_slice %arg3[%add3A_193] : memref<3276800xi32, #tpu.memory_space<hbm>> -> memref<10240xi32, #tpu.memory_space<hbm>>
    %dma_wait3A_232 = tpu.memref_slice %arg3[%add3A_193] : memref<3276800xi32, #tpu.memory_space<hbm>> -> memref<10240xi32, #tpu.memory_space<hbm>>
    tpu.wait_dma2 semaphore(%arg18 : memref<!tpu.dma_semaphore, #tpu.memory_space<semaphore_mem>>) src(%dma_wait3A_232 : memref<10240xi32, #tpu.memory_space<hbm>>) dst(%arg8 : memref<10240xi32, #tpu.memory_space<vmem>>)
    %dma_wait3A_233 = tpu.memref_slice %arg4[%add3A_193] : memref<3276800xf32, #tpu.memory_space<hbm>> -> memref<10240xf32, #tpu.memory_space<hbm>>
    %dma_wait3A_234 = tpu.memref_slice %arg4[%add3A_193] : memref<3276800xf32, #tpu.memory_space<hbm>> -> memref<10240xf32, #tpu.memory_space<hbm>>
    tpu.wait_dma2 semaphore(%arg18 : memref<!tpu.dma_semaphore, #tpu.memory_space<semaphore_mem>>) src(%dma_wait3A_234 : memref<10240xf32, #tpu.memory_space<hbm>>) dst(%arg10 : memref<10240xf32, #tpu.memory_space<vmem>>)
    %dma_wait3A_235 = tpu.memref_slice %arg5[%add3A_181] : memref<9830400xf32, #tpu.memory_space<hbm>> -> memref<10240xf32, #tpu.memory_space<hbm>>
    %dma_wait3A_236 = tpu.memref_slice %arg5[%add3A_181] : memref<9830400xf32, #tpu.memory_space<hbm>> -> memref<10240xf32, #tpu.memory_space<hbm>>
    tpu.wait_dma2 semaphore(%arg20 : memref<!tpu.dma_semaphore, #tpu.memory_space<semaphore_mem>>) src(%arg14 : memref<10240xf32, #tpu.memory_space<vmem>>) dst(%dma_wait3A_236 : memref<10240xf32, #tpu.memory_space<hbm>>)
    %dma_wait3A_237 = tpu.memref_slice %arg5[%add3A_185] : memref<9830400xf32, #tpu.memory_space<hbm>> -> memref<10240xf32, #tpu.memory_space<hbm>>
    %dma_wait3A_238 = tpu.memref_slice %arg5[%add3A_185] : memref<9830400xf32, #tpu.memory_space<hbm>> -> memref<10240xf32, #tpu.memory_space<hbm>>
    tpu.wait_dma2 semaphore(%arg20 : memref<!tpu.dma_semaphore, #tpu.memory_space<semaphore_mem>>) src(%arg15 : memref<10240xf32, #tpu.memory_space<vmem>>) dst(%dma_wait3A_238 : memref<10240xf32, #tpu.memory_space<hbm>>)
    %dma_wait3A_239 = tpu.memref_slice %arg5[%add3A_189] : memref<9830400xf32, #tpu.memory_space<hbm>> -> memref<10240xf32, #tpu.memory_space<hbm>>
    %dma_wait3A_240 = tpu.memref_slice %arg5[%add3A_189] : memref<9830400xf32, #tpu.memory_space<hbm>> -> memref<10240xf32, #tpu.memory_space<hbm>>
    tpu.wait_dma2 semaphore(%arg20 : memref<!tpu.dma_semaphore, #tpu.memory_space<semaphore_mem>>) src(%arg16 : memref<10240xf32, #tpu.memory_space<vmem>>) dst(%dma_wait3A_240 : memref<10240xf32, #tpu.memory_space<hbm>>)
    %parallel_loop3A_241 = arith.constant 0 : i32
    %parallel_loop3A_242 = arith.constant 640 : i32
    %parallel_loop3A_243 = arith.constant 1 : i32
    scf.for %parallel_loop3A_330 = %parallel_loop3A_241 to %parallel_loop3A_242 step %parallel_loop3A_243  : i32 {
      %parallel_loop3A_331 = arith.constant 16 : i32
      %parallel_loop3A_332 = arith.muli %parallel_loop3A_330, %parallel_loop3A_331 : i32
      %parallel_loop3A_333 = arith.index_cast %parallel_loop3A_332 : i32 to index
      %parallel_loop3A_334 = tpu.vector_load %arg8[%parallel_loop3A_333] {strides = array<i32>} : memref<10240xi32, #tpu.memory_space<vmem>>, vector<16xi32>,
      %parallel_loop3A_335 = arith.index_cast %parallel_loop3A_332 : i32 to index
      %parallel_loop3A_336 = tpu.vector_load %arg10[%parallel_loop3A_335] {strides = array<i32>} : memref<10240xf32, #tpu.memory_space<vmem>>, vector<16xf32>,
      %parallel_loop3A_337 = arith.constant 0.699999988 : f32
      %parallel_loop3A_338 = vector.broadcast %parallel_loop3A_337 : f32 to vector<16xf32>
      %parallel_loop3A_339 = arith.mulf %parallel_loop3A_338, %parallel_loop3A_336 : vector<16xf32>
      %parallel_loop3A_340 = arith.constant 3.000000e-01 : f32
      %parallel_loop3A_341 = vector.broadcast %parallel_loop3A_340 : f32 to vector<16xf32>
      %parallel_loop3A_342 = arith.addf %parallel_loop3A_341, %parallel_loop3A_339 : vector<16xf32>
      %parallel_loop3A_343 = arith.constant 3 : i32
      %parallel_loop3A_344 = vector.broadcast %parallel_loop3A_343 : i32 to vector<16xi32>
      %parallel_loop3A_345 = arith.muli %parallel_loop3A_334, %parallel_loop3A_344 : vector<16xi32>
      %parallel_loop3A_346 = tpu.vector_load_idx %arg6[%parallel_loop3A_345] : memref<1152xf32, #tpu.memory_space<vmem>>[vector<16xi32>], vector<16xf32>,
      %parallel_loop3A_347 = arith.mulf %parallel_loop3A_346, %parallel_loop3A_342 : vector<16xf32>
      %parallel_loop3A_348 = arith.index_cast %parallel_loop3A_332 : i32 to index
      %parallel_loop3A_349 = tpu.vector_load %arg14[%parallel_loop3A_348] {strides = array<i32>} : memref<10240xf32, #tpu.memory_space<vmem>>, vector<16xf32>,
      tpu.vector_store %arg14[%parallel_loop3A_348], %parallel_loop3A_347 {strides = array<i32>} : memref<10240xf32, #tpu.memory_space<vmem>>, vector<16xf32>,
      %parallel_loop3A_350 = arith.constant 1 : i32
      %parallel_loop3A_351 = vector.broadcast %parallel_loop3A_350 : i32 to vector<16xi32>
      %parallel_loop3A_352 = arith.addi %parallel_loop3A_345, %parallel_loop3A_351 : vector<16xi32>
      %parallel_loop3A_353 = tpu.vector_load_idx %arg6[%parallel_loop3A_352] : memref<1152xf32, #tpu.memory_space<vmem>>[vector<16xi32>], vector<16xf32>,
      %parallel_loop3A_354 = arith.mulf %parallel_loop3A_353, %parallel_loop3A_342 : vector<16xf32>
      %parallel_loop3A_355 = arith.index_cast %parallel_loop3A_332 : i32 to index
      %parallel_loop3A_356 = tpu.vector_load %arg15[%parallel_loop3A_355] {strides = array<i32>} : memref<10240xf32, #tpu.memory_space<vmem>>, vector<16xf32>,
      tpu.vector_store %arg15[%parallel_loop3A_355], %parallel_loop3A_354 {strides = array<i32>} : memref<10240xf32, #tpu.memory_space<vmem>>, vector<16xf32>,
      %parallel_loop3A_357 = arith.constant 2 : i32
      %parallel_loop3A_358 = vector.broadcast %parallel_loop3A_357 : i32 to vector<16xi32>
      %parallel_loop3A_359 = arith.addi %parallel_loop3A_345, %parallel_loop3A_358 : vector<16xi32>
      %parallel_loop3A_360 = tpu.vector_load_idx %arg6[%parallel_loop3A_359] : memref<1152xf32, #tpu.memory_space<vmem>>[vector<16xi32>], vector<16xf32>,
      %parallel_loop3A_361 = arith.mulf %parallel_loop3A_360, %parallel_loop3A_342 : vector<16xf32>
      %parallel_loop3A_362 = arith.index_cast %parallel_loop3A_332 : i32 to index
      %parallel_loop3A_363 = tpu.vector_load %arg16[%parallel_loop3A_362] {strides = array<i32>} : memref<10240xf32, #tpu.memory_space<vmem>>, vector<16xf32>,
      tpu.vector_store %arg16[%parallel_loop3A_362], %parallel_loop3A_361 {strides = array<i32>} : memref<10240xf32, #tpu.memory_space<vmem>>, vector<16xf32>,
    } {sc.loop_unroll_factor = 10 : i64, sc.parallel_access}
    %add3A_244 = arith.constant 71680 : i32
    %add3A_245 = arith.addi %mul3A_2, %add3A_244 : i32
    %add3A_246 = arith.constant 0 : i32
    %add3A_247 = arith.addi %add3A_246, %add3A_245 : i32
    %dma_start3A_248 = tpu.memref_slice %arg5[%add3A_247] : memref<9830400xf32, #tpu.memory_space<hbm>> -> memref<10240xf32, #tpu.memory_space<hbm>>
    %dma_start3A_249 = tpu.memref_slice %arg5[%add3A_247] : memref<9830400xf32, #tpu.memory_space<hbm>> -> memref<10240xf32, #tpu.memory_space<hbm>>
    tpu.enqueue_dma source(%arg14 : memref<10240xf32, #tpu.memory_space<vmem>>) target(%dma_start3A_249 : memref<10240xf32, #tpu.memory_space<hbm>>) target_semaphore(%arg20 : memref<!tpu.dma_semaphore, #tpu.memory_space<semaphore_mem>>)
    %add3A_250 = arith.constant 3276800 : i32
    %add3A_251 = arith.addi %add3A_250, %add3A_245 : i32
    %dma_start3A_252 = tpu.memref_slice %arg5[%add3A_251] : memref<9830400xf32, #tpu.memory_space<hbm>> -> memref<10240xf32, #tpu.memory_space<hbm>>
    %dma_start3A_253 = tpu.memref_slice %arg5[%add3A_251] : memref<9830400xf32, #tpu.memory_space<hbm>> -> memref<10240xf32, #tpu.memory_space<hbm>>
    tpu.enqueue_dma source(%arg15 : memref<10240xf32, #tpu.memory_space<vmem>>) target(%dma_start3A_253 : memref<10240xf32, #tpu.memory_space<hbm>>) target_semaphore(%arg20 : memref<!tpu.dma_semaphore, #tpu.memory_space<semaphore_mem>>)
    %add3A_254 = arith.constant 6553600 : i32
    %add3A_255 = arith.addi %add3A_254, %add3A_245 : i32
    %dma_start3A_256 = tpu.memref_slice %arg5[%add3A_255] : memref<9830400xf32, #tpu.memory_space<hbm>> -> memref<10240xf32, #tpu.memory_space<hbm>>
    %dma_start3A_257 = tpu.memref_slice %arg5[%add3A_255] : memref<9830400xf32, #tpu.memory_space<hbm>> -> memref<10240xf32, #tpu.memory_space<hbm>>
    tpu.enqueue_dma source(%arg16 : memref<10240xf32, #tpu.memory_space<vmem>>) target(%dma_start3A_257 : memref<10240xf32, #tpu.memory_space<hbm>>) target_semaphore(%arg20 : memref<!tpu.dma_semaphore, #tpu.memory_space<semaphore_mem>>)
    %add3A_258 = arith.constant 92160 : i32
    %add3A_259 = arith.addi %mul3A_2, %add3A_258 : i32
    %dma_start3A_260 = tpu.memref_slice %arg3[%add3A_259] : memref<3276800xi32, #tpu.memory_space<hbm>> -> memref<10240xi32, #tpu.memory_space<hbm>>
    %dma_start3A_261 = tpu.memref_slice %arg3[%add3A_259] : memref<3276800xi32, #tpu.memory_space<hbm>> -> memref<10240xi32, #tpu.memory_space<hbm>>
    tpu.enqueue_dma source(%dma_start3A_261 : memref<10240xi32, #tpu.memory_space<hbm>>) target(%arg8 : memref<10240xi32, #tpu.memory_space<vmem>>) target_semaphore(%arg18 : memref<!tpu.dma_semaphore, #tpu.memory_space<semaphore_mem>>)
    %dma_start3A_262 = tpu.memref_slice %arg4[%add3A_259] : memref<3276800xf32, #tpu.memory_space<hbm>> -> memref<10240xf32, #tpu.memory_space<hbm>>
    %dma_start3A_263 = tpu.memref_slice %arg4[%add3A_259] : memref<3276800xf32, #tpu.memory_space<hbm>> -> memref<10240xf32, #tpu.memory_space<hbm>>
    tpu.enqueue_dma source(%dma_start3A_263 : memref<10240xf32, #tpu.memory_space<hbm>>) target(%arg10 : memref<10240xf32, #tpu.memory_space<vmem>>) target_semaphore(%arg18 : memref<!tpu.dma_semaphore, #tpu.memory_space<semaphore_mem>>)
    %dma_wait3A_264 = tpu.memref_slice %arg3[%add3A_226] : memref<3276800xi32, #tpu.memory_space<hbm>> -> memref<10240xi32, #tpu.memory_space<hbm>>
    %dma_wait3A_265 = tpu.memref_slice %arg3[%add3A_226] : memref<3276800xi32, #tpu.memory_space<hbm>> -> memref<10240xi32, #tpu.memory_space<hbm>>
    tpu.wait_dma2 semaphore(%arg17 : memref<!tpu.dma_semaphore, #tpu.memory_space<semaphore_mem>>) src(%dma_wait3A_265 : memref<10240xi32, #tpu.memory_space<hbm>>) dst(%arg7 : memref<10240xi32, #tpu.memory_space<vmem>>)
    %dma_wait3A_266 = tpu.memref_slice %arg4[%add3A_226] : memref<3276800xf32, #tpu.memory_space<hbm>> -> memref<10240xf32, #tpu.memory_space<hbm>>
    %dma_wait3A_267 = tpu.memref_slice %arg4[%add3A_226] : memref<3276800xf32, #tpu.memory_space<hbm>> -> memref<10240xf32, #tpu.memory_space<hbm>>
    tpu.wait_dma2 semaphore(%arg17 : memref<!tpu.dma_semaphore, #tpu.memory_space<semaphore_mem>>) src(%dma_wait3A_267 : memref<10240xf32, #tpu.memory_space<hbm>>) dst(%arg9 : memref<10240xf32, #tpu.memory_space<vmem>>)
    %dma_wait3A_268 = tpu.memref_slice %arg5[%add3A_214] : memref<9830400xf32, #tpu.memory_space<hbm>> -> memref<10240xf32, #tpu.memory_space<hbm>>
    %dma_wait3A_269 = tpu.memref_slice %arg5[%add3A_214] : memref<9830400xf32, #tpu.memory_space<hbm>> -> memref<10240xf32, #tpu.memory_space<hbm>>
    tpu.wait_dma2 semaphore(%arg19 : memref<!tpu.dma_semaphore, #tpu.memory_space<semaphore_mem>>) src(%arg11 : memref<10240xf32, #tpu.memory_space<vmem>>) dst(%dma_wait3A_269 : memref<10240xf32, #tpu.memory_space<hbm>>)
    %dma_wait3A_270 = tpu.memref_slice %arg5[%add3A_218] : memref<9830400xf32, #tpu.memory_space<hbm>> -> memref<10240xf32, #tpu.memory_space<hbm>>
    %dma_wait3A_271 = tpu.memref_slice %arg5[%add3A_218] : memref<9830400xf32, #tpu.memory_space<hbm>> -> memref<10240xf32, #tpu.memory_space<hbm>>
    tpu.wait_dma2 semaphore(%arg19 : memref<!tpu.dma_semaphore, #tpu.memory_space<semaphore_mem>>) src(%arg12 : memref<10240xf32, #tpu.memory_space<vmem>>) dst(%dma_wait3A_271 : memref<10240xf32, #tpu.memory_space<hbm>>)
    %dma_wait3A_272 = tpu.memref_slice %arg5[%add3A_222] : memref<9830400xf32, #tpu.memory_space<hbm>> -> memref<10240xf32, #tpu.memory_space<hbm>>
    %dma_wait3A_273 = tpu.memref_slice %arg5[%add3A_222] : memref<9830400xf32, #tpu.memory_space<hbm>> -> memref<10240xf32, #tpu.memory_space<hbm>>
    tpu.wait_dma2 semaphore(%arg19 : memref<!tpu.dma_semaphore, #tpu.memory_space<semaphore_mem>>) src(%arg13 : memref<10240xf32, #tpu.memory_space<vmem>>) dst(%dma_wait3A_273 : memref<10240xf32, #tpu.memory_space<hbm>>)
    %parallel_loop3A_274 = arith.constant 0 : i32
    %parallel_loop3A_275 = arith.constant 640 : i32
    %parallel_loop3A_276 = arith.constant 1 : i32
    scf.for %parallel_loop3A_330 = %parallel_loop3A_274 to %parallel_loop3A_275 step %parallel_loop3A_276  : i32 {
      %parallel_loop3A_331 = arith.constant 16 : i32
      %parallel_loop3A_332 = arith.muli %parallel_loop3A_330, %parallel_loop3A_331 : i32
      %parallel_loop3A_333 = arith.index_cast %parallel_loop3A_332 : i32 to index
      %parallel_loop3A_334 = tpu.vector_load %arg7[%parallel_loop3A_333] {strides = array<i32>} : memref<10240xi32, #tpu.memory_space<vmem>>, vector<16xi32>,
      %parallel_loop3A_335 = arith.index_cast %parallel_loop3A_332 : i32 to index
      %parallel_loop3A_336 = tpu.vector_load %arg9[%parallel_loop3A_335] {strides = array<i32>} : memref<10240xf32, #tpu.memory_space<vmem>>, vector<16xf32>,
      %parallel_loop3A_337 = arith.constant 0.699999988 : f32
      %parallel_loop3A_338 = vector.broadcast %parallel_loop3A_337 : f32 to vector<16xf32>
      %parallel_loop3A_339 = arith.mulf %parallel_loop3A_338, %parallel_loop3A_336 : vector<16xf32>
      %parallel_loop3A_340 = arith.constant 3.000000e-01 : f32
      %parallel_loop3A_341 = vector.broadcast %parallel_loop3A_340 : f32 to vector<16xf32>
      %parallel_loop3A_342 = arith.addf %parallel_loop3A_341, %parallel_loop3A_339 : vector<16xf32>
      %parallel_loop3A_343 = arith.constant 3 : i32
      %parallel_loop3A_344 = vector.broadcast %parallel_loop3A_343 : i32 to vector<16xi32>
      %parallel_loop3A_345 = arith.muli %parallel_loop3A_334, %parallel_loop3A_344 : vector<16xi32>
      %parallel_loop3A_346 = tpu.vector_load_idx %arg6[%parallel_loop3A_345] : memref<1152xf32, #tpu.memory_space<vmem>>[vector<16xi32>], vector<16xf32>,
      %parallel_loop3A_347 = arith.mulf %parallel_loop3A_346, %parallel_loop3A_342 : vector<16xf32>
      %parallel_loop3A_348 = arith.index_cast %parallel_loop3A_332 : i32 to index
      %parallel_loop3A_349 = tpu.vector_load %arg11[%parallel_loop3A_348] {strides = array<i32>} : memref<10240xf32, #tpu.memory_space<vmem>>, vector<16xf32>,
      tpu.vector_store %arg11[%parallel_loop3A_348], %parallel_loop3A_347 {strides = array<i32>} : memref<10240xf32, #tpu.memory_space<vmem>>, vector<16xf32>,
      %parallel_loop3A_350 = arith.constant 1 : i32
      %parallel_loop3A_351 = vector.broadcast %parallel_loop3A_350 : i32 to vector<16xi32>
      %parallel_loop3A_352 = arith.addi %parallel_loop3A_345, %parallel_loop3A_351 : vector<16xi32>
      %parallel_loop3A_353 = tpu.vector_load_idx %arg6[%parallel_loop3A_352] : memref<1152xf32, #tpu.memory_space<vmem>>[vector<16xi32>], vector<16xf32>,
      %parallel_loop3A_354 = arith.mulf %parallel_loop3A_353, %parallel_loop3A_342 : vector<16xf32>
      %parallel_loop3A_355 = arith.index_cast %parallel_loop3A_332 : i32 to index
      %parallel_loop3A_356 = tpu.vector_load %arg12[%parallel_loop3A_355] {strides = array<i32>} : memref<10240xf32, #tpu.memory_space<vmem>>, vector<16xf32>,
      tpu.vector_store %arg12[%parallel_loop3A_355], %parallel_loop3A_354 {strides = array<i32>} : memref<10240xf32, #tpu.memory_space<vmem>>, vector<16xf32>,
      %parallel_loop3A_357 = arith.constant 2 : i32
      %parallel_loop3A_358 = vector.broadcast %parallel_loop3A_357 : i32 to vector<16xi32>
      %parallel_loop3A_359 = arith.addi %parallel_loop3A_345, %parallel_loop3A_358 : vector<16xi32>
      %parallel_loop3A_360 = tpu.vector_load_idx %arg6[%parallel_loop3A_359] : memref<1152xf32, #tpu.memory_space<vmem>>[vector<16xi32>], vector<16xf32>,
      %parallel_loop3A_361 = arith.mulf %parallel_loop3A_360, %parallel_loop3A_342 : vector<16xf32>
      %parallel_loop3A_362 = arith.index_cast %parallel_loop3A_332 : i32 to index
      %parallel_loop3A_363 = tpu.vector_load %arg13[%parallel_loop3A_362] {strides = array<i32>} : memref<10240xf32, #tpu.memory_space<vmem>>, vector<16xf32>,
      tpu.vector_store %arg13[%parallel_loop3A_362], %parallel_loop3A_361 {strides = array<i32>} : memref<10240xf32, #tpu.memory_space<vmem>>, vector<16xf32>,
    } {sc.loop_unroll_factor = 10 : i64, sc.parallel_access}
    %add3A_277 = arith.constant 81920 : i32
    %add3A_278 = arith.addi %mul3A_2, %add3A_277 : i32
    %add3A_279 = arith.constant 0 : i32
    %add3A_280 = arith.addi %add3A_279, %add3A_278 : i32
    %dma_start3A_281 = tpu.memref_slice %arg5[%add3A_280] : memref<9830400xf32, #tpu.memory_space<hbm>> -> memref<10240xf32, #tpu.memory_space<hbm>>
    %dma_start3A_282 = tpu.memref_slice %arg5[%add3A_280] : memref<9830400xf32, #tpu.memory_space<hbm>> -> memref<10240xf32, #tpu.memory_space<hbm>>
    tpu.enqueue_dma source(%arg11 : memref<10240xf32, #tpu.memory_space<vmem>>) target(%dma_start3A_282 : memref<10240xf32, #tpu.memory_space<hbm>>) target_semaphore(%arg19 : memref<!tpu.dma_semaphore, #tpu.memory_space<semaphore_mem>>)
    %add3A_283 = arith.constant 3276800 : i32
    %add3A_284 = arith.addi %add3A_283, %add3A_278 : i32
    %dma_start3A_285 = tpu.memref_slice %arg5[%add3A_284] : memref<9830400xf32, #tpu.memory_space<hbm>> -> memref<10240xf32, #tpu.memory_space<hbm>>
    %dma_start3A_286 = tpu.memref_slice %arg5[%add3A_284] : memref<9830400xf32, #tpu.memory_space<hbm>> -> memref<10240xf32, #tpu.memory_space<hbm>>
    tpu.enqueue_dma source(%arg12 : memref<10240xf32, #tpu.memory_space<vmem>>) target(%dma_start3A_286 : memref<10240xf32, #tpu.memory_space<hbm>>) target_semaphore(%arg19 : memref<!tpu.dma_semaphore, #tpu.memory_space<semaphore_mem>>)
    %add3A_287 = arith.constant 6553600 : i32
    %add3A_288 = arith.addi %add3A_287, %add3A_278 : i32
    %dma_start3A_289 = tpu.memref_slice %arg5[%add3A_288] : memref<9830400xf32, #tpu.memory_space<hbm>> -> memref<10240xf32, #tpu.memory_space<hbm>>
    %dma_start3A_290 = tpu.memref_slice %arg5[%add3A_288] : memref<9830400xf32, #tpu.memory_space<hbm>> -> memref<10240xf32, #tpu.memory_space<hbm>>
    tpu.enqueue_dma source(%arg13 : memref<10240xf32, #tpu.memory_space<vmem>>) target(%dma_start3A_290 : memref<10240xf32, #tpu.memory_space<hbm>>) target_semaphore(%arg19 : memref<!tpu.dma_semaphore, #tpu.memory_space<semaphore_mem>>)
    %dma_wait3A_291 = tpu.memref_slice %arg3[%add3A_259] : memref<3276800xi32, #tpu.memory_space<hbm>> -> memref<10240xi32, #tpu.memory_space<hbm>>
    %dma_wait3A_292 = tpu.memref_slice %arg3[%add3A_259] : memref<3276800xi32, #tpu.memory_space<hbm>> -> memref<10240xi32, #tpu.memory_space<hbm>>
    tpu.wait_dma2 semaphore(%arg18 : memref<!tpu.dma_semaphore, #tpu.memory_space<semaphore_mem>>) src(%dma_wait3A_292 : memref<10240xi32, #tpu.memory_space<hbm>>) dst(%arg8 : memref<10240xi32, #tpu.memory_space<vmem>>)
    %dma_wait3A_293 = tpu.memref_slice %arg4[%add3A_259] : memref<3276800xf32, #tpu.memory_space<hbm>> -> memref<10240xf32, #tpu.memory_space<hbm>>
    %dma_wait3A_294 = tpu.memref_slice %arg4[%add3A_259] : memref<3276800xf32, #tpu.memory_space<hbm>> -> memref<10240xf32, #tpu.memory_space<hbm>>
    tpu.wait_dma2 semaphore(%arg18 : memref<!tpu.dma_semaphore, #tpu.memory_space<semaphore_mem>>) src(%dma_wait3A_294 : memref<10240xf32, #tpu.memory_space<hbm>>) dst(%arg10 : memref<10240xf32, #tpu.memory_space<vmem>>)
    %dma_wait3A_295 = tpu.memref_slice %arg5[%add3A_247] : memref<9830400xf32, #tpu.memory_space<hbm>> -> memref<10240xf32, #tpu.memory_space<hbm>>
    %dma_wait3A_296 = tpu.memref_slice %arg5[%add3A_247] : memref<9830400xf32, #tpu.memory_space<hbm>> -> memref<10240xf32, #tpu.memory_space<hbm>>
    tpu.wait_dma2 semaphore(%arg20 : memref<!tpu.dma_semaphore, #tpu.memory_space<semaphore_mem>>) src(%arg14 : memref<10240xf32, #tpu.memory_space<vmem>>) dst(%dma_wait3A_296 : memref<10240xf32, #tpu.memory_space<hbm>>)
    %dma_wait3A_297 = tpu.memref_slice %arg5[%add3A_251] : memref<9830400xf32, #tpu.memory_space<hbm>> -> memref<10240xf32, #tpu.memory_space<hbm>>
    %dma_wait3A_298 = tpu.memref_slice %arg5[%add3A_251] : memref<9830400xf32, #tpu.memory_space<hbm>> -> memref<10240xf32, #tpu.memory_space<hbm>>
    tpu.wait_dma2 semaphore(%arg20 : memref<!tpu.dma_semaphore, #tpu.memory_space<semaphore_mem>>) src(%arg15 : memref<10240xf32, #tpu.memory_space<vmem>>) dst(%dma_wait3A_298 : memref<10240xf32, #tpu.memory_space<hbm>>)
    %dma_wait3A_299 = tpu.memref_slice %arg5[%add3A_255] : memref<9830400xf32, #tpu.memory_space<hbm>> -> memref<10240xf32, #tpu.memory_space<hbm>>
    %dma_wait3A_300 = tpu.memref_slice %arg5[%add3A_255] : memref<9830400xf32, #tpu.memory_space<hbm>> -> memref<10240xf32, #tpu.memory_space<hbm>>
    tpu.wait_dma2 semaphore(%arg20 : memref<!tpu.dma_semaphore, #tpu.memory_space<semaphore_mem>>) src(%arg16 : memref<10240xf32, #tpu.memory_space<vmem>>) dst(%dma_wait3A_300 : memref<10240xf32, #tpu.memory_space<hbm>>)
    %parallel_loop3A_301 = arith.constant 0 : i32
    %parallel_loop3A_302 = arith.constant 640 : i32
    %parallel_loop3A_303 = arith.constant 1 : i32
    scf.for %parallel_loop3A_330 = %parallel_loop3A_301 to %parallel_loop3A_302 step %parallel_loop3A_303  : i32 {
      %parallel_loop3A_331 = arith.constant 16 : i32
      %parallel_loop3A_332 = arith.muli %parallel_loop3A_330, %parallel_loop3A_331 : i32
      %parallel_loop3A_333 = arith.index_cast %parallel_loop3A_332 : i32 to index
      %parallel_loop3A_334 = tpu.vector_load %arg8[%parallel_loop3A_333] {strides = array<i32>} : memref<10240xi32, #tpu.memory_space<vmem>>, vector<16xi32>,
      %parallel_loop3A_335 = arith.index_cast %parallel_loop3A_332 : i32 to index
      %parallel_loop3A_336 = tpu.vector_load %arg10[%parallel_loop3A_335] {strides = array<i32>} : memref<10240xf32, #tpu.memory_space<vmem>>, vector<16xf32>,
      %parallel_loop3A_337 = arith.constant 0.699999988 : f32
      %parallel_loop3A_338 = vector.broadcast %parallel_loop3A_337 : f32 to vector<16xf32>
      %parallel_loop3A_339 = arith.mulf %parallel_loop3A_338, %parallel_loop3A_336 : vector<16xf32>
      %parallel_loop3A_340 = arith.constant 3.000000e-01 : f32
      %parallel_loop3A_341 = vector.broadcast %parallel_loop3A_340 : f32 to vector<16xf32>
      %parallel_loop3A_342 = arith.addf %parallel_loop3A_341, %parallel_loop3A_339 : vector<16xf32>
      %parallel_loop3A_343 = arith.constant 3 : i32
      %parallel_loop3A_344 = vector.broadcast %parallel_loop3A_343 : i32 to vector<16xi32>
      %parallel_loop3A_345 = arith.muli %parallel_loop3A_334, %parallel_loop3A_344 : vector<16xi32>
      %parallel_loop3A_346 = tpu.vector_load_idx %arg6[%parallel_loop3A_345] : memref<1152xf32, #tpu.memory_space<vmem>>[vector<16xi32>], vector<16xf32>,
      %parallel_loop3A_347 = arith.mulf %parallel_loop3A_346, %parallel_loop3A_342 : vector<16xf32>
      %parallel_loop3A_348 = arith.index_cast %parallel_loop3A_332 : i32 to index
      %parallel_loop3A_349 = tpu.vector_load %arg14[%parallel_loop3A_348] {strides = array<i32>} : memref<10240xf32, #tpu.memory_space<vmem>>, vector<16xf32>,
      tpu.vector_store %arg14[%parallel_loop3A_348], %parallel_loop3A_347 {strides = array<i32>} : memref<10240xf32, #tpu.memory_space<vmem>>, vector<16xf32>,
      %parallel_loop3A_350 = arith.constant 1 : i32
      %parallel_loop3A_351 = vector.broadcast %parallel_loop3A_350 : i32 to vector<16xi32>
      %parallel_loop3A_352 = arith.addi %parallel_loop3A_345, %parallel_loop3A_351 : vector<16xi32>
      %parallel_loop3A_353 = tpu.vector_load_idx %arg6[%parallel_loop3A_352] : memref<1152xf32, #tpu.memory_space<vmem>>[vector<16xi32>], vector<16xf32>,
      %parallel_loop3A_354 = arith.mulf %parallel_loop3A_353, %parallel_loop3A_342 : vector<16xf32>
      %parallel_loop3A_355 = arith.index_cast %parallel_loop3A_332 : i32 to index
      %parallel_loop3A_356 = tpu.vector_load %arg15[%parallel_loop3A_355] {strides = array<i32>} : memref<10240xf32, #tpu.memory_space<vmem>>, vector<16xf32>,
      tpu.vector_store %arg15[%parallel_loop3A_355], %parallel_loop3A_354 {strides = array<i32>} : memref<10240xf32, #tpu.memory_space<vmem>>, vector<16xf32>,
      %parallel_loop3A_357 = arith.constant 2 : i32
      %parallel_loop3A_358 = vector.broadcast %parallel_loop3A_357 : i32 to vector<16xi32>
      %parallel_loop3A_359 = arith.addi %parallel_loop3A_345, %parallel_loop3A_358 : vector<16xi32>
      %parallel_loop3A_360 = tpu.vector_load_idx %arg6[%parallel_loop3A_359] : memref<1152xf32, #tpu.memory_space<vmem>>[vector<16xi32>], vector<16xf32>,
      %parallel_loop3A_361 = arith.mulf %parallel_loop3A_360, %parallel_loop3A_342 : vector<16xf32>
      %parallel_loop3A_362 = arith.index_cast %parallel_loop3A_332 : i32 to index
      %parallel_loop3A_363 = tpu.vector_load %arg16[%parallel_loop3A_362] {strides = array<i32>} : memref<10240xf32, #tpu.memory_space<vmem>>, vector<16xf32>,
      tpu.vector_store %arg16[%parallel_loop3A_362], %parallel_loop3A_361 {strides = array<i32>} : memref<10240xf32, #tpu.memory_space<vmem>>, vector<16xf32>,
    } {sc.loop_unroll_factor = 10 : i64, sc.parallel_access}
    %add3A_304 = arith.constant 92160 : i32
    %add3A_305 = arith.addi %mul3A_2, %add3A_304 : i32
    %add3A_306 = arith.constant 0 : i32
    %add3A_307 = arith.addi %add3A_306, %add3A_305 : i32
    %dma_start3A_308 = tpu.memref_slice %arg5[%add3A_307] : memref<9830400xf32, #tpu.memory_space<hbm>> -> memref<10240xf32, #tpu.memory_space<hbm>>
    %dma_start3A_309 = tpu.memref_slice %arg5[%add3A_307] : memref<9830400xf32, #tpu.memory_space<hbm>> -> memref<10240xf32, #tpu.memory_space<hbm>>
    tpu.enqueue_dma source(%arg14 : memref<10240xf32, #tpu.memory_space<vmem>>) target(%dma_start3A_309 : memref<10240xf32, #tpu.memory_space<hbm>>) target_semaphore(%arg20 : memref<!tpu.dma_semaphore, #tpu.memory_space<semaphore_mem>>)
    %add3A_310 = arith.constant 3276800 : i32
    %add3A_311 = arith.addi %add3A_310, %add3A_305 : i32
    %dma_start3A_312 = tpu.memref_slice %arg5[%add3A_311] : memref<9830400xf32, #tpu.memory_space<hbm>> -> memref<10240xf32, #tpu.memory_space<hbm>>
    %dma_start3A_313 = tpu.memref_slice %arg5[%add3A_311] : memref<9830400xf32, #tpu.memory_space<hbm>> -> memref<10240xf32, #tpu.memory_space<hbm>>
    tpu.enqueue_dma source(%arg15 : memref<10240xf32, #tpu.memory_space<vmem>>) target(%dma_start3A_313 : memref<10240xf32, #tpu.memory_space<hbm>>) target_semaphore(%arg20 : memref<!tpu.dma_semaphore, #tpu.memory_space<semaphore_mem>>)
    %add3A_314 = arith.constant 6553600 : i32
    %add3A_315 = arith.addi %add3A_314, %add3A_305 : i32
    %dma_start3A_316 = tpu.memref_slice %arg5[%add3A_315] : memref<9830400xf32, #tpu.memory_space<hbm>> -> memref<10240xf32, #tpu.memory_space<hbm>>
    %dma_start3A_317 = tpu.memref_slice %arg5[%add3A_315] : memref<9830400xf32, #tpu.memory_space<hbm>> -> memref<10240xf32, #tpu.memory_space<hbm>>
    tpu.enqueue_dma source(%arg16 : memref<10240xf32, #tpu.memory_space<vmem>>) target(%dma_start3A_317 : memref<10240xf32, #tpu.memory_space<hbm>>) target_semaphore(%arg20 : memref<!tpu.dma_semaphore, #tpu.memory_space<semaphore_mem>>)
    %dma_wait3A_318 = tpu.memref_slice %arg5[%add3A_280] : memref<9830400xf32, #tpu.memory_space<hbm>> -> memref<10240xf32, #tpu.memory_space<hbm>>
    %dma_wait3A_319 = tpu.memref_slice %arg5[%add3A_280] : memref<9830400xf32, #tpu.memory_space<hbm>> -> memref<10240xf32, #tpu.memory_space<hbm>>
    tpu.wait_dma2 semaphore(%arg19 : memref<!tpu.dma_semaphore, #tpu.memory_space<semaphore_mem>>) src(%arg11 : memref<10240xf32, #tpu.memory_space<vmem>>) dst(%dma_wait3A_319 : memref<10240xf32, #tpu.memory_space<hbm>>)
    %dma_wait3A_320 = tpu.memref_slice %arg5[%add3A_284] : memref<9830400xf32, #tpu.memory_space<hbm>> -> memref<10240xf32, #tpu.memory_space<hbm>>
    %dma_wait3A_321 = tpu.memref_slice %arg5[%add3A_284] : memref<9830400xf32, #tpu.memory_space<hbm>> -> memref<10240xf32, #tpu.memory_space<hbm>>
    tpu.wait_dma2 semaphore(%arg19 : memref<!tpu.dma_semaphore, #tpu.memory_space<semaphore_mem>>) src(%arg12 : memref<10240xf32, #tpu.memory_space<vmem>>) dst(%dma_wait3A_321 : memref<10240xf32, #tpu.memory_space<hbm>>)
    %dma_wait3A_322 = tpu.memref_slice %arg5[%add3A_288] : memref<9830400xf32, #tpu.memory_space<hbm>> -> memref<10240xf32, #tpu.memory_space<hbm>>
    %dma_wait3A_323 = tpu.memref_slice %arg5[%add3A_288] : memref<9830400xf32, #tpu.memory_space<hbm>> -> memref<10240xf32, #tpu.memory_space<hbm>>
    tpu.wait_dma2 semaphore(%arg19 : memref<!tpu.dma_semaphore, #tpu.memory_space<semaphore_mem>>) src(%arg13 : memref<10240xf32, #tpu.memory_space<vmem>>) dst(%dma_wait3A_323 : memref<10240xf32, #tpu.memory_space<hbm>>)
    %dma_wait3A_324 = tpu.memref_slice %arg5[%add3A_307] : memref<9830400xf32, #tpu.memory_space<hbm>> -> memref<10240xf32, #tpu.memory_space<hbm>>
    %dma_wait3A_325 = tpu.memref_slice %arg5[%add3A_307] : memref<9830400xf32, #tpu.memory_space<hbm>> -> memref<10240xf32, #tpu.memory_space<hbm>>
    tpu.wait_dma2 semaphore(%arg20 : memref<!tpu.dma_semaphore, #tpu.memory_space<semaphore_mem>>) src(%arg14 : memref<10240xf32, #tpu.memory_space<vmem>>) dst(%dma_wait3A_325 : memref<10240xf32, #tpu.memory_space<hbm>>)
    %dma_wait3A_326 = tpu.memref_slice %arg5[%add3A_311] : memref<9830400xf32, #tpu.memory_space<hbm>> -> memref<10240xf32, #tpu.memory_space<hbm>>
    %dma_wait3A_327 = tpu.memref_slice %arg5[%add3A_311] : memref<9830400xf32, #tpu.memory_space<hbm>> -> memref<10240xf32, #tpu.memory_space<hbm>>
    tpu.wait_dma2 semaphore(%arg20 : memref<!tpu.dma_semaphore, #tpu.memory_space<semaphore_mem>>) src(%arg15 : memref<10240xf32, #tpu.memory_space<vmem>>) dst(%dma_wait3A_327 : memref<10240xf32, #tpu.memory_space<hbm>>)
    %dma_wait3A_328 = tpu.memref_slice %arg5[%add3A_315] : memref<9830400xf32, #tpu.memory_space<hbm>> -> memref<10240xf32, #tpu.memory_space<hbm>>
    %dma_wait3A_329 = tpu.memref_slice %arg5[%add3A_315] : memref<9830400xf32, #tpu.memory_space<hbm>> -> memref<10240xf32, #tpu.memory_space<hbm>>
    tpu.wait_dma2 semaphore(%arg20 : memref<!tpu.dma_semaphore, #tpu.memory_space<semaphore_mem>>) src(%arg16 : memref<10240xf32, #tpu.memory_space<vmem>>) dst(%dma_wait3A_329 : memref<10240xf32, #tpu.memory_space<hbm>>)
    return
  }
}

module attributes {stable_mosaic.version = 14 : i64} {
  func.func @_lut_body(%arg0: memref<64x381xf32, #tpu.memory_space<vmem>>, %arg1: memref<64x64xf32, #tpu.memory_space<vmem>>, %arg2: memref<1x64xf32, #tpu.memory_space<vmem>>, %arg3: memref<32x64xf32, #tpu.memory_space<vmem>>, %arg4: memref<1x32xf32, #tpu.memory_space<vmem>>, %arg5: memref<3x32xf32, #tpu.memory_space<vmem>>, %arg6: memref<1x3xf32, #tpu.memory_space<vmem>>, %arg7: memref<381x3xf32, #tpu.memory_space<vmem>>) attributes {dimension_semantics = [], scalar_prefetch = 0 : i64, scratch_operands = 0 : i64, tpu.core_type = #tpu.core_type<tc>} {
    %get3A = arith.constant 0 : index
    %get3A_0 = arith.constant 0 : index
    %get3A_1 = vector.load %arg0[%get3A, %get3A_0] : memref<64x381xf32, #tpu.memory_space<vmem>>, vector<64x381xf32>
    %get3A_2 = arith.constant 0 : index
    %get3A_3 = arith.constant 0 : index
    %get3A_4 = vector.load %arg1[%get3A_2, %get3A_3] : memref<64x64xf32, #tpu.memory_space<vmem>>, vector<64x64xf32>
    %dot_general3A = arith.constant dense<0.000000e+00> : vector<381x64xf32>
    %dot_general3A_5 = tpu.matmul %get3A_1, %get3A_4, %dot_general3A {dimension_numbers = #tpu.dot_dimension_numbers<[0], [0], [1], [1], [0, 1, 1, 1], [], []>, transpose_lhs_hint = false} : vector<64x381xf32>, vector<64x64xf32>, vector<381x64xf32> -> vector<381x64xf32>
    %get3A_6 = arith.constant 0 : index
    %get3A_7 = arith.constant 0 : index
    %get3A_8 = vector.load %arg2[%get3A_6, %get3A_7] : memref<1x64xf32, #tpu.memory_space<vmem>>, vector<1x64xf32>
    %add3A = vector.broadcast %get3A_8 : vector<1x64xf32> to vector<381x64xf32>
    %add3A_9 = arith.addf %dot_general3A_5, %add3A : vector<381x64xf32>
    %max3A = arith.constant 0.000000e+00 : f32
    %max3A_10 = vector.broadcast %max3A : f32 to vector<381x64xf32>
    %max3A_11 = arith.maximumf %add3A_9, %max3A_10 : vector<381x64xf32>
    %get3A_12 = arith.constant 0 : index
    %get3A_13 = arith.constant 0 : index
    %get3A_14 = vector.load %arg3[%get3A_12, %get3A_13] : memref<32x64xf32, #tpu.memory_space<vmem>>, vector<32x64xf32>
    %dot_general3A_15 = arith.constant dense<0.000000e+00> : vector<381x32xf32>
    %dot_general3A_16 = tpu.matmul %max3A_11, %get3A_14, %dot_general3A_15 {dimension_numbers = #tpu.dot_dimension_numbers<[1], [1], [0], [0], [0, 0, 1, 0], [], []>, transpose_lhs_hint = false} : vector<381x64xf32>, vector<32x64xf32>, vector<381x32xf32> -> vector<381x32xf32>
    %get3A_17 = arith.constant 0 : index
    %get3A_18 = arith.constant 0 : index
    %get3A_19 = vector.load %arg4[%get3A_17, %get3A_18] : memref<1x32xf32, #tpu.memory_space<vmem>>, vector<1x32xf32>
    %add3A_20 = vector.broadcast %get3A_19 : vector<1x32xf32> to vector<381x32xf32>
    %add3A_21 = arith.addf %dot_general3A_16, %add3A_20 : vector<381x32xf32>
    %max3A_22 = arith.constant 0.000000e+00 : f32
    %max3A_23 = vector.broadcast %max3A_22 : f32 to vector<381x32xf32>
    %max3A_24 = arith.maximumf %add3A_21, %max3A_23 : vector<381x32xf32>
    %get3A_25 = arith.constant 0 : index
    %get3A_26 = arith.constant 0 : index
    %get3A_27 = vector.load %arg5[%get3A_25, %get3A_26] : memref<3x32xf32, #tpu.memory_space<vmem>>, vector<3x32xf32>
    %dot_general3A_28 = arith.constant dense<0.000000e+00> : vector<381x3xf32>
    %dot_general3A_29 = tpu.matmul %max3A_24, %get3A_27, %dot_general3A_28 {dimension_numbers = #tpu.dot_dimension_numbers<[1], [1], [0], [0], [0, 0, 1, 0], [], []>, transpose_lhs_hint = false} : vector<381x32xf32>, vector<3x32xf32>, vector<381x3xf32> -> vector<381x3xf32>
    %get3A_30 = arith.constant 0 : index
    %get3A_31 = arith.constant 0 : index
    %get3A_32 = vector.load %arg6[%get3A_30, %get3A_31] : memref<1x3xf32, #tpu.memory_space<vmem>>, vector<1x3xf32>
    %add3A_33 = vector.broadcast %get3A_32 : vector<1x3xf32> to vector<381x3xf32>
    %add3A_34 = arith.addf %dot_general3A_29, %add3A_33 : vector<381x3xf32>
    %logistic3A = arith.negf %add3A_34 : vector<381x3xf32>
    %logistic3A_35 = math.exp %logistic3A : vector<381x3xf32>
    %logistic3A_36 = arith.constant 1.000000e+00 : f32
    %logistic3A_37 = vector.broadcast %logistic3A_36 : f32 to vector<381x3xf32>
    %logistic3A_38 = arith.addf %logistic3A_37, %logistic3A_35 : vector<381x3xf32>
    %logistic3A_39 = arith.divf %logistic3A_37, %logistic3A_38 : vector<381x3xf32>
    %swap3A = arith.constant 0 : index
    %swap3A_40 = arith.constant 0 : index
    %swap3A_41 = vector.load %arg7[%swap3A, %swap3A_40] : memref<381x3xf32, #tpu.memory_space<vmem>>, vector<381x3xf32>
    tpu.vector_store %arg7[%swap3A, %swap3A_40], %logistic3A_39 {strides = array<i32>} : memref<381x3xf32, #tpu.memory_space<vmem>>, vector<381x3xf32>,
    return
  }
}

</mosaic_0001>

<sc_bundles>
// kernel: kernel.4.cloned.1.call-start
scs
__scs_entry_jumppad:
0x0: {  	(pc) =	sbr.rel $0x88, $3  }
0x1: {  	(tag) =	ssettag $0x0;
	lr =	simm.s32 $0x1  }
0x2: {  	[smem:$0x3F98] =	sst lr;
	_ =	strace $0xD0000000  }
0x3: {  	_ = 	snop  }
0x4: {  	_ = 	snop  }
0x5: {  	_ = 	snop  }
0x6: {  	_ = 	snop  }
0x7: {  	_ = 	snop  }
__scs_overlays_trampoline_lowered:
0x8: {  	[smem:$0x3FA7] =	sst s0  }
0x9: {  	[smem:$0x3FA8] =	sst s1  }
0xa: {  	[smem:$0x3FA9] =	sst s2  }
0xb: {  	[smem:$0x3FAA] =	sst s3  }
0xc: {  	[smem:$0x3FAB] =	sst s4  }
0xd: {  	[smem:$0x3FAC] =	sst s5  }
0xe: {  	[smem:$0x3FAD] =	sst s6  }
0xf: {  	[smem:$0x3FAE] =	sst s7  }
0x10: {  	[smem:$0x3FAF] =	sst s8  }
0x11: {  	[smem:$0x3FB0] =	sst s9;
	s0 =	simm.s32 @!p0 $0x0  }
0x12: {  	s1 =	sld [smem:$0x3F96];
	s0 =	simm.s32 @p0 $0x1  }
0x13: {  	[smem:$0x3FB1] =	sst s0;
	s0 =	simm.s32 @!p1 $0x0  }
0x14: {  	s2 =	sld [smem:$0x3F95];
	s0 =	simm.s32 @p1 $0x1  }
0x15: {  	[smem:$0x3FB2] =	sst s0;
	s0 =	simm.s32 @!p2 $0x0  }
0x16: {  	s3 =	sld [smem:$0x3FDB];
	s0 =	simm.s32 @p2 $0x1  }
0x17: {  	s4 =	simm.s32 $0x1BF5;
	[smem:$0x3FB4] =	sst s0  }
0x18: {  	s0 =	sld [smem:$0x3F97];
	_ =	swait.ge [sflag:s4], $0x0  }
0x19: {  	s7 =	sld [smem:$0x3F98]  }
0x1a: {  	s8 =	sadd.s32 $0xFFFFE003, lr  }
0x1b: {  	s9 =	sadd.s32 $0xFFFFFEF7, lr;
	s5 =	simm.s32 $0xFFFFFFFF;
	p2 =	slt.u32 s8, $0xFFFFF086  }
0x1c: {  	p1 =	slt.u32 s9, $0xF7A;
	s5 =	simm.s32 @!p2 $0x0  }
0x1d: {  	s5 =	simm.s32 @p1 $0x1;
	p0 =	seq.s32 s7, s2  }
0x1e: {  	s7 =	smul.u32 @!p0 $0xF7A, s2;
	p2 =	seq.s32 @!p0 s5, $0x0  }
0x1f: {  	s9 =	smul.u32 $0xF7A, s1;
	s8 =	simm.s32 @!p0 $0x1BF5;
	p2 =	por !p2, p0  }
0x20: {  	[sflag:s8] =	ssyncset.s32 @!p0 $0xFFFFF086;
	s6 =	sadd.s32 @!p0 s3, s7;
	s7 =	simm.s32 @!p0 $0x108  }
0x21: {  	s3 =	sadd.s32 s3, s9;
	s6 =	sadd.s32 @!p0 $0x88, s6;
	s7 =	simm.s32 @p2 $0x1082  }
0x22: {  	[simem:s7], [sflag:s8] =	dma.local @!p0 [hbm:s6], $0xF7A  }
0x23: {  	s9 =	sor.u32 $0xD0000000, s2;
	s6 =	simm.s32 $0x108;
	_ =	swait.ge @!p0 [sflag:s8], $0x0  }
0x24: {  	s3 =	sadd.s32 $0x88, s3;
	s6 =	simm.s32 @!p1 $0x1082;
	[sflag:s4] =	ssyncset.s32 $0xFFFFF086  }
0x25: {  	[simem:s6], [sflag:s4] =	dma.local [hbm:s3], $0xF7A  }
0x26: {  	[smem:$0x3F98] =	sst s1;
	(tag) =	ssettag s2;
	_ =	strace s9  }
0x27: {  	s1 =	sld [smem:$0x3FA8]  }
0x28: {  	s2 =	sld [smem:$0x3FA9]  }
0x29: {  	s4 =	sld [smem:$0x3FAB]  }
0x2a: {  	p0 =	seq.s32 s5, $0x0;
	s5 =	sld [smem:$0x3FAC]  }
0x2b: {  	s6 =	sld [smem:$0x3FAD]  }
0x2c: {  	s7 =	sld [smem:$0x3FAE]  }
0x2d: {  	s3 =	simm.s32 $0x108;
	s8 =	sld [smem:$0x3FAF]  }
0x2e: {  	s3 =	simm.s32 @!p0 $0x1082;
	s9 =	sld [smem:$0x3FB0]  }
0x2f: {  	lr =	sadd.s32 s0, s3;
	s0 =	sld [smem:$0x3FA7]  }
0x30: {  	s3 =	sld [smem:$0x3FAA]  }
0x31: {  	[smem:$0x3FB3] =	sst s10  }
0x32: {  	s10 =	sld [smem:$0x3FB1];
	_ =	sdelay $0x3  }
0x33: {  	p0 =	seq.s32 s10, $0x1;
	s10 =	sld [smem:$0x3FB3];
	_ =	sdelay $0x3  }
0x34: {  	[smem:$0x3FB3] =	sst s10  }
0x35: {  	s10 =	sld [smem:$0x3FB2];
	_ =	sdelay $0x3  }
0x36: {  	p1 =	seq.s32 s10, $0x1;
	s10 =	sld [smem:$0x3FB3];
	_ =	sdelay $0x3  }
0x37: {  	[smem:$0x3FB3] =	sst s10  }
0x38: {  	s10 =	sld [smem:$0x3FB4]  }
0x39: {  	_ = 	snop;
	(pc) =	sbr.ind lr, $3  }
0x3a: {  	_ = 	snop  }
0x3b: {  	_ = 	snop  }
0x3c: {  	p2 =	seq.s32 s10, $0x1;
	s10 =	sld [smem:$0x3FB3]  }
0x3d: {  	_ =	shalt  }
0x3e: {  	_ =	shalt  }
0x3f: {  	_ =	shalt  }
0x40: {  	_ =	shalt  }
0x41: {  	_ =	shalt  }
0x42: {  	_ =	shalt  }
0x43: {  	_ =	shalt  }
0x44: {  	_ =	shalt  }
0x45: {  	_ =	shalt  }
0x46: {  	_ =	shalt  }
0x47: {  	_ =	shalt  }
0x48: {  	_ =	shalt  }
0x49: {  	_ =	shalt  }
0x4a: {  	_ =	shalt  }
0x4b: {  	_ =	shalt  }
0x4c: {  	_ =	shalt  }
0x4d: {  	_ =	shalt  }
0x4e: {  	_ =	shalt  }
0x4f: {  	_ =	shalt  }
0x50: {  	_ =	shalt  }
0x51: {  	_ =	shalt  }
0x52: {  	_ =	shalt  }
0x53: {  	_ =	shalt  }
0x54: {  	_ =	shalt  }
0x55: {  	_ =	shalt  }
0x56: {  	_ =	shalt  }
0x57: {  	_ =	shalt  }
0x58: {  	_ =	shalt  }
0x59: {  	_ =	shalt  }
0x5a: {  	_ =	shalt  }
0x5b: {  	_ =	shalt  }
0x5c: {  	_ =	shalt  }
0x5d: {  	_ =	shalt  }
0x5e: {  	_ =	shalt  }
0x5f: {  	_ =	shalt  }
0x60: {  	_ =	shalt  }
0x61: {  	_ =	shalt  }
0x62: {  	_ =	shalt  }
0x63: {  	_ =	shalt  }
0x64: {  	_ =	shalt  }
0x65: {  	_ =	shalt  }
0x66: {  	_ =	shalt  }
0x67: {  	_ =	shalt  }
0x68: {  	_ =	shalt  }
0x69: {  	_ =	shalt  }
0x6a: {  	_ =	shalt  }
0x6b: {  	_ =	shalt  }
0x6c: {  	_ =	shalt  }
0x6d: {  	_ =	shalt  }
0x6e: {  	_ =	shalt  }
0x6f: {  	_ =	shalt  }
0x70: {  	_ =	shalt  }
0x71: {  	_ =	shalt  }
0x72: {  	_ =	shalt  }
0x73: {  	_ =	shalt  }
0x74: {  	_ =	shalt  }
0x75: {  	_ =	shalt  }
0x76: {  	_ =	shalt  }
0x77: {  	_ =	shalt  }
0x78: {  	_ =	shalt  }
0x79: {  	_ =	shalt  }
0x7a: {  	_ =	shalt  }
0x7b: {  	_ =	shalt  }
0x7c: {  	_ =	shalt  }
0x7d: {  	_ =	shalt  }
0x7e: {  	_ =	shalt  }
0x7f: {  	_ =	shalt  }
0x80: {  	_ =	shalt  }
0x81: {  	_ =	shalt  }
0x82: {  	_ =	shalt  }
0x83: {  	_ =	shalt  }
0x84: {  	_ =	shalt  }
0x85: {  	_ =	shalt  }
0x86: {  	_ =	shalt  }
0x87: {  	_ =	shalt  }
.Lfunc_end0:
.L_simem_size_0:
called_computation_lowered:
.L_overlay_start_0:
0x88: {  	s2 =	sld [smem:$0x3FD9]  }
0x89: {  	s3 =	sld [smem:$0x3FFE];
	_ =	sdelay $0x1  }
0x8a: {  	s1 =	srdreg.scid  }
0x8b: {  	s0 =	sand.u32 $0x1, s1  }
0x8c: {  	s17 =	sshll.u32 s0, $0xA;
	s2 =	sadd.s32 s3, s2  }
0x8d: {  	s2 =	sadd.s32 s2, s17  }
0x8e: {  	[smem:$0x3FBF] =	sst s2  }
0x8f: {  	_ = 	snop  }
0x90: {  	s2 =	sld [smem:$0x3FC9]  }
0x91: {  	s18 =	sld [smem:$0x3FC8]  }
0x92: {  	s4 =	sld [smem:$0x3FD0];
	(tm) =	ssettm $0x1  }
0x93: {  	s5 =	sld [smem:$0x3FFB];
	_ =	sdelay $0x3  }
0x94: {  	_ =	strace s5  }
0x95: {  	s5 =	sld [smem:$0x3FFC];
	_ =	sdelay $0x3  }
0x96: {  	_ =	strace s5  }
0x97: {  	s5 =	sld [smem:$0x3FFD];
	_ =	sdelay $0x3  }
0x98: {  	_ =	strace s5  }
0x99: {  	_ =	strace $0x8FFFFFFF  }
0x9a: {  	s19 =	sld [smem:$0x3FDB];
	_ =	sdelay $0x1  }
0x9b: {  	s6 =	simm.s32 $_scs_section_size  }
0x9c: {  	s7 =	simm.s32 $_size__tile_overlayer_lowered;
	s8 =	simm.s32 $_tile_overlayer_lowered  }
0x9d: {  	s22 =	simm.s32 $0x1BFF;
	s21 =	sshll.u32 s8, $0x1;
	s5 =	sadd.s32 s6, s19  }
0x9e: {  	s9 =	simm.s32 $0x0;
	s20 =	sshll.u32 s7, $0x1;
	s7 =	sadd.s32 s21, s5  }
0x9f: {  	[timem:s9], [sflag:s22] =	dma.local [hbm:s7], s20  }
0xa0: {  	_ =	swait.ge [sflag:s22], s20  }
0xa1: {  	s6 =	ssub.s32 $0x0, s20;
	[sflag:s22] =	ssyncset.done $0x0  }
0xa2: {  	[sflag:s22] =	ssyncadd.s32 s6;
	_ =	sdelay $0x1  }
0xa3: {  	s23 =	simm.s32 $0x1B8B  }
0xa4: {  	_ =	swait.ge [sflag:s23], $0x1  }
0xa5: {  	[sflag:s23] =	ssyncset.done $0x0  }
0xa6: {  	s25 =	simm.s32 $0x1B8E;
	s24 =	sld [smem:$0x3FFE];
	[sflag:s23] =	ssyncadd.s32 $0xFFFFFFFF  }
0xa7: {  	s26 =	simm.s32 $execute0_lowered;
	[smem:$0x3FD2] =	sst s25  }
0xa8: {  	s7 =	sshll.u32 s26, $0x1;
	_ =	strace $0x80000046;
	[dreg:$0x1] =	wrdreg $0xFFFFFFFF  }
0xa9: {  	s28 =	simm.s32 $_size_execute0_lowered;
	s5 =	sadd.s32 s5, s7;
	[dreg:$0x0] =	wrdreg $0x0  }
0xaa: {  	s7 =	sshll.u32 s28, $0x1;
	[dreg:$0x2] =	wrdreg s5  }
0xab: {  	[dreg:$0x3] =	wrdreg s7  }
0xac: {  	[dreg:$0x4] =	wrdreg $0xC0  }
0xad: {  	_ =	task [dreg:s9], $0x5FFFF  }
0xae: {  	[dreg:$0x1] =	wrdreg $0xFFFFFFFF  }
0xaf: {  	[dreg:$0x0] =	wrdreg $0x60  }
0xb0: {  	[dreg:$0x2] =	wrdreg s24  }
0xb1: {  	[dreg:$0x3] =	wrdreg s2  }
0xb2: {  	[dreg:$0x4] =	wrdreg s18  }
0xb3: {  	[dreg:$0x5] =	wrdreg s4  }
0xb4: {  	[dreg:$0x6] =	wrdreg $0x9  }
0xb5: {  	_ =	task.clear_ibuf [dreg:s9], $0x7FFFF;
	_ =	strace $0x90000046  }
0xb6: {  	s29 =	simm.s32 $0x9;
	_ =	strace $0x80000048  }
0xb7: {  	_ =	swait.ge [sflag:s29], $0x1  }
0xb8: {  	[sflag:s29] =	ssyncadd.s32 $0xFFFFFFFF  }
0xb9: {  	_ =	strace $0x90000048  }
0xba: {  	_ =	sfence  }
0xbb: {  	s30 =	sld [smem:$0x0];
	_ =	sdelay $0x2  }
0xbc: {  	s31 =	sshll.u32 s1, $0xD;
	s1 =	sshrl.u32 s1, $0x2  }
0xbd: {  	s3 =	sand.u32 $0x4000, s31;
	s1 =	sadd.s32 s1, s30  }
0xbe: {  	s0 =	sor.u32 s3, s0;
	s1 =	sshll.u32 s1, $0x11  }
0xbf: {  	s0 =	sor.u32 s1, s0  }
0xc0: {  	s0 =	sadd.s32 $0x8F2B, s0  }
0xc1: {  	[sflag:s0] =	ssyncadd.remote.s32 $0x1  }
0xc2: {  	_ =	sfence.sel $0xFFFF  }
0xc3: {  	[dreg:$0x0] =	wrdreg $0xFFFFFFFF;
	(pc) =	sbr.abs _section_cstart, $3  }
0xc4: {  	[dreg:$0x1] =	wrdreg $0xFFFFFFFF  }
0xc5: {  	_ =	task.clear_ibuf [dreg:s9], $0x2FFFF;
	_ =	strace $0x9FFFFFFF  }
0xc6: {  	(tm) =	ssettm $0x7FFFFFFF  }
0xc7: {  	_ =	shalt  }
tec
execute0_lowered:
.L_overlay_start_1:
0x0: {  	(tag) =	ssettag $0x1  }
0x1: {  	s0 =	srdreg.scid;
	s1 =	stileid.u32  }
0x2: {  	s0 =	sand.u32 $0x1, s0;
	s1 =	sshll.u32 s1, $0x1  }
0x3: {  	s1 =	sor.u32 s0, s1  }
0x4: {  	s2 =	rddreg [dreg:$0x1];
	s4 =	smul.u32 $0x19000, s1  }
0x5: {  	s3 =	rddreg [dreg:$0x2]  }
0x6: {  	s5 =	rddreg [dreg:$0x3];
	s1 =	simm.s32 $0x0;
	s4 =	sshrl.u32 s4, $0x3  }
0x7: {  	[smem:$0x7FF] =	sst s1;
	s18 =	sadd.s32 s2, s4;
	s19 =	sadd.s32 $0x500, s4  }
0x8: {  	s0 =	ssub.s32 $0x2, s0;
	[dreg:$0x5] =	wrdreg s18;
	s7 =	sadd.s32 s2, s19  }
0x9: {  	s21 =	sadd.s32 $0xA00, s4;
	s20 =	sadd.s32 s3, s19;
	[dreg:$0x6] =	wrdreg s7  }
0xa: {  	s6 =	sshrl.u32 s0, $0x1;
	s8 =	sadd.s32 s2, s21;
	[dreg:$0x7] =	wrdreg s20  }
0xb: {  	s0 =	ssub.s32 s0, s6;
	s22 =	sadd.s32 s3, s21;
	[dreg:$0x8] =	wrdreg s8  }
0xc: {  	s23 =	sadd.s32 $0xF00, s4;
	s6 =	sadd.s32 s5, s19;
	[dreg:$0x9] =	wrdreg s22  }
0xd: {  	s24 =	sadd.s32 s2, s23;
	[dreg:$0xa] =	wrdreg s6  }
0xe: {  	s25 =	sadd.s32 $0x1400, s4;
	s9 =	sadd.s32 s3, s23;
	[dreg:$0xb] =	wrdreg s24  }
0xf: {  	s26 =	sadd.s32 s2, s25;
	[dreg:$0xc] =	wrdreg s9  }
0x10: {  	s11 =	sadd.s32 $0x1900, s4;
	s10 =	sadd.s32 s5, s23;
	[dreg:$0xe] =	wrdreg s26  }
0x11: {  	s12 =	sadd.s32 s2, s11;
	[dreg:$0x10] =	wrdreg s10  }
0x12: {  	s14 =	sadd.s32 $0x1E00, s4;
	s13 =	sadd.s32 s3, s11;
	[dreg:$0x11] =	wrdreg s12  }
0x13: {  	s15 =	sadd.s32 s2, s14;
	[dreg:$0x12] =	wrdreg s13  }
0x14: {  	s16 =	sadd.s32 s3, s14;
	[dreg:$0x14] =	wrdreg s15  }
0x15: {  	s17 =	sadd.s32 s5, s11;
	[dreg:$0x15] =	wrdreg s16  }
0x16: {  	s18 =	sadd.s32 s5, s14;
	[dreg:$0x16] =	wrdreg s17  }
0x17: {  	s19 =	sadd.s32 s3, s4;
	[dreg:$0x17] =	wrdreg s18  }
0x18: {  	s7 =	sadd.s32 s5, s21;
	[dreg:$0x18] =	wrdreg s19  }
0x19: {  	s9 =	sadd.s32 s3, s25;
	[dreg:$0xd] =	wrdreg s7  }
0x1a: {  	s6 =	sadd.s32 s5, s25;
	s20 =	sadd.s32 $0x2300, s4;
	[dreg:$0xf] =	wrdreg s9  }
0x1b: {  	[dreg:$0x13] =	wrdreg s6;
	s23 =	sadd.s32 s2, s20  }
0x1c: {  	s22 =	sadd.s32 s5, s4;
	s24 =	sadd.s32 s3, s20;
	[dreg:$0x19] =	wrdreg s23  }
0x1d: {  	s21 =	sadd.s32 $0x2800, s4;
	s6 =	sadd.s32 s5, s20;
	[dreg:$0x1a] =	wrdreg s24  }
0x1e: {  	s4 =	sadd.s32 $0x2D00, s4;
	s25 =	sadd.s32 s2, s21;
	[dreg:$0x1b] =	wrdreg s6  }
0x1f: {  	s2 =	sadd.s32 s2, s4;
	[dreg:$0x1c] =	wrdreg s25  }
0x20: {  	s26 =	sadd.s32 s3, s21;
	[dreg:$0x1d] =	wrdreg s2  }
0x21: {  	s3 =	sadd.s32 s3, s4;
	[dreg:$0x1e] =	wrdreg s26  }
0x22: {  	[dreg:$0x1f] =	wrdreg s3  }
0x23: {  	s8 =	sadd.s32 s5, s21;
	s6 =	rddreg [dreg:$0x0]  }
0x24: {  	s9 =	sadd.s32 s5, s4;
	[smem:$0x7EA] =	sst s8  }
0x25: {  	s0 =	smax.u32 s0, $0x1;
	[smem:$0x7EB] =	sst s9  }
0x26: {  	s10 =	sadd.s32 $0x64000, s22;
	_ =	strace $0x80000047;
	[smem:$0x7ED] =	sst s0  }
0x27: {  	s11 =	sadd.s32 $0xC8000, s22;
	[smem:$0x7EE] =	sst s10  }
0x28: {  	s12 =	sadd.s32 $0x64500, s22;
	[smem:$0x7EF] =	sst s11  }
0x29: {  	s13 =	sadd.s32 $0xC8500, s22;
	[smem:$0x7F0] =	sst s12  }
0x2a: {  	s14 =	sadd.s32 $0x64A00, s22;
	[smem:$0x7F1] =	sst s13  }
0x2b: {  	s29 =	simm.s32 $0x5;
	s15 =	sadd.s32 $0xC8A00, s22;
	[smem:$0x7F2] =	sst s14  }
0x2c: {  	s30 =	simm.s32 $0x2C80;
	s16 =	sadd.s32 $0x64F00, s22;
	[smem:$0x7F3] =	sst s15  }
0x2d: {  	s31 =	simm.s32 $0x7C80;
	s17 =	sadd.s32 $0xC8F00, s22;
	[smem:$0x7F4] =	sst s16  }
0x2e: {  	s28 =	simm.s32 $0x1;
	s18 =	sadd.s32 $0x65400, s22;
	[smem:$0x7F5] =	sst s17  }
0x2f: {  	s19 =	sadd.s32 $0xC9400, s22;
	s20 =	sadd.s32 $0x65900, s22;
	[smem:$0x7F6] =	sst s18  }
0x30: {  	s21 =	sadd.s32 $0xC9900, s22;
	s4 =	simm.s32 $0x2;
	[smem:$0x7F7] =	sst s19  }
0x31: {  	s5 =	simm.s32 $0x11C80;
	s7 =	simm.s32 $0x16C80;
	[smem:$0x7F8] =	sst s20  }
0x32: {  	s23 =	sadd.s32 $0x65E00, s22;
	s24 =	sadd.s32 $0xC9E00, s22;
	[smem:$0x7F9] =	sst s21  }
0x33: {  	s25 =	sadd.s32 $0x66300, s22;
	s26 =	sadd.s32 $0xCA300, s22;
	[smem:$0x7FA] =	sst s23  }
0x34: {  	s3 =	simm.s32 $0xF480;
	s8 =	simm.s32 $0x3;
	[smem:$0x7FB] =	sst s24  }
0x35: {  	s9 =	simm.s32 $0x4;
	s2 =	sadd.s32 $0x1200, s6;
	[smem:$0x7FC] =	sst s25  }
0x36: {  	[smem:$0x7FD] =	sst s26;
	s20 =	sadd.s32 $0x66800, s22;
	s21 =	sadd.s32 $0xCA800, s22  }
0x37: {  	s23 =	sadd.s32 $0x66D00, s22;
	s24 =	sadd.s32 $0xCAD00, s22;
	s25 =	simm.s32 $0x480  }
0x38: {  	s26 =	simm.s32 $0x5480;
	s0 =	simm.s32 $0xA480;
	s6 =	simm.s32 $0x14480  }
0x39: {  	s10 =	simm.s32 $0x0;
	[smem:$0x7EC] =	sst s2;
	s2 =	simm.s32 $0xCC80  }
.LBB2_1:
0x3a: {  	s11 =	rddreg [dreg:$0x5]  }
0x3b: {  	s12 =	rddreg [dreg:$0x18]  }
0x3c: {  	[tilespmem:s25], [sflag:$0x1] =	stream.linear.gather [hbm4b:s11+s1], $0x2800, $0x38;
	[tilespmem:$0x19480] =	vst v63  }
0x3d: {  	s13 =	sld [smem:$0x7EC]  }
0x3e: {  	[tilespmem:s26], [sflag:$0x1] =	stream.linear.gather [hbm4b:s12+s1], $0x2800, $0x38;
	[tilespmem:$0x19480] =	vst v63  }
0x3f: {  	_ = 	snop  }
0x40: {  	[tilespmem:s1], [sflag:$0x5] =	stream.linear.gather [hbm4b:s13+s1], $0x480, $0x38;
	[tilespmem:$0x19480] =	vst v63  }
0x41: {  	_ =	swait.ge [sflag:s29], $0x480  }
0x42: {  	[sflag:s29] =	ssyncset.done $0x0  }
0x43: {  	s14 =	rddreg [dreg:$0x6];
	[sflag:s29] =	ssyncadd.s32 $0xFFFFFB80  }
0x44: {  	[tilespmem:s30], [sflag:$0x2] =	stream.linear.gather [hbm4b:s14+s1], $0x2800, $0x38;
	[tilespmem:$0x19480] =	vst v63  }
0x45: {  	s15 =	rddreg [dreg:$0x7]  }
0x46: {  	[tilespmem:s31], [sflag:$0x2] =	stream.linear.gather [hbm4b:s15+s1], $0x2800, $0x38;
	[tilespmem:$0x19480] =	vst v63  }
0x47: {  	_ =	swait.ge [sflag:s28], $0x2800  }
0x48: {  	[sflag:s28] =	ssyncset.done $0x0  }
0x49: {  	[sflag:s28] =	ssyncadd.s32 $0xFFFFD800  }
0x4a: {  	_ =	swait.ge [sflag:s28], $0x2800  }
0x4b: {  	[sflag:s28] =	ssyncset.done $0x0  }
0x4c: {  	s16 =	simm.s32 $0x4D0;
	[sflag:s28] =	ssyncadd.s32 $0xFFFFD800  }
0x4d: {  	s14 =	sand.u32 $0x3FE0, s1;
	v0 =	vld [tilespmem:s16+$0x40]  }
0x4e: {  	v1 =	vld [tilespmem:s14+$0x500]  }
0x4f: {  	v2 =	vld [tilespmem:s16+$0xFFFFFFC0]  }
0x50: {  	v3 =	vld [tilespmem:s16+$0xFFFFFFD0]  }
0x51: {  	v5 =	vld [tilespmem:s16+$0xFFFFFFE0]  }
0x52: {  	v6 =	vld [tilespmem:s16+$0xFFFFFFF0]  }
0x53: {  	v7 =	vld [tilespmem:s16+$0x0]  }
0x54: {  	v9 =	vld [tilespmem:s16+$0x10]  }
0x55: {  	v4 =	vld [tilespmem:s14+$0x5500]  }
0x56: {  	v10 =	vld [tilespmem:s16+$0x20]  }
0x57: {  	s12 =	simm.s32 $0x54D0;
	v13 =	vld [tilespmem:s16+$0xFFFFFFB0]  }
0x58: {  	v14 =	vld [tilespmem:s12+$0xFFFFFFB0]  }
0x59: {  	v16 =	vld [tilespmem:s12+$0xFFFFFFC0]  }
0x5a: {  	v18 =	vld [tilespmem:s12+$0xFFFFFFD0];
	v0 =	vmul.u32 $0x3, v0  }
0x5b: {  	v19 =	vld [tilespmem:s12+$0xFFFFFFE0]  }
0x5c: {  	v8 =	vmul.u32 $0x3, v1;
	v1 =	vld [tilespmem:s12+$0x40]  }
0x5d: {  	v20 =	vld [tilespmem:s12+$0xFFFFFFF0]  }
0x5e: {  	s18 =	simm.s32 $0x570;
	v22 =	vld [tilespmem:s12+$0x0]  }
0x5f: {  	v51 =	vld [tilespmem:s18+$0xFFFFFFC0]  }
0x60: {  	v11 =	vld.idx.msk [tilespmem:v0+s1+$0x0], $0xffff  }
0x61: {  	v52 =	vld [tilespmem:s18+$0xFFFFFFD0];
	v1 =	vmul.f32 $6.999999880e-01, v1  }
0x62: {  	v12 =	vld.idx.msk [tilespmem:v8+s1+$0x0], $0xffff  }
0x63: {  	v53 =	vld [tilespmem:s18+$0xFFFFFFE0];
	v15 =	vmul.f32 $6.999999880e-01, v4;
	v17 =	vadd.s32 $0x1, v0;
	v4 =	vadd.f32 $3.000000120e-01, v1  }
0x64: {  	v54 =	vld [tilespmem:s18+$0xFFFFFFF0]  }
0x65: {  	v55 =	vld [tilespmem:s18+$0x0];
	v1 =	vadd.f32 $3.000000120e-01, v15;
	v15 =	vadd.s32 $0x1, v8;
	v11 =	vmul.f32 v4, v11  }
0x66: {  	s17 =	simm.s32 $0xA4D0;
	s11 =	simm.s32 $0x5570;
	v56 =	vld [tilespmem:s18+$0x10];
	v13 =	vmul.u32 $0x3, v13  }
0x67: {  	v57 =	vld [tilespmem:s11+$0x40];
	v6 =	vmul.u32 $0x3, v6;
	v12 =	vmul.f32 v1, v12;
	[tilespmem:s17+$0x40] =	vst v11  }
0x68: {  	v21 =	vmul.u32 $0x3, v2;
	v11 =	vmul.u32 $0x3, v3;
	v2 =	vld.idx.msk [tilespmem:v17+s1+$0x0], $0xffff  }
0x69: {  	v59 =	vld [tilespmem:s18+$0x20];
	[tilespmem:s14+$0xA500] =	vst v12;
	v12 =	vmul.u32 $0x3, v5  }
0x6a: {  	v3 =	vld.idx.msk [tilespmem:v15+s1+$0x0], $0xffff  }
0x6b: {  	v35 =	vld [tilespmem:s18+$0xFFFFFFB0];
	v7 =	vmul.u32 $0x3, v7;
	v0 =	vadd.s32 $0x2, v0  }
0x6c: {  	v23 =	vld.idx.msk [tilespmem:v13+s1+$0x0], $0xffff  }
0x6d: {  	v30 =	vld.idx.msk [tilespmem:v6+s1+$0x0], $0xffff;
	v27 =	vmul.f32 v2, v4  }
0x6e: {  	s15 =	simm.s32 $0xCCD0;
	v5 =	vmul.u32 $0x3, v9;
	v9 =	vld.idx.msk [tilespmem:v11+s1+$0x0], $0xffff;
	v2 =	vmul.u32 $0x3, v10;
	v10 =	vmul.f32 $6.999999880e-01, v14  }
0x6f: {  	v18 =	vmul.f32 $6.999999880e-01, v18;
	v14 =	vld.idx.msk [tilespmem:v12+s1+$0x0], $0xffff;
	v3 =	vmul.f32 v3, v1;
	[tilespmem:s15+$0x40] =	vst v27  }
0x70: {  	v10 =	vadd.f32 $3.000000120e-01, v10;
	v31 =	vld.idx.msk [tilespmem:v0+s1+$0x0], $0xffff;
	v0 =	vmul.f32 $6.999999880e-01, v19  }
0x71: {  	v18 =	vadd.f32 $3.000000120e-01, v18;
	v44 =	vld.idx.msk [tilespmem:v7+s1+$0x0], $0xffff;
	v28 =	vadd.s32 $0x1, v12;
	[tilespmem:s14+$0xCD00] =	vst v3;
	v3 =	vmul.f32 $6.999999880e-01, v20  }
0x72: {  	v36 =	vld [tilespmem:s11+$0xFFFFFFB0];
	v19 =	vmul.f32 v10, v23;
	v45 =	vadd.f32 $3.000000120e-01, v0;
	v0 =	vmul.f32 $6.999999880e-01, v22  }
0x73: {  	v37 =	vld [tilespmem:s11+$0xFFFFFFC0];
	v26 =	vadd.s32 $0x1, v11;
	v33 =	vadd.f32 $3.000000120e-01, v3;
	v9 =	vmul.f32 v18, v9  }
0x74: {  	v61 =	vld [tilespmem:s11+$0xFFFFFFD0];
	v32 =	vadd.s32 $0x1, v7;
	[tilespmem:s17+$0xFFFFFFB0] =	vst v19;
	v19 =	vadd.f32 $3.000000120e-01, v0;
	v14 =	vmul.f32 v45, v14  }
0x75: {  	v29 =	vadd.s32 $0x1, v6;
	v15 =	vld [tilespmem:s12+$0x10];
	[tilespmem:s17+$0xFFFFFFD0] =	vst v9;
	v9 =	vmul.f32 v33, v30  }
0x76: {  	v17 =	vld [tilespmem:s12+$0x20];
	[tilespmem:s17+$0xFFFFFFE0] =	vst v14;
	v20 =	vmul.f32 v19, v44  }
0x77: {  	[tilespmem:s17+$0xFFFFFFF0] =	vst v9;
	v9 =	vld.idx.msk [tilespmem:v28+s1+$0x0], $0xffff  }
0x78: {  	v14 =	vld.idx.msk [tilespmem:v26+s1+$0x0], $0xffff;
	[tilespmem:s17+$0x0] =	vst v20  }
0x79: {  	v20 =	vld.idx.msk [tilespmem:v32+s1+$0x0], $0xffff  }
0x7a: {  	v43 =	vadd.s32 $0x1, v13;
	v50 =	vld.idx.msk [tilespmem:v29+s1+$0x0], $0xffff  }
0x7b: {  	v40 =	vld [tilespmem:s11+$0xFFFFFFE0]  }
0x7c: {  	v25 =	vld.idx.msk [tilespmem:v21+s1+$0x0], $0xffff;
	v9 =	vmul.f32 v9, v45  }
0x7d: {  	v41 =	vld [tilespmem:s11+$0xFFFFFFF0];
	v16 =	vmul.f32 $6.999999880e-01, v16;
	v8 =	vadd.s32 $0x2, v8;
	v14 =	vmul.f32 v14, v18  }
0x7e: {  	s19 =	simm.s32 $0xA0;
	v24 =	vadd.s32 $0x1, v21;
	v3 =	vmul.f32 $6.999999880e-01, v15;
	v15 =	vld.idx.msk [tilespmem:v2+s1+$0x0], $0xffff;
	[tilespmem:s15+$0xFFFFFFE0] =	vst v9;
	v9 =	vmul.f32 v20, v19  }
0x7f: {  	v16 =	vadd.f32 $3.000000120e-01, v16;
	v0 =	vmul.f32 $6.999999880e-01, v17;
	v17 =	vld.idx.msk [tilespmem:v43+s1+$0x0], $0xffff;
	[tilespmem:s15+$0xFFFFFFD0] =	vst v14;
	v14 =	vmul.f32 v50, v33  }
0x80: {  	s16 =	sand.u32 $0x3FE0, s19;
	[tilespmem:s15+$0x0] =	vst v9;
	v9 =	vld [tilespmem:s18+$0x40]  }
0x81: {  	v46 =	vmul.f32 v16, v25;
	[tilespmem:s15+$0xFFFFFFF0] =	vst v14;
	v14 =	vld [tilespmem:s16+$0x500]  }
0x82: {  	v8 =	vld.idx.msk [tilespmem:v8+s1+$0x0], $0xffff  }
0x83: {  	v63 =	vld [tilespmem:s11+$0x10];
	[tilespmem:s17+$0xFFFFFFC0] =	vst v46;
	v49 =	vadd.s32 $0x1, v2;
	v0 =	vadd.f32 $3.000000120e-01, v0  }
0x84: {  	v13 =	vadd.s32 $0x2, v13;
	v24 =	vld.idx.msk [tilespmem:v24+s1+$0x0], $0xffff  }
0x85: {  	v47 =	vld.idx.msk [tilespmem:v5+s1+$0x0], $0xffff;
	v11 =	vadd.s32 $0x2, v11;
	v15 =	vmul.f32 v0, v15;
	v9 =	vmul.u32 $0x3, v9  }
0x86: {  	v58 =	vld [tilespmem:s16+$0x5500];
	v17 =	vmul.f32 v17, v10;
	v14 =	vmul.u32 $0x3, v14  }
0x87: {  	v1 =	vmul.f32 v8, v1;
	v8 =	vld [tilespmem:s11+$0x0];
	[tilespmem:s17+$0x20] =	vst v15  }
0x88: {  	v12 =	vadd.s32 $0x2, v12;
	v3 =	vadd.f32 $3.000000120e-01, v3;
	[tilespmem:s15+$0xFFFFFFB0] =	vst v17;
	v15 =	vld.idx.msk [tilespmem:v49+s1+$0x0], $0xffff  }
0x89: {  	v48 =	vadd.s32 $0x1, v5;
	v24 =	vmul.f32 v24, v16;
	v13 =	vld.idx.msk [tilespmem:v13+s1+$0x0], $0xffff  }
0x8a: {  	v21 =	vadd.s32 $0x2, v21;
	v25 =	vmul.f32 v3, v47;
	v11 =	vld.idx.msk [tilespmem:v11+s1+$0x0], $0xffff  }
0x8b: {  	v35 =	vmul.u32 $0x3, v35;
	v6 =	vadd.s32 $0x2, v6;
	[tilespmem:s15+$0xFFFFFFC0] =	vst v24;
	v60 =	vld.idx.msk [tilespmem:v9+s1+$0x0], $0xffff  }
0x8c: {  	v7 =	vadd.s32 $0x2, v7;
	v4 =	vmul.f32 v31, v4;
	[tilespmem:s17+$0x10] =	vst v25;
	v28 =	vmul.f32 $6.999999880e-01, v57;
	v34 =	vld.idx.msk [tilespmem:v14+s1+$0x0], $0xffff  }
0x8d: {  	s12 =	simm.s32 $0xF4D0;
	v29 =	vmul.f32 $6.999999880e-01, v58;
	[tilespmem:s14+$0xF500] =	vst v1;
	v12 =	vld.idx.msk [tilespmem:v12+s1+$0x0], $0xffff;
	v1 =	vmul.f32 v15, v0  }
0x8e: {  	[tilespmem:s12+$0x40] =	vst v4;
	v22 =	vld.idx.msk [tilespmem:v48+s1+$0x0], $0xffff;
	v28 =	vadd.f32 $3.000000120e-01, v28;
	v10 =	vmul.f32 v13, v10;
	v38 =	vadd.s32 $0x1, v9  }
0x8f: {  	v29 =	vadd.f32 $3.000000120e-01, v29;
	v17 =	vld.idx.msk [tilespmem:v21+s1+$0x0], $0xffff;
	[tilespmem:s15+$0x20] =	vst v1;
	v1 =	vmul.f32 v11, v18  }
0x90: {  	v21 =	vmul.u32 $0x3, v52;
	v6 =	vld.idx.msk [tilespmem:v6+s1+$0x0], $0xffff;
	[tilespmem:s12+$0xFFFFFFB0] =	vst v10;
	v39 =	vadd.s32 $0x1, v14;
	v32 =	vmul.f32 v28, v60  }
0x91: {  	s13 =	simm.s32 $0xA570;
	v20 =	vmul.u32 $0x3, v51;
	v7 =	vld.idx.msk [tilespmem:v7+s1+$0x0], $0xffff;
	[tilespmem:s12+$0xFFFFFFD0] =	vst v1;
	v4 =	vmul.f32 v29, v34  }
0x92: {  	v13 =	vmul.u32 $0x3, v54;
	v10 =	vmul.f32 v12, v45;
	v12 =	vld.idx.msk [tilespmem:v35+s1+$0x0], $0xffff;
	v1 =	vmul.f32 $6.999999880e-01, v36;
	[tilespmem:s13+$0x40] =	vst v32  }
0x93: {  	v15 =	vmul.u32 $0x3, v53;
	[tilespmem:s16+$0xA500] =	vst v4;
	v4 =	vld.idx.msk [tilespmem:v38+s1+$0x0], $0xffff  }
0x94: {  	v22 =	vmul.f32 v22, v3;
	v11 =	vld [tilespmem:s11+$0x20];
	v18 =	vmul.u32 $0x3, v56;
	v43 =	vadd.f32 $3.000000120e-01, v1  }
0x95: {  	v62 =	vld.idx.msk [tilespmem:v39+s1+$0x0], $0xffff;
	v38 =	vadd.s32 $0x2, v5;
	v5 =	vmul.f32 v17, v16;
	v16 =	vmul.u32 $0x3, v55  }
0x96: {  	v46 =	vmul.f32 $6.999999880e-01, v40;
	[tilespmem:s15+$0x10] =	vst v22;
	v7 =	vmul.f32 v7, v19;
	v19 =	vld.idx.msk [tilespmem:v21+s1+$0x0], $0xffff  }
0x97: {  	[tilespmem:s12+$0xFFFFFFE0] =	vst v10;
	v10 =	vmul.u32 $0x3, v59;
	v12 =	vmul.f32 v43, v12;
	v9 =	vadd.s32 $0x2, v9;
	v17 =	vld.idx.msk [tilespmem:v20+s1+$0x0], $0xffff  }
0x98: {  	v44 =	vld.idx.msk [tilespmem:v13+s1+$0x0], $0xffff;
	v14 =	vadd.s32 $0x2, v14;
	[tilespmem:s12+$0xFFFFFFC0] =	vst v5;
	v5 =	vmul.f32 $6.999999880e-01, v37;
	v4 =	vmul.f32 v4, v28  }
0x99: {  	s14 =	simm.s32 $0xCD70;
	v6 =	vmul.f32 v6, v33;
	v1 =	vmul.f32 $6.999999880e-01, v61;
	[tilespmem:s13+$0xFFFFFFB0] =	vst v12;
	v39 =	vld.idx.msk [tilespmem:v15+s1+$0x0], $0xffff  }
0x9a: {  	v45 =	vadd.s32 $0x1, v35;
	v12 =	vld.idx.msk [tilespmem:v18+s1+$0x0], $0xffff;
	v24 =	vmul.f32 v62, v29;
	[tilespmem:s14+$0x40] =	vst v4;
	v4 =	vadd.f32 $3.000000120e-01, v5  }
0x9b: {  	v8 =	vmul.f32 $6.999999880e-01, v8;
	[tilespmem:s12+$0xFFFFFFF0] =	vst v6;
	v48 =	vld.idx.msk [tilespmem:v16+s1+$0x0], $0xffff;
	v5 =	vadd.f32 $3.000000120e-01, v1;
	v1 =	vmul.f32 $6.999999880e-01, v41  }
0x9c: {  	v42 =	vadd.s32 $0x1, v20;
	v6 =	vadd.f32 $3.000000120e-01, v46;
	[tilespmem:s16+$0xCD00] =	vst v24;
	v9 =	vld.idx.msk [tilespmem:v9+s1+$0x0], $0xffff;
	v17 =	vmul.f32 v4, v17  }
0x9d: {  	v47 =	vadd.s32 $0x1, v21;
	[tilespmem:s12+$0x0] =	vst v7;
	v14 =	vld.idx.msk [tilespmem:v14+s1+$0x0], $0xffff;
	v7 =	vadd.f32 $3.000000120e-01, v1;
	v1 =	vmul.f32 v5, v19  }
0x9e: {  	v8 =	vadd.f32 $3.000000120e-01, v8;
	v49 =	vadd.s32 $0x1, v15;
	v50 =	vld.idx.msk [tilespmem:v10+s1+$0x0], $0xffff;
	[tilespmem:s13+$0xFFFFFFC0] =	vst v17;
	v17 =	vmul.f32 v6, v39  }
0x9f: {  	v22 =	vmul.f32 $6.999999880e-01, v63;
	v31 =	vld.idx.msk [tilespmem:v45+s1+$0x0], $0xffff;
	v19 =	vadd.s32 $0x1, v13;
	[tilespmem:s13+$0xFFFFFFD0] =	vst v1;
	v30 =	vmul.f32 v7, v44  }
0xa0: {  	v11 =	vmul.f32 $6.999999880e-01, v11;
	v51 =	vadd.s32 $0x1, v16;
	v57 =	vld.idx.msk [tilespmem:v38+s1+$0x0], $0xffff;
	v55 =	vmul.f32 v8, v48;
	[tilespmem:s13+$0xFFFFFFE0] =	vst v17  }
0xa1: {  	v52 =	vadd.s32 $0x1, v18;
	v1 =	vadd.f32 $3.000000120e-01, v22;
	v26 =	vld.idx.msk [tilespmem:v42+s1+$0x0], $0xffff;
	v17 =	vmul.f32 v9, v28;
	[tilespmem:s13+$0xFFFFFFF0] =	vst v30  }
0xa2: {  	s15 =	simm.s32 $0xF570;
	v54 =	vadd.s32 $0x1, v10;
	v53 =	vld.idx.msk [tilespmem:v47+s1+$0x0], $0xffff;
	v14 =	vmul.f32 v14, v29;
	v9 =	vadd.f32 $3.000000120e-01, v11;
	[tilespmem:s13+$0x0] =	vst v55  }
0xa3: {  	v12 =	vmul.f32 v1, v12;
	v11 =	vld.idx.msk [tilespmem:v49+s1+$0x0], $0xffff;
	[tilespmem:s15+$0x40] =	vst v17;
	v17 =	vadd.s32 $0x2, v35  }
0xa4: {  	v19 =	vld.idx.msk [tilespmem:v19+s1+$0x0], $0xffff;
	[tilespmem:s16+$0xF500] =	vst v14;
	v14 =	vadd.s32 $0x2, v20;
	v56 =	vmul.f32 v9, v50  }
0xa5: {  	v21 =	vadd.s32 $0x2, v21;
	v58 =	vmul.f32 v31, v43;
	v29 =	vld.idx.msk [tilespmem:v51+s1+$0x0], $0xffff;
	[tilespmem:s13+$0x10] =	vst v12  }
0xa6: {  	v12 =	vadd.s32 $0x2, v15;
	v59 =	vld.idx.msk [tilespmem:v52+s1+$0x0], $0xffff;
	v15 =	vmul.f32 v26, v4;
	[tilespmem:s13+$0x20] =	vst v56  }
0xa7: {  	[tilespmem:s14+$0xFFFFFFB0] =	vst v58;
	v62 =	vadd.s32 $0x2, v2;
	v60 =	vmul.f32 v53, v5;
	v61 =	vld.idx.msk [tilespmem:v54+s1+$0x0], $0xffff  }
0xa8: {  	v13 =	vadd.s32 $0x2, v13;
	[tilespmem:s14+$0xFFFFFFC0] =	vst v15;
	v2 =	vmul.f32 v11, v6;
	v25 =	vld.idx.msk [tilespmem:v17+s1+$0x0], $0xffff  }
0xa9: {  	v63 =	vadd.s32 $0x2, v16;
	[tilespmem:s14+$0xFFFFFFD0] =	vst v60;
	v16 =	vld.idx.msk [tilespmem:v14+s1+$0x0], $0xffff;
	v14 =	vmul.f32 v19, v7  }
0xaa: {  	v11 =	vld.idx.msk [tilespmem:v21+s1+$0x0], $0xffff;
	[tilespmem:s14+$0xFFFFFFE0] =	vst v2;
	v2 =	vmul.f32 v57, v3  }
0xab: {  	v3 =	vmul.f32 v29, v8;
	v12 =	vld.idx.msk [tilespmem:v12+s1+$0x0], $0xffff;
	[tilespmem:s14+$0xFFFFFFF0] =	vst v14  }
0xac: {  	v19 =	vmul.f32 v59, v1;
	v14 =	vld.idx.msk [tilespmem:v62+s1+$0x0], $0xffff;
	[tilespmem:s12+$0x10] =	vst v2  }
0xad: {  	v13 =	vld.idx.msk [tilespmem:v13+s1+$0x0], $0xffff;
	[tilespmem:s14+$0x0] =	vst v3;
	v17 =	vmul.f32 v61, v9  }
0xae: {  	s17 =	simm.s32 $0x610;
	s18 =	simm.s32 $0x140;
	s16 =	simm.s32 $0xA;
	v2 =	vadd.s32 $0x2, v18;
	v3 =	vadd.s32 $0x2, v10;
	[tilespmem:s14+$0x10] =	vst v19;
	v10 =	vld.idx.msk [tilespmem:v63+s1+$0x0], $0xffff;
	v15 =	vmul.f32 v25, v43  }
.LBB2_2:
0xaf: {  	s19 =	sand.u32 $0x3FE0, s18;
	v18 =	vld [tilespmem:s17+$0x40];
	s16 =	sadd.s32 $0xA, s16;
	v4 =	vmul.f32 v16, v4;
	[tilespmem:s14+$0x20] =	vst v17  }
0xb0: {  	v5 =	vmul.f32 v11, v5;
	v16 =	vld [tilespmem:s19+$0x500];
	p0 =	slt.u32 s16, $0x276;
	[tilespmem:s15+$0xFFFFFFB0] =	vst v15  }
0xb1: {  	v11 =	vld [tilespmem:s17+$0xFFFFFFC0];
	[tilespmem:s15+$0xFFFFFFC0] =	vst v4;
	v4 =	vmul.f32 v12, v6  }
0xb2: {  	v6 =	vld [tilespmem:s17+$0xFFFFFFD0];
	[tilespmem:s15+$0xFFFFFFD0] =	vst v5;
	v5 =	vmul.f32 v13, v7  }
0xb3: {  	v7 =	vld [tilespmem:s17+$0xFFFFFFE0];
	[tilespmem:s15+$0xFFFFFFE0] =	vst v4;
	v4 =	vmul.f32 v14, v0;
	v0 =	vmov v9  }
0xb4: {  	v9 =	vld [tilespmem:s17+$0xFFFFFFF0];
	v17 =	vmul.u32 $0x3, v18;
	[tilespmem:s15+$0xFFFFFFF0] =	vst v5;
	v5 =	vmul.f32 v10, v8  }
0xb5: {  	v8 =	vld [tilespmem:s17+$0x0];
	v16 =	vmul.u32 $0x3, v16;
	[tilespmem:s12+$0x20] =	vst v4;
	s12 =	smov.u32 s15  }
0xb6: {  	s11 =	sadd.s32 $0xA0, s11;
	v18 =	vmul.u32 $0x3, v11;
	v4 =	vld [tilespmem:s17+$0x10];
	[tilespmem:s15+$0x0] =	vst v5  }
0xb7: {  	v19 =	vmul.u32 $0x3, v6;
	v5 =	vld [tilespmem:s11+$0x40]  }
0xb8: {  	v20 =	vadd.s32 $0x1, v18;
	v11 =	vadd.s32 $0x2, v18;
	v21 =	vmul.u32 $0x3, v7;
	v6 =	vld [tilespmem:s19+$0x5500]  }
0xb9: {  	v22 =	vadd.s32 $0x1, v19;
	v12 =	vadd.s32 $0x2, v19;
	v9 =	vmul.u32 $0x3, v9;
	v7 =	vld [tilespmem:s17+$0x20]  }
0xba: {  	v23 =	vadd.s32 $0x1, v21;
	v13 =	vadd.s32 $0x2, v21;
	v24 =	vmul.u32 $0x3, v8;
	v8 =	vld.idx.msk [tilespmem:v17+s1+$0x0], $0xffff  }
0xbb: {  	v25 =	vadd.s32 $0x1, v9;
	v14 =	vadd.s32 $0x2, v9;
	v26 =	vmul.u32 $0x3, v4;
	v4 =	vld.idx.msk [tilespmem:v16+s1+$0x0], $0xffff  }
0xbc: {  	v27 =	vld [tilespmem:s17+$0xFFFFFFB0];
	v28 =	vadd.s32 $0x1, v24;
	v10 =	vadd.s32 $0x2, v24;
	v5 =	vmul.f32 $6.999999880e-01, v5  }
0xbd: {  	v29 =	vld [tilespmem:s11+$0xFFFFFFB0];
	v30 =	vadd.s32 $0x1, v26;
	v31 =	vadd.s32 $0x2, v26;
	v6 =	vmul.f32 $6.999999880e-01, v6  }
0xbe: {  	v32 =	vld [tilespmem:s11+$0xFFFFFFC0];
	v33 =	vmul.u32 $0x3, v7;
	v34 =	vadd.f32 $3.000000120e-01, v5;
	v5 =	vadd.s32 $0x1, v17  }
0xbf: {  	v7 =	vld [tilespmem:s11+$0xFFFFFFD0];
	v35 =	vadd.f32 $3.000000120e-01, v6;
	v6 =	vadd.s32 $0x1, v16  }
0xc0: {  	v36 =	vld [tilespmem:s11+$0xFFFFFFE0];
	v37 =	vadd.s32 $0x1, v33;
	v15 =	vadd.s32 $0x2, v33;
	v8 =	vmul.f32 v34, v8  }
0xc1: {  	s13 =	sadd.s32 $0xA0, s13;
	v27 =	vmul.u32 $0x3, v27;
	v38 =	vld [tilespmem:s11+$0xFFFFFFF0];
	v4 =	vmul.f32 v35, v4  }
0xc2: {  	v29 =	vmul.f32 $6.999999880e-01, v29;
	v39 =	vld [tilespmem:s11+$0x0];
	[tilespmem:s13+$0x40] =	vst v8  }
0xc3: {  	v40 =	vadd.s32 $0x1, v27;
	v41 =	vadd.s32 $0x2, v27;
	v8 =	vmul.f32 $6.999999880e-01, v32;
	[tilespmem:s19+$0xA500] =	vst v4;
	v32 =	vld.idx.msk [tilespmem:v5+s1+$0x0], $0xffff  }
0xc4: {  	v29 =	vadd.f32 $3.000000120e-01, v29;
	v5 =	vmul.f32 $6.999999880e-01, v7;
	v42 =	vld.idx.msk [tilespmem:v6+s1+$0x0], $0xffff  }
0xc5: {  	v4 =	vadd.f32 $3.000000120e-01, v8;
	v6 =	vmul.f32 $6.999999880e-01, v36;
	v36 =	vld [tilespmem:s11+$0x10]  }
0xc6: {  	v5 =	vadd.f32 $3.000000120e-01, v5;
	v7 =	vmul.f32 $6.999999880e-01, v38;
	v38 =	vld [tilespmem:s11+$0x20]  }
0xc7: {  	v17 =	vadd.s32 $0x2, v17;
	v27 =	vld.idx.msk [tilespmem:v27+s1+$0x0], $0xffff;
	v6 =	vadd.f32 $3.000000120e-01, v6;
	v8 =	vmul.f32 $6.999999880e-01, v39  }
0xc8: {  	v16 =	vadd.s32 $0x2, v16;
	v18 =	vld.idx.msk [tilespmem:v18+s1+$0x0], $0xffff;
	v7 =	vadd.f32 $3.000000120e-01, v7  }
0xc9: {  	v32 =	vmul.f32 v32, v34;
	v19 =	vld.idx.msk [tilespmem:v19+s1+$0x0], $0xffff;
	v8 =	vadd.f32 $3.000000120e-01, v8  }
0xca: {  	s14 =	sadd.s32 $0xA0, s14;
	v39 =	vmul.f32 v42, v35;
	v21 =	vld.idx.msk [tilespmem:v21+s1+$0x0], $0xffff;
	v36 =	vmul.f32 $6.999999880e-01, v36  }
0xcb: {  	v42 =	vld.idx.msk [tilespmem:v9+s1+$0x0], $0xffff;
	v9 =	vmul.f32 $6.999999880e-01, v38;
	[tilespmem:s14+$0x40] =	vst v32  }
0xcc: {  	v32 =	vadd.f32 $3.000000120e-01, v36;
	[tilespmem:s19+$0xCD00] =	vst v39;
	v17 =	vld.idx.msk [tilespmem:v17+s1+$0x0], $0xffff  }
0xcd: {  	v27 =	vmul.f32 v29, v27;
	v9 =	vadd.f32 $3.000000120e-01, v9;
	v16 =	vld.idx.msk [tilespmem:v16+s1+$0x0], $0xffff  }
0xce: {  	v18 =	vmul.f32 v4, v18;
	v24 =	vld.idx.msk [tilespmem:v24+s1+$0x0], $0xffff  }
0xcf: {  	v19 =	vmul.f32 v5, v19;
	[tilespmem:s13+$0xFFFFFFB0] =	vst v27;
	v26 =	vld.idx.msk [tilespmem:v26+s1+$0x0], $0xffff  }
0xd0: {  	[tilespmem:s13+$0xFFFFFFC0] =	vst v18;
	v18 =	vmul.f32 v6, v21;
	v21 =	vld.idx.msk [tilespmem:v33+s1+$0x0], $0xffff  }
0xd1: {  	v27 =	vld.idx.msk [tilespmem:v40+s1+$0x0], $0xffff;
	[tilespmem:s13+$0xFFFFFFD0] =	vst v19;
	v19 =	vmul.f32 v7, v42  }
0xd2: {  	v17 =	vmul.f32 v17, v34;
	v20 =	vld.idx.msk [tilespmem:v20+s1+$0x0], $0xffff;
	[tilespmem:s13+$0xFFFFFFE0] =	vst v18  }
0xd3: {  	s15 =	sadd.s32 $0xA0, s15;
	v16 =	vmul.f32 v16, v35;
	v18 =	vld.idx.msk [tilespmem:v22+s1+$0x0], $0xffff;
	[tilespmem:s13+$0xFFFFFFF0] =	vst v19  }
0xd4: {  	v22 =	vmul.f32 v8, v24;
	v19 =	vld.idx.msk [tilespmem:v23+s1+$0x0], $0xffff;
	[tilespmem:s15+$0x40] =	vst v17  }
0xd5: {  	v23 =	vmul.f32 v32, v26;
	v17 =	vld.idx.msk [tilespmem:v25+s1+$0x0], $0xffff;
	[tilespmem:s19+$0xF500] =	vst v16  }
0xd6: {  	v16 =	vmul.f32 v9, v21;
	[tilespmem:s13+$0x0] =	vst v22;
	v21 =	vld.idx.msk [tilespmem:v2+s1+$0x0], $0xffff;
	v2 =	vmov v31  }
0xd7: {  	v22 =	vmul.f32 v27, v29;
	v24 =	vld.idx.msk [tilespmem:v28+s1+$0x0], $0xffff;
	[tilespmem:s13+$0x10] =	vst v23  }
0xd8: {  	v20 =	vmul.f32 v20, v4;
	v23 =	vld.idx.msk [tilespmem:v30+s1+$0x0], $0xffff;
	[tilespmem:s13+$0x20] =	vst v16  }
0xd9: {  	v18 =	vmul.f32 v18, v5;
	[tilespmem:s14+$0xFFFFFFB0] =	vst v22;
	v22 =	vld.idx.msk [tilespmem:v37+s1+$0x0], $0xffff  }
0xda: {  	v19 =	vmul.f32 v19, v6;
	v25 =	vld.idx.msk [tilespmem:v41+s1+$0x0], $0xffff;
	[tilespmem:s14+$0xFFFFFFC0] =	vst v20  }
0xdb: {  	v17 =	vmul.f32 v17, v7;
	v16 =	vld.idx.msk [tilespmem:v11+s1+$0x0], $0xffff;
	[tilespmem:s14+$0xFFFFFFD0] =	vst v18  }
.Ltmp0:
0xdc: {  	v18 =	vmul.f32 v21, v1;
	v1 =	vmov v32;
	v11 =	vld.idx.msk [tilespmem:v12+s1+$0x0], $0xffff;
	[tilespmem:s14+$0xFFFFFFE0] =	vst v19;
	(pc) =	sbr.rel @p0 .LBB2_2-.Ltmp0, $4  }
0xdd: {  	v12 =	vld.idx.msk [tilespmem:v13+s1+$0x0], $0xffff;
	[tilespmem:s14+$0xFFFFFFF0] =	vst v17;
	v17 =	vmul.f32 v24, v8  }
0xde: {  	v19 =	vmul.f32 v23, v1;
	v13 =	vld.idx.msk [tilespmem:v14+s1+$0x0], $0xffff;
	[tilespmem:s12+$0x10] =	vst v18  }
0xdf: {  	[tilespmem:s14+$0x0] =	vst v17;
	v17 =	vmul.f32 v22, v9;
	v14 =	vld.idx.msk [tilespmem:v3+s1+$0x0], $0xffff;
	v3 =	vmov v15  }
0xe0: {  	s18 =	sadd.s32 $0xA0, s18;
	s17 =	sadd.s32 $0xA0, s17;
	v15 =	vmul.f32 v25, v29;
	v10 =	vld.idx.msk [tilespmem:v10+s1+$0x0], $0xffff;
	[tilespmem:s14+$0x10] =	vst v19  }
0xe1: {  	_ =	sdelay $0x2  }
0xe2: {  	v4 =	vmul.f32 v16, v4;
	[tilespmem:s14+$0x20] =	vst v17  }
0xe3: {  	v5 =	vmul.f32 v11, v5;
	v2 =	vld.idx.msk [tilespmem:v2+s1+$0x0], $0xffff;
	[tilespmem:s15+$0xFFFFFFB0] =	vst v15  }
0xe4: {  	v3 =	vld.idx.msk [tilespmem:v3+s1+$0x0], $0xffff;
	[tilespmem:s15+$0xFFFFFFC0] =	vst v4;
	v4 =	vmul.f32 v12, v6  }
0xe5: {  	[tilespmem:s15+$0xFFFFFFD0] =	vst v5;
	v5 =	vmul.f32 v13, v7  }
0xe6: {  	v0 =	vmul.f32 v14, v0;
	[tilespmem:s15+$0xFFFFFFE0] =	vst v4  }
0xe7: {  	[tilespmem:s15+$0xFFFFFFF0] =	vst v5;
	v4 =	vmul.f32 v10, v8  }
0xe8: {  	[tilespmem:s12+$0x20] =	vst v0;
	v0 =	vmul.f32 v2, v1  }
0xe9: {  	[tilespmem:s15+$0x0] =	vst v4;
	v1 =	vmul.f32 v3, v9  }
0xea: {  	[tilespmem:s15+$0x10] =	vst v0  }
0xeb: {  	[tilespmem:s15+$0x20] =	vst v1  }
0xec: {  	s11 =	simm.s32 $0x0;
	s12 =	sld [smem:$0x7EE]  }
0xed: {  	[hbm4b:s22+s11] =	stream.linear.scatter [tilespmem:s0], [sflag:$0x3], $0x2800, $0x38;
	[tilespmem:$0x19480] =	vst v63  }
0xee: {  	s18 =	sld [smem:$0x7EF]  }
0xef: {  	[hbm4b:s12+s11] =	stream.linear.scatter [tilespmem:s2], [sflag:$0x3], $0x2800, $0x38;
	[tilespmem:$0x19480] =	vst v63  }
0xf0: {  	_ = 	snop  }
0xf1: {  	[hbm4b:s18+s11] =	stream.linear.scatter [tilespmem:s3], [sflag:$0x3], $0x2800, $0x38;
	[tilespmem:$0x19480] =	vst v63  }
0xf2: {  	s19 =	rddreg [dreg:$0x8]  }
0xf3: {  	[tilespmem:s25], [sflag:$0x1] =	stream.linear.gather [hbm4b:s19+s11], $0x2800, $0x38;
	[tilespmem:$0x19480] =	vst v63  }
0xf4: {  	s13 =	rddreg [dreg:$0x9]  }
0xf5: {  	[tilespmem:s26], [sflag:$0x1] =	stream.linear.gather [hbm4b:s13+s11], $0x2800, $0x38;
	[tilespmem:$0x19480] =	vst v63  }
0xf6: {  	_ =	swait.ge [sflag:s4], $0x2800  }
0xf7: {  	[sflag:s4] =	ssyncset.done $0x0  }
0xf8: {  	[sflag:s4] =	ssyncadd.s32 $0xFFFFD800  }
0xf9: {  	_ =	swait.ge [sflag:s4], $0x2800  }
0xfa: {  	[sflag:s4] =	ssyncset.done $0x0  }
0xfb: {  	s14 =	simm.s32 $0x2CD0;
	[sflag:s4] =	ssyncadd.s32 $0xFFFFD800  }
0xfc: {  	s15 =	sand.u32 $0x3FE0, s11;
	v0 =	vld [tilespmem:s14+$0x40]  }
0xfd: {  	v1 =	vld [tilespmem:s15+$0x2D00]  }
0xfe: {  	v2 =	vld [tilespmem:s14+$0xFFFFFFC0]  }
0xff: {  	v3 =	vld [tilespmem:s14+$0xFFFFFFD0]  }
0x100: {  	v5 =	vld [tilespmem:s14+$0xFFFFFFE0]  }
0x101: {  	v6 =	vld [tilespmem:s14+$0xFFFFFFF0]  }
0x102: {  	v7 =	vld [tilespmem:s14+$0x0]  }
0x103: {  	v9 =	vld [tilespmem:s14+$0x10]  }
0x104: {  	v4 =	vld [tilespmem:s15+$0x7D00]  }
0x105: {  	v10 =	vld [tilespmem:s14+$0x20]  }
0x106: {  	s13 =	simm.s32 $0x7CD0;
	v13 =	vld [tilespmem:s14+$0xFFFFFFB0]  }
0x107: {  	v14 =	vld [tilespmem:s13+$0xFFFFFFB0]  }
0x108: {  	v16 =	vld [tilespmem:s13+$0xFFFFFFC0]  }
0x109: {  	v18 =	vld [tilespmem:s13+$0xFFFFFFD0];
	v0 =	vmul.u32 $0x3, v0  }
0x10a: {  	v19 =	vld [tilespmem:s13+$0xFFFFFFE0]  }
0x10b: {  	v8 =	vmul.u32 $0x3, v1;
	v1 =	vld [tilespmem:s13+$0x40]  }
0x10c: {  	v20 =	vld [tilespmem:s13+$0xFFFFFFF0]  }
0x10d: {  	s18 =	simm.s32 $0x2D70;
	v22 =	vld [tilespmem:s13+$0x0]  }
0x10e: {  	v51 =	vld [tilespmem:s18+$0xFFFFFFC0]  }
0x10f: {  	v11 =	vld.idx.msk [tilespmem:v0+s1+$0x0], $0xffff  }
0x110: {  	v52 =	vld [tilespmem:s18+$0xFFFFFFD0];
	v1 =	vmul.f32 $6.999999880e-01, v1  }
0x111: {  	v12 =	vld.idx.msk [tilespmem:v8+s1+$0x0], $0xffff  }
0x112: {  	v53 =	vld [tilespmem:s18+$0xFFFFFFE0];
	v15 =	vmul.f32 $6.999999880e-01, v4;
	v17 =	vadd.s32 $0x1, v0;
	v4 =	vadd.f32 $3.000000120e-01, v1  }
0x113: {  	v54 =	vld [tilespmem:s18+$0xFFFFFFF0];
	v13 =	vmul.u32 $0x3, v13  }
0x114: {  	v55 =	vld [tilespmem:s18+$0x0];
	v1 =	vadd.f32 $3.000000120e-01, v15;
	v15 =	vadd.s32 $0x1, v8;
	v11 =	vmul.f32 v4, v11  }
0x115: {  	s16 =	simm.s32 $0x11CD0;
	s11 =	simm.s32 $0x7D70;
	v56 =	vld [tilespmem:s18+$0x10];
	v6 =	vmul.u32 $0x3, v6  }
0x116: {  	v57 =	vld [tilespmem:s11+$0x40];
	v7 =	vmul.u32 $0x3, v7;
	v12 =	vmul.f32 v1, v12;
	[tilespmem:s16+$0x40] =	vst v11  }
0x117: {  	v21 =	vmul.u32 $0x3, v2;
	v11 =	vmul.u32 $0x3, v3;
	v2 =	vld.idx.msk [tilespmem:v17+s1+$0x0], $0xffff  }
0x118: {  	v59 =	vld [tilespmem:s18+$0x20];
	[tilespmem:s15+$0x11D00] =	vst v12;
	v12 =	vmul.u32 $0x3, v5  }
0x119: {  	v3 =	vld.idx.msk [tilespmem:v15+s1+$0x0], $0xffff  }
0x11a: {  	v23 =	vld.idx.msk [tilespmem:v13+s1+$0x0], $0xffff;
	v0 =	vadd.s32 $0x2, v0  }
0x11b: {  	v30 =	vld.idx.msk [tilespmem:v6+s1+$0x0], $0xffff  }
0x11c: {  	v44 =	vld.idx.msk [tilespmem:v7+s1+$0x0], $0xffff;
	v27 =	vmul.f32 v2, v4  }
0x11d: {  	s17 =	simm.s32 $0x144D0;
	v5 =	vmul.u32 $0x3, v9;
	v9 =	vld.idx.msk [tilespmem:v11+s1+$0x0], $0xffff;
	v2 =	vmul.u32 $0x3, v10;
	v10 =	vmul.f32 $6.999999880e-01, v14  }
0x11e: {  	v18 =	vmul.f32 $6.999999880e-01, v18;
	v14 =	vld.idx.msk [tilespmem:v12+s1+$0x0], $0xffff;
	v3 =	vmul.f32 v3, v1;
	[tilespmem:s17+$0x40] =	vst v27  }
0x11f: {  	v10 =	vadd.f32 $3.000000120e-01, v10;
	v31 =	vld.idx.msk [tilespmem:v0+s1+$0x0], $0xffff;
	v0 =	vmul.f32 $6.999999880e-01, v19  }
0x120: {  	v18 =	vadd.f32 $3.000000120e-01, v18;
	v15 =	vld [tilespmem:s13+$0x10];
	v28 =	vadd.s32 $0x1, v12;
	[tilespmem:s15+$0x14500] =	vst v3;
	v3 =	vmul.f32 $6.999999880e-01, v20  }
0x121: {  	v17 =	vld [tilespmem:s13+$0x20];
	v19 =	vmul.f32 v10, v23;
	v45 =	vadd.f32 $3.000000120e-01, v0;
	v0 =	vmul.f32 $6.999999880e-01, v22  }
0x122: {  	v35 =	vld [tilespmem:s18+$0xFFFFFFB0];
	v26 =	vadd.s32 $0x1, v11;
	v33 =	vadd.f32 $3.000000120e-01, v3;
	v9 =	vmul.f32 v18, v9  }
0x123: {  	v32 =	vadd.s32 $0x1, v7;
	v25 =	vld.idx.msk [tilespmem:v21+s1+$0x0], $0xffff;
	[tilespmem:s16+$0xFFFFFFB0] =	vst v19;
	v19 =	vadd.f32 $3.000000120e-01, v0;
	v14 =	vmul.f32 v45, v14  }
0x124: {  	v16 =	vmul.f32 $6.999999880e-01, v16;
	v29 =	vadd.s32 $0x1, v6;
	v47 =	vld.idx.msk [tilespmem:v5+s1+$0x0], $0xffff;
	[tilespmem:s16+$0xFFFFFFD0] =	vst v9;
	v9 =	vmul.f32 v33, v30  }
0x125: {  	v3 =	vmul.f32 $6.999999880e-01, v15;
	v15 =	vld.idx.msk [tilespmem:v2+s1+$0x0], $0xffff;
	[tilespmem:s16+$0xFFFFFFE0] =	vst v14;
	v20 =	vmul.f32 v19, v44  }
0x126: {  	v16 =	vadd.f32 $3.000000120e-01, v16;
	v0 =	vmul.f32 $6.999999880e-01, v17;
	[tilespmem:s16+$0xFFFFFFF0] =	vst v9;
	v9 =	vld.idx.msk [tilespmem:v28+s1+$0x0], $0xffff  }
0x127: {  	v3 =	vadd.f32 $3.000000120e-01, v3;
	v14 =	vld.idx.msk [tilespmem:v26+s1+$0x0], $0xffff;
	[tilespmem:s16+$0x0] =	vst v20  }
0x128: {  	v8 =	vadd.s32 $0x2, v8;
	v46 =	vmul.f32 v16, v25;
	v0 =	vadd.f32 $3.000000120e-01, v0;
	v20 =	vld.idx.msk [tilespmem:v32+s1+$0x0], $0xffff  }
0x129: {  	v43 =	vadd.s32 $0x1, v13;
	v25 =	vmul.f32 v3, v47;
	v50 =	vld.idx.msk [tilespmem:v29+s1+$0x0], $0xffff  }
0x12a: {  	v36 =	vld [tilespmem:s11+$0xFFFFFFB0];
	[tilespmem:s16+$0xFFFFFFC0] =	vst v46;
	v15 =	vmul.f32 v0, v15  }
0x12b: {  	v37 =	vld [tilespmem:s11+$0xFFFFFFC0];
	[tilespmem:s16+$0x10] =	vst v25;
	v9 =	vmul.f32 v9, v45  }
0x12c: {  	v61 =	vld [tilespmem:s11+$0xFFFFFFD0];
	[tilespmem:s16+$0x20] =	vst v15;
	v14 =	vmul.f32 v14, v18  }
0x12d: {  	v8 =	vld.idx.msk [tilespmem:v8+s1+$0x0], $0xffff;
	[tilespmem:s17+$0xFFFFFFE0] =	vst v9;
	v9 =	vmul.f32 v20, v19  }
0x12e: {  	s19 =	simm.s32 $0xA0;
	v17 =	vld.idx.msk [tilespmem:v43+s1+$0x0], $0xffff;
	[tilespmem:s17+$0xFFFFFFD0] =	vst v14;
	v14 =	vmul.f32 v50, v33  }
0x12f: {  	v24 =	vadd.s32 $0x1, v21;
	s16 =	sand.u32 $0x3FE0, s19;
	[tilespmem:s17+$0x0] =	vst v9;
	v9 =	vld [tilespmem:s18+$0x40]  }
0x130: {  	[tilespmem:s17+$0xFFFFFFF0] =	vst v14;
	v14 =	vld [tilespmem:s16+$0x2D00]  }
0x131: {  	v40 =	vld [tilespmem:s11+$0xFFFFFFE0];
	v49 =	vadd.s32 $0x1, v2  }
0x132: {  	v41 =	vld [tilespmem:s11+$0xFFFFFFF0]  }
0x133: {  	v63 =	vld [tilespmem:s11+$0x10];
	v13 =	vadd.s32 $0x2, v13  }
0x134: {  	v24 =	vld.idx.msk [tilespmem:v24+s1+$0x0], $0xffff;
	v11 =	vadd.s32 $0x2, v11;
	v9 =	vmul.u32 $0x3, v9  }
0x135: {  	v1 =	vmul.f32 v8, v1;
	v8 =	vld [tilespmem:s11+$0x0];
	v17 =	vmul.f32 v17, v10;
	v14 =	vmul.u32 $0x3, v14  }
0x136: {  	v15 =	vld.idx.msk [tilespmem:v49+s1+$0x0], $0xffff  }
0x137: {  	v12 =	vadd.s32 $0x2, v12;
	[tilespmem:s17+$0xFFFFFFB0] =	vst v17;
	v58 =	vld [tilespmem:s16+$0x7D00]  }
0x138: {  	v48 =	vadd.s32 $0x1, v5;
	v13 =	vld.idx.msk [tilespmem:v13+s1+$0x0], $0xffff  }
0x139: {  	v21 =	vadd.s32 $0x2, v21;
	v24 =	vmul.f32 v24, v16;
	v11 =	vld.idx.msk [tilespmem:v11+s1+$0x0], $0xffff  }
0x13a: {  	v35 =	vmul.u32 $0x3, v35;
	v6 =	vadd.s32 $0x2, v6;
	v60 =	vld.idx.msk [tilespmem:v9+s1+$0x0], $0xffff  }
0x13b: {  	v7 =	vadd.s32 $0x2, v7;
	[tilespmem:s17+$0xFFFFFFC0] =	vst v24;
	v4 =	vmul.f32 v31, v4;
	v28 =	vmul.f32 $6.999999880e-01, v57;
	v34 =	vld.idx.msk [tilespmem:v14+s1+$0x0], $0xffff  }
0x13c: {  	s12 =	simm.s32 $0x16CD0;
	[tilespmem:s15+$0x16D00] =	vst v1;
	v12 =	vld.idx.msk [tilespmem:v12+s1+$0x0], $0xffff;
	v29 =	vmul.f32 $6.999999880e-01, v58;
	v1 =	vmul.f32 v15, v0  }
0x13d: {  	[tilespmem:s12+$0x40] =	vst v4;
	v22 =	vld.idx.msk [tilespmem:v48+s1+$0x0], $0xffff;
	v28 =	vadd.f32 $3.000000120e-01, v28;
	v10 =	vmul.f32 v13, v10;
	v38 =	vadd.s32 $0x1, v9  }
0x13e: {  	v17 =	vld.idx.msk [tilespmem:v21+s1+$0x0], $0xffff;
	v29 =	vadd.f32 $3.000000120e-01, v29;
	[tilespmem:s17+$0x20] =	vst v1;
	v1 =	vmul.f32 v11, v18  }
0x13f: {  	v21 =	vmul.u32 $0x3, v52;
	v6 =	vld.idx.msk [tilespmem:v6+s1+$0x0], $0xffff;
	[tilespmem:s12+$0xFFFFFFB0] =	vst v10;
	v39 =	vadd.s32 $0x1, v14;
	v32 =	vmul.f32 v28, v60  }
0x140: {  	s13 =	simm.s32 $0x11D70;
	v20 =	vmul.u32 $0x3, v51;
	v7 =	vld.idx.msk [tilespmem:v7+s1+$0x0], $0xffff;
	[tilespmem:s12+$0xFFFFFFD0] =	vst v1;
	v4 =	vmul.f32 v29, v34  }
0x141: {  	v13 =	vmul.u32 $0x3, v54;
	v10 =	vmul.f32 v12, v45;
	v12 =	vld.idx.msk [tilespmem:v35+s1+$0x0], $0xffff;
	v1 =	vmul.f32 $6.999999880e-01, v36;
	[tilespmem:s13+$0x40] =	vst v32  }
0x142: {  	v15 =	vmul.u32 $0x3, v53;
	[tilespmem:s16+$0x11D00] =	vst v4;
	v4 =	vld.idx.msk [tilespmem:v38+s1+$0x0], $0xffff  }
0x143: {  	v22 =	vmul.f32 v22, v3;
	v11 =	vld [tilespmem:s11+$0x20];
	v18 =	vmul.u32 $0x3, v56;
	v43 =	vadd.f32 $3.000000120e-01, v1  }
0x144: {  	v62 =	vld.idx.msk [tilespmem:v39+s1+$0x0], $0xffff;
	v38 =	vadd.s32 $0x2, v5;
	v5 =	vmul.f32 v17, v16;
	v16 =	vmul.u32 $0x3, v55  }
0x145: {  	v46 =	vmul.f32 $6.999999880e-01, v40;
	[tilespmem:s17+$0x10] =	vst v22;
	v7 =	vmul.f32 v7, v19;
	v19 =	vld.idx.msk [tilespmem:v21+s1+$0x0], $0xffff  }
0x146: {  	[tilespmem:s12+$0xFFFFFFE0] =	vst v10;
	v10 =	vmul.u32 $0x3, v59;
	v12 =	vmul.f32 v43, v12;
	v9 =	vadd.s32 $0x2, v9;
	v17 =	vld.idx.msk [tilespmem:v20+s1+$0x0], $0xffff  }
0x147: {  	v44 =	vld.idx.msk [tilespmem:v13+s1+$0x0], $0xffff;
	v14 =	vadd.s32 $0x2, v14;
	[tilespmem:s12+$0xFFFFFFC0] =	vst v5;
	v5 =	vmul.f32 $6.999999880e-01, v37;
	v4 =	vmul.f32 v4, v28  }
0x148: {  	s14 =	simm.s32 $0x14570;
	v6 =	vmul.f32 v6, v33;
	v1 =	vmul.f32 $6.999999880e-01, v61;
	[tilespmem:s13+$0xFFFFFFB0] =	vst v12;
	v39 =	vld.idx.msk [tilespmem:v15+s1+$0x0], $0xffff  }
0x149: {  	v45 =	vadd.s32 $0x1, v35;
	v12 =	vld.idx.msk [tilespmem:v18+s1+$0x0], $0xffff;
	v24 =	vmul.f32 v62, v29;
	[tilespmem:s14+$0x40] =	vst v4;
	v4 =	vadd.f32 $3.000000120e-01, v5  }
0x14a: {  	v8 =	vmul.f32 $6.999999880e-01, v8;
	[tilespmem:s12+$0xFFFFFFF0] =	vst v6;
	v48 =	vld.idx.msk [tilespmem:v16+s1+$0x0], $0xffff;
	v5 =	vadd.f32 $3.000000120e-01, v1;
	v1 =	vmul.f32 $6.999999880e-01, v41  }
0x14b: {  	v42 =	vadd.s32 $0x1, v20;
	v6 =	vadd.f32 $3.000000120e-01, v46;
	[tilespmem:s16+$0x14500] =	vst v24;
	v9 =	vld.idx.msk [tilespmem:v9+s1+$0x0], $0xffff;
	v17 =	vmul.f32 v4, v17  }
0x14c: {  	v47 =	vadd.s32 $0x1, v21;
	[tilespmem:s12+$0x0] =	vst v7;
	v14 =	vld.idx.msk [tilespmem:v14+s1+$0x0], $0xffff;
	v7 =	vadd.f32 $3.000000120e-01, v1;
	v1 =	vmul.f32 v5, v19  }
0x14d: {  	v8 =	vadd.f32 $3.000000120e-01, v8;
	v49 =	vadd.s32 $0x1, v15;
	v50 =	vld.idx.msk [tilespmem:v10+s1+$0x0], $0xffff;
	[tilespmem:s13+$0xFFFFFFC0] =	vst v17;
	v17 =	vmul.f32 v6, v39  }
0x14e: {  	v22 =	vmul.f32 $6.999999880e-01, v63;
	v31 =	vld.idx.msk [tilespmem:v45+s1+$0x0], $0xffff;
	v19 =	vadd.s32 $0x1, v13;
	[tilespmem:s13+$0xFFFFFFD0] =	vst v1;
	v30 =	vmul.f32 v7, v44  }
0x14f: {  	v11 =	vmul.f32 $6.999999880e-01, v11;
	v51 =	vadd.s32 $0x1, v16;
	v57 =	vld.idx.msk [tilespmem:v38+s1+$0x0], $0xffff;
	v55 =	vmul.f32 v8, v48;
	[tilespmem:s13+$0xFFFFFFE0] =	vst v17  }
0x150: {  	v52 =	vadd.s32 $0x1, v18;
	v1 =	vadd.f32 $3.000000120e-01, v22;
	v26 =	vld.idx.msk [tilespmem:v42+s1+$0x0], $0xffff;
	v17 =	vmul.f32 v9, v28;
	[tilespmem:s13+$0xFFFFFFF0] =	vst v30  }
0x151: {  	s15 =	simm.s32 $0x16D70;
	v54 =	vadd.s32 $0x1, v10;
	v53 =	vld.idx.msk [tilespmem:v47+s1+$0x0], $0xffff;
	v14 =	vmul.f32 v14, v29;
	v9 =	vadd.f32 $3.000000120e-01, v11;
	[tilespmem:s13+$0x0] =	vst v55  }
0x152: {  	v12 =	vmul.f32 v1, v12;
	v11 =	vld.idx.msk [tilespmem:v49+s1+$0x0], $0xffff;
	[tilespmem:s15+$0x40] =	vst v17;
	v17 =	vadd.s32 $0x2, v35  }
0x153: {  	v19 =	vld.idx.msk [tilespmem:v19+s1+$0x0], $0xffff;
	[tilespmem:s16+$0x16D00] =	vst v14;
	v14 =	vadd.s32 $0x2, v20;
	v56 =	vmul.f32 v9, v50  }
0x154: {  	v21 =	vadd.s32 $0x2, v21;
	v58 =	vmul.f32 v31, v43;
	v29 =	vld.idx.msk [tilespmem:v51+s1+$0x0], $0xffff;
	[tilespmem:s13+$0x10] =	vst v12  }
0x155: {  	v12 =	vadd.s32 $0x2, v15;
	v59 =	vld.idx.msk [tilespmem:v52+s1+$0x0], $0xffff;
	v15 =	vmul.f32 v26, v4;
	[tilespmem:s13+$0x20] =	vst v56  }
0x156: {  	[tilespmem:s14+$0xFFFFFFB0] =	vst v58;
	v62 =	vadd.s32 $0x2, v2;
	v60 =	vmul.f32 v53, v5;
	v61 =	vld.idx.msk [tilespmem:v54+s1+$0x0], $0xffff  }
0x157: {  	v13 =	vadd.s32 $0x2, v13;
	[tilespmem:s14+$0xFFFFFFC0] =	vst v15;
	v2 =	vmul.f32 v11, v6;
	v25 =	vld.idx.msk [tilespmem:v17+s1+$0x0], $0xffff  }
0x158: {  	v63 =	vadd.s32 $0x2, v16;
	[tilespmem:s14+$0xFFFFFFD0] =	vst v60;
	v16 =	vld.idx.msk [tilespmem:v14+s1+$0x0], $0xffff;
	v14 =	vmul.f32 v19, v7  }
0x159: {  	v11 =	vld.idx.msk [tilespmem:v21+s1+$0x0], $0xffff;
	[tilespmem:s14+$0xFFFFFFE0] =	vst v2;
	v2 =	vmul.f32 v57, v3  }
0x15a: {  	v3 =	vmul.f32 v29, v8;
	v12 =	vld.idx.msk [tilespmem:v12+s1+$0x0], $0xffff;
	[tilespmem:s14+$0xFFFFFFF0] =	vst v14  }
0x15b: {  	v19 =	vmul.f32 v59, v1;
	v14 =	vld.idx.msk [tilespmem:v62+s1+$0x0], $0xffff;
	[tilespmem:s12+$0x10] =	vst v2  }
0x15c: {  	v13 =	vld.idx.msk [tilespmem:v13+s1+$0x0], $0xffff;
	[tilespmem:s14+$0x0] =	vst v3;
	v17 =	vmul.f32 v61, v9  }
0x15d: {  	s18 =	simm.s32 $0x140;
	s17 =	simm.s32 $0x2E10;
	s16 =	simm.s32 $0xA;
	v2 =	vadd.s32 $0x2, v18;
	v3 =	vadd.s32 $0x2, v10;
	[tilespmem:s14+$0x10] =	vst v19;
	v10 =	vld.idx.msk [tilespmem:v63+s1+$0x0], $0xffff;
	v15 =	vmul.f32 v25, v43  }
.LBB2_4:
0x15e: {  	s19 =	sand.u32 $0x3FE0, s18;
	v18 =	vld [tilespmem:s17+$0x40];
	s16 =	sadd.s32 $0xA, s16;
	v4 =	vmul.f32 v16, v4;
	[tilespmem:s14+$0x20] =	vst v17  }
0x15f: {  	v5 =	vmul.f32 v11, v5;
	v16 =	vld [tilespmem:s19+$0x2D00];
	p0 =	slt.u32 s16, $0x276;
	[tilespmem:s15+$0xFFFFFFB0] =	vst v15  }
0x160: {  	v11 =	vld [tilespmem:s17+$0xFFFFFFC0];
	[tilespmem:s15+$0xFFFFFFC0] =	vst v4;
	v4 =	vmul.f32 v12, v6  }
0x161: {  	v6 =	vld [tilespmem:s17+$0xFFFFFFD0];
	[tilespmem:s15+$0xFFFFFFD0] =	vst v5;
	v5 =	vmul.f32 v13, v7  }
0x162: {  	v7 =	vld [tilespmem:s17+$0xFFFFFFE0];
	[tilespmem:s15+$0xFFFFFFE0] =	vst v4;
	v4 =	vmul.f32 v14, v0;
	v0 =	vmov v9  }
0x163: {  	v9 =	vld [tilespmem:s17+$0xFFFFFFF0];
	v17 =	vmul.u32 $0x3, v18;
	[tilespmem:s15+$0xFFFFFFF0] =	vst v5;
	v5 =	vmul.f32 v10, v8  }
0x164: {  	v8 =	vld [tilespmem:s17+$0x0];
	v16 =	vmul.u32 $0x3, v16;
	[tilespmem:s12+$0x20] =	vst v4;
	s12 =	smov.u32 s15  }
0x165: {  	s11 =	sadd.s32 $0xA0, s11;
	v18 =	vmul.u32 $0x3, v11;
	v4 =	vld [tilespmem:s17+$0x10];
	[tilespmem:s15+$0x0] =	vst v5  }
0x166: {  	v19 =	vmul.u32 $0x3, v6;
	v5 =	vld [tilespmem:s11+$0x40]  }
0x167: {  	v20 =	vadd.s32 $0x1, v18;
	v11 =	vadd.s32 $0x2, v18;
	v21 =	vmul.u32 $0x3, v7;
	v6 =	vld [tilespmem:s19+$0x7D00]  }
0x168: {  	v22 =	vadd.s32 $0x1, v19;
	v12 =	vadd.s32 $0x2, v19;
	v9 =	vmul.u32 $0x3, v9;
	v7 =	vld [tilespmem:s17+$0x20]  }
0x169: {  	v23 =	vadd.s32 $0x1, v21;
	v13 =	vadd.s32 $0x2, v21;
	v24 =	vmul.u32 $0x3, v8;
	v8 =	vld.idx.msk [tilespmem:v17+s1+$0x0], $0xffff  }
0x16a: {  	v25 =	vadd.s32 $0x1, v9;
	v14 =	vadd.s32 $0x2, v9;
	v26 =	vmul.u32 $0x3, v4;
	v4 =	vld.idx.msk [tilespmem:v16+s1+$0x0], $0xffff  }
0x16b: {  	v27 =	vld [tilespmem:s17+$0xFFFFFFB0];
	v28 =	vadd.s32 $0x1, v24;
	v10 =	vadd.s32 $0x2, v24;
	v5 =	vmul.f32 $6.999999880e-01, v5  }
0x16c: {  	v29 =	vld [tilespmem:s11+$0xFFFFFFB0];
	v30 =	vadd.s32 $0x1, v26;
	v31 =	vadd.s32 $0x2, v26;
	v6 =	vmul.f32 $6.999999880e-01, v6  }
0x16d: {  	v32 =	vld [tilespmem:s11+$0xFFFFFFC0];
	v33 =	vmul.u32 $0x3, v7;
	v34 =	vadd.f32 $3.000000120e-01, v5;
	v5 =	vadd.s32 $0x1, v17  }
0x16e: {  	v7 =	vld [tilespmem:s11+$0xFFFFFFD0];
	v35 =	vadd.f32 $3.000000120e-01, v6;
	v6 =	vadd.s32 $0x1, v16  }
0x16f: {  	v36 =	vld [tilespmem:s11+$0xFFFFFFE0];
	v37 =	vadd.s32 $0x1, v33;
	v15 =	vadd.s32 $0x2, v33;
	v8 =	vmul.f32 v34, v8  }
0x170: {  	s13 =	sadd.s32 $0xA0, s13;
	v27 =	vmul.u32 $0x3, v27;
	v38 =	vld [tilespmem:s11+$0xFFFFFFF0];
	v4 =	vmul.f32 v35, v4  }
0x171: {  	v29 =	vmul.f32 $6.999999880e-01, v29;
	v39 =	vld [tilespmem:s11+$0x0];
	[tilespmem:s13+$0x40] =	vst v8  }
0x172: {  	v40 =	vadd.s32 $0x1, v27;
	v41 =	vadd.s32 $0x2, v27;
	v8 =	vmul.f32 $6.999999880e-01, v32;
	[tilespmem:s19+$0x11D00] =	vst v4;
	v32 =	vld.idx.msk [tilespmem:v5+s1+$0x0], $0xffff  }
0x173: {  	v29 =	vadd.f32 $3.000000120e-01, v29;
	v5 =	vmul.f32 $6.999999880e-01, v7;
	v42 =	vld.idx.msk [tilespmem:v6+s1+$0x0], $0xffff  }
0x174: {  	v4 =	vadd.f32 $3.000000120e-01, v8;
	v6 =	vmul.f32 $6.999999880e-01, v36;
	v36 =	vld [tilespmem:s11+$0x10]  }
0x175: {  	v5 =	vadd.f32 $3.000000120e-01, v5;
	v7 =	vmul.f32 $6.999999880e-01, v38;
	v38 =	vld [tilespmem:s11+$0x20]  }
0x176: {  	v17 =	vadd.s32 $0x2, v17;
	v27 =	vld.idx.msk [tilespmem:v27+s1+$0x0], $0xffff;
	v6 =	vadd.f32 $3.000000120e-01, v6;
	v8 =	vmul.f32 $6.999999880e-01, v39  }
0x177: {  	v16 =	vadd.s32 $0x2, v16;
	v18 =	vld.idx.msk [tilespmem:v18+s1+$0x0], $0xffff;
	v7 =	vadd.f32 $3.000000120e-01, v7  }
0x178: {  	v32 =	vmul.f32 v32, v34;
	v19 =	vld.idx.msk [tilespmem:v19+s1+$0x0], $0xffff;
	v8 =	vadd.f32 $3.000000120e-01, v8  }
0x179: {  	s14 =	sadd.s32 $0xA0, s14;
	v39 =	vmul.f32 v42, v35;
	v21 =	vld.idx.msk [tilespmem:v21+s1+$0x0], $0xffff;
	v36 =	vmul.f32 $6.999999880e-01, v36  }
0x17a: {  	v42 =	vld.idx.msk [tilespmem:v9+s1+$0x0], $0xffff;
	v9 =	vmul.f32 $6.999999880e-01, v38;
	[tilespmem:s14+$0x40] =	vst v32  }
0x17b: {  	v32 =	vadd.f32 $3.000000120e-01, v36;
	[tilespmem:s19+$0x14500] =	vst v39;
	v17 =	vld.idx.msk [tilespmem:v17+s1+$0x0], $0xffff  }
0x17c: {  	v27 =	vmul.f32 v29, v27;
	v9 =	vadd.f32 $3.000000120e-01, v9;
	v16 =	vld.idx.msk [tilespmem:v16+s1+$0x0], $0xffff  }
0x17d: {  	v18 =	vmul.f32 v4, v18;
	v24 =	vld.idx.msk [tilespmem:v24+s1+$0x0], $0xffff  }
0x17e: {  	v19 =	vmul.f32 v5, v19;
	[tilespmem:s13+$0xFFFFFFB0] =	vst v27;
	v26 =	vld.idx.msk [tilespmem:v26+s1+$0x0], $0xffff  }
0x17f: {  	[tilespmem:s13+$0xFFFFFFC0] =	vst v18;
	v18 =	vmul.f32 v6, v21;
	v21 =	vld.idx.msk [tilespmem:v33+s1+$0x0], $0xffff  }
0x180: {  	v27 =	vld.idx.msk [tilespmem:v40+s1+$0x0], $0xffff;
	[tilespmem:s13+$0xFFFFFFD0] =	vst v19;
	v19 =	vmul.f32 v7, v42  }
0x181: {  	v17 =	vmul.f32 v17, v34;
	v20 =	vld.idx.msk [tilespmem:v20+s1+$0x0], $0xffff;
	[tilespmem:s13+$0xFFFFFFE0] =	vst v18  }
0x182: {  	s15 =	sadd.s32 $0xA0, s15;
	v16 =	vmul.f32 v16, v35;
	v18 =	vld.idx.msk [tilespmem:v22+s1+$0x0], $0xffff;
	[tilespmem:s13+$0xFFFFFFF0] =	vst v19  }
0x183: {  	v22 =	vmul.f32 v8, v24;
	v19 =	vld.idx.msk [tilespmem:v23+s1+$0x0], $0xffff;
	[tilespmem:s15+$0x40] =	vst v17  }
0x184: {  	v23 =	vmul.f32 v32, v26;
	v17 =	vld.idx.msk [tilespmem:v25+s1+$0x0], $0xffff;
	[tilespmem:s19+$0x16D00] =	vst v16  }
0x185: {  	v16 =	vmul.f32 v9, v21;
	[tilespmem:s13+$0x0] =	vst v22;
	v21 =	vld.idx.msk [tilespmem:v2+s1+$0x0], $0xffff;
	v2 =	vmov v31  }
0x186: {  	v22 =	vmul.f32 v27, v29;
	v24 =	vld.idx.msk [tilespmem:v28+s1+$0x0], $0xffff;
	[tilespmem:s13+$0x10] =	vst v23  }
0x187: {  	v20 =	vmul.f32 v20, v4;
	v23 =	vld.idx.msk [tilespmem:v30+s1+$0x0], $0xffff;
	[tilespmem:s13+$0x20] =	vst v16  }
0x188: {  	v18 =	vmul.f32 v18, v5;
	[tilespmem:s14+$0xFFFFFFB0] =	vst v22;
	v22 =	vld.idx.msk [tilespmem:v37+s1+$0x0], $0xffff  }
0x189: {  	v19 =	vmul.f32 v19, v6;
	v25 =	vld.idx.msk [tilespmem:v41+s1+$0x0], $0xffff;
	[tilespmem:s14+$0xFFFFFFC0] =	vst v20  }
0x18a: {  	v17 =	vmul.f32 v17, v7;
	v16 =	vld.idx.msk [tilespmem:v11+s1+$0x0], $0xffff;
	[tilespmem:s14+$0xFFFFFFD0] =	vst v18  }
.Ltmp1:
0x18b: {  	v18 =	vmul.f32 v21, v1;
	v1 =	vmov v32;
	v11 =	vld.idx.msk [tilespmem:v12+s1+$0x0], $0xffff;
	[tilespmem:s14+$0xFFFFFFE0] =	vst v19;
	(pc) =	sbr.rel @p0 .LBB2_4-.Ltmp1, $4  }
0x18c: {  	v12 =	vld.idx.msk [tilespmem:v13+s1+$0x0], $0xffff;
	[tilespmem:s14+$0xFFFFFFF0] =	vst v17;
	v17 =	vmul.f32 v24, v8  }
0x18d: {  	v19 =	vmul.f32 v23, v1;
	v13 =	vld.idx.msk [tilespmem:v14+s1+$0x0], $0xffff;
	[tilespmem:s12+$0x10] =	vst v18  }
0x18e: {  	[tilespmem:s14+$0x0] =	vst v17;
	v17 =	vmul.f32 v22, v9;
	v14 =	vld.idx.msk [tilespmem:v3+s1+$0x0], $0xffff;
	v3 =	vmov v15  }
0x18f: {  	s18 =	sadd.s32 $0xA0, s18;
	s17 =	sadd.s32 $0xA0, s17;
	v15 =	vmul.f32 v25, v29;
	v10 =	vld.idx.msk [tilespmem:v10+s1+$0x0], $0xffff;
	[tilespmem:s14+$0x10] =	vst v19  }
0x190: {  	_ =	sdelay $0x2  }
0x191: {  	v4 =	vmul.f32 v16, v4;
	[tilespmem:s14+$0x20] =	vst v17  }
0x192: {  	v5 =	vmul.f32 v11, v5;
	v2 =	vld.idx.msk [tilespmem:v2+s1+$0x0], $0xffff;
	[tilespmem:s15+$0xFFFFFFB0] =	vst v15  }
0x193: {  	v3 =	vld.idx.msk [tilespmem:v3+s1+$0x0], $0xffff;
	[tilespmem:s15+$0xFFFFFFC0] =	vst v4;
	v4 =	vmul.f32 v12, v6  }
0x194: {  	[tilespmem:s15+$0xFFFFFFD0] =	vst v5;
	v5 =	vmul.f32 v13, v7  }
0x195: {  	v0 =	vmul.f32 v14, v0;
	[tilespmem:s15+$0xFFFFFFE0] =	vst v4  }
0x196: {  	[tilespmem:s15+$0xFFFFFFF0] =	vst v5;
	v4 =	vmul.f32 v10, v8  }
0x197: {  	[tilespmem:s12+$0x20] =	vst v0;
	v0 =	vmul.f32 v2, v1  }
0x198: {  	[tilespmem:s15+$0x0] =	vst v4;
	v1 =	vmul.f32 v3, v9  }
0x199: {  	[tilespmem:s15+$0x10] =	vst v0  }
0x19a: {  	[tilespmem:s15+$0x20] =	vst v1  }
0x19b: {  	s12 =	rddreg [dreg:$0xa]  }
0x19c: {  	s11 =	simm.s32 $0x0;
	s17 =	sld [smem:$0x7F0]  }
0x19d: {  	[hbm4b:s12+s11] =	stream.linear.scatter [tilespmem:s5], [sflag:$0x4], $0x2800, $0x38;
	[tilespmem:$0x19480] =	vst v63  }
0x19e: {  	s18 =	sld [smem:$0x7F1]  }
0x19f: {  	[hbm4b:s17+s11] =	stream.linear.scatter [tilespmem:s6], [sflag:$0x4], $0x2800, $0x38;
	[tilespmem:$0x19480] =	vst v63  }
0x1a0: {  	_ = 	snop  }
0x1a1: {  	[hbm4b:s18+s11] =	stream.linear.scatter [tilespmem:s7], [sflag:$0x4], $0x2800, $0x38;
	[tilespmem:$0x19480] =	vst v63  }
0x1a2: {  	s19 =	rddreg [dreg:$0xb]  }
0x1a3: {  	[tilespmem:s30], [sflag:$0x2] =	stream.linear.gather [hbm4b:s19+s11], $0x2800, $0x38;
	[tilespmem:$0x19480] =	vst v63  }
0x1a4: {  	s13 =	rddreg [dreg:$0xc]  }
0x1a5: {  	[tilespmem:s31], [sflag:$0x2] =	stream.linear.gather [hbm4b:s13+s11], $0x2800, $0x38;
	[tilespmem:$0x19480] =	vst v63  }
0x1a6: {  	_ =	swait.ge [sflag:s28], $0x2800  }
0x1a7: {  	[sflag:s28] =	ssyncset.done $0x0  }
0x1a8: {  	[sflag:s28] =	ssyncadd.s32 $0xFFFFD800  }
0x1a9: {  	_ =	swait.ge [sflag:s28], $0x2800  }
0x1aa: {  	[sflag:s28] =	ssyncset.done $0x0  }
0x1ab: {  	[sflag:s28] =	ssyncadd.s32 $0xFFFFD800  }
0x1ac: {  	_ =	swait.ge [sflag:s8], $0x2800  }
0x1ad: {  	[sflag:s8] =	ssyncset.done $0x0  }
0x1ae: {  	[sflag:s8] =	ssyncadd.s32 $0xFFFFD800  }
0x1af: {  	_ =	swait.ge [sflag:s8], $0x2800  }
0x1b0: {  	[sflag:s8] =	ssyncset.done $0x0  }
0x1b1: {  	[sflag:s8] =	ssyncadd.s32 $0xFFFFD800  }
0x1b2: {  	_ =	swait.ge [sflag:s8], $0x2800  }
0x1b3: {  	[sflag:s8] =	ssyncset.done $0x0  }
0x1b4: {  	s14 =	simm.s32 $0x4D0;
	[sflag:s8] =	ssyncadd.s32 $0xFFFFD800  }
0x1b5: {  	s15 =	sand.u32 $0x3FE0, s11;
	v0 =	vld [tilespmem:s14+$0x40]  }
0x1b6: {  	v1 =	vld [tilespmem:s15+$0x500]  }
0x1b7: {  	v2 =	vld [tilespmem:s14+$0xFFFFFFC0]  }
0x1b8: {  	v3 =	vld [tilespmem:s14+$0xFFFFFFD0]  }
0x1b9: {  	v5 =	vld [tilespmem:s14+$0xFFFFFFE0]  }
0x1ba: {  	v6 =	vld [tilespmem:s14+$0xFFFFFFF0]  }
0x1bb: {  	v7 =	vld [tilespmem:s14+$0x0]  }
0x1bc: {  	v9 =	vld [tilespmem:s14+$0x10]  }
0x1bd: {  	v4 =	vld [tilespmem:s15+$0x5500]  }
0x1be: {  	v10 =	vld [tilespmem:s14+$0x20]  }
0x1bf: {  	s13 =	simm.s32 $0x54D0;
	v13 =	vld [tilespmem:s14+$0xFFFFFFB0]  }
0x1c0: {  	v14 =	vld [tilespmem:s13+$0xFFFFFFB0]  }
0x1c1: {  	v16 =	vld [tilespmem:s13+$0xFFFFFFC0]  }
0x1c2: {  	v18 =	vld [tilespmem:s13+$0xFFFFFFD0];
	v0 =	vmul.u32 $0x3, v0  }
0x1c3: {  	v19 =	vld [tilespmem:s13+$0xFFFFFFE0]  }
0x1c4: {  	v8 =	vmul.u32 $0x3, v1;
	v1 =	vld [tilespmem:s13+$0x40]  }
0x1c5: {  	v20 =	vld [tilespmem:s13+$0xFFFFFFF0]  }
0x1c6: {  	s18 =	simm.s32 $0x570;
	v22 =	vld [tilespmem:s13+$0x0]  }
0x1c7: {  	v51 =	vld [tilespmem:s18+$0xFFFFFFC0]  }
0x1c8: {  	v11 =	vld.idx.msk [tilespmem:v0+s1+$0x0], $0xffff  }
0x1c9: {  	v52 =	vld [tilespmem:s18+$0xFFFFFFD0];
	v1 =	vmul.f32 $6.999999880e-01, v1  }
0x1ca: {  	v12 =	vld.idx.msk [tilespmem:v8+s1+$0x0], $0xffff  }
0x1cb: {  	v53 =	vld [tilespmem:s18+$0xFFFFFFE0];
	v15 =	vmul.f32 $6.999999880e-01, v4;
	v17 =	vadd.s32 $0x1, v0;
	v4 =	vadd.f32 $3.000000120e-01, v1  }
0x1cc: {  	v54 =	vld [tilespmem:s18+$0xFFFFFFF0];
	v13 =	vmul.u32 $0x3, v13  }
0x1cd: {  	v55 =	vld [tilespmem:s18+$0x0];
	v1 =	vadd.f32 $3.000000120e-01, v15;
	v15 =	vadd.s32 $0x1, v8;
	v11 =	vmul.f32 v4, v11  }
0x1ce: {  	s16 =	simm.s32 $0xA4D0;
	s11 =	simm.s32 $0x5570;
	v56 =	vld [tilespmem:s18+$0x10];
	v6 =	vmul.u32 $0x3, v6  }
0x1cf: {  	v57 =	vld [tilespmem:s11+$0x40];
	v7 =	vmul.u32 $0x3, v7;
	v12 =	vmul.f32 v1, v12;
	[tilespmem:s16+$0x40] =	vst v11  }
0x1d0: {  	v21 =	vmul.u32 $0x3, v2;
	v11 =	vmul.u32 $0x3, v3;
	v2 =	vld.idx.msk [tilespmem:v17+s1+$0x0], $0xffff  }
0x1d1: {  	v59 =	vld [tilespmem:s18+$0x20];
	[tilespmem:s15+$0xA500] =	vst v12;
	v12 =	vmul.u32 $0x3, v5  }
0x1d2: {  	v3 =	vld.idx.msk [tilespmem:v15+s1+$0x0], $0xffff  }
0x1d3: {  	v23 =	vld.idx.msk [tilespmem:v13+s1+$0x0], $0xffff;
	v0 =	vadd.s32 $0x2, v0  }
0x1d4: {  	v30 =	vld.idx.msk [tilespmem:v6+s1+$0x0], $0xffff  }
0x1d5: {  	v44 =	vld.idx.msk [tilespmem:v7+s1+$0x0], $0xffff;
	v27 =	vmul.f32 v2, v4  }
0x1d6: {  	s17 =	simm.s32 $0xCCD0;
	v5 =	vmul.u32 $0x3, v9;
	v9 =	vld.idx.msk [tilespmem:v11+s1+$0x0], $0xffff;
	v2 =	vmul.u32 $0x3, v10;
	v10 =	vmul.f32 $6.999999880e-01, v14  }
0x1d7: {  	v18 =	vmul.f32 $6.999999880e-01, v18;
	v14 =	vld.idx.msk [tilespmem:v12+s1+$0x0], $0xffff;
	v3 =	vmul.f32 v3, v1;
	[tilespmem:s17+$0x40] =	vst v27  }
0x1d8: {  	v10 =	vadd.f32 $3.000000120e-01, v10;
	v31 =	vld.idx.msk [tilespmem:v0+s1+$0x0], $0xffff;
	v0 =	vmul.f32 $6.999999880e-01, v19  }
0x1d9: {  	v18 =	vadd.f32 $3.000000120e-01, v18;
	v15 =	vld [tilespmem:s13+$0x10];
	v28 =	vadd.s32 $0x1, v12;
	[tilespmem:s15+$0xCD00] =	vst v3;
	v3 =	vmul.f32 $6.999999880e-01, v20  }
0x1da: {  	v17 =	vld [tilespmem:s13+$0x20];
	v19 =	vmul.f32 v10, v23;
	v45 =	vadd.f32 $3.000000120e-01, v0;
	v0 =	vmul.f32 $6.999999880e-01, v22  }
0x1db: {  	v35 =	vld [tilespmem:s18+$0xFFFFFFB0];
	v26 =	vadd.s32 $0x1, v11;
	v33 =	vadd.f32 $3.000000120e-01, v3;
	v9 =	vmul.f32 v18, v9  }
0x1dc: {  	v32 =	vadd.s32 $0x1, v7;
	v25 =	vld.idx.msk [tilespmem:v21+s1+$0x0], $0xffff;
	[tilespmem:s16+$0xFFFFFFB0] =	vst v19;
	v19 =	vadd.f32 $3.000000120e-01, v0;
	v14 =	vmul.f32 v45, v14  }
0x1dd: {  	v16 =	vmul.f32 $6.999999880e-01, v16;
	v29 =	vadd.s32 $0x1, v6;
	v47 =	vld.idx.msk [tilespmem:v5+s1+$0x0], $0xffff;
	[tilespmem:s16+$0xFFFFFFD0] =	vst v9;
	v9 =	vmul.f32 v33, v30  }
0x1de: {  	v3 =	vmul.f32 $6.999999880e-01, v15;
	v15 =	vld.idx.msk [tilespmem:v2+s1+$0x0], $0xffff;
	[tilespmem:s16+$0xFFFFFFE0] =	vst v14;
	v20 =	vmul.f32 v19, v44  }
0x1df: {  	v16 =	vadd.f32 $3.000000120e-01, v16;
	v0 =	vmul.f32 $6.999999880e-01, v17;
	[tilespmem:s16+$0xFFFFFFF0] =	vst v9;
	v9 =	vld.idx.msk [tilespmem:v28+s1+$0x0], $0xffff  }
0x1e0: {  	v3 =	vadd.f32 $3.000000120e-01, v3;
	v14 =	vld.idx.msk [tilespmem:v26+s1+$0x0], $0xffff;
	[tilespmem:s16+$0x0] =	vst v20  }
0x1e1: {  	v8 =	vadd.s32 $0x2, v8;
	v46 =	vmul.f32 v16, v25;
	v0 =	vadd.f32 $3.000000120e-01, v0;
	v20 =	vld.idx.msk [tilespmem:v32+s1+$0x0], $0xffff  }
0x1e2: {  	v43 =	vadd.s32 $0x1, v13;
	v25 =	vmul.f32 v3, v47;
	v50 =	vld.idx.msk [tilespmem:v29+s1+$0x0], $0xffff  }
0x1e3: {  	v36 =	vld [tilespmem:s11+$0xFFFFFFB0];
	[tilespmem:s16+$0xFFFFFFC0] =	vst v46;
	v15 =	vmul.f32 v0, v15  }
0x1e4: {  	v37 =	vld [tilespmem:s11+$0xFFFFFFC0];
	[tilespmem:s16+$0x10] =	vst v25;
	v9 =	vmul.f32 v9, v45  }
0x1e5: {  	v61 =	vld [tilespmem:s11+$0xFFFFFFD0];
	[tilespmem:s16+$0x20] =	vst v15;
	v14 =	vmul.f32 v14, v18  }
0x1e6: {  	v8 =	vld.idx.msk [tilespmem:v8+s1+$0x0], $0xffff;
	[tilespmem:s17+$0xFFFFFFE0] =	vst v9;
	v9 =	vmul.f32 v20, v19  }
0x1e7: {  	s19 =	simm.s32 $0xA0;
	v17 =	vld.idx.msk [tilespmem:v43+s1+$0x0], $0xffff;
	[tilespmem:s17+$0xFFFFFFD0] =	vst v14;
	v14 =	vmul.f32 v50, v33  }
0x1e8: {  	v24 =	vadd.s32 $0x1, v21;
	s16 =	sand.u32 $0x3FE0, s19;
	[tilespmem:s17+$0x0] =	vst v9;
	v9 =	vld [tilespmem:s18+$0x40]  }
0x1e9: {  	[tilespmem:s17+$0xFFFFFFF0] =	vst v14;
	v14 =	vld [tilespmem:s16+$0x500]  }
0x1ea: {  	v40 =	vld [tilespmem:s11+$0xFFFFFFE0];
	v49 =	vadd.s32 $0x1, v2  }
0x1eb: {  	v41 =	vld [tilespmem:s11+$0xFFFFFFF0]  }
0x1ec: {  	v63 =	vld [tilespmem:s11+$0x10];
	v13 =	vadd.s32 $0x2, v13  }
0x1ed: {  	v24 =	vld.idx.msk [tilespmem:v24+s1+$0x0], $0xffff;
	v11 =	vadd.s32 $0x2, v11;
	v9 =	vmul.u32 $0x3, v9  }
0x1ee: {  	v1 =	vmul.f32 v8, v1;
	v8 =	vld [tilespmem:s11+$0x0];
	v17 =	vmul.f32 v17, v10;
	v14 =	vmul.u32 $0x3, v14  }
0x1ef: {  	v15 =	vld.idx.msk [tilespmem:v49+s1+$0x0], $0xffff  }
0x1f0: {  	v12 =	vadd.s32 $0x2, v12;
	[tilespmem:s17+$0xFFFFFFB0] =	vst v17;
	v58 =	vld [tilespmem:s16+$0x5500]  }
0x1f1: {  	v48 =	vadd.s32 $0x1, v5;
	v13 =	vld.idx.msk [tilespmem:v13+s1+$0x0], $0xffff  }
0x1f2: {  	v21 =	vadd.s32 $0x2, v21;
	v24 =	vmul.f32 v24, v16;
	v11 =	vld.idx.msk [tilespmem:v11+s1+$0x0], $0xffff  }
0x1f3: {  	v35 =	vmul.u32 $0x3, v35;
	v6 =	vadd.s32 $0x2, v6;
	v60 =	vld.idx.msk [tilespmem:v9+s1+$0x0], $0xffff  }
0x1f4: {  	v7 =	vadd.s32 $0x2, v7;
	[tilespmem:s17+$0xFFFFFFC0] =	vst v24;
	v4 =	vmul.f32 v31, v4;
	v28 =	vmul.f32 $6.999999880e-01, v57;
	v34 =	vld.idx.msk [tilespmem:v14+s1+$0x0], $0xffff  }
0x1f5: {  	s12 =	simm.s32 $0xF4D0;
	[tilespmem:s15+$0xF500] =	vst v1;
	v12 =	vld.idx.msk [tilespmem:v12+s1+$0x0], $0xffff;
	v29 =	vmul.f32 $6.999999880e-01, v58;
	v1 =	vmul.f32 v15, v0  }
0x1f6: {  	[tilespmem:s12+$0x40] =	vst v4;
	v22 =	vld.idx.msk [tilespmem:v48+s1+$0x0], $0xffff;
	v28 =	vadd.f32 $3.000000120e-01, v28;
	v10 =	vmul.f32 v13, v10;
	v38 =	vadd.s32 $0x1, v9  }
0x1f7: {  	v17 =	vld.idx.msk [tilespmem:v21+s1+$0x0], $0xffff;
	v29 =	vadd.f32 $3.000000120e-01, v29;
	[tilespmem:s17+$0x20] =	vst v1;
	v1 =	vmul.f32 v11, v18  }
0x1f8: {  	v21 =	vmul.u32 $0x3, v52;
	v6 =	vld.idx.msk [tilespmem:v6+s1+$0x0], $0xffff;
	[tilespmem:s12+$0xFFFFFFB0] =	vst v10;
	v39 =	vadd.s32 $0x1, v14;
	v32 =	vmul.f32 v28, v60  }
0x1f9: {  	s13 =	simm.s32 $0xA570;
	v20 =	vmul.u32 $0x3, v51;
	v7 =	vld.idx.msk [tilespmem:v7+s1+$0x0], $0xffff;
	[tilespmem:s12+$0xFFFFFFD0] =	vst v1;
	v4 =	vmul.f32 v29, v34  }
0x1fa: {  	v13 =	vmul.u32 $0x3, v54;
	v10 =	vmul.f32 v12, v45;
	v12 =	vld.idx.msk [tilespmem:v35+s1+$0x0], $0xffff;
	v1 =	vmul.f32 $6.999999880e-01, v36;
	[tilespmem:s13+$0x40] =	vst v32  }
0x1fb: {  	v15 =	vmul.u32 $0x3, v53;
	[tilespmem:s16+$0xA500] =	vst v4;
	v4 =	vld.idx.msk [tilespmem:v38+s1+$0x0], $0xffff  }
0x1fc: {  	v22 =	vmul.f32 v22, v3;
	v11 =	vld [tilespmem:s11+$0x20];
	v18 =	vmul.u32 $0x3, v56;
	v43 =	vadd.f32 $3.000000120e-01, v1  }
0x1fd: {  	v62 =	vld.idx.msk [tilespmem:v39+s1+$0x0], $0xffff;
	v38 =	vadd.s32 $0x2, v5;
	v5 =	vmul.f32 v17, v16;
	v16 =	vmul.u32 $0x3, v55  }
0x1fe: {  	v46 =	vmul.f32 $6.999999880e-01, v40;
	[tilespmem:s17+$0x10] =	vst v22;
	v7 =	vmul.f32 v7, v19;
	v19 =	vld.idx.msk [tilespmem:v21+s1+$0x0], $0xffff  }
0x1ff: {  	[tilespmem:s12+$0xFFFFFFE0] =	vst v10;
	v10 =	vmul.u32 $0x3, v59;
	v12 =	vmul.f32 v43, v12;
	v9 =	vadd.s32 $0x2, v9;
	v17 =	vld.idx.msk [tilespmem:v20+s1+$0x0], $0xffff  }
0x200: {  	v44 =	vld.idx.msk [tilespmem:v13+s1+$0x0], $0xffff;
	v14 =	vadd.s32 $0x2, v14;
	[tilespmem:s12+$0xFFFFFFC0] =	vst v5;
	v5 =	vmul.f32 $6.999999880e-01, v37;
	v4 =	vmul.f32 v4, v28  }
0x201: {  	s14 =	simm.s32 $0xCD70;
	v6 =	vmul.f32 v6, v33;
	v1 =	vmul.f32 $6.999999880e-01, v61;
	[tilespmem:s13+$0xFFFFFFB0] =	vst v12;
	v39 =	vld.idx.msk [tilespmem:v15+s1+$0x0], $0xffff  }
0x202: {  	v45 =	vadd.s32 $0x1, v35;
	v12 =	vld.idx.msk [tilespmem:v18+s1+$0x0], $0xffff;
	v24 =	vmul.f32 v62, v29;
	[tilespmem:s14+$0x40] =	vst v4;
	v4 =	vadd.f32 $3.000000120e-01, v5  }
0x203: {  	v8 =	vmul.f32 $6.999999880e-01, v8;
	[tilespmem:s12+$0xFFFFFFF0] =	vst v6;
	v48 =	vld.idx.msk [tilespmem:v16+s1+$0x0], $0xffff;
	v5 =	vadd.f32 $3.000000120e-01, v1;
	v1 =	vmul.f32 $6.999999880e-01, v41  }
0x204: {  	v42 =	vadd.s32 $0x1, v20;
	v6 =	vadd.f32 $3.000000120e-01, v46;
	[tilespmem:s16+$0xCD00] =	vst v24;
	v9 =	vld.idx.msk [tilespmem:v9+s1+$0x0], $0xffff;
	v17 =	vmul.f32 v4, v17  }
0x205: {  	v47 =	vadd.s32 $0x1, v21;
	[tilespmem:s12+$0x0] =	vst v7;
	v14 =	vld.idx.msk [tilespmem:v14+s1+$0x0], $0xffff;
	v7 =	vadd.f32 $3.000000120e-01, v1;
	v1 =	vmul.f32 v5, v19  }
0x206: {  	v8 =	vadd.f32 $3.000000120e-01, v8;
	v49 =	vadd.s32 $0x1, v15;
	v50 =	vld.idx.msk [tilespmem:v10+s1+$0x0], $0xffff;
	[tilespmem:s13+$0xFFFFFFC0] =	vst v17;
	v17 =	vmul.f32 v6, v39  }
0x207: {  	v22 =	vmul.f32 $6.999999880e-01, v63;
	v31 =	vld.idx.msk [tilespmem:v45+s1+$0x0], $0xffff;
	v19 =	vadd.s32 $0x1, v13;
	[tilespmem:s13+$0xFFFFFFD0] =	vst v1;
	v30 =	vmul.f32 v7, v44  }
0x208: {  	v11 =	vmul.f32 $6.999999880e-01, v11;
	v51 =	vadd.s32 $0x1, v16;
	v57 =	vld.idx.msk [tilespmem:v38+s1+$0x0], $0xffff;
	v55 =	vmul.f32 v8, v48;
	[tilespmem:s13+$0xFFFFFFE0] =	vst v17  }
0x209: {  	v52 =	vadd.s32 $0x1, v18;
	v1 =	vadd.f32 $3.000000120e-01, v22;
	v26 =	vld.idx.msk [tilespmem:v42+s1+$0x0], $0xffff;
	v17 =	vmul.f32 v9, v28;
	[tilespmem:s13+$0xFFFFFFF0] =	vst v30  }
0x20a: {  	s15 =	simm.s32 $0xF570;
	v54 =	vadd.s32 $0x1, v10;
	v53 =	vld.idx.msk [tilespmem:v47+s1+$0x0], $0xffff;
	v14 =	vmul.f32 v14, v29;
	v9 =	vadd.f32 $3.000000120e-01, v11;
	[tilespmem:s13+$0x0] =	vst v55  }
0x20b: {  	v12 =	vmul.f32 v1, v12;
	v11 =	vld.idx.msk [tilespmem:v49+s1+$0x0], $0xffff;
	[tilespmem:s15+$0x40] =	vst v17;
	v17 =	vadd.s32 $0x2, v35  }
0x20c: {  	v19 =	vld.idx.msk [tilespmem:v19+s1+$0x0], $0xffff;
	[tilespmem:s16+$0xF500] =	vst v14;
	v14 =	vadd.s32 $0x2, v20;
	v56 =	vmul.f32 v9, v50  }
0x20d: {  	v21 =	vadd.s32 $0x2, v21;
	v58 =	vmul.f32 v31, v43;
	v29 =	vld.idx.msk [tilespmem:v51+s1+$0x0], $0xffff;
	[tilespmem:s13+$0x10] =	vst v12  }
0x20e: {  	v12 =	vadd.s32 $0x2, v15;
	v59 =	vld.idx.msk [tilespmem:v52+s1+$0x0], $0xffff;
	v15 =	vmul.f32 v26, v4;
	[tilespmem:s13+$0x20] =	vst v56  }
0x20f: {  	[tilespmem:s14+$0xFFFFFFB0] =	vst v58;
	v62 =	vadd.s32 $0x2, v2;
	v60 =	vmul.f32 v53, v5;
	v61 =	vld.idx.msk [tilespmem:v54+s1+$0x0], $0xffff  }
0x210: {  	v13 =	vadd.s32 $0x2, v13;
	[tilespmem:s14+$0xFFFFFFC0] =	vst v15;
	v2 =	vmul.f32 v11, v6;
	v25 =	vld.idx.msk [tilespmem:v17+s1+$0x0], $0xffff  }
0x211: {  	v63 =	vadd.s32 $0x2, v16;
	[tilespmem:s14+$0xFFFFFFD0] =	vst v60;
	v16 =	vld.idx.msk [tilespmem:v14+s1+$0x0], $0xffff;
	v14 =	vmul.f32 v19, v7  }
0x212: {  	v11 =	vld.idx.msk [tilespmem:v21+s1+$0x0], $0xffff;
	[tilespmem:s14+$0xFFFFFFE0] =	vst v2;
	v2 =	vmul.f32 v57, v3  }
0x213: {  	v3 =	vmul.f32 v29, v8;
	v12 =	vld.idx.msk [tilespmem:v12+s1+$0x0], $0xffff;
	[tilespmem:s14+$0xFFFFFFF0] =	vst v14  }
0x214: {  	v19 =	vmul.f32 v59, v1;
	v14 =	vld.idx.msk [tilespmem:v62+s1+$0x0], $0xffff;
	[tilespmem:s12+$0x10] =	vst v2  }
0x215: {  	v13 =	vld.idx.msk [tilespmem:v13+s1+$0x0], $0xffff;
	[tilespmem:s14+$0x0] =	vst v3;
	v17 =	vmul.f32 v61, v9  }
0x216: {  	s18 =	simm.s32 $0x140;
	s17 =	simm.s32 $0x610;
	s16 =	simm.s32 $0xA;
	v2 =	vadd.s32 $0x2, v18;
	v3 =	vadd.s32 $0x2, v10;
	[tilespmem:s14+$0x10] =	vst v19;
	v10 =	vld.idx.msk [tilespmem:v63+s1+$0x0], $0xffff;
	v15 =	vmul.f32 v25, v43  }
.LBB2_6:
0x217: {  	s19 =	sand.u32 $0x3FE0, s18;
	v18 =	vld [tilespmem:s17+$0x40];
	s16 =	sadd.s32 $0xA, s16;
	v4 =	vmul.f32 v16, v4;
	[tilespmem:s14+$0x20] =	vst v17  }
0x218: {  	v5 =	vmul.f32 v11, v5;
	v16 =	vld [tilespmem:s19+$0x500];
	p0 =	slt.u32 s16, $0x276;
	[tilespmem:s15+$0xFFFFFFB0] =	vst v15  }
0x219: {  	v11 =	vld [tilespmem:s17+$0xFFFFFFC0];
	[tilespmem:s15+$0xFFFFFFC0] =	vst v4;
	v4 =	vmul.f32 v12, v6  }
0x21a: {  	v6 =	vld [tilespmem:s17+$0xFFFFFFD0];
	[tilespmem:s15+$0xFFFFFFD0] =	vst v5;
	v5 =	vmul.f32 v13, v7  }
0x21b: {  	v7 =	vld [tilespmem:s17+$0xFFFFFFE0];
	[tilespmem:s15+$0xFFFFFFE0] =	vst v4;
	v4 =	vmul.f32 v14, v0;
	v0 =	vmov v9  }
0x21c: {  	v9 =	vld [tilespmem:s17+$0xFFFFFFF0];
	v17 =	vmul.u32 $0x3, v18;
	[tilespmem:s15+$0xFFFFFFF0] =	vst v5;
	v5 =	vmul.f32 v10, v8  }
0x21d: {  	v8 =	vld [tilespmem:s17+$0x0];
	v16 =	vmul.u32 $0x3, v16;
	[tilespmem:s12+$0x20] =	vst v4;
	s12 =	smov.u32 s15  }
0x21e: {  	s11 =	sadd.s32 $0xA0, s11;
	v18 =	vmul.u32 $0x3, v11;
	v4 =	vld [tilespmem:s17+$0x10];
	[tilespmem:s15+$0x0] =	vst v5  }
0x21f: {  	v19 =	vmul.u32 $0x3, v6;
	v5 =	vld [tilespmem:s11+$0x40]  }
0x220: {  	v20 =	vadd.s32 $0x1, v18;
	v11 =	vadd.s32 $0x2, v18;
	v21 =	vmul.u32 $0x3, v7;
	v6 =	vld [tilespmem:s19+$0x5500]  }
0x221: {  	v22 =	vadd.s32 $0x1, v19;
	v12 =	vadd.s32 $0x2, v19;
	v9 =	vmul.u32 $0x3, v9;
	v7 =	vld [tilespmem:s17+$0x20]  }
0x222: {  	v23 =	vadd.s32 $0x1, v21;
	v13 =	vadd.s32 $0x2, v21;
	v24 =	vmul.u32 $0x3, v8;
	v8 =	vld.idx.msk [tilespmem:v17+s1+$0x0], $0xffff  }
0x223: {  	v25 =	vadd.s32 $0x1, v9;
	v14 =	vadd.s32 $0x2, v9;
	v26 =	vmul.u32 $0x3, v4;
	v4 =	vld.idx.msk [tilespmem:v16+s1+$0x0], $0xffff  }
0x224: {  	v27 =	vld [tilespmem:s17+$0xFFFFFFB0];
	v28 =	vadd.s32 $0x1, v24;
	v10 =	vadd.s32 $0x2, v24;
	v5 =	vmul.f32 $6.999999880e-01, v5  }
0x225: {  	v29 =	vld [tilespmem:s11+$0xFFFFFFB0];
	v30 =	vadd.s32 $0x1, v26;
	v31 =	vadd.s32 $0x2, v26;
	v6 =	vmul.f32 $6.999999880e-01, v6  }
0x226: {  	v32 =	vld [tilespmem:s11+$0xFFFFFFC0];
	v33 =	vmul.u32 $0x3, v7;
	v34 =	vadd.f32 $3.000000120e-01, v5;
	v5 =	vadd.s32 $0x1, v17  }
0x227: {  	v7 =	vld [tilespmem:s11+$0xFFFFFFD0];
	v35 =	vadd.f32 $3.000000120e-01, v6;
	v6 =	vadd.s32 $0x1, v16  }
0x228: {  	v36 =	vld [tilespmem:s11+$0xFFFFFFE0];
	v37 =	vadd.s32 $0x1, v33;
	v15 =	vadd.s32 $0x2, v33;
	v8 =	vmul.f32 v34, v8  }
0x229: {  	s13 =	sadd.s32 $0xA0, s13;
	v27 =	vmul.u32 $0x3, v27;
	v38 =	vld [tilespmem:s11+$0xFFFFFFF0];
	v4 =	vmul.f32 v35, v4  }
0x22a: {  	v29 =	vmul.f32 $6.999999880e-01, v29;
	v39 =	vld [tilespmem:s11+$0x0];
	[tilespmem:s13+$0x40] =	vst v8  }
0x22b: {  	v40 =	vadd.s32 $0x1, v27;
	v41 =	vadd.s32 $0x2, v27;
	v8 =	vmul.f32 $6.999999880e-01, v32;
	[tilespmem:s19+$0xA500] =	vst v4;
	v32 =	vld.idx.msk [tilespmem:v5+s1+$0x0], $0xffff  }
0x22c: {  	v29 =	vadd.f32 $3.000000120e-01, v29;
	v5 =	vmul.f32 $6.999999880e-01, v7;
	v42 =	vld.idx.msk [tilespmem:v6+s1+$0x0], $0xffff  }
0x22d: {  	v4 =	vadd.f32 $3.000000120e-01, v8;
	v6 =	vmul.f32 $6.999999880e-01, v36;
	v36 =	vld [tilespmem:s11+$0x10]  }
0x22e: {  	v5 =	vadd.f32 $3.000000120e-01, v5;
	v7 =	vmul.f32 $6.999999880e-01, v38;
	v38 =	vld [tilespmem:s11+$0x20]  }
0x22f: {  	v17 =	vadd.s32 $0x2, v17;
	v27 =	vld.idx.msk [tilespmem:v27+s1+$0x0], $0xffff;
	v6 =	vadd.f32 $3.000000120e-01, v6;
	v8 =	vmul.f32 $6.999999880e-01, v39  }
0x230: {  	v16 =	vadd.s32 $0x2, v16;
	v18 =	vld.idx.msk [tilespmem:v18+s1+$0x0], $0xffff;
	v7 =	vadd.f32 $3.000000120e-01, v7  }
0x231: {  	v32 =	vmul.f32 v32, v34;
	v19 =	vld.idx.msk [tilespmem:v19+s1+$0x0], $0xffff;
	v8 =	vadd.f32 $3.000000120e-01, v8  }
0x232: {  	s14 =	sadd.s32 $0xA0, s14;
	v39 =	vmul.f32 v42, v35;
	v21 =	vld.idx.msk [tilespmem:v21+s1+$0x0], $0xffff;
	v36 =	vmul.f32 $6.999999880e-01, v36  }
0x233: {  	v42 =	vld.idx.msk [tilespmem:v9+s1+$0x0], $0xffff;
	v9 =	vmul.f32 $6.999999880e-01, v38;
	[tilespmem:s14+$0x40] =	vst v32  }
0x234: {  	v32 =	vadd.f32 $3.000000120e-01, v36;
	[tilespmem:s19+$0xCD00] =	vst v39;
	v17 =	vld.idx.msk [tilespmem:v17+s1+$0x0], $0xffff  }
0x235: {  	v27 =	vmul.f32 v29, v27;
	v9 =	vadd.f32 $3.000000120e-01, v9;
	v16 =	vld.idx.msk [tilespmem:v16+s1+$0x0], $0xffff  }
0x236: {  	v18 =	vmul.f32 v4, v18;
	v24 =	vld.idx.msk [tilespmem:v24+s1+$0x0], $0xffff  }
0x237: {  	v19 =	vmul.f32 v5, v19;
	[tilespmem:s13+$0xFFFFFFB0] =	vst v27;
	v26 =	vld.idx.msk [tilespmem:v26+s1+$0x0], $0xffff  }
0x238: {  	[tilespmem:s13+$0xFFFFFFC0] =	vst v18;
	v18 =	vmul.f32 v6, v21;
	v21 =	vld.idx.msk [tilespmem:v33+s1+$0x0], $0xffff  }
0x239: {  	v27 =	vld.idx.msk [tilespmem:v40+s1+$0x0], $0xffff;
	[tilespmem:s13+$0xFFFFFFD0] =	vst v19;
	v19 =	vmul.f32 v7, v42  }
0x23a: {  	v17 =	vmul.f32 v17, v34;
	v20 =	vld.idx.msk [tilespmem:v20+s1+$0x0], $0xffff;
	[tilespmem:s13+$0xFFFFFFE0] =	vst v18  }
0x23b: {  	s15 =	sadd.s32 $0xA0, s15;
	v16 =	vmul.f32 v16, v35;
	v18 =	vld.idx.msk [tilespmem:v22+s1+$0x0], $0xffff;
	[tilespmem:s13+$0xFFFFFFF0] =	vst v19  }
0x23c: {  	v22 =	vmul.f32 v8, v24;
	v19 =	vld.idx.msk [tilespmem:v23+s1+$0x0], $0xffff;
	[tilespmem:s15+$0x40] =	vst v17  }
0x23d: {  	v23 =	vmul.f32 v32, v26;
	v17 =	vld.idx.msk [tilespmem:v25+s1+$0x0], $0xffff;
	[tilespmem:s19+$0xF500] =	vst v16  }
0x23e: {  	v16 =	vmul.f32 v9, v21;
	[tilespmem:s13+$0x0] =	vst v22;
	v21 =	vld.idx.msk [tilespmem:v2+s1+$0x0], $0xffff;
	v2 =	vmov v31  }
0x23f: {  	v22 =	vmul.f32 v27, v29;
	v24 =	vld.idx.msk [tilespmem:v28+s1+$0x0], $0xffff;
	[tilespmem:s13+$0x10] =	vst v23  }
0x240: {  	v20 =	vmul.f32 v20, v4;
	v23 =	vld.idx.msk [tilespmem:v30+s1+$0x0], $0xffff;
	[tilespmem:s13+$0x20] =	vst v16  }
0x241: {  	v18 =	vmul.f32 v18, v5;
	[tilespmem:s14+$0xFFFFFFB0] =	vst v22;
	v22 =	vld.idx.msk [tilespmem:v37+s1+$0x0], $0xffff  }
0x242: {  	v19 =	vmul.f32 v19, v6;
	v25 =	vld.idx.msk [tilespmem:v41+s1+$0x0], $0xffff;
	[tilespmem:s14+$0xFFFFFFC0] =	vst v20  }
0x243: {  	v17 =	vmul.f32 v17, v7;
	v16 =	vld.idx.msk [tilespmem:v11+s1+$0x0], $0xffff;
	[tilespmem:s14+$0xFFFFFFD0] =	vst v18  }
.Ltmp2:
0x244: {  	v18 =	vmul.f32 v21, v1;
	v1 =	vmov v32;
	v11 =	vld.idx.msk [tilespmem:v12+s1+$0x0], $0xffff;
	[tilespmem:s14+$0xFFFFFFE0] =	vst v19;
	(pc) =	sbr.rel @p0 .LBB2_6-.Ltmp2, $4  }
0x245: {  	v12 =	vld.idx.msk [tilespmem:v13+s1+$0x0], $0xffff;
	[tilespmem:s14+$0xFFFFFFF0] =	vst v17;
	v17 =	vmul.f32 v24, v8  }
0x246: {  	v19 =	vmul.f32 v23, v1;
	v13 =	vld.idx.msk [tilespmem:v14+s1+$0x0], $0xffff;
	[tilespmem:s12+$0x10] =	vst v18  }
0x247: {  	[tilespmem:s14+$0x0] =	vst v17;
	v17 =	vmul.f32 v22, v9;
	v14 =	vld.idx.msk [tilespmem:v3+s1+$0x0], $0xffff;
	v3 =	vmov v15  }
0x248: {  	s18 =	sadd.s32 $0xA0, s18;
	s17 =	sadd.s32 $0xA0, s17;
	v15 =	vmul.f32 v25, v29;
	v10 =	vld.idx.msk [tilespmem:v10+s1+$0x0], $0xffff;
	[tilespmem:s14+$0x10] =	vst v19  }
0x249: {  	_ =	sdelay $0x2  }
0x24a: {  	v4 =	vmul.f32 v16, v4;
	[tilespmem:s14+$0x20] =	vst v17  }
0x24b: {  	v5 =	vmul.f32 v11, v5;
	v2 =	vld.idx.msk [tilespmem:v2+s1+$0x0], $0xffff;
	[tilespmem:s15+$0xFFFFFFB0] =	vst v15  }
0x24c: {  	v3 =	vld.idx.msk [tilespmem:v3+s1+$0x0], $0xffff;
	[tilespmem:s15+$0xFFFFFFC0] =	vst v4;
	v4 =	vmul.f32 v12, v6  }
0x24d: {  	[tilespmem:s15+$0xFFFFFFD0] =	vst v5;
	v5 =	vmul.f32 v13, v7  }
0x24e: {  	v0 =	vmul.f32 v14, v0;
	[tilespmem:s15+$0xFFFFFFE0] =	vst v4  }
0x24f: {  	[tilespmem:s15+$0xFFFFFFF0] =	vst v5;
	v4 =	vmul.f32 v10, v8  }
0x250: {  	[tilespmem:s12+$0x20] =	vst v0;
	v0 =	vmul.f32 v2, v1  }
0x251: {  	[tilespmem:s15+$0x0] =	vst v4;
	v1 =	vmul.f32 v3, v9  }
0x252: {  	[tilespmem:s15+$0x10] =	vst v0  }
0x253: {  	[tilespmem:s15+$0x20] =	vst v1  }
0x254: {  	s12 =	rddreg [dreg:$0xd]  }
0x255: {  	s11 =	simm.s32 $0x0;
	s17 =	sld [smem:$0x7F2]  }
0x256: {  	[hbm4b:s12+s11] =	stream.linear.scatter [tilespmem:s0], [sflag:$0x3], $0x2800, $0x38;
	[tilespmem:$0x19480] =	vst v63  }
0x257: {  	s18 =	sld [smem:$0x7F3]  }
0x258: {  	[hbm4b:s17+s11] =	stream.linear.scatter [tilespmem:s2], [sflag:$0x3], $0x2800, $0x38;
	[tilespmem:$0x19480] =	vst v63  }
0x259: {  	_ = 	snop  }
0x25a: {  	[hbm4b:s18+s11] =	stream.linear.scatter [tilespmem:s3], [sflag:$0x3], $0x2800, $0x38;
	[tilespmem:$0x19480] =	vst v63  }
0x25b: {  	s19 =	rddreg [dreg:$0xe]  }
0x25c: {  	[tilespmem:s25], [sflag:$0x1] =	stream.linear.gather [hbm4b:s19+s11], $0x2800, $0x38;
	[tilespmem:$0x19480] =	vst v63  }
0x25d: {  	s13 =	rddreg [dreg:$0xf]  }
0x25e: {  	[tilespmem:s26], [sflag:$0x1] =	stream.linear.gather [hbm4b:s13+s11], $0x2800, $0x38;
	[tilespmem:$0x19480] =	vst v63  }
0x25f: {  	_ =	swait.ge [sflag:s4], $0x2800  }
0x260: {  	[sflag:s4] =	ssyncset.done $0x0  }
0x261: {  	[sflag:s4] =	ssyncadd.s32 $0xFFFFD800  }
0x262: {  	_ =	swait.ge [sflag:s4], $0x2800  }
0x263: {  	[sflag:s4] =	ssyncset.done $0x0  }
0x264: {  	[sflag:s4] =	ssyncadd.s32 $0xFFFFD800  }
0x265: {  	_ =	swait.ge [sflag:s9], $0x2800  }
0x266: {  	[sflag:s9] =	ssyncset.done $0x0  }
0x267: {  	[sflag:s9] =	ssyncadd.s32 $0xFFFFD800  }
0x268: {  	_ =	swait.ge [sflag:s9], $0x2800  }
0x269: {  	[sflag:s9] =	ssyncset.done $0x0  }
0x26a: {  	[sflag:s9] =	ssyncadd.s32 $0xFFFFD800  }
0x26b: {  	_ =	swait.ge [sflag:s9], $0x2800  }
0x26c: {  	[sflag:s9] =	ssyncset.done $0x0  }
0x26d: {  	s14 =	simm.s32 $0x2CD0;
	[sflag:s9] =	ssyncadd.s32 $0xFFFFD800  }
0x26e: {  	s15 =	sand.u32 $0x3FE0, s11;
	v0 =	vld [tilespmem:s14+$0x40]  }
0x26f: {  	v1 =	vld [tilespmem:s15+$0x2D00]  }
0x270: {  	v2 =	vld [tilespmem:s14+$0xFFFFFFC0]  }
0x271: {  	v3 =	vld [tilespmem:s14+$0xFFFFFFD0]  }
0x272: {  	v5 =	vld [tilespmem:s14+$0xFFFFFFE0]  }
0x273: {  	v6 =	vld [tilespmem:s14+$0xFFFFFFF0]  }
0x274: {  	v7 =	vld [tilespmem:s14+$0x0]  }
0x275: {  	v9 =	vld [tilespmem:s14+$0x10]  }
0x276: {  	v4 =	vld [tilespmem:s15+$0x7D00]  }
0x277: {  	v10 =	vld [tilespmem:s14+$0x20]  }
0x278: {  	s13 =	simm.s32 $0x7CD0;
	v13 =	vld [tilespmem:s14+$0xFFFFFFB0]  }
0x279: {  	v14 =	vld [tilespmem:s13+$0xFFFFFFB0]  }
0x27a: {  	v16 =	vld [tilespmem:s13+$0xFFFFFFC0]  }
0x27b: {  	v18 =	vld [tilespmem:s13+$0xFFFFFFD0];
	v0 =	vmul.u32 $0x3, v0  }
0x27c: {  	v19 =	vld [tilespmem:s13+$0xFFFFFFE0]  }
0x27d: {  	v8 =	vmul.u32 $0x3, v1;
	v1 =	vld [tilespmem:s13+$0x40]  }
0x27e: {  	v20 =	vld [tilespmem:s13+$0xFFFFFFF0]  }
0x27f: {  	s18 =	simm.s32 $0x2D70;
	v22 =	vld [tilespmem:s13+$0x0]  }
0x280: {  	v51 =	vld [tilespmem:s18+$0xFFFFFFC0]  }
0x281: {  	v11 =	vld.idx.msk [tilespmem:v0+s1+$0x0], $0xffff  }
0x282: {  	v52 =	vld [tilespmem:s18+$0xFFFFFFD0];
	v1 =	vmul.f32 $6.999999880e-01, v1  }
0x283: {  	v12 =	vld.idx.msk [tilespmem:v8+s1+$0x0], $0xffff  }
0x284: {  	v53 =	vld [tilespmem:s18+$0xFFFFFFE0];
	v15 =	vmul.f32 $6.999999880e-01, v4;
	v17 =	vadd.s32 $0x1, v0;
	v4 =	vadd.f32 $3.000000120e-01, v1  }
0x285: {  	v54 =	vld [tilespmem:s18+$0xFFFFFFF0];
	v13 =	vmul.u32 $0x3, v13  }
0x286: {  	v55 =	vld [tilespmem:s18+$0x0];
	v1 =	vadd.f32 $3.000000120e-01, v15;
	v15 =	vadd.s32 $0x1, v8;
	v11 =	vmul.f32 v4, v11  }
0x287: {  	s16 =	simm.s32 $0x11CD0;
	s11 =	simm.s32 $0x7D70;
	v56 =	vld [tilespmem:s18+$0x10];
	v6 =	vmul.u32 $0x3, v6  }
0x288: {  	v57 =	vld [tilespmem:s11+$0x40];
	v7 =	vmul.u32 $0x3, v7;
	v12 =	vmul.f32 v1, v12;
	[tilespmem:s16+$0x40] =	vst v11  }
0x289: {  	v21 =	vmul.u32 $0x3, v2;
	v11 =	vmul.u32 $0x3, v3;
	v2 =	vld.idx.msk [tilespmem:v17+s1+$0x0], $0xffff  }
0x28a: {  	v59 =	vld [tilespmem:s18+$0x20];
	[tilespmem:s15+$0x11D00] =	vst v12;
	v12 =	vmul.u32 $0x3, v5  }
0x28b: {  	v3 =	vld.idx.msk [tilespmem:v15+s1+$0x0], $0xffff  }
0x28c: {  	v23 =	vld.idx.msk [tilespmem:v13+s1+$0x0], $0xffff;
	v0 =	vadd.s32 $0x2, v0  }
0x28d: {  	v30 =	vld.idx.msk [tilespmem:v6+s1+$0x0], $0xffff  }
0x28e: {  	v44 =	vld.idx.msk [tilespmem:v7+s1+$0x0], $0xffff;
	v27 =	vmul.f32 v2, v4  }
0x28f: {  	s17 =	simm.s32 $0x144D0;
	v5 =	vmul.u32 $0x3, v9;
	v9 =	vld.idx.msk [tilespmem:v11+s1+$0x0], $0xffff;
	v2 =	vmul.u32 $0x3, v10;
	v10 =	vmul.f32 $6.999999880e-01, v14  }
0x290: {  	v18 =	vmul.f32 $6.999999880e-01, v18;
	v14 =	vld.idx.msk [tilespmem:v12+s1+$0x0], $0xffff;
	v3 =	vmul.f32 v3, v1;
	[tilespmem:s17+$0x40] =	vst v27  }
0x291: {  	v10 =	vadd.f32 $3.000000120e-01, v10;
	v31 =	vld.idx.msk [tilespmem:v0+s1+$0x0], $0xffff;
	v0 =	vmul.f32 $6.999999880e-01, v19  }
0x292: {  	v18 =	vadd.f32 $3.000000120e-01, v18;
	v15 =	vld [tilespmem:s13+$0x10];
	v28 =	vadd.s32 $0x1, v12;
	[tilespmem:s15+$0x14500] =	vst v3;
	v3 =	vmul.f32 $6.999999880e-01, v20  }
0x293: {  	v17 =	vld [tilespmem:s13+$0x20];
	v19 =	vmul.f32 v10, v23;
	v45 =	vadd.f32 $3.000000120e-01, v0;
	v0 =	vmul.f32 $6.999999880e-01, v22  }
0x294: {  	v35 =	vld [tilespmem:s18+$0xFFFFFFB0];
	v26 =	vadd.s32 $0x1, v11;
	v33 =	vadd.f32 $3.000000120e-01, v3;
	v9 =	vmul.f32 v18, v9  }
0x295: {  	v32 =	vadd.s32 $0x1, v7;
	v25 =	vld.idx.msk [tilespmem:v21+s1+$0x0], $0xffff;
	[tilespmem:s16+$0xFFFFFFB0] =	vst v19;
	v19 =	vadd.f32 $3.000000120e-01, v0;
	v14 =	vmul.f32 v45, v14  }
0x296: {  	v16 =	vmul.f32 $6.999999880e-01, v16;
	v29 =	vadd.s32 $0x1, v6;
	v47 =	vld.idx.msk [tilespmem:v5+s1+$0x0], $0xffff;
	[tilespmem:s16+$0xFFFFFFD0] =	vst v9;
	v9 =	vmul.f32 v33, v30  }
0x297: {  	v3 =	vmul.f32 $6.999999880e-01, v15;
	v15 =	vld.idx.msk [tilespmem:v2+s1+$0x0], $0xffff;
	[tilespmem:s16+$0xFFFFFFE0] =	vst v14;
	v20 =	vmul.f32 v19, v44  }
0x298: {  	v16 =	vadd.f32 $3.000000120e-01, v16;
	v0 =	vmul.f32 $6.999999880e-01, v17;
	[tilespmem:s16+$0xFFFFFFF0] =	vst v9;
	v9 =	vld.idx.msk [tilespmem:v28+s1+$0x0], $0xffff  }
0x299: {  	v3 =	vadd.f32 $3.000000120e-01, v3;
	v14 =	vld.idx.msk [tilespmem:v26+s1+$0x0], $0xffff;
	[tilespmem:s16+$0x0] =	vst v20  }
0x29a: {  	v8 =	vadd.s32 $0x2, v8;
	v46 =	vmul.f32 v16, v25;
	v0 =	vadd.f32 $3.000000120e-01, v0;
	v20 =	vld.idx.msk [tilespmem:v32+s1+$0x0], $0xffff  }
0x29b: {  	v43 =	vadd.s32 $0x1, v13;
	v25 =	vmul.f32 v3, v47;
	v50 =	vld.idx.msk [tilespmem:v29+s1+$0x0], $0xffff  }
0x29c: {  	v36 =	vld [tilespmem:s11+$0xFFFFFFB0];
	[tilespmem:s16+$0xFFFFFFC0] =	vst v46;
	v15 =	vmul.f32 v0, v15  }
0x29d: {  	v37 =	vld [tilespmem:s11+$0xFFFFFFC0];
	[tilespmem:s16+$0x10] =	vst v25;
	v9 =	vmul.f32 v9, v45  }
0x29e: {  	v61 =	vld [tilespmem:s11+$0xFFFFFFD0];
	[tilespmem:s16+$0x20] =	vst v15;
	v14 =	vmul.f32 v14, v18  }
0x29f: {  	v8 =	vld.idx.msk [tilespmem:v8+s1+$0x0], $0xffff;
	[tilespmem:s17+$0xFFFFFFE0] =	vst v9;
	v9 =	vmul.f32 v20, v19  }
0x2a0: {  	s19 =	simm.s32 $0xA0;
	v17 =	vld.idx.msk [tilespmem:v43+s1+$0x0], $0xffff;
	[tilespmem:s17+$0xFFFFFFD0] =	vst v14;
	v14 =	vmul.f32 v50, v33  }
0x2a1: {  	v24 =	vadd.s32 $0x1, v21;
	s16 =	sand.u32 $0x3FE0, s19;
	[tilespmem:s17+$0x0] =	vst v9;
	v9 =	vld [tilespmem:s18+$0x40]  }
0x2a2: {  	[tilespmem:s17+$0xFFFFFFF0] =	vst v14;
	v14 =	vld [tilespmem:s16+$0x2D00]  }
0x2a3: {  	v40 =	vld [tilespmem:s11+$0xFFFFFFE0];
	v49 =	vadd.s32 $0x1, v2  }
0x2a4: {  	v41 =	vld [tilespmem:s11+$0xFFFFFFF0]  }
0x2a5: {  	v63 =	vld [tilespmem:s11+$0x10];
	v13 =	vadd.s32 $0x2, v13  }
0x2a6: {  	v24 =	vld.idx.msk [tilespmem:v24+s1+$0x0], $0xffff;
	v11 =	vadd.s32 $0x2, v11;
	v9 =	vmul.u32 $0x3, v9  }
0x2a7: {  	v1 =	vmul.f32 v8, v1;
	v8 =	vld [tilespmem:s11+$0x0];
	v17 =	vmul.f32 v17, v10;
	v14 =	vmul.u32 $0x3, v14  }
0x2a8: {  	v15 =	vld.idx.msk [tilespmem:v49+s1+$0x0], $0xffff  }
0x2a9: {  	v12 =	vadd.s32 $0x2, v12;
	[tilespmem:s17+$0xFFFFFFB0] =	vst v17;
	v58 =	vld [tilespmem:s16+$0x7D00]  }
0x2aa: {  	v48 =	vadd.s32 $0x1, v5;
	v13 =	vld.idx.msk [tilespmem:v13+s1+$0x0], $0xffff  }
0x2ab: {  	v21 =	vadd.s32 $0x2, v21;
	v24 =	vmul.f32 v24, v16;
	v11 =	vld.idx.msk [tilespmem:v11+s1+$0x0], $0xffff  }
0x2ac: {  	v35 =	vmul.u32 $0x3, v35;
	v6 =	vadd.s32 $0x2, v6;
	v60 =	vld.idx.msk [tilespmem:v9+s1+$0x0], $0xffff  }
0x2ad: {  	v7 =	vadd.s32 $0x2, v7;
	[tilespmem:s17+$0xFFFFFFC0] =	vst v24;
	v4 =	vmul.f32 v31, v4;
	v28 =	vmul.f32 $6.999999880e-01, v57;
	v34 =	vld.idx.msk [tilespmem:v14+s1+$0x0], $0xffff  }
0x2ae: {  	s12 =	simm.s32 $0x16CD0;
	[tilespmem:s15+$0x16D00] =	vst v1;
	v12 =	vld.idx.msk [tilespmem:v12+s1+$0x0], $0xffff;
	v29 =	vmul.f32 $6.999999880e-01, v58;
	v1 =	vmul.f32 v15, v0  }
0x2af: {  	[tilespmem:s12+$0x40] =	vst v4;
	v22 =	vld.idx.msk [tilespmem:v48+s1+$0x0], $0xffff;
	v28 =	vadd.f32 $3.000000120e-01, v28;
	v10 =	vmul.f32 v13, v10;
	v38 =	vadd.s32 $0x1, v9  }
0x2b0: {  	v17 =	vld.idx.msk [tilespmem:v21+s1+$0x0], $0xffff;
	v29 =	vadd.f32 $3.000000120e-01, v29;
	[tilespmem:s17+$0x20] =	vst v1;
	v1 =	vmul.f32 v11, v18  }
0x2b1: {  	v21 =	vmul.u32 $0x3, v52;
	v6 =	vld.idx.msk [tilespmem:v6+s1+$0x0], $0xffff;
	[tilespmem:s12+$0xFFFFFFB0] =	vst v10;
	v39 =	vadd.s32 $0x1, v14;
	v32 =	vmul.f32 v28, v60  }
0x2b2: {  	s13 =	simm.s32 $0x11D70;
	v20 =	vmul.u32 $0x3, v51;
	v7 =	vld.idx.msk [tilespmem:v7+s1+$0x0], $0xffff;
	[tilespmem:s12+$0xFFFFFFD0] =	vst v1;
	v4 =	vmul.f32 v29, v34  }
0x2b3: {  	v13 =	vmul.u32 $0x3, v54;
	v10 =	vmul.f32 v12, v45;
	v12 =	vld.idx.msk [tilespmem:v35+s1+$0x0], $0xffff;
	v1 =	vmul.f32 $6.999999880e-01, v36;
	[tilespmem:s13+$0x40] =	vst v32  }
0x2b4: {  	v15 =	vmul.u32 $0x3, v53;
	[tilespmem:s16+$0x11D00] =	vst v4;
	v4 =	vld.idx.msk [tilespmem:v38+s1+$0x0], $0xffff  }
0x2b5: {  	v22 =	vmul.f32 v22, v3;
	v11 =	vld [tilespmem:s11+$0x20];
	v18 =	vmul.u32 $0x3, v56;
	v43 =	vadd.f32 $3.000000120e-01, v1  }
0x2b6: {  	v62 =	vld.idx.msk [tilespmem:v39+s1+$0x0], $0xffff;
	v38 =	vadd.s32 $0x2, v5;
	v5 =	vmul.f32 v17, v16;
	v16 =	vmul.u32 $0x3, v55  }
0x2b7: {  	v46 =	vmul.f32 $6.999999880e-01, v40;
	[tilespmem:s17+$0x10] =	vst v22;
	v7 =	vmul.f32 v7, v19;
	v19 =	vld.idx.msk [tilespmem:v21+s1+$0x0], $0xffff  }
0x2b8: {  	[tilespmem:s12+$0xFFFFFFE0] =	vst v10;
	v10 =	vmul.u32 $0x3, v59;
	v12 =	vmul.f32 v43, v12;
	v9 =	vadd.s32 $0x2, v9;
	v17 =	vld.idx.msk [tilespmem:v20+s1+$0x0], $0xffff  }
0x2b9: {  	v44 =	vld.idx.msk [tilespmem:v13+s1+$0x0], $0xffff;
	v14 =	vadd.s32 $0x2, v14;
	[tilespmem:s12+$0xFFFFFFC0] =	vst v5;
	v5 =	vmul.f32 $6.999999880e-01, v37;
	v4 =	vmul.f32 v4, v28  }
0x2ba: {  	s14 =	simm.s32 $0x14570;
	v6 =	vmul.f32 v6, v33;
	v1 =	vmul.f32 $6.999999880e-01, v61;
	[tilespmem:s13+$0xFFFFFFB0] =	vst v12;
	v39 =	vld.idx.msk [tilespmem:v15+s1+$0x0], $0xffff  }
0x2bb: {  	v45 =	vadd.s32 $0x1, v35;
	v12 =	vld.idx.msk [tilespmem:v18+s1+$0x0], $0xffff;
	v24 =	vmul.f32 v62, v29;
	[tilespmem:s14+$0x40] =	vst v4;
	v4 =	vadd.f32 $3.000000120e-01, v5  }
0x2bc: {  	v8 =	vmul.f32 $6.999999880e-01, v8;
	[tilespmem:s12+$0xFFFFFFF0] =	vst v6;
	v48 =	vld.idx.msk [tilespmem:v16+s1+$0x0], $0xffff;
	v5 =	vadd.f32 $3.000000120e-01, v1;
	v1 =	vmul.f32 $6.999999880e-01, v41  }
0x2bd: {  	v42 =	vadd.s32 $0x1, v20;
	v6 =	vadd.f32 $3.000000120e-01, v46;
	[tilespmem:s16+$0x14500] =	vst v24;
	v9 =	vld.idx.msk [tilespmem:v9+s1+$0x0], $0xffff;
	v17 =	vmul.f32 v4, v17  }
0x2be: {  	v47 =	vadd.s32 $0x1, v21;
	[tilespmem:s12+$0x0] =	vst v7;
	v14 =	vld.idx.msk [tilespmem:v14+s1+$0x0], $0xffff;
	v7 =	vadd.f32 $3.000000120e-01, v1;
	v1 =	vmul.f32 v5, v19  }
0x2bf: {  	v8 =	vadd.f32 $3.000000120e-01, v8;
	v49 =	vadd.s32 $0x1, v15;
	v50 =	vld.idx.msk [tilespmem:v10+s1+$0x0], $0xffff;
	[tilespmem:s13+$0xFFFFFFC0] =	vst v17;
	v17 =	vmul.f32 v6, v39  }
0x2c0: {  	v22 =	vmul.f32 $6.999999880e-01, v63;
	v31 =	vld.idx.msk [tilespmem:v45+s1+$0x0], $0xffff;
	v19 =	vadd.s32 $0x1, v13;
	[tilespmem:s13+$0xFFFFFFD0] =	vst v1;
	v30 =	vmul.f32 v7, v44  }
0x2c1: {  	v11 =	vmul.f32 $6.999999880e-01, v11;
	v51 =	vadd.s32 $0x1, v16;
	v57 =	vld.idx.msk [tilespmem:v38+s1+$0x0], $0xffff;
	v55 =	vmul.f32 v8, v48;
	[tilespmem:s13+$0xFFFFFFE0] =	vst v17  }
0x2c2: {  	v52 =	vadd.s32 $0x1, v18;
	v1 =	vadd.f32 $3.000000120e-01, v22;
	v26 =	vld.idx.msk [tilespmem:v42+s1+$0x0], $0xffff;
	v17 =	vmul.f32 v9, v28;
	[tilespmem:s13+$0xFFFFFFF0] =	vst v30  }
0x2c3: {  	s15 =	simm.s32 $0x16D70;
	v54 =	vadd.s32 $0x1, v10;
	v53 =	vld.idx.msk [tilespmem:v47+s1+$0x0], $0xffff;
	v14 =	vmul.f32 v14, v29;
	v9 =	vadd.f32 $3.000000120e-01, v11;
	[tilespmem:s13+$0x0] =	vst v55  }
0x2c4: {  	v12 =	vmul.f32 v1, v12;
	v11 =	vld.idx.msk [tilespmem:v49+s1+$0x0], $0xffff;
	[tilespmem:s15+$0x40] =	vst v17;
	v17 =	vadd.s32 $0x2, v35  }
0x2c5: {  	v19 =	vld.idx.msk [tilespmem:v19+s1+$0x0], $0xffff;
	[tilespmem:s16+$0x16D00] =	vst v14;
	v14 =	vadd.s32 $0x2, v20;
	v56 =	vmul.f32 v9, v50  }
0x2c6: {  	v21 =	vadd.s32 $0x2, v21;
	v58 =	vmul.f32 v31, v43;
	v29 =	vld.idx.msk [tilespmem:v51+s1+$0x0], $0xffff;
	[tilespmem:s13+$0x10] =	vst v12  }
0x2c7: {  	v12 =	vadd.s32 $0x2, v15;
	v59 =	vld.idx.msk [tilespmem:v52+s1+$0x0], $0xffff;
	v15 =	vmul.f32 v26, v4;
	[tilespmem:s13+$0x20] =	vst v56  }
0x2c8: {  	[tilespmem:s14+$0xFFFFFFB0] =	vst v58;
	v62 =	vadd.s32 $0x2, v2;
	v60 =	vmul.f32 v53, v5;
	v61 =	vld.idx.msk [tilespmem:v54+s1+$0x0], $0xffff  }
0x2c9: {  	v13 =	vadd.s32 $0x2, v13;
	[tilespmem:s14+$0xFFFFFFC0] =	vst v15;
	v2 =	vmul.f32 v11, v6;
	v25 =	vld.idx.msk [tilespmem:v17+s1+$0x0], $0xffff  }
0x2ca: {  	v63 =	vadd.s32 $0x2, v16;
	[tilespmem:s14+$0xFFFFFFD0] =	vst v60;
	v16 =	vld.idx.msk [tilespmem:v14+s1+$0x0], $0xffff;
	v14 =	vmul.f32 v19, v7  }
0x2cb: {  	v11 =	vld.idx.msk [tilespmem:v21+s1+$0x0], $0xffff;
	[tilespmem:s14+$0xFFFFFFE0] =	vst v2;
	v2 =	vmul.f32 v57, v3  }
0x2cc: {  	v3 =	vmul.f32 v29, v8;
	v12 =	vld.idx.msk [tilespmem:v12+s1+$0x0], $0xffff;
	[tilespmem:s14+$0xFFFFFFF0] =	vst v14  }
0x2cd: {  	v19 =	vmul.f32 v59, v1;
	v14 =	vld.idx.msk [tilespmem:v62+s1+$0x0], $0xffff;
	[tilespmem:s12+$0x10] =	vst v2  }
0x2ce: {  	v13 =	vld.idx.msk [tilespmem:v13+s1+$0x0], $0xffff;
	[tilespmem:s14+$0x0] =	vst v3;
	v17 =	vmul.f32 v61, v9  }
0x2cf: {  	s18 =	simm.s32 $0x140;
	s17 =	simm.s32 $0x2E10;
	s16 =	simm.s32 $0xA;
	v2 =	vadd.s32 $0x2, v18;
	v3 =	vadd.s32 $0x2, v10;
	[tilespmem:s14+$0x10] =	vst v19;
	v10 =	vld.idx.msk [tilespmem:v63+s1+$0x0], $0xffff;
	v15 =	vmul.f32 v25, v43  }
.LBB2_8:
0x2d0: {  	s19 =	sand.u32 $0x3FE0, s18;
	v18 =	vld [tilespmem:s17+$0x40];
	s16 =	sadd.s32 $0xA, s16;
	v4 =	vmul.f32 v16, v4;
	[tilespmem:s14+$0x20] =	vst v17  }
0x2d1: {  	v5 =	vmul.f32 v11, v5;
	v16 =	vld [tilespmem:s19+$0x2D00];
	p0 =	slt.u32 s16, $0x276;
	[tilespmem:s15+$0xFFFFFFB0] =	vst v15  }
0x2d2: {  	v11 =	vld [tilespmem:s17+$0xFFFFFFC0];
	[tilespmem:s15+$0xFFFFFFC0] =	vst v4;
	v4 =	vmul.f32 v12, v6  }
0x2d3: {  	v6 =	vld [tilespmem:s17+$0xFFFFFFD0];
	[tilespmem:s15+$0xFFFFFFD0] =	vst v5;
	v5 =	vmul.f32 v13, v7  }
0x2d4: {  	v7 =	vld [tilespmem:s17+$0xFFFFFFE0];
	[tilespmem:s15+$0xFFFFFFE0] =	vst v4;
	v4 =	vmul.f32 v14, v0;
	v0 =	vmov v9  }
0x2d5: {  	v9 =	vld [tilespmem:s17+$0xFFFFFFF0];
	v17 =	vmul.u32 $0x3, v18;
	[tilespmem:s15+$0xFFFFFFF0] =	vst v5;
	v5 =	vmul.f32 v10, v8  }
0x2d6: {  	v8 =	vld [tilespmem:s17+$0x0];
	v16 =	vmul.u32 $0x3, v16;
	[tilespmem:s12+$0x20] =	vst v4;
	s12 =	smov.u32 s15  }
0x2d7: {  	s11 =	sadd.s32 $0xA0, s11;
	v18 =	vmul.u32 $0x3, v11;
	v4 =	vld [tilespmem:s17+$0x10];
	[tilespmem:s15+$0x0] =	vst v5  }
0x2d8: {  	v19 =	vmul.u32 $0x3, v6;
	v5 =	vld [tilespmem:s11+$0x40]  }
0x2d9: {  	v20 =	vadd.s32 $0x1, v18;
	v11 =	vadd.s32 $0x2, v18;
	v21 =	vmul.u32 $0x3, v7;
	v6 =	vld [tilespmem:s19+$0x7D00]  }
0x2da: {  	v22 =	vadd.s32 $0x1, v19;
	v12 =	vadd.s32 $0x2, v19;
	v9 =	vmul.u32 $0x3, v9;
	v7 =	vld [tilespmem:s17+$0x20]  }
0x2db: {  	v23 =	vadd.s32 $0x1, v21;
	v13 =	vadd.s32 $0x2, v21;
	v24 =	vmul.u32 $0x3, v8;
	v8 =	vld.idx.msk [tilespmem:v17+s1+$0x0], $0xffff  }
0x2dc: {  	v25 =	vadd.s32 $0x1, v9;
	v14 =	vadd.s32 $0x2, v9;
	v26 =	vmul.u32 $0x3, v4;
	v4 =	vld.idx.msk [tilespmem:v16+s1+$0x0], $0xffff  }
0x2dd: {  	v27 =	vld [tilespmem:s17+$0xFFFFFFB0];
	v28 =	vadd.s32 $0x1, v24;
	v10 =	vadd.s32 $0x2, v24;
	v5 =	vmul.f32 $6.999999880e-01, v5  }
0x2de: {  	v29 =	vld [tilespmem:s11+$0xFFFFFFB0];
	v30 =	vadd.s32 $0x1, v26;
	v31 =	vadd.s32 $0x2, v26;
	v6 =	vmul.f32 $6.999999880e-01, v6  }
0x2df: {  	v32 =	vld [tilespmem:s11+$0xFFFFFFC0];
	v33 =	vmul.u32 $0x3, v7;
	v34 =	vadd.f32 $3.000000120e-01, v5;
	v5 =	vadd.s32 $0x1, v17  }
0x2e0: {  	v7 =	vld [tilespmem:s11+$0xFFFFFFD0];
	v35 =	vadd.f32 $3.000000120e-01, v6;
	v6 =	vadd.s32 $0x1, v16  }
0x2e1: {  	v36 =	vld [tilespmem:s11+$0xFFFFFFE0];
	v37 =	vadd.s32 $0x1, v33;
	v15 =	vadd.s32 $0x2, v33;
	v8 =	vmul.f32 v34, v8  }
0x2e2: {  	s13 =	sadd.s32 $0xA0, s13;
	v27 =	vmul.u32 $0x3, v27;
	v38 =	vld [tilespmem:s11+$0xFFFFFFF0];
	v4 =	vmul.f32 v35, v4  }
0x2e3: {  	v29 =	vmul.f32 $6.999999880e-01, v29;
	v39 =	vld [tilespmem:s11+$0x0];
	[tilespmem:s13+$0x40] =	vst v8  }
0x2e4: {  	v40 =	vadd.s32 $0x1, v27;
	v41 =	vadd.s32 $0x2, v27;
	v8 =	vmul.f32 $6.999999880e-01, v32;
	[tilespmem:s19+$0x11D00] =	vst v4;
	v32 =	vld.idx.msk [tilespmem:v5+s1+$0x0], $0xffff  }
0x2e5: {  	v29 =	vadd.f32 $3.000000120e-01, v29;
	v5 =	vmul.f32 $6.999999880e-01, v7;
	v42 =	vld.idx.msk [tilespmem:v6+s1+$0x0], $0xffff  }
0x2e6: {  	v4 =	vadd.f32 $3.000000120e-01, v8;
	v6 =	vmul.f32 $6.999999880e-01, v36;
	v36 =	vld [tilespmem:s11+$0x10]  }
0x2e7: {  	v5 =	vadd.f32 $3.000000120e-01, v5;
	v7 =	vmul.f32 $6.999999880e-01, v38;
	v38 =	vld [tilespmem:s11+$0x20]  }
0x2e8: {  	v17 =	vadd.s32 $0x2, v17;
	v27 =	vld.idx.msk [tilespmem:v27+s1+$0x0], $0xffff;
	v6 =	vadd.f32 $3.000000120e-01, v6;
	v8 =	vmul.f32 $6.999999880e-01, v39  }
0x2e9: {  	v16 =	vadd.s32 $0x2, v16;
	v18 =	vld.idx.msk [tilespmem:v18+s1+$0x0], $0xffff;
	v7 =	vadd.f32 $3.000000120e-01, v7  }
0x2ea: {  	v32 =	vmul.f32 v32, v34;
	v19 =	vld.idx.msk [tilespmem:v19+s1+$0x0], $0xffff;
	v8 =	vadd.f32 $3.000000120e-01, v8  }
0x2eb: {  	s14 =	sadd.s32 $0xA0, s14;
	v39 =	vmul.f32 v42, v35;
	v21 =	vld.idx.msk [tilespmem:v21+s1+$0x0], $0xffff;
	v36 =	vmul.f32 $6.999999880e-01, v36  }
0x2ec: {  	v42 =	vld.idx.msk [tilespmem:v9+s1+$0x0], $0xffff;
	v9 =	vmul.f32 $6.999999880e-01, v38;
	[tilespmem:s14+$0x40] =	vst v32  }
0x2ed: {  	v32 =	vadd.f32 $3.000000120e-01, v36;
	[tilespmem:s19+$0x14500] =	vst v39;
	v17 =	vld.idx.msk [tilespmem:v17+s1+$0x0], $0xffff  }
0x2ee: {  	v27 =	vmul.f32 v29, v27;
	v9 =	vadd.f32 $3.000000120e-01, v9;
	v16 =	vld.idx.msk [tilespmem:v16+s1+$0x0], $0xffff  }
0x2ef: {  	v18 =	vmul.f32 v4, v18;
	v24 =	vld.idx.msk [tilespmem:v24+s1+$0x0], $0xffff  }
0x2f0: {  	v19 =	vmul.f32 v5, v19;
	[tilespmem:s13+$0xFFFFFFB0] =	vst v27;
	v26 =	vld.idx.msk [tilespmem:v26+s1+$0x0], $0xffff  }
0x2f1: {  	[tilespmem:s13+$0xFFFFFFC0] =	vst v18;
	v18 =	vmul.f32 v6, v21;
	v21 =	vld.idx.msk [tilespmem:v33+s1+$0x0], $0xffff  }
0x2f2: {  	v27 =	vld.idx.msk [tilespmem:v40+s1+$0x0], $0xffff;
	[tilespmem:s13+$0xFFFFFFD0] =	vst v19;
	v19 =	vmul.f32 v7, v42  }
0x2f3: {  	v17 =	vmul.f32 v17, v34;
	v20 =	vld.idx.msk [tilespmem:v20+s1+$0x0], $0xffff;
	[tilespmem:s13+$0xFFFFFFE0] =	vst v18  }
0x2f4: {  	s15 =	sadd.s32 $0xA0, s15;
	v16 =	vmul.f32 v16, v35;
	v18 =	vld.idx.msk [tilespmem:v22+s1+$0x0], $0xffff;
	[tilespmem:s13+$0xFFFFFFF0] =	vst v19  }
0x2f5: {  	v22 =	vmul.f32 v8, v24;
	v19 =	vld.idx.msk [tilespmem:v23+s1+$0x0], $0xffff;
	[tilespmem:s15+$0x40] =	vst v17  }
0x2f6: {  	v23 =	vmul.f32 v32, v26;
	v17 =	vld.idx.msk [tilespmem:v25+s1+$0x0], $0xffff;
	[tilespmem:s19+$0x16D00] =	vst v16  }
0x2f7: {  	v16 =	vmul.f32 v9, v21;
	[tilespmem:s13+$0x0] =	vst v22;
	v21 =	vld.idx.msk [tilespmem:v2+s1+$0x0], $0xffff;
	v2 =	vmov v31  }
0x2f8: {  	v22 =	vmul.f32 v27, v29;
	v24 =	vld.idx.msk [tilespmem:v28+s1+$0x0], $0xffff;
	[tilespmem:s13+$0x10] =	vst v23  }
0x2f9: {  	v20 =	vmul.f32 v20, v4;
	v23 =	vld.idx.msk [tilespmem:v30+s1+$0x0], $0xffff;
	[tilespmem:s13+$0x20] =	vst v16  }
0x2fa: {  	v18 =	vmul.f32 v18, v5;
	[tilespmem:s14+$0xFFFFFFB0] =	vst v22;
	v22 =	vld.idx.msk [tilespmem:v37+s1+$0x0], $0xffff  }
0x2fb: {  	v19 =	vmul.f32 v19, v6;
	v25 =	vld.idx.msk [tilespmem:v41+s1+$0x0], $0xffff;
	[tilespmem:s14+$0xFFFFFFC0] =	vst v20  }
0x2fc: {  	v17 =	vmul.f32 v17, v7;
	v16 =	vld.idx.msk [tilespmem:v11+s1+$0x0], $0xffff;
	[tilespmem:s14+$0xFFFFFFD0] =	vst v18  }
.Ltmp3:
0x2fd: {  	v18 =	vmul.f32 v21, v1;
	v1 =	vmov v32;
	v11 =	vld.idx.msk [tilespmem:v12+s1+$0x0], $0xffff;
	[tilespmem:s14+$0xFFFFFFE0] =	vst v19;
	(pc) =	sbr.rel @p0 .LBB2_8-.Ltmp3, $4  }
0x2fe: {  	v12 =	vld.idx.msk [tilespmem:v13+s1+$0x0], $0xffff;
	[tilespmem:s14+$0xFFFFFFF0] =	vst v17;
	v17 =	vmul.f32 v24, v8  }
0x2ff: {  	v19 =	vmul.f32 v23, v1;
	v13 =	vld.idx.msk [tilespmem:v14+s1+$0x0], $0xffff;
	[tilespmem:s12+$0x10] =	vst v18  }
0x300: {  	[tilespmem:s14+$0x0] =	vst v17;
	v17 =	vmul.f32 v22, v9;
	v14 =	vld.idx.msk [tilespmem:v3+s1+$0x0], $0xffff;
	v3 =	vmov v15  }
0x301: {  	s18 =	sadd.s32 $0xA0, s18;
	s17 =	sadd.s32 $0xA0, s17;
	v15 =	vmul.f32 v25, v29;
	v10 =	vld.idx.msk [tilespmem:v10+s1+$0x0], $0xffff;
	[tilespmem:s14+$0x10] =	vst v19  }
0x302: {  	_ =	sdelay $0x2  }
0x303: {  	v4 =	vmul.f32 v16, v4;
	[tilespmem:s14+$0x20] =	vst v17  }
0x304: {  	v5 =	vmul.f32 v11, v5;
	v2 =	vld.idx.msk [tilespmem:v2+s1+$0x0], $0xffff;
	[tilespmem:s15+$0xFFFFFFB0] =	vst v15  }
0x305: {  	v3 =	vld.idx.msk [tilespmem:v3+s1+$0x0], $0xffff;
	[tilespmem:s15+$0xFFFFFFC0] =	vst v4;
	v4 =	vmul.f32 v12, v6  }
0x306: {  	[tilespmem:s15+$0xFFFFFFD0] =	vst v5;
	v5 =	vmul.f32 v13, v7  }
0x307: {  	v0 =	vmul.f32 v14, v0;
	[tilespmem:s15+$0xFFFFFFE0] =	vst v4  }
0x308: {  	[tilespmem:s15+$0xFFFFFFF0] =	vst v5;
	v4 =	vmul.f32 v10, v8  }
0x309: {  	[tilespmem:s12+$0x20] =	vst v0;
	v0 =	vmul.f32 v2, v1  }
0x30a: {  	[tilespmem:s15+$0x0] =	vst v4;
	v1 =	vmul.f32 v3, v9  }
0x30b: {  	[tilespmem:s15+$0x10] =	vst v0  }
0x30c: {  	[tilespmem:s15+$0x20] =	vst v1  }
0x30d: {  	s12 =	rddreg [dreg:$0x10]  }
0x30e: {  	s11 =	simm.s32 $0x0;
	s17 =	sld [smem:$0x7F4]  }
0x30f: {  	[hbm4b:s12+s11] =	stream.linear.scatter [tilespmem:s5], [sflag:$0x4], $0x2800, $0x38;
	[tilespmem:$0x19480] =	vst v63  }
0x310: {  	s18 =	sld [smem:$0x7F5]  }
0x311: {  	[hbm4b:s17+s11] =	stream.linear.scatter [tilespmem:s6], [sflag:$0x4], $0x2800, $0x38;
	[tilespmem:$0x19480] =	vst v63  }
0x312: {  	_ = 	snop  }
0x313: {  	[hbm4b:s18+s11] =	stream.linear.scatter [tilespmem:s7], [sflag:$0x4], $0x2800, $0x38;
	[tilespmem:$0x19480] =	vst v63  }
0x314: {  	s19 =	rddreg [dreg:$0x11]  }
0x315: {  	[tilespmem:s30], [sflag:$0x2] =	stream.linear.gather [hbm4b:s19+s11], $0x2800, $0x38;
	[tilespmem:$0x19480] =	vst v63  }
0x316: {  	s13 =	rddreg [dreg:$0x12]  }
0x317: {  	[tilespmem:s31], [sflag:$0x2] =	stream.linear.gather [hbm4b:s13+s11], $0x2800, $0x38;
	[tilespmem:$0x19480] =	vst v63  }
0x318: {  	_ =	swait.ge [sflag:s28], $0x2800  }
0x319: {  	[sflag:s28] =	ssyncset.done $0x0  }
0x31a: {  	[sflag:s28] =	ssyncadd.s32 $0xFFFFD800  }
0x31b: {  	_ =	swait.ge [sflag:s28], $0x2800  }
0x31c: {  	[sflag:s28] =	ssyncset.done $0x0  }
0x31d: {  	[sflag:s28] =	ssyncadd.s32 $0xFFFFD800  }
0x31e: {  	_ =	swait.ge [sflag:s8], $0x2800  }
0x31f: {  	[sflag:s8] =	ssyncset.done $0x0  }
0x320: {  	[sflag:s8] =	ssyncadd.s32 $0xFFFFD800  }
0x321: {  	_ =	swait.ge [sflag:s8], $0x2800  }
0x322: {  	[sflag:s8] =	ssyncset.done $0x0  }
0x323: {  	[sflag:s8] =	ssyncadd.s32 $0xFFFFD800  }
0x324: {  	_ =	swait.ge [sflag:s8], $0x2800  }
0x325: {  	[sflag:s8] =	ssyncset.done $0x0  }
0x326: {  	s14 =	simm.s32 $0x4D0;
	[sflag:s8] =	ssyncadd.s32 $0xFFFFD800  }
0x327: {  	s15 =	sand.u32 $0x3FE0, s11;
	v0 =	vld [tilespmem:s14+$0x40]  }
0x328: {  	v1 =	vld [tilespmem:s15+$0x500]  }
0x329: {  	v2 =	vld [tilespmem:s14+$0xFFFFFFC0]  }
0x32a: {  	v3 =	vld [tilespmem:s14+$0xFFFFFFD0]  }
0x32b: {  	v5 =	vld [tilespmem:s14+$0xFFFFFFE0]  }
0x32c: {  	v6 =	vld [tilespmem:s14+$0xFFFFFFF0]  }
0x32d: {  	v7 =	vld [tilespmem:s14+$0x0]  }
0x32e: {  	v9 =	vld [tilespmem:s14+$0x10]  }
0x32f: {  	v4 =	vld [tilespmem:s15+$0x5500]  }
0x330: {  	v10 =	vld [tilespmem:s14+$0x20]  }
0x331: {  	s13 =	simm.s32 $0x54D0;
	v13 =	vld [tilespmem:s14+$0xFFFFFFB0]  }
0x332: {  	v14 =	vld [tilespmem:s13+$0xFFFFFFB0]  }
0x333: {  	v16 =	vld [tilespmem:s13+$0xFFFFFFC0]  }
0x334: {  	v18 =	vld [tilespmem:s13+$0xFFFFFFD0];
	v0 =	vmul.u32 $0x3, v0  }
0x335: {  	v19 =	vld [tilespmem:s13+$0xFFFFFFE0]  }
0x336: {  	v8 =	vmul.u32 $0x3, v1;
	v1 =	vld [tilespmem:s13+$0x40]  }
0x337: {  	v20 =	vld [tilespmem:s13+$0xFFFFFFF0]  }
0x338: {  	s18 =	simm.s32 $0x570;
	v22 =	vld [tilespmem:s13+$0x0]  }
0x339: {  	v51 =	vld [tilespmem:s18+$0xFFFFFFC0]  }
0x33a: {  	v11 =	vld.idx.msk [tilespmem:v0+s1+$0x0], $0xffff  }
0x33b: {  	v52 =	vld [tilespmem:s18+$0xFFFFFFD0];
	v1 =	vmul.f32 $6.999999880e-01, v1  }
0x33c: {  	v12 =	vld.idx.msk [tilespmem:v8+s1+$0x0], $0xffff  }
0x33d: {  	v53 =	vld [tilespmem:s18+$0xFFFFFFE0];
	v15 =	vmul.f32 $6.999999880e-01, v4;
	v17 =	vadd.s32 $0x1, v0;
	v4 =	vadd.f32 $3.000000120e-01, v1  }
0x33e: {  	v54 =	vld [tilespmem:s18+$0xFFFFFFF0];
	v13 =	vmul.u32 $0x3, v13  }
0x33f: {  	v55 =	vld [tilespmem:s18+$0x0];
	v1 =	vadd.f32 $3.000000120e-01, v15;
	v15 =	vadd.s32 $0x1, v8;
	v11 =	vmul.f32 v4, v11  }
0x340: {  	s16 =	simm.s32 $0xA4D0;
	s11 =	simm.s32 $0x5570;
	v56 =	vld [tilespmem:s18+$0x10];
	v6 =	vmul.u32 $0x3, v6  }
0x341: {  	v57 =	vld [tilespmem:s11+$0x40];
	v7 =	vmul.u32 $0x3, v7;
	v12 =	vmul.f32 v1, v12;
	[tilespmem:s16+$0x40] =	vst v11  }
0x342: {  	v21 =	vmul.u32 $0x3, v2;
	v11 =	vmul.u32 $0x3, v3;
	v2 =	vld.idx.msk [tilespmem:v17+s1+$0x0], $0xffff  }
0x343: {  	v59 =	vld [tilespmem:s18+$0x20];
	[tilespmem:s15+$0xA500] =	vst v12;
	v12 =	vmul.u32 $0x3, v5  }
0x344: {  	v3 =	vld.idx.msk [tilespmem:v15+s1+$0x0], $0xffff  }
0x345: {  	v23 =	vld.idx.msk [tilespmem:v13+s1+$0x0], $0xffff;
	v0 =	vadd.s32 $0x2, v0  }
0x346: {  	v30 =	vld.idx.msk [tilespmem:v6+s1+$0x0], $0xffff  }
0x347: {  	v44 =	vld.idx.msk [tilespmem:v7+s1+$0x0], $0xffff;
	v27 =	vmul.f32 v2, v4  }
0x348: {  	s17 =	simm.s32 $0xCCD0;
	v5 =	vmul.u32 $0x3, v9;
	v9 =	vld.idx.msk [tilespmem:v11+s1+$0x0], $0xffff;
	v2 =	vmul.u32 $0x3, v10;
	v10 =	vmul.f32 $6.999999880e-01, v14  }
0x349: {  	v18 =	vmul.f32 $6.999999880e-01, v18;
	v14 =	vld.idx.msk [tilespmem:v12+s1+$0x0], $0xffff;
	v3 =	vmul.f32 v3, v1;
	[tilespmem:s17+$0x40] =	vst v27  }
0x34a: {  	v10 =	vadd.f32 $3.000000120e-01, v10;
	v31 =	vld.idx.msk [tilespmem:v0+s1+$0x0], $0xffff;
	v0 =	vmul.f32 $6.999999880e-01, v19  }
0x34b: {  	v18 =	vadd.f32 $3.000000120e-01, v18;
	v15 =	vld [tilespmem:s13+$0x10];
	v28 =	vadd.s32 $0x1, v12;
	[tilespmem:s15+$0xCD00] =	vst v3;
	v3 =	vmul.f32 $6.999999880e-01, v20  }
0x34c: {  	v17 =	vld [tilespmem:s13+$0x20];
	v19 =	vmul.f32 v10, v23;
	v45 =	vadd.f32 $3.000000120e-01, v0;
	v0 =	vmul.f32 $6.999999880e-01, v22  }
0x34d: {  	v35 =	vld [tilespmem:s18+$0xFFFFFFB0];
	v26 =	vadd.s32 $0x1, v11;
	v33 =	vadd.f32 $3.000000120e-01, v3;
	v9 =	vmul.f32 v18, v9  }
0x34e: {  	v32 =	vadd.s32 $0x1, v7;
	v25 =	vld.idx.msk [tilespmem:v21+s1+$0x0], $0xffff;
	[tilespmem:s16+$0xFFFFFFB0] =	vst v19;
	v19 =	vadd.f32 $3.000000120e-01, v0;
	v14 =	vmul.f32 v45, v14  }
0x34f: {  	v16 =	vmul.f32 $6.999999880e-01, v16;
	v29 =	vadd.s32 $0x1, v6;
	v47 =	vld.idx.msk [tilespmem:v5+s1+$0x0], $0xffff;
	[tilespmem:s16+$0xFFFFFFD0] =	vst v9;
	v9 =	vmul.f32 v33, v30  }
0x350: {  	v3 =	vmul.f32 $6.999999880e-01, v15;
	v15 =	vld.idx.msk [tilespmem:v2+s1+$0x0], $0xffff;
	[tilespmem:s16+$0xFFFFFFE0] =	vst v14;
	v20 =	vmul.f32 v19, v44  }
0x351: {  	v16 =	vadd.f32 $3.000000120e-01, v16;
	v0 =	vmul.f32 $6.999999880e-01, v17;
	[tilespmem:s16+$0xFFFFFFF0] =	vst v9;
	v9 =	vld.idx.msk [tilespmem:v28+s1+$0x0], $0xffff  }
0x352: {  	v3 =	vadd.f32 $3.000000120e-01, v3;
	v14 =	vld.idx.msk [tilespmem:v26+s1+$0x0], $0xffff;
	[tilespmem:s16+$0x0] =	vst v20  }
0x353: {  	v8 =	vadd.s32 $0x2, v8;
	v46 =	vmul.f32 v16, v25;
	v0 =	vadd.f32 $3.000000120e-01, v0;
	v20 =	vld.idx.msk [tilespmem:v32+s1+$0x0], $0xffff  }
0x354: {  	v43 =	vadd.s32 $0x1, v13;
	v25 =	vmul.f32 v3, v47;
	v50 =	vld.idx.msk [tilespmem:v29+s1+$0x0], $0xffff  }
0x355: {  	v36 =	vld [tilespmem:s11+$0xFFFFFFB0];
	[tilespmem:s16+$0xFFFFFFC0] =	vst v46;
	v15 =	vmul.f32 v0, v15  }
0x356: {  	v37 =	vld [tilespmem:s11+$0xFFFFFFC0];
	[tilespmem:s16+$0x10] =	vst v25;
	v9 =	vmul.f32 v9, v45  }
0x357: {  	v61 =	vld [tilespmem:s11+$0xFFFFFFD0];
	[tilespmem:s16+$0x20] =	vst v15;
	v14 =	vmul.f32 v14, v18  }
0x358: {  	v8 =	vld.idx.msk [tilespmem:v8+s1+$0x0], $0xffff;
	[tilespmem:s17+$0xFFFFFFE0] =	vst v9;
	v9 =	vmul.f32 v20, v19  }
0x359: {  	s19 =	simm.s32 $0xA0;
	v17 =	vld.idx.msk [tilespmem:v43+s1+$0x0], $0xffff;
	[tilespmem:s17+$0xFFFFFFD0] =	vst v14;
	v14 =	vmul.f32 v50, v33  }
0x35a: {  	v24 =	vadd.s32 $0x1, v21;
	s16 =	sand.u32 $0x3FE0, s19;
	[tilespmem:s17+$0x0] =	vst v9;
	v9 =	vld [tilespmem:s18+$0x40]  }
0x35b: {  	[tilespmem:s17+$0xFFFFFFF0] =	vst v14;
	v14 =	vld [tilespmem:s16+$0x500]  }
0x35c: {  	v40 =	vld [tilespmem:s11+$0xFFFFFFE0];
	v49 =	vadd.s32 $0x1, v2  }
0x35d: {  	v41 =	vld [tilespmem:s11+$0xFFFFFFF0]  }
0x35e: {  	v63 =	vld [tilespmem:s11+$0x10];
	v13 =	vadd.s32 $0x2, v13  }
0x35f: {  	v24 =	vld.idx.msk [tilespmem:v24+s1+$0x0], $0xffff;
	v11 =	vadd.s32 $0x2, v11;
	v9 =	vmul.u32 $0x3, v9  }
0x360: {  	v1 =	vmul.f32 v8, v1;
	v8 =	vld [tilespmem:s11+$0x0];
	v17 =	vmul.f32 v17, v10;
	v14 =	vmul.u32 $0x3, v14  }
0x361: {  	v15 =	vld.idx.msk [tilespmem:v49+s1+$0x0], $0xffff  }
0x362: {  	v12 =	vadd.s32 $0x2, v12;
	[tilespmem:s17+$0xFFFFFFB0] =	vst v17;
	v58 =	vld [tilespmem:s16+$0x5500]  }
0x363: {  	v48 =	vadd.s32 $0x1, v5;
	v13 =	vld.idx.msk [tilespmem:v13+s1+$0x0], $0xffff  }
0x364: {  	v21 =	vadd.s32 $0x2, v21;
	v24 =	vmul.f32 v24, v16;
	v11 =	vld.idx.msk [tilespmem:v11+s1+$0x0], $0xffff  }
0x365: {  	v35 =	vmul.u32 $0x3, v35;
	v6 =	vadd.s32 $0x2, v6;
	v60 =	vld.idx.msk [tilespmem:v9+s1+$0x0], $0xffff  }
0x366: {  	v7 =	vadd.s32 $0x2, v7;
	[tilespmem:s17+$0xFFFFFFC0] =	vst v24;
	v4 =	vmul.f32 v31, v4;
	v28 =	vmul.f32 $6.999999880e-01, v57;
	v34 =	vld.idx.msk [tilespmem:v14+s1+$0x0], $0xffff  }
0x367: {  	s12 =	simm.s32 $0xF4D0;
	[tilespmem:s15+$0xF500] =	vst v1;
	v12 =	vld.idx.msk [tilespmem:v12+s1+$0x0], $0xffff;
	v29 =	vmul.f32 $6.999999880e-01, v58;
	v1 =	vmul.f32 v15, v0  }
0x368: {  	[tilespmem:s12+$0x40] =	vst v4;
	v22 =	vld.idx.msk [tilespmem:v48+s1+$0x0], $0xffff;
	v28 =	vadd.f32 $3.000000120e-01, v28;
	v10 =	vmul.f32 v13, v10;
	v38 =	vadd.s32 $0x1, v9  }
0x369: {  	v17 =	vld.idx.msk [tilespmem:v21+s1+$0x0], $0xffff;
	v29 =	vadd.f32 $3.000000120e-01, v29;
	[tilespmem:s17+$0x20] =	vst v1;
	v1 =	vmul.f32 v11, v18  }
0x36a: {  	v21 =	vmul.u32 $0x3, v52;
	v6 =	vld.idx.msk [tilespmem:v6+s1+$0x0], $0xffff;
	[tilespmem:s12+$0xFFFFFFB0] =	vst v10;
	v39 =	vadd.s32 $0x1, v14;
	v32 =	vmul.f32 v28, v60  }
0x36b: {  	s13 =	simm.s32 $0xA570;
	v20 =	vmul.u32 $0x3, v51;
	v7 =	vld.idx.msk [tilespmem:v7+s1+$0x0], $0xffff;
	[tilespmem:s12+$0xFFFFFFD0] =	vst v1;
	v4 =	vmul.f32 v29, v34  }
0x36c: {  	v13 =	vmul.u32 $0x3, v54;
	v10 =	vmul.f32 v12, v45;
	v12 =	vld.idx.msk [tilespmem:v35+s1+$0x0], $0xffff;
	v1 =	vmul.f32 $6.999999880e-01, v36;
	[tilespmem:s13+$0x40] =	vst v32  }
0x36d: {  	v15 =	vmul.u32 $0x3, v53;
	[tilespmem:s16+$0xA500] =	vst v4;
	v4 =	vld.idx.msk [tilespmem:v38+s1+$0x0], $0xffff  }
0x36e: {  	v22 =	vmul.f32 v22, v3;
	v11 =	vld [tilespmem:s11+$0x20];
	v18 =	vmul.u32 $0x3, v56;
	v43 =	vadd.f32 $3.000000120e-01, v1  }
0x36f: {  	v62 =	vld.idx.msk [tilespmem:v39+s1+$0x0], $0xffff;
	v38 =	vadd.s32 $0x2, v5;
	v5 =	vmul.f32 v17, v16;
	v16 =	vmul.u32 $0x3, v55  }
0x370: {  	v46 =	vmul.f32 $6.999999880e-01, v40;
	[tilespmem:s17+$0x10] =	vst v22;
	v7 =	vmul.f32 v7, v19;
	v19 =	vld.idx.msk [tilespmem:v21+s1+$0x0], $0xffff  }
0x371: {  	[tilespmem:s12+$0xFFFFFFE0] =	vst v10;
	v10 =	vmul.u32 $0x3, v59;
	v12 =	vmul.f32 v43, v12;
	v9 =	vadd.s32 $0x2, v9;
	v17 =	vld.idx.msk [tilespmem:v20+s1+$0x0], $0xffff  }
0x372: {  	v44 =	vld.idx.msk [tilespmem:v13+s1+$0x0], $0xffff;
	v14 =	vadd.s32 $0x2, v14;
	[tilespmem:s12+$0xFFFFFFC0] =	vst v5;
	v5 =	vmul.f32 $6.999999880e-01, v37;
	v4 =	vmul.f32 v4, v28  }
0x373: {  	s14 =	simm.s32 $0xCD70;
	v6 =	vmul.f32 v6, v33;
	v1 =	vmul.f32 $6.999999880e-01, v61;
	[tilespmem:s13+$0xFFFFFFB0] =	vst v12;
	v39 =	vld.idx.msk [tilespmem:v15+s1+$0x0], $0xffff  }
0x374: {  	v45 =	vadd.s32 $0x1, v35;
	v12 =	vld.idx.msk [tilespmem:v18+s1+$0x0], $0xffff;
	v24 =	vmul.f32 v62, v29;
	[tilespmem:s14+$0x40] =	vst v4;
	v4 =	vadd.f32 $3.000000120e-01, v5  }
0x375: {  	v8 =	vmul.f32 $6.999999880e-01, v8;
	[tilespmem:s12+$0xFFFFFFF0] =	vst v6;
	v48 =	vld.idx.msk [tilespmem:v16+s1+$0x0], $0xffff;
	v5 =	vadd.f32 $3.000000120e-01, v1;
	v1 =	vmul.f32 $6.999999880e-01, v41  }
0x376: {  	v42 =	vadd.s32 $0x1, v20;
	v6 =	vadd.f32 $3.000000120e-01, v46;
	[tilespmem:s16+$0xCD00] =	vst v24;
	v9 =	vld.idx.msk [tilespmem:v9+s1+$0x0], $0xffff;
	v17 =	vmul.f32 v4, v17  }
0x377: {  	v47 =	vadd.s32 $0x1, v21;
	[tilespmem:s12+$0x0] =	vst v7;
	v14 =	vld.idx.msk [tilespmem:v14+s1+$0x0], $0xffff;
	v7 =	vadd.f32 $3.000000120e-01, v1;
	v1 =	vmul.f32 v5, v19  }
0x378: {  	v8 =	vadd.f32 $3.000000120e-01, v8;
	v49 =	vadd.s32 $0x1, v15;
	v50 =	vld.idx.msk [tilespmem:v10+s1+$0x0], $0xffff;
	[tilespmem:s13+$0xFFFFFFC0] =	vst v17;
	v17 =	vmul.f32 v6, v39  }
0x379: {  	v22 =	vmul.f32 $6.999999880e-01, v63;
	v31 =	vld.idx.msk [tilespmem:v45+s1+$0x0], $0xffff;
	v19 =	vadd.s32 $0x1, v13;
	[tilespmem:s13+$0xFFFFFFD0] =	vst v1;
	v30 =	vmul.f32 v7, v44  }
0x37a: {  	v11 =	vmul.f32 $6.999999880e-01, v11;
	v51 =	vadd.s32 $0x1, v16;
	v57 =	vld.idx.msk [tilespmem:v38+s1+$0x0], $0xffff;
	v55 =	vmul.f32 v8, v48;
	[tilespmem:s13+$0xFFFFFFE0] =	vst v17  }
0x37b: {  	v52 =	vadd.s32 $0x1, v18;
	v1 =	vadd.f32 $3.000000120e-01, v22;
	v26 =	vld.idx.msk [tilespmem:v42+s1+$0x0], $0xffff;
	v17 =	vmul.f32 v9, v28;
	[tilespmem:s13+$0xFFFFFFF0] =	vst v30  }
0x37c: {  	s15 =	simm.s32 $0xF570;
	v54 =	vadd.s32 $0x1, v10;
	v53 =	vld.idx.msk [tilespmem:v47+s1+$0x0], $0xffff;
	v14 =	vmul.f32 v14, v29;
	v9 =	vadd.f32 $3.000000120e-01, v11;
	[tilespmem:s13+$0x0] =	vst v55  }
0x37d: {  	v12 =	vmul.f32 v1, v12;
	v11 =	vld.idx.msk [tilespmem:v49+s1+$0x0], $0xffff;
	[tilespmem:s15+$0x40] =	vst v17;
	v17 =	vadd.s32 $0x2, v35  }
0x37e: {  	v19 =	vld.idx.msk [tilespmem:v19+s1+$0x0], $0xffff;
	[tilespmem:s16+$0xF500] =	vst v14;
	v14 =	vadd.s32 $0x2, v20;
	v56 =	vmul.f32 v9, v50  }
0x37f: {  	v21 =	vadd.s32 $0x2, v21;
	v58 =	vmul.f32 v31, v43;
	v29 =	vld.idx.msk [tilespmem:v51+s1+$0x0], $0xffff;
	[tilespmem:s13+$0x10] =	vst v12  }
0x380: {  	v12 =	vadd.s32 $0x2, v15;
	v59 =	vld.idx.msk [tilespmem:v52+s1+$0x0], $0xffff;
	v15 =	vmul.f32 v26, v4;
	[tilespmem:s13+$0x20] =	vst v56  }
0x381: {  	[tilespmem:s14+$0xFFFFFFB0] =	vst v58;
	v62 =	vadd.s32 $0x2, v2;
	v60 =	vmul.f32 v53, v5;
	v61 =	vld.idx.msk [tilespmem:v54+s1+$0x0], $0xffff  }
0x382: {  	v13 =	vadd.s32 $0x2, v13;
	[tilespmem:s14+$0xFFFFFFC0] =	vst v15;
	v2 =	vmul.f32 v11, v6;
	v25 =	vld.idx.msk [tilespmem:v17+s1+$0x0], $0xffff  }
0x383: {  	v63 =	vadd.s32 $0x2, v16;
	[tilespmem:s14+$0xFFFFFFD0] =	vst v60;
	v16 =	vld.idx.msk [tilespmem:v14+s1+$0x0], $0xffff;
	v14 =	vmul.f32 v19, v7  }
0x384: {  	v11 =	vld.idx.msk [tilespmem:v21+s1+$0x0], $0xffff;
	[tilespmem:s14+$0xFFFFFFE0] =	vst v2;
	v2 =	vmul.f32 v57, v3  }
0x385: {  	v3 =	vmul.f32 v29, v8;
	v12 =	vld.idx.msk [tilespmem:v12+s1+$0x0], $0xffff;
	[tilespmem:s14+$0xFFFFFFF0] =	vst v14  }
0x386: {  	v19 =	vmul.f32 v59, v1;
	v14 =	vld.idx.msk [tilespmem:v62+s1+$0x0], $0xffff;
	[tilespmem:s12+$0x10] =	vst v2  }
0x387: {  	v13 =	vld.idx.msk [tilespmem:v13+s1+$0x0], $0xffff;
	[tilespmem:s14+$0x0] =	vst v3;
	v17 =	vmul.f32 v61, v9  }
0x388: {  	s18 =	simm.s32 $0x140;
	s17 =	simm.s32 $0x610;
	s16 =	simm.s32 $0xA;
	v2 =	vadd.s32 $0x2, v18;
	v3 =	vadd.s32 $0x2, v10;
	[tilespmem:s14+$0x10] =	vst v19;
	v10 =	vld.idx.msk [tilespmem:v63+s1+$0x0], $0xffff;
	v15 =	vmul.f32 v25, v43  }
.LBB2_10:
0x389: {  	s19 =	sand.u32 $0x3FE0, s18;
	v18 =	vld [tilespmem:s17+$0x40];
	s16 =	sadd.s32 $0xA, s16;
	v4 =	vmul.f32 v16, v4;
	[tilespmem:s14+$0x20] =	vst v17  }
0x38a: {  	v5 =	vmul.f32 v11, v5;
	v16 =	vld [tilespmem:s19+$0x500];
	p0 =	slt.u32 s16, $0x276;
	[tilespmem:s15+$0xFFFFFFB0] =	vst v15  }
0x38b: {  	v11 =	vld [tilespmem:s17+$0xFFFFFFC0];
	[tilespmem:s15+$0xFFFFFFC0] =	vst v4;
	v4 =	vmul.f32 v12, v6  }
0x38c: {  	v6 =	vld [tilespmem:s17+$0xFFFFFFD0];
	[tilespmem:s15+$0xFFFFFFD0] =	vst v5;
	v5 =	vmul.f32 v13, v7  }
0x38d: {  	v7 =	vld [tilespmem:s17+$0xFFFFFFE0];
	[tilespmem:s15+$0xFFFFFFE0] =	vst v4;
	v4 =	vmul.f32 v14, v0;
	v0 =	vmov v9  }
0x38e: {  	v9 =	vld [tilespmem:s17+$0xFFFFFFF0];
	v17 =	vmul.u32 $0x3, v18;
	[tilespmem:s15+$0xFFFFFFF0] =	vst v5;
	v5 =	vmul.f32 v10, v8  }
0x38f: {  	v8 =	vld [tilespmem:s17+$0x0];
	v16 =	vmul.u32 $0x3, v16;
	[tilespmem:s12+$0x20] =	vst v4;
	s12 =	smov.u32 s15  }
0x390: {  	s11 =	sadd.s32 $0xA0, s11;
	v18 =	vmul.u32 $0x3, v11;
	v4 =	vld [tilespmem:s17+$0x10];
	[tilespmem:s15+$0x0] =	vst v5  }
0x391: {  	v19 =	vmul.u32 $0x3, v6;
	v5 =	vld [tilespmem:s11+$0x40]  }
0x392: {  	v20 =	vadd.s32 $0x1, v18;
	v11 =	vadd.s32 $0x2, v18;
	v21 =	vmul.u32 $0x3, v7;
	v6 =	vld [tilespmem:s19+$0x5500]  }
0x393: {  	v22 =	vadd.s32 $0x1, v19;
	v12 =	vadd.s32 $0x2, v19;
	v9 =	vmul.u32 $0x3, v9;
	v7 =	vld [tilespmem:s17+$0x20]  }
0x394: {  	v23 =	vadd.s32 $0x1, v21;
	v13 =	vadd.s32 $0x2, v21;
	v24 =	vmul.u32 $0x3, v8;
	v8 =	vld.idx.msk [tilespmem:v17+s1+$0x0], $0xffff  }
0x395: {  	v25 =	vadd.s32 $0x1, v9;
	v14 =	vadd.s32 $0x2, v9;
	v26 =	vmul.u32 $0x3, v4;
	v4 =	vld.idx.msk [tilespmem:v16+s1+$0x0], $0xffff  }
0x396: {  	v27 =	vld [tilespmem:s17+$0xFFFFFFB0];
	v28 =	vadd.s32 $0x1, v24;
	v10 =	vadd.s32 $0x2, v24;
	v5 =	vmul.f32 $6.999999880e-01, v5  }
0x397: {  	v29 =	vld [tilespmem:s11+$0xFFFFFFB0];
	v30 =	vadd.s32 $0x1, v26;
	v31 =	vadd.s32 $0x2, v26;
	v6 =	vmul.f32 $6.999999880e-01, v6  }
0x398: {  	v32 =	vld [tilespmem:s11+$0xFFFFFFC0];
	v33 =	vmul.u32 $0x3, v7;
	v34 =	vadd.f32 $3.000000120e-01, v5;
	v5 =	vadd.s32 $0x1, v17  }
0x399: {  	v7 =	vld [tilespmem:s11+$0xFFFFFFD0];
	v35 =	vadd.f32 $3.000000120e-01, v6;
	v6 =	vadd.s32 $0x1, v16  }
0x39a: {  	v36 =	vld [tilespmem:s11+$0xFFFFFFE0];
	v37 =	vadd.s32 $0x1, v33;
	v15 =	vadd.s32 $0x2, v33;
	v8 =	vmul.f32 v34, v8  }
0x39b: {  	s13 =	sadd.s32 $0xA0, s13;
	v27 =	vmul.u32 $0x3, v27;
	v38 =	vld [tilespmem:s11+$0xFFFFFFF0];
	v4 =	vmul.f32 v35, v4  }
0x39c: {  	v29 =	vmul.f32 $6.999999880e-01, v29;
	v39 =	vld [tilespmem:s11+$0x0];
	[tilespmem:s13+$0x40] =	vst v8  }
0x39d: {  	v40 =	vadd.s32 $0x1, v27;
	v41 =	vadd.s32 $0x2, v27;
	v8 =	vmul.f32 $6.999999880e-01, v32;
	[tilespmem:s19+$0xA500] =	vst v4;
	v32 =	vld.idx.msk [tilespmem:v5+s1+$0x0], $0xffff  }
0x39e: {  	v29 =	vadd.f32 $3.000000120e-01, v29;
	v5 =	vmul.f32 $6.999999880e-01, v7;
	v42 =	vld.idx.msk [tilespmem:v6+s1+$0x0], $0xffff  }
0x39f: {  	v4 =	vadd.f32 $3.000000120e-01, v8;
	v6 =	vmul.f32 $6.999999880e-01, v36;
	v36 =	vld [tilespmem:s11+$0x10]  }
0x3a0: {  	v5 =	vadd.f32 $3.000000120e-01, v5;
	v7 =	vmul.f32 $6.999999880e-01, v38;
	v38 =	vld [tilespmem:s11+$0x20]  }
0x3a1: {  	v17 =	vadd.s32 $0x2, v17;
	v27 =	vld.idx.msk [tilespmem:v27+s1+$0x0], $0xffff;
	v6 =	vadd.f32 $3.000000120e-01, v6;
	v8 =	vmul.f32 $6.999999880e-01, v39  }
0x3a2: {  	v16 =	vadd.s32 $0x2, v16;
	v18 =	vld.idx.msk [tilespmem:v18+s1+$0x0], $0xffff;
	v7 =	vadd.f32 $3.000000120e-01, v7  }
0x3a3: {  	v32 =	vmul.f32 v32, v34;
	v19 =	vld.idx.msk [tilespmem:v19+s1+$0x0], $0xffff;
	v8 =	vadd.f32 $3.000000120e-01, v8  }
0x3a4: {  	s14 =	sadd.s32 $0xA0, s14;
	v39 =	vmul.f32 v42, v35;
	v21 =	vld.idx.msk [tilespmem:v21+s1+$0x0], $0xffff;
	v36 =	vmul.f32 $6.999999880e-01, v36  }
0x3a5: {  	v42 =	vld.idx.msk [tilespmem:v9+s1+$0x0], $0xffff;
	v9 =	vmul.f32 $6.999999880e-01, v38;
	[tilespmem:s14+$0x40] =	vst v32  }
0x3a6: {  	v32 =	vadd.f32 $3.000000120e-01, v36;
	[tilespmem:s19+$0xCD00] =	vst v39;
	v17 =	vld.idx.msk [tilespmem:v17+s1+$0x0], $0xffff  }
0x3a7: {  	v27 =	vmul.f32 v29, v27;
	v9 =	vadd.f32 $3.000000120e-01, v9;
	v16 =	vld.idx.msk [tilespmem:v16+s1+$0x0], $0xffff  }
0x3a8: {  	v18 =	vmul.f32 v4, v18;
	v24 =	vld.idx.msk [tilespmem:v24+s1+$0x0], $0xffff  }
0x3a9: {  	v19 =	vmul.f32 v5, v19;
	[tilespmem:s13+$0xFFFFFFB0] =	vst v27;
	v26 =	vld.idx.msk [tilespmem:v26+s1+$0x0], $0xffff  }
0x3aa: {  	[tilespmem:s13+$0xFFFFFFC0] =	vst v18;
	v18 =	vmul.f32 v6, v21;
	v21 =	vld.idx.msk [tilespmem:v33+s1+$0x0], $0xffff  }
0x3ab: {  	v27 =	vld.idx.msk [tilespmem:v40+s1+$0x0], $0xffff;
	[tilespmem:s13+$0xFFFFFFD0] =	vst v19;
	v19 =	vmul.f32 v7, v42  }
0x3ac: {  	v17 =	vmul.f32 v17, v34;
	v20 =	vld.idx.msk [tilespmem:v20+s1+$0x0], $0xffff;
	[tilespmem:s13+$0xFFFFFFE0] =	vst v18  }
0x3ad: {  	s15 =	sadd.s32 $0xA0, s15;
	v16 =	vmul.f32 v16, v35;
	v18 =	vld.idx.msk [tilespmem:v22+s1+$0x0], $0xffff;
	[tilespmem:s13+$0xFFFFFFF0] =	vst v19  }
0x3ae: {  	v22 =	vmul.f32 v8, v24;
	v19 =	vld.idx.msk [tilespmem:v23+s1+$0x0], $0xffff;
	[tilespmem:s15+$0x40] =	vst v17  }
0x3af: {  	v23 =	vmul.f32 v32, v26;
	v17 =	vld.idx.msk [tilespmem:v25+s1+$0x0], $0xffff;
	[tilespmem:s19+$0xF500] =	vst v16  }
0x3b0: {  	v16 =	vmul.f32 v9, v21;
	[tilespmem:s13+$0x0] =	vst v22;
	v21 =	vld.idx.msk [tilespmem:v2+s1+$0x0], $0xffff;
	v2 =	vmov v31  }
0x3b1: {  	v22 =	vmul.f32 v27, v29;
	v24 =	vld.idx.msk [tilespmem:v28+s1+$0x0], $0xffff;
	[tilespmem:s13+$0x10] =	vst v23  }
0x3b2: {  	v20 =	vmul.f32 v20, v4;
	v23 =	vld.idx.msk [tilespmem:v30+s1+$0x0], $0xffff;
	[tilespmem:s13+$0x20] =	vst v16  }
0x3b3: {  	v18 =	vmul.f32 v18, v5;
	[tilespmem:s14+$0xFFFFFFB0] =	vst v22;
	v22 =	vld.idx.msk [tilespmem:v37+s1+$0x0], $0xffff  }
0x3b4: {  	v19 =	vmul.f32 v19, v6;
	v25 =	vld.idx.msk [tilespmem:v41+s1+$0x0], $0xffff;
	[tilespmem:s14+$0xFFFFFFC0] =	vst v20  }
0x3b5: {  	v17 =	vmul.f32 v17, v7;
	v16 =	vld.idx.msk [tilespmem:v11+s1+$0x0], $0xffff;
	[tilespmem:s14+$0xFFFFFFD0] =	vst v18  }
.Ltmp4:
0x3b6: {  	v18 =	vmul.f32 v21, v1;
	v1 =	vmov v32;
	v11 =	vld.idx.msk [tilespmem:v12+s1+$0x0], $0xffff;
	[tilespmem:s14+$0xFFFFFFE0] =	vst v19;
	(pc) =	sbr.rel @p0 .LBB2_10-.Ltmp4, $4  }
0x3b7: {  	v12 =	vld.idx.msk [tilespmem:v13+s1+$0x0], $0xffff;
	[tilespmem:s14+$0xFFFFFFF0] =	vst v17;
	v17 =	vmul.f32 v24, v8  }
0x3b8: {  	v19 =	vmul.f32 v23, v1;
	v13 =	vld.idx.msk [tilespmem:v14+s1+$0x0], $0xffff;
	[tilespmem:s12+$0x10] =	vst v18  }
0x3b9: {  	[tilespmem:s14+$0x0] =	vst v17;
	v17 =	vmul.f32 v22, v9;
	v14 =	vld.idx.msk [tilespmem:v3+s1+$0x0], $0xffff;
	v3 =	vmov v15  }
0x3ba: {  	s18 =	sadd.s32 $0xA0, s18;
	s17 =	sadd.s32 $0xA0, s17;
	v15 =	vmul.f32 v25, v29;
	v10 =	vld.idx.msk [tilespmem:v10+s1+$0x0], $0xffff;
	[tilespmem:s14+$0x10] =	vst v19  }
0x3bb: {  	_ =	sdelay $0x2  }
0x3bc: {  	v4 =	vmul.f32 v16, v4;
	[tilespmem:s14+$0x20] =	vst v17  }
0x3bd: {  	v5 =	vmul.f32 v11, v5;
	v2 =	vld.idx.msk [tilespmem:v2+s1+$0x0], $0xffff;
	[tilespmem:s15+$0xFFFFFFB0] =	vst v15  }
0x3be: {  	v3 =	vld.idx.msk [tilespmem:v3+s1+$0x0], $0xffff;
	[tilespmem:s15+$0xFFFFFFC0] =	vst v4;
	v4 =	vmul.f32 v12, v6  }
0x3bf: {  	[tilespmem:s15+$0xFFFFFFD0] =	vst v5;
	v5 =	vmul.f32 v13, v7  }
0x3c0: {  	v0 =	vmul.f32 v14, v0;
	[tilespmem:s15+$0xFFFFFFE0] =	vst v4  }
0x3c1: {  	[tilespmem:s15+$0xFFFFFFF0] =	vst v5;
	v4 =	vmul.f32 v10, v8  }
0x3c2: {  	[tilespmem:s12+$0x20] =	vst v0;
	v0 =	vmul.f32 v2, v1  }
0x3c3: {  	[tilespmem:s15+$0x0] =	vst v4;
	v1 =	vmul.f32 v3, v9  }
0x3c4: {  	[tilespmem:s15+$0x10] =	vst v0  }
0x3c5: {  	[tilespmem:s15+$0x20] =	vst v1  }
0x3c6: {  	s12 =	rddreg [dreg:$0x13]  }
0x3c7: {  	s11 =	simm.s32 $0x0;
	s17 =	sld [smem:$0x7F6]  }
0x3c8: {  	[hbm4b:s12+s11] =	stream.linear.scatter [tilespmem:s0], [sflag:$0x3], $0x2800, $0x38;
	[tilespmem:$0x19480] =	vst v63  }
0x3c9: {  	s18 =	sld [smem:$0x7F7]  }
0x3ca: {  	[hbm4b:s17+s11] =	stream.linear.scatter [tilespmem:s2], [sflag:$0x3], $0x2800, $0x38;
	[tilespmem:$0x19480] =	vst v63  }
0x3cb: {  	_ = 	snop  }
0x3cc: {  	[hbm4b:s18+s11] =	stream.linear.scatter [tilespmem:s3], [sflag:$0x3], $0x2800, $0x38;
	[tilespmem:$0x19480] =	vst v63  }
0x3cd: {  	s19 =	rddreg [dreg:$0x14]  }
0x3ce: {  	[tilespmem:s25], [sflag:$0x1] =	stream.linear.gather [hbm4b:s19+s11], $0x2800, $0x38;
	[tilespmem:$0x19480] =	vst v63  }
0x3cf: {  	s13 =	rddreg [dreg:$0x15]  }
0x3d0: {  	[tilespmem:s26], [sflag:$0x1] =	stream.linear.gather [hbm4b:s13+s11], $0x2800, $0x38;
	[tilespmem:$0x19480] =	vst v63  }
0x3d1: {  	_ =	swait.ge [sflag:s4], $0x2800  }
0x3d2: {  	[sflag:s4] =	ssyncset.done $0x0  }
0x3d3: {  	[sflag:s4] =	ssyncadd.s32 $0xFFFFD800  }
0x3d4: {  	_ =	swait.ge [sflag:s4], $0x2800  }
0x3d5: {  	[sflag:s4] =	ssyncset.done $0x0  }
0x3d6: {  	[sflag:s4] =	ssyncadd.s32 $0xFFFFD800  }
0x3d7: {  	_ =	swait.ge [sflag:s9], $0x2800  }
0x3d8: {  	[sflag:s9] =	ssyncset.done $0x0  }
0x3d9: {  	[sflag:s9] =	ssyncadd.s32 $0xFFFFD800  }
0x3da: {  	_ =	swait.ge [sflag:s9], $0x2800  }
0x3db: {  	[sflag:s9] =	ssyncset.done $0x0  }
0x3dc: {  	[sflag:s9] =	ssyncadd.s32 $0xFFFFD800  }
0x3dd: {  	_ =	swait.ge [sflag:s9], $0x2800  }
0x3de: {  	[sflag:s9] =	ssyncset.done $0x0  }
0x3df: {  	s14 =	simm.s32 $0x2CD0;
	[sflag:s9] =	ssyncadd.s32 $0xFFFFD800  }
0x3e0: {  	s15 =	sand.u32 $0x3FE0, s11;
	v0 =	vld [tilespmem:s14+$0x40]  }
0x3e1: {  	v1 =	vld [tilespmem:s15+$0x2D00]  }
0x3e2: {  	v2 =	vld [tilespmem:s14+$0xFFFFFFC0]  }
0x3e3: {  	v3 =	vld [tilespmem:s14+$0xFFFFFFD0]  }
0x3e4: {  	v5 =	vld [tilespmem:s14+$0xFFFFFFE0]  }
0x3e5: {  	v6 =	vld [tilespmem:s14+$0xFFFFFFF0]  }
0x3e6: {  	v7 =	vld [tilespmem:s14+$0x0]  }
0x3e7: {  	v9 =	vld [tilespmem:s14+$0x10]  }
0x3e8: {  	v4 =	vld [tilespmem:s15+$0x7D00]  }
0x3e9: {  	v10 =	vld [tilespmem:s14+$0x20]  }
0x3ea: {  	s13 =	simm.s32 $0x7CD0;
	v13 =	vld [tilespmem:s14+$0xFFFFFFB0]  }
0x3eb: {  	v14 =	vld [tilespmem:s13+$0xFFFFFFB0]  }
0x3ec: {  	v16 =	vld [tilespmem:s13+$0xFFFFFFC0]  }
0x3ed: {  	v18 =	vld [tilespmem:s13+$0xFFFFFFD0];
	v0 =	vmul.u32 $0x3, v0  }
0x3ee: {  	v19 =	vld [tilespmem:s13+$0xFFFFFFE0]  }
0x3ef: {  	v8 =	vmul.u32 $0x3, v1;
	v1 =	vld [tilespmem:s13+$0x40]  }
0x3f0: {  	v20 =	vld [tilespmem:s13+$0xFFFFFFF0]  }
0x3f1: {  	s18 =	simm.s32 $0x2D70;
	v22 =	vld [tilespmem:s13+$0x0]  }
0x3f2: {  	v51 =	vld [tilespmem:s18+$0xFFFFFFC0]  }
0x3f3: {  	v11 =	vld.idx.msk [tilespmem:v0+s1+$0x0], $0xffff  }
0x3f4: {  	v52 =	vld [tilespmem:s18+$0xFFFFFFD0];
	v1 =	vmul.f32 $6.999999880e-01, v1  }
0x3f5: {  	v12 =	vld.idx.msk [tilespmem:v8+s1+$0x0], $0xffff  }
0x3f6: {  	v53 =	vld [tilespmem:s18+$0xFFFFFFE0];
	v15 =	vmul.f32 $6.999999880e-01, v4;
	v17 =	vadd.s32 $0x1, v0;
	v4 =	vadd.f32 $3.000000120e-01, v1  }
0x3f7: {  	v54 =	vld [tilespmem:s18+$0xFFFFFFF0];
	v13 =	vmul.u32 $0x3, v13  }
0x3f8: {  	v55 =	vld [tilespmem:s18+$0x0];
	v1 =	vadd.f32 $3.000000120e-01, v15;
	v15 =	vadd.s32 $0x1, v8;
	v11 =	vmul.f32 v4, v11  }
0x3f9: {  	s16 =	simm.s32 $0x11CD0;
	s11 =	simm.s32 $0x7D70;
	v56 =	vld [tilespmem:s18+$0x10];
	v6 =	vmul.u32 $0x3, v6  }
0x3fa: {  	v57 =	vld [tilespmem:s11+$0x40];
	v7 =	vmul.u32 $0x3, v7;
	v12 =	vmul.f32 v1, v12;
	[tilespmem:s16+$0x40] =	vst v11  }
0x3fb: {  	v21 =	vmul.u32 $0x3, v2;
	v11 =	vmul.u32 $0x3, v3;
	v2 =	vld.idx.msk [tilespmem:v17+s1+$0x0], $0xffff  }
0x3fc: {  	v59 =	vld [tilespmem:s18+$0x20];
	[tilespmem:s15+$0x11D00] =	vst v12;
	v12 =	vmul.u32 $0x3, v5  }
0x3fd: {  	v3 =	vld.idx.msk [tilespmem:v15+s1+$0x0], $0xffff  }
0x3fe: {  	v23 =	vld.idx.msk [tilespmem:v13+s1+$0x0], $0xffff;
	v0 =	vadd.s32 $0x2, v0  }
0x3ff: {  	v30 =	vld.idx.msk [tilespmem:v6+s1+$0x0], $0xffff  }
0x400: {  	v44 =	vld.idx.msk [tilespmem:v7+s1+$0x0], $0xffff;
	v27 =	vmul.f32 v2, v4  }
0x401: {  	s17 =	simm.s32 $0x144D0;
	v5 =	vmul.u32 $0x3, v9;
	v9 =	vld.idx.msk [tilespmem:v11+s1+$0x0], $0xffff;
	v2 =	vmul.u32 $0x3, v10;
	v10 =	vmul.f32 $6.999999880e-01, v14  }
0x402: {  	v18 =	vmul.f32 $6.999999880e-01, v18;
	v14 =	vld.idx.msk [tilespmem:v12+s1+$0x0], $0xffff;
	v3 =	vmul.f32 v3, v1;
	[tilespmem:s17+$0x40] =	vst v27  }
0x403: {  	v10 =	vadd.f32 $3.000000120e-01, v10;
	v31 =	vld.idx.msk [tilespmem:v0+s1+$0x0], $0xffff;
	v0 =	vmul.f32 $6.999999880e-01, v19  }
0x404: {  	v18 =	vadd.f32 $3.000000120e-01, v18;
	v15 =	vld [tilespmem:s13+$0x10];
	v28 =	vadd.s32 $0x1, v12;
	[tilespmem:s15+$0x14500] =	vst v3;
	v3 =	vmul.f32 $6.999999880e-01, v20  }
0x405: {  	v17 =	vld [tilespmem:s13+$0x20];
	v19 =	vmul.f32 v10, v23;
	v45 =	vadd.f32 $3.000000120e-01, v0;
	v0 =	vmul.f32 $6.999999880e-01, v22  }
0x406: {  	v35 =	vld [tilespmem:s18+$0xFFFFFFB0];
	v26 =	vadd.s32 $0x1, v11;
	v33 =	vadd.f32 $3.000000120e-01, v3;
	v9 =	vmul.f32 v18, v9  }
0x407: {  	v32 =	vadd.s32 $0x1, v7;
	v25 =	vld.idx.msk [tilespmem:v21+s1+$0x0], $0xffff;
	[tilespmem:s16+$0xFFFFFFB0] =	vst v19;
	v19 =	vadd.f32 $3.000000120e-01, v0;
	v14 =	vmul.f32 v45, v14  }
0x408: {  	v16 =	vmul.f32 $6.999999880e-01, v16;
	v29 =	vadd.s32 $0x1, v6;
	v47 =	vld.idx.msk [tilespmem:v5+s1+$0x0], $0xffff;
	[tilespmem:s16+$0xFFFFFFD0] =	vst v9;
	v9 =	vmul.f32 v33, v30  }
0x409: {  	v3 =	vmul.f32 $6.999999880e-01, v15;
	v15 =	vld.idx.msk [tilespmem:v2+s1+$0x0], $0xffff;
	[tilespmem:s16+$0xFFFFFFE0] =	vst v14;
	v20 =	vmul.f32 v19, v44  }
0x40a: {  	v16 =	vadd.f32 $3.000000120e-01, v16;
	v0 =	vmul.f32 $6.999999880e-01, v17;
	[tilespmem:s16+$0xFFFFFFF0] =	vst v9;
	v9 =	vld.idx.msk [tilespmem:v28+s1+$0x0], $0xffff  }
0x40b: {  	v3 =	vadd.f32 $3.000000120e-01, v3;
	v14 =	vld.idx.msk [tilespmem:v26+s1+$0x0], $0xffff;
	[tilespmem:s16+$0x0] =	vst v20  }
0x40c: {  	v8 =	vadd.s32 $0x2, v8;
	v46 =	vmul.f32 v16, v25;
	v0 =	vadd.f32 $3.000000120e-01, v0;
	v20 =	vld.idx.msk [tilespmem:v32+s1+$0x0], $0xffff  }
0x40d: {  	v43 =	vadd.s32 $0x1, v13;
	v25 =	vmul.f32 v3, v47;
	v50 =	vld.idx.msk [tilespmem:v29+s1+$0x0], $0xffff  }
0x40e: {  	v36 =	vld [tilespmem:s11+$0xFFFFFFB0];
	[tilespmem:s16+$0xFFFFFFC0] =	vst v46;
	v15 =	vmul.f32 v0, v15  }
0x40f: {  	v37 =	vld [tilespmem:s11+$0xFFFFFFC0];
	[tilespmem:s16+$0x10] =	vst v25;
	v9 =	vmul.f32 v9, v45  }
0x410: {  	v61 =	vld [tilespmem:s11+$0xFFFFFFD0];
	[tilespmem:s16+$0x20] =	vst v15;
	v14 =	vmul.f32 v14, v18  }
0x411: {  	v8 =	vld.idx.msk [tilespmem:v8+s1+$0x0], $0xffff;
	[tilespmem:s17+$0xFFFFFFE0] =	vst v9;
	v9 =	vmul.f32 v20, v19  }
0x412: {  	s19 =	simm.s32 $0xA0;
	v17 =	vld.idx.msk [tilespmem:v43+s1+$0x0], $0xffff;
	[tilespmem:s17+$0xFFFFFFD0] =	vst v14;
	v14 =	vmul.f32 v50, v33  }
0x413: {  	v24 =	vadd.s32 $0x1, v21;
	s16 =	sand.u32 $0x3FE0, s19;
	[tilespmem:s17+$0x0] =	vst v9;
	v9 =	vld [tilespmem:s18+$0x40]  }
0x414: {  	[tilespmem:s17+$0xFFFFFFF0] =	vst v14;
	v14 =	vld [tilespmem:s16+$0x2D00]  }
0x415: {  	v40 =	vld [tilespmem:s11+$0xFFFFFFE0];
	v49 =	vadd.s32 $0x1, v2  }
0x416: {  	v41 =	vld [tilespmem:s11+$0xFFFFFFF0]  }
0x417: {  	v63 =	vld [tilespmem:s11+$0x10];
	v13 =	vadd.s32 $0x2, v13  }
0x418: {  	v24 =	vld.idx.msk [tilespmem:v24+s1+$0x0], $0xffff;
	v11 =	vadd.s32 $0x2, v11;
	v9 =	vmul.u32 $0x3, v9  }
0x419: {  	v1 =	vmul.f32 v8, v1;
	v8 =	vld [tilespmem:s11+$0x0];
	v17 =	vmul.f32 v17, v10;
	v14 =	vmul.u32 $0x3, v14  }
0x41a: {  	v15 =	vld.idx.msk [tilespmem:v49+s1+$0x0], $0xffff  }
0x41b: {  	v12 =	vadd.s32 $0x2, v12;
	[tilespmem:s17+$0xFFFFFFB0] =	vst v17;
	v58 =	vld [tilespmem:s16+$0x7D00]  }
0x41c: {  	v48 =	vadd.s32 $0x1, v5;
	v13 =	vld.idx.msk [tilespmem:v13+s1+$0x0], $0xffff  }
0x41d: {  	v21 =	vadd.s32 $0x2, v21;
	v24 =	vmul.f32 v24, v16;
	v11 =	vld.idx.msk [tilespmem:v11+s1+$0x0], $0xffff  }
0x41e: {  	v35 =	vmul.u32 $0x3, v35;
	v6 =	vadd.s32 $0x2, v6;
	v60 =	vld.idx.msk [tilespmem:v9+s1+$0x0], $0xffff  }
0x41f: {  	v7 =	vadd.s32 $0x2, v7;
	[tilespmem:s17+$0xFFFFFFC0] =	vst v24;
	v4 =	vmul.f32 v31, v4;
	v28 =	vmul.f32 $6.999999880e-01, v57;
	v34 =	vld.idx.msk [tilespmem:v14+s1+$0x0], $0xffff  }
0x420: {  	s12 =	simm.s32 $0x16CD0;
	[tilespmem:s15+$0x16D00] =	vst v1;
	v12 =	vld.idx.msk [tilespmem:v12+s1+$0x0], $0xffff;
	v29 =	vmul.f32 $6.999999880e-01, v58;
	v1 =	vmul.f32 v15, v0  }
0x421: {  	[tilespmem:s12+$0x40] =	vst v4;
	v22 =	vld.idx.msk [tilespmem:v48+s1+$0x0], $0xffff;
	v28 =	vadd.f32 $3.000000120e-01, v28;
	v10 =	vmul.f32 v13, v10;
	v38 =	vadd.s32 $0x1, v9  }
0x422: {  	v17 =	vld.idx.msk [tilespmem:v21+s1+$0x0], $0xffff;
	v29 =	vadd.f32 $3.000000120e-01, v29;
	[tilespmem:s17+$0x20] =	vst v1;
	v1 =	vmul.f32 v11, v18  }
0x423: {  	v21 =	vmul.u32 $0x3, v52;
	v6 =	vld.idx.msk [tilespmem:v6+s1+$0x0], $0xffff;
	[tilespmem:s12+$0xFFFFFFB0] =	vst v10;
	v39 =	vadd.s32 $0x1, v14;
	v32 =	vmul.f32 v28, v60  }
0x424: {  	s13 =	simm.s32 $0x11D70;
	v20 =	vmul.u32 $0x3, v51;
	v7 =	vld.idx.msk [tilespmem:v7+s1+$0x0], $0xffff;
	[tilespmem:s12+$0xFFFFFFD0] =	vst v1;
	v4 =	vmul.f32 v29, v34  }
0x425: {  	v13 =	vmul.u32 $0x3, v54;
	v10 =	vmul.f32 v12, v45;
	v12 =	vld.idx.msk [tilespmem:v35+s1+$0x0], $0xffff;
	v1 =	vmul.f32 $6.999999880e-01, v36;
	[tilespmem:s13+$0x40] =	vst v32  }
0x426: {  	v15 =	vmul.u32 $0x3, v53;
	[tilespmem:s16+$0x11D00] =	vst v4;
	v4 =	vld.idx.msk [tilespmem:v38+s1+$0x0], $0xffff  }
0x427: {  	v22 =	vmul.f32 v22, v3;
	v11 =	vld [tilespmem:s11+$0x20];
	v18 =	vmul.u32 $0x3, v56;
	v43 =	vadd.f32 $3.000000120e-01, v1  }
0x428: {  	v62 =	vld.idx.msk [tilespmem:v39+s1+$0x0], $0xffff;
	v38 =	vadd.s32 $0x2, v5;
	v5 =	vmul.f32 v17, v16;
	v16 =	vmul.u32 $0x3, v55  }
0x429: {  	v46 =	vmul.f32 $6.999999880e-01, v40;
	[tilespmem:s17+$0x10] =	vst v22;
	v7 =	vmul.f32 v7, v19;
	v19 =	vld.idx.msk [tilespmem:v21+s1+$0x0], $0xffff  }
0x42a: {  	[tilespmem:s12+$0xFFFFFFE0] =	vst v10;
	v10 =	vmul.u32 $0x3, v59;
	v12 =	vmul.f32 v43, v12;
	v9 =	vadd.s32 $0x2, v9;
	v17 =	vld.idx.msk [tilespmem:v20+s1+$0x0], $0xffff  }
0x42b: {  	v44 =	vld.idx.msk [tilespmem:v13+s1+$0x0], $0xffff;
	v14 =	vadd.s32 $0x2, v14;
	[tilespmem:s12+$0xFFFFFFC0] =	vst v5;
	v5 =	vmul.f32 $6.999999880e-01, v37;
	v4 =	vmul.f32 v4, v28  }
0x42c: {  	s14 =	simm.s32 $0x14570;
	v6 =	vmul.f32 v6, v33;
	v1 =	vmul.f32 $6.999999880e-01, v61;
	[tilespmem:s13+$0xFFFFFFB0] =	vst v12;
	v39 =	vld.idx.msk [tilespmem:v15+s1+$0x0], $0xffff  }
0x42d: {  	v45 =	vadd.s32 $0x1, v35;
	v12 =	vld.idx.msk [tilespmem:v18+s1+$0x0], $0xffff;
	v24 =	vmul.f32 v62, v29;
	[tilespmem:s14+$0x40] =	vst v4;
	v4 =	vadd.f32 $3.000000120e-01, v5  }
0x42e: {  	v8 =	vmul.f32 $6.999999880e-01, v8;
	[tilespmem:s12+$0xFFFFFFF0] =	vst v6;
	v48 =	vld.idx.msk [tilespmem:v16+s1+$0x0], $0xffff;
	v5 =	vadd.f32 $3.000000120e-01, v1;
	v1 =	vmul.f32 $6.999999880e-01, v41  }
0x42f: {  	v42 =	vadd.s32 $0x1, v20;
	v6 =	vadd.f32 $3.000000120e-01, v46;
	[tilespmem:s16+$0x14500] =	vst v24;
	v9 =	vld.idx.msk [tilespmem:v9+s1+$0x0], $0xffff;
	v17 =	vmul.f32 v4, v17  }
0x430: {  	v47 =	vadd.s32 $0x1, v21;
	[tilespmem:s12+$0x0] =	vst v7;
	v14 =	vld.idx.msk [tilespmem:v14+s1+$0x0], $0xffff;
	v7 =	vadd.f32 $3.000000120e-01, v1;
	v1 =	vmul.f32 v5, v19  }
0x431: {  	v8 =	vadd.f32 $3.000000120e-01, v8;
	v49 =	vadd.s32 $0x1, v15;
	v50 =	vld.idx.msk [tilespmem:v10+s1+$0x0], $0xffff;
	[tilespmem:s13+$0xFFFFFFC0] =	vst v17;
	v17 =	vmul.f32 v6, v39  }
0x432: {  	v22 =	vmul.f32 $6.999999880e-01, v63;
	v31 =	vld.idx.msk [tilespmem:v45+s1+$0x0], $0xffff;
	v19 =	vadd.s32 $0x1, v13;
	[tilespmem:s13+$0xFFFFFFD0] =	vst v1;
	v30 =	vmul.f32 v7, v44  }
0x433: {  	v11 =	vmul.f32 $6.999999880e-01, v11;
	v51 =	vadd.s32 $0x1, v16;
	v57 =	vld.idx.msk [tilespmem:v38+s1+$0x0], $0xffff;
	v55 =	vmul.f32 v8, v48;
	[tilespmem:s13+$0xFFFFFFE0] =	vst v17  }
0x434: {  	v52 =	vadd.s32 $0x1, v18;
	v1 =	vadd.f32 $3.000000120e-01, v22;
	v26 =	vld.idx.msk [tilespmem:v42+s1+$0x0], $0xffff;
	v17 =	vmul.f32 v9, v28;
	[tilespmem:s13+$0xFFFFFFF0] =	vst v30  }
0x435: {  	s15 =	simm.s32 $0x16D70;
	v54 =	vadd.s32 $0x1, v10;
	v53 =	vld.idx.msk [tilespmem:v47+s1+$0x0], $0xffff;
	v14 =	vmul.f32 v14, v29;
	v9 =	vadd.f32 $3.000000120e-01, v11;
	[tilespmem:s13+$0x0] =	vst v55  }
0x436: {  	v12 =	vmul.f32 v1, v12;
	v11 =	vld.idx.msk [tilespmem:v49+s1+$0x0], $0xffff;
	[tilespmem:s15+$0x40] =	vst v17;
	v17 =	vadd.s32 $0x2, v35  }
0x437: {  	v19 =	vld.idx.msk [tilespmem:v19+s1+$0x0], $0xffff;
	[tilespmem:s16+$0x16D00] =	vst v14;
	v14 =	vadd.s32 $0x2, v20;
	v56 =	vmul.f32 v9, v50  }
0x438: {  	v21 =	vadd.s32 $0x2, v21;
	v58 =	vmul.f32 v31, v43;
	v29 =	vld.idx.msk [tilespmem:v51+s1+$0x0], $0xffff;
	[tilespmem:s13+$0x10] =	vst v12  }
0x439: {  	v12 =	vadd.s32 $0x2, v15;
	v59 =	vld.idx.msk [tilespmem:v52+s1+$0x0], $0xffff;
	v15 =	vmul.f32 v26, v4;
	[tilespmem:s13+$0x20] =	vst v56  }
0x43a: {  	[tilespmem:s14+$0xFFFFFFB0] =	vst v58;
	v62 =	vadd.s32 $0x2, v2;
	v60 =	vmul.f32 v53, v5;
	v61 =	vld.idx.msk [tilespmem:v54+s1+$0x0], $0xffff  }
0x43b: {  	v13 =	vadd.s32 $0x2, v13;
	[tilespmem:s14+$0xFFFFFFC0] =	vst v15;
	v2 =	vmul.f32 v11, v6;
	v25 =	vld.idx.msk [tilespmem:v17+s1+$0x0], $0xffff  }
0x43c: {  	v63 =	vadd.s32 $0x2, v16;
	[tilespmem:s14+$0xFFFFFFD0] =	vst v60;
	v16 =	vld.idx.msk [tilespmem:v14+s1+$0x0], $0xffff;
	v14 =	vmul.f32 v19, v7  }
0x43d: {  	v11 =	vld.idx.msk [tilespmem:v21+s1+$0x0], $0xffff;
	[tilespmem:s14+$0xFFFFFFE0] =	vst v2;
	v2 =	vmul.f32 v57, v3  }
0x43e: {  	v3 =	vmul.f32 v29, v8;
	v12 =	vld.idx.msk [tilespmem:v12+s1+$0x0], $0xffff;
	[tilespmem:s14+$0xFFFFFFF0] =	vst v14  }
0x43f: {  	v19 =	vmul.f32 v59, v1;
	v14 =	vld.idx.msk [tilespmem:v62+s1+$0x0], $0xffff;
	[tilespmem:s12+$0x10] =	vst v2  }
0x440: {  	v13 =	vld.idx.msk [tilespmem:v13+s1+$0x0], $0xffff;
	[tilespmem:s14+$0x0] =	vst v3;
	v17 =	vmul.f32 v61, v9  }
0x441: {  	s18 =	simm.s32 $0x140;
	s17 =	simm.s32 $0x2E10;
	s16 =	simm.s32 $0xA;
	v2 =	vadd.s32 $0x2, v18;
	v3 =	vadd.s32 $0x2, v10;
	[tilespmem:s14+$0x10] =	vst v19;
	v10 =	vld.idx.msk [tilespmem:v63+s1+$0x0], $0xffff;
	v15 =	vmul.f32 v25, v43  }
.LBB2_12:
0x442: {  	s19 =	sand.u32 $0x3FE0, s18;
	v18 =	vld [tilespmem:s17+$0x40];
	s16 =	sadd.s32 $0xA, s16;
	v4 =	vmul.f32 v16, v4;
	[tilespmem:s14+$0x20] =	vst v17  }
0x443: {  	v5 =	vmul.f32 v11, v5;
	v16 =	vld [tilespmem:s19+$0x2D00];
	p0 =	slt.u32 s16, $0x276;
	[tilespmem:s15+$0xFFFFFFB0] =	vst v15  }
0x444: {  	v11 =	vld [tilespmem:s17+$0xFFFFFFC0];
	[tilespmem:s15+$0xFFFFFFC0] =	vst v4;
	v4 =	vmul.f32 v12, v6  }
0x445: {  	v6 =	vld [tilespmem:s17+$0xFFFFFFD0];
	[tilespmem:s15+$0xFFFFFFD0] =	vst v5;
	v5 =	vmul.f32 v13, v7  }
0x446: {  	v7 =	vld [tilespmem:s17+$0xFFFFFFE0];
	[tilespmem:s15+$0xFFFFFFE0] =	vst v4;
	v4 =	vmul.f32 v14, v0;
	v0 =	vmov v9  }
0x447: {  	v9 =	vld [tilespmem:s17+$0xFFFFFFF0];
	v17 =	vmul.u32 $0x3, v18;
	[tilespmem:s15+$0xFFFFFFF0] =	vst v5;
	v5 =	vmul.f32 v10, v8  }
0x448: {  	v8 =	vld [tilespmem:s17+$0x0];
	v16 =	vmul.u32 $0x3, v16;
	[tilespmem:s12+$0x20] =	vst v4;
	s12 =	smov.u32 s15  }
0x449: {  	s11 =	sadd.s32 $0xA0, s11;
	v18 =	vmul.u32 $0x3, v11;
	v4 =	vld [tilespmem:s17+$0x10];
	[tilespmem:s15+$0x0] =	vst v5  }
0x44a: {  	v19 =	vmul.u32 $0x3, v6;
	v5 =	vld [tilespmem:s11+$0x40]  }
0x44b: {  	v20 =	vadd.s32 $0x1, v18;
	v11 =	vadd.s32 $0x2, v18;
	v21 =	vmul.u32 $0x3, v7;
	v6 =	vld [tilespmem:s19+$0x7D00]  }
0x44c: {  	v22 =	vadd.s32 $0x1, v19;
	v12 =	vadd.s32 $0x2, v19;
	v9 =	vmul.u32 $0x3, v9;
	v7 =	vld [tilespmem:s17+$0x20]  }
0x44d: {  	v23 =	vadd.s32 $0x1, v21;
	v13 =	vadd.s32 $0x2, v21;
	v24 =	vmul.u32 $0x3, v8;
	v8 =	vld.idx.msk [tilespmem:v17+s1+$0x0], $0xffff  }
0x44e: {  	v25 =	vadd.s32 $0x1, v9;
	v14 =	vadd.s32 $0x2, v9;
	v26 =	vmul.u32 $0x3, v4;
	v4 =	vld.idx.msk [tilespmem:v16+s1+$0x0], $0xffff  }
0x44f: {  	v27 =	vld [tilespmem:s17+$0xFFFFFFB0];
	v28 =	vadd.s32 $0x1, v24;
	v10 =	vadd.s32 $0x2, v24;
	v5 =	vmul.f32 $6.999999880e-01, v5  }
0x450: {  	v29 =	vld [tilespmem:s11+$0xFFFFFFB0];
	v30 =	vadd.s32 $0x1, v26;
	v31 =	vadd.s32 $0x2, v26;
	v6 =	vmul.f32 $6.999999880e-01, v6  }
0x451: {  	v32 =	vld [tilespmem:s11+$0xFFFFFFC0];
	v33 =	vmul.u32 $0x3, v7;
	v34 =	vadd.f32 $3.000000120e-01, v5;
	v5 =	vadd.s32 $0x1, v17  }
0x452: {  	v7 =	vld [tilespmem:s11+$0xFFFFFFD0];
	v35 =	vadd.f32 $3.000000120e-01, v6;
	v6 =	vadd.s32 $0x1, v16  }
0x453: {  	v36 =	vld [tilespmem:s11+$0xFFFFFFE0];
	v37 =	vadd.s32 $0x1, v33;
	v15 =	vadd.s32 $0x2, v33;
	v8 =	vmul.f32 v34, v8  }
0x454: {  	s13 =	sadd.s32 $0xA0, s13;
	v27 =	vmul.u32 $0x3, v27;
	v38 =	vld [tilespmem:s11+$0xFFFFFFF0];
	v4 =	vmul.f32 v35, v4  }
0x455: {  	v29 =	vmul.f32 $6.999999880e-01, v29;
	v39 =	vld [tilespmem:s11+$0x0];
	[tilespmem:s13+$0x40] =	vst v8  }
0x456: {  	v40 =	vadd.s32 $0x1, v27;
	v41 =	vadd.s32 $0x2, v27;
	v8 =	vmul.f32 $6.999999880e-01, v32;
	[tilespmem:s19+$0x11D00] =	vst v4;
	v32 =	vld.idx.msk [tilespmem:v5+s1+$0x0], $0xffff  }
0x457: {  	v29 =	vadd.f32 $3.000000120e-01, v29;
	v5 =	vmul.f32 $6.999999880e-01, v7;
	v42 =	vld.idx.msk [tilespmem:v6+s1+$0x0], $0xffff  }
0x458: {  	v4 =	vadd.f32 $3.000000120e-01, v8;
	v6 =	vmul.f32 $6.999999880e-01, v36;
	v36 =	vld [tilespmem:s11+$0x10]  }
0x459: {  	v5 =	vadd.f32 $3.000000120e-01, v5;
	v7 =	vmul.f32 $6.999999880e-01, v38;
	v38 =	vld [tilespmem:s11+$0x20]  }
0x45a: {  	v17 =	vadd.s32 $0x2, v17;
	v27 =	vld.idx.msk [tilespmem:v27+s1+$0x0], $0xffff;
	v6 =	vadd.f32 $3.000000120e-01, v6;
	v8 =	vmul.f32 $6.999999880e-01, v39  }
0x45b: {  	v16 =	vadd.s32 $0x2, v16;
	v18 =	vld.idx.msk [tilespmem:v18+s1+$0x0], $0xffff;
	v7 =	vadd.f32 $3.000000120e-01, v7  }
0x45c: {  	v32 =	vmul.f32 v32, v34;
	v19 =	vld.idx.msk [tilespmem:v19+s1+$0x0], $0xffff;
	v8 =	vadd.f32 $3.000000120e-01, v8  }
0x45d: {  	s14 =	sadd.s32 $0xA0, s14;
	v39 =	vmul.f32 v42, v35;
	v21 =	vld.idx.msk [tilespmem:v21+s1+$0x0], $0xffff;
	v36 =	vmul.f32 $6.999999880e-01, v36  }
0x45e: {  	v42 =	vld.idx.msk [tilespmem:v9+s1+$0x0], $0xffff;
	v9 =	vmul.f32 $6.999999880e-01, v38;
	[tilespmem:s14+$0x40] =	vst v32  }
0x45f: {  	v32 =	vadd.f32 $3.000000120e-01, v36;
	[tilespmem:s19+$0x14500] =	vst v39;
	v17 =	vld.idx.msk [tilespmem:v17+s1+$0x0], $0xffff  }
0x460: {  	v27 =	vmul.f32 v29, v27;
	v9 =	vadd.f32 $3.000000120e-01, v9;
	v16 =	vld.idx.msk [tilespmem:v16+s1+$0x0], $0xffff  }
0x461: {  	v18 =	vmul.f32 v4, v18;
	v24 =	vld.idx.msk [tilespmem:v24+s1+$0x0], $0xffff  }
0x462: {  	v19 =	vmul.f32 v5, v19;
	[tilespmem:s13+$0xFFFFFFB0] =	vst v27;
	v26 =	vld.idx.msk [tilespmem:v26+s1+$0x0], $0xffff  }
0x463: {  	[tilespmem:s13+$0xFFFFFFC0] =	vst v18;
	v18 =	vmul.f32 v6, v21;
	v21 =	vld.idx.msk [tilespmem:v33+s1+$0x0], $0xffff  }
0x464: {  	v27 =	vld.idx.msk [tilespmem:v40+s1+$0x0], $0xffff;
	[tilespmem:s13+$0xFFFFFFD0] =	vst v19;
	v19 =	vmul.f32 v7, v42  }
0x465: {  	v17 =	vmul.f32 v17, v34;
	v20 =	vld.idx.msk [tilespmem:v20+s1+$0x0], $0xffff;
	[tilespmem:s13+$0xFFFFFFE0] =	vst v18  }
0x466: {  	s15 =	sadd.s32 $0xA0, s15;
	v16 =	vmul.f32 v16, v35;
	v18 =	vld.idx.msk [tilespmem:v22+s1+$0x0], $0xffff;
	[tilespmem:s13+$0xFFFFFFF0] =	vst v19  }
0x467: {  	v22 =	vmul.f32 v8, v24;
	v19 =	vld.idx.msk [tilespmem:v23+s1+$0x0], $0xffff;
	[tilespmem:s15+$0x40] =	vst v17  }
0x468: {  	v23 =	vmul.f32 v32, v26;
	v17 =	vld.idx.msk [tilespmem:v25+s1+$0x0], $0xffff;
	[tilespmem:s19+$0x16D00] =	vst v16  }
0x469: {  	v16 =	vmul.f32 v9, v21;
	[tilespmem:s13+$0x0] =	vst v22;
	v21 =	vld.idx.msk [tilespmem:v2+s1+$0x0], $0xffff;
	v2 =	vmov v31  }
0x46a: {  	v22 =	vmul.f32 v27, v29;
	v24 =	vld.idx.msk [tilespmem:v28+s1+$0x0], $0xffff;
	[tilespmem:s13+$0x10] =	vst v23  }
0x46b: {  	v20 =	vmul.f32 v20, v4;
	v23 =	vld.idx.msk [tilespmem:v30+s1+$0x0], $0xffff;
	[tilespmem:s13+$0x20] =	vst v16  }
0x46c: {  	v18 =	vmul.f32 v18, v5;
	[tilespmem:s14+$0xFFFFFFB0] =	vst v22;
	v22 =	vld.idx.msk [tilespmem:v37+s1+$0x0], $0xffff  }
0x46d: {  	v19 =	vmul.f32 v19, v6;
	v25 =	vld.idx.msk [tilespmem:v41+s1+$0x0], $0xffff;
	[tilespmem:s14+$0xFFFFFFC0] =	vst v20  }
0x46e: {  	v17 =	vmul.f32 v17, v7;
	v16 =	vld.idx.msk [tilespmem:v11+s1+$0x0], $0xffff;
	[tilespmem:s14+$0xFFFFFFD0] =	vst v18  }
.Ltmp5:
0x46f: {  	v18 =	vmul.f32 v21, v1;
	v1 =	vmov v32;
	v11 =	vld.idx.msk [tilespmem:v12+s1+$0x0], $0xffff;
	[tilespmem:s14+$0xFFFFFFE0] =	vst v19;
	(pc) =	sbr.rel @p0 .LBB2_12-.Ltmp5, $4  }
0x470: {  	v12 =	vld.idx.msk [tilespmem:v13+s1+$0x0], $0xffff;
	[tilespmem:s14+$0xFFFFFFF0] =	vst v17;
	v17 =	vmul.f32 v24, v8  }
0x471: {  	v19 =	vmul.f32 v23, v1;
	v13 =	vld.idx.msk [tilespmem:v14+s1+$0x0], $0xffff;
	[tilespmem:s12+$0x10] =	vst v18  }
0x472: {  	[tilespmem:s14+$0x0] =	vst v17;
	v17 =	vmul.f32 v22, v9;
	v14 =	vld.idx.msk [tilespmem:v3+s1+$0x0], $0xffff;
	v3 =	vmov v15  }
0x473: {  	s18 =	sadd.s32 $0xA0, s18;
	s17 =	sadd.s32 $0xA0, s17;
	v15 =	vmul.f32 v25, v29;
	v10 =	vld.idx.msk [tilespmem:v10+s1+$0x0], $0xffff;
	[tilespmem:s14+$0x10] =	vst v19  }
0x474: {  	_ =	sdelay $0x2  }
0x475: {  	v4 =	vmul.f32 v16, v4;
	[tilespmem:s14+$0x20] =	vst v17  }
0x476: {  	v5 =	vmul.f32 v11, v5;
	v2 =	vld.idx.msk [tilespmem:v2+s1+$0x0], $0xffff;
	[tilespmem:s15+$0xFFFFFFB0] =	vst v15  }
0x477: {  	v3 =	vld.idx.msk [tilespmem:v3+s1+$0x0], $0xffff;
	[tilespmem:s15+$0xFFFFFFC0] =	vst v4;
	v4 =	vmul.f32 v12, v6  }
0x478: {  	[tilespmem:s15+$0xFFFFFFD0] =	vst v5;
	v5 =	vmul.f32 v13, v7  }
0x479: {  	v0 =	vmul.f32 v14, v0;
	[tilespmem:s15+$0xFFFFFFE0] =	vst v4  }
0x47a: {  	[tilespmem:s15+$0xFFFFFFF0] =	vst v5;
	v4 =	vmul.f32 v10, v8  }
0x47b: {  	[tilespmem:s12+$0x20] =	vst v0;
	v0 =	vmul.f32 v2, v1  }
0x47c: {  	[tilespmem:s15+$0x0] =	vst v4;
	v1 =	vmul.f32 v3, v9  }
0x47d: {  	[tilespmem:s15+$0x10] =	vst v0  }
0x47e: {  	[tilespmem:s15+$0x20] =	vst v1  }
0x47f: {  	s12 =	rddreg [dreg:$0x16]  }
0x480: {  	s11 =	simm.s32 $0x0;
	s17 =	sld [smem:$0x7F8]  }
0x481: {  	[hbm4b:s12+s11] =	stream.linear.scatter [tilespmem:s5], [sflag:$0x4], $0x2800, $0x38;
	[tilespmem:$0x19480] =	vst v63  }
0x482: {  	s18 =	sld [smem:$0x7F9]  }
0x483: {  	[hbm4b:s17+s11] =	stream.linear.scatter [tilespmem:s6], [sflag:$0x4], $0x2800, $0x38;
	[tilespmem:$0x19480] =	vst v63  }
0x484: {  	_ = 	snop  }
0x485: {  	[hbm4b:s18+s11] =	stream.linear.scatter [tilespmem:s7], [sflag:$0x4], $0x2800, $0x38;
	[tilespmem:$0x19480] =	vst v63  }
0x486: {  	s19 =	rddreg [dreg:$0x19]  }
0x487: {  	[tilespmem:s30], [sflag:$0x2] =	stream.linear.gather [hbm4b:s19+s11], $0x2800, $0x38;
	[tilespmem:$0x19480] =	vst v63  }
0x488: {  	s13 =	rddreg [dreg:$0x1a]  }
0x489: {  	[tilespmem:s31], [sflag:$0x2] =	stream.linear.gather [hbm4b:s13+s11], $0x2800, $0x38;
	[tilespmem:$0x19480] =	vst v63  }
0x48a: {  	_ =	swait.ge [sflag:s28], $0x2800  }
0x48b: {  	[sflag:s28] =	ssyncset.done $0x0  }
0x48c: {  	[sflag:s28] =	ssyncadd.s32 $0xFFFFD800  }
0x48d: {  	_ =	swait.ge [sflag:s28], $0x2800  }
0x48e: {  	[sflag:s28] =	ssyncset.done $0x0  }
0x48f: {  	[sflag:s28] =	ssyncadd.s32 $0xFFFFD800  }
0x490: {  	_ =	swait.ge [sflag:s8], $0x2800  }
0x491: {  	[sflag:s8] =	ssyncset.done $0x0  }
0x492: {  	[sflag:s8] =	ssyncadd.s32 $0xFFFFD800  }
0x493: {  	_ =	swait.ge [sflag:s8], $0x2800  }
0x494: {  	[sflag:s8] =	ssyncset.done $0x0  }
0x495: {  	[sflag:s8] =	ssyncadd.s32 $0xFFFFD800  }
0x496: {  	_ =	swait.ge [sflag:s8], $0x2800  }
0x497: {  	[sflag:s8] =	ssyncset.done $0x0  }
0x498: {  	s14 =	simm.s32 $0x4D0;
	[sflag:s8] =	ssyncadd.s32 $0xFFFFD800  }
0x499: {  	s15 =	sand.u32 $0x3FE0, s11;
	v0 =	vld [tilespmem:s14+$0x40]  }
0x49a: {  	v1 =	vld [tilespmem:s15+$0x500]  }
0x49b: {  	v2 =	vld [tilespmem:s14+$0xFFFFFFC0]  }
0x49c: {  	v3 =	vld [tilespmem:s14+$0xFFFFFFD0]  }
0x49d: {  	v5 =	vld [tilespmem:s14+$0xFFFFFFE0]  }
0x49e: {  	v6 =	vld [tilespmem:s14+$0xFFFFFFF0]  }
0x49f: {  	v7 =	vld [tilespmem:s14+$0x0]  }
0x4a0: {  	v9 =	vld [tilespmem:s14+$0x10]  }
0x4a1: {  	v4 =	vld [tilespmem:s15+$0x5500]  }
0x4a2: {  	v10 =	vld [tilespmem:s14+$0x20]  }
0x4a3: {  	s13 =	simm.s32 $0x54D0;
	v13 =	vld [tilespmem:s14+$0xFFFFFFB0]  }
0x4a4: {  	v14 =	vld [tilespmem:s13+$0xFFFFFFB0]  }
0x4a5: {  	v16 =	vld [tilespmem:s13+$0xFFFFFFC0]  }
0x4a6: {  	v18 =	vld [tilespmem:s13+$0xFFFFFFD0];
	v0 =	vmul.u32 $0x3, v0  }
0x4a7: {  	v19 =	vld [tilespmem:s13+$0xFFFFFFE0]  }
0x4a8: {  	v8 =	vmul.u32 $0x3, v1;
	v1 =	vld [tilespmem:s13+$0x40]  }
0x4a9: {  	v20 =	vld [tilespmem:s13+$0xFFFFFFF0]  }
0x4aa: {  	s18 =	simm.s32 $0x570;
	v22 =	vld [tilespmem:s13+$0x0]  }
0x4ab: {  	v51 =	vld [tilespmem:s18+$0xFFFFFFC0]  }
0x4ac: {  	v11 =	vld.idx.msk [tilespmem:v0+s1+$0x0], $0xffff  }
0x4ad: {  	v52 =	vld [tilespmem:s18+$0xFFFFFFD0];
	v1 =	vmul.f32 $6.999999880e-01, v1  }
0x4ae: {  	v12 =	vld.idx.msk [tilespmem:v8+s1+$0x0], $0xffff  }
0x4af: {  	v53 =	vld [tilespmem:s18+$0xFFFFFFE0];
	v15 =	vmul.f32 $6.999999880e-01, v4;
	v17 =	vadd.s32 $0x1, v0;
	v4 =	vadd.f32 $3.000000120e-01, v1  }
0x4b0: {  	v54 =	vld [tilespmem:s18+$0xFFFFFFF0];
	v13 =	vmul.u32 $0x3, v13  }
0x4b1: {  	v55 =	vld [tilespmem:s18+$0x0];
	v1 =	vadd.f32 $3.000000120e-01, v15;
	v15 =	vadd.s32 $0x1, v8;
	v11 =	vmul.f32 v4, v11  }
0x4b2: {  	s16 =	simm.s32 $0xA4D0;
	s11 =	simm.s32 $0x5570;
	v56 =	vld [tilespmem:s18+$0x10];
	v6 =	vmul.u32 $0x3, v6  }
0x4b3: {  	v57 =	vld [tilespmem:s11+$0x40];
	v7 =	vmul.u32 $0x3, v7;
	v12 =	vmul.f32 v1, v12;
	[tilespmem:s16+$0x40] =	vst v11  }
0x4b4: {  	v21 =	vmul.u32 $0x3, v2;
	v11 =	vmul.u32 $0x3, v3;
	v2 =	vld.idx.msk [tilespmem:v17+s1+$0x0], $0xffff  }
0x4b5: {  	v59 =	vld [tilespmem:s18+$0x20];
	[tilespmem:s15+$0xA500] =	vst v12;
	v12 =	vmul.u32 $0x3, v5  }
0x4b6: {  	v3 =	vld.idx.msk [tilespmem:v15+s1+$0x0], $0xffff  }
0x4b7: {  	v23 =	vld.idx.msk [tilespmem:v13+s1+$0x0], $0xffff;
	v0 =	vadd.s32 $0x2, v0  }
0x4b8: {  	v30 =	vld.idx.msk [tilespmem:v6+s1+$0x0], $0xffff  }
0x4b9: {  	v44 =	vld.idx.msk [tilespmem:v7+s1+$0x0], $0xffff;
	v27 =	vmul.f32 v2, v4  }
0x4ba: {  	s17 =	simm.s32 $0xCCD0;
	v5 =	vmul.u32 $0x3, v9;
	v9 =	vld.idx.msk [tilespmem:v11+s1+$0x0], $0xffff;
	v2 =	vmul.u32 $0x3, v10;
	v10 =	vmul.f32 $6.999999880e-01, v14  }
0x4bb: {  	v18 =	vmul.f32 $6.999999880e-01, v18;
	v14 =	vld.idx.msk [tilespmem:v12+s1+$0x0], $0xffff;
	v3 =	vmul.f32 v3, v1;
	[tilespmem:s17+$0x40] =	vst v27  }
0x4bc: {  	v10 =	vadd.f32 $3.000000120e-01, v10;
	v31 =	vld.idx.msk [tilespmem:v0+s1+$0x0], $0xffff;
	v0 =	vmul.f32 $6.999999880e-01, v19  }
0x4bd: {  	v18 =	vadd.f32 $3.000000120e-01, v18;
	v15 =	vld [tilespmem:s13+$0x10];
	v28 =	vadd.s32 $0x1, v12;
	[tilespmem:s15+$0xCD00] =	vst v3;
	v3 =	vmul.f32 $6.999999880e-01, v20  }
0x4be: {  	v17 =	vld [tilespmem:s13+$0x20];
	v19 =	vmul.f32 v10, v23;
	v45 =	vadd.f32 $3.000000120e-01, v0;
	v0 =	vmul.f32 $6.999999880e-01, v22  }
0x4bf: {  	v35 =	vld [tilespmem:s18+$0xFFFFFFB0];
	v26 =	vadd.s32 $0x1, v11;
	v33 =	vadd.f32 $3.000000120e-01, v3;
	v9 =	vmul.f32 v18, v9  }
0x4c0: {  	v32 =	vadd.s32 $0x1, v7;
	v25 =	vld.idx.msk [tilespmem:v21+s1+$0x0], $0xffff;
	[tilespmem:s16+$0xFFFFFFB0] =	vst v19;
	v19 =	vadd.f32 $3.000000120e-01, v0;
	v14 =	vmul.f32 v45, v14  }
0x4c1: {  	v16 =	vmul.f32 $6.999999880e-01, v16;
	v29 =	vadd.s32 $0x1, v6;
	v47 =	vld.idx.msk [tilespmem:v5+s1+$0x0], $0xffff;
	[tilespmem:s16+$0xFFFFFFD0] =	vst v9;
	v9 =	vmul.f32 v33, v30  }
0x4c2: {  	v3 =	vmul.f32 $6.999999880e-01, v15;
	v15 =	vld.idx.msk [tilespmem:v2+s1+$0x0], $0xffff;
	[tilespmem:s16+$0xFFFFFFE0] =	vst v14;
	v20 =	vmul.f32 v19, v44  }
0x4c3: {  	v16 =	vadd.f32 $3.000000120e-01, v16;
	v0 =	vmul.f32 $6.999999880e-01, v17;
	[tilespmem:s16+$0xFFFFFFF0] =	vst v9;
	v9 =	vld.idx.msk [tilespmem:v28+s1+$0x0], $0xffff  }
0x4c4: {  	v3 =	vadd.f32 $3.000000120e-01, v3;
	v14 =	vld.idx.msk [tilespmem:v26+s1+$0x0], $0xffff;
	[tilespmem:s16+$0x0] =	vst v20  }
0x4c5: {  	v8 =	vadd.s32 $0x2, v8;
	v46 =	vmul.f32 v16, v25;
	v0 =	vadd.f32 $3.000000120e-01, v0;
	v20 =	vld.idx.msk [tilespmem:v32+s1+$0x0], $0xffff  }
0x4c6: {  	v43 =	vadd.s32 $0x1, v13;
	v25 =	vmul.f32 v3, v47;
	v50 =	vld.idx.msk [tilespmem:v29+s1+$0x0], $0xffff  }
0x4c7: {  	v36 =	vld [tilespmem:s11+$0xFFFFFFB0];
	[tilespmem:s16+$0xFFFFFFC0] =	vst v46;
	v15 =	vmul.f32 v0, v15  }
0x4c8: {  	v37 =	vld [tilespmem:s11+$0xFFFFFFC0];
	[tilespmem:s16+$0x10] =	vst v25;
	v9 =	vmul.f32 v9, v45  }
0x4c9: {  	v61 =	vld [tilespmem:s11+$0xFFFFFFD0];
	[tilespmem:s16+$0x20] =	vst v15;
	v14 =	vmul.f32 v14, v18  }
0x4ca: {  	v8 =	vld.idx.msk [tilespmem:v8+s1+$0x0], $0xffff;
	[tilespmem:s17+$0xFFFFFFE0] =	vst v9;
	v9 =	vmul.f32 v20, v19  }
0x4cb: {  	s19 =	simm.s32 $0xA0;
	v17 =	vld.idx.msk [tilespmem:v43+s1+$0x0], $0xffff;
	[tilespmem:s17+$0xFFFFFFD0] =	vst v14;
	v14 =	vmul.f32 v50, v33  }
0x4cc: {  	v24 =	vadd.s32 $0x1, v21;
	s16 =	sand.u32 $0x3FE0, s19;
	[tilespmem:s17+$0x0] =	vst v9;
	v9 =	vld [tilespmem:s18+$0x40]  }
0x4cd: {  	[tilespmem:s17+$0xFFFFFFF0] =	vst v14;
	v14 =	vld [tilespmem:s16+$0x500]  }
0x4ce: {  	v40 =	vld [tilespmem:s11+$0xFFFFFFE0];
	v49 =	vadd.s32 $0x1, v2  }
0x4cf: {  	v41 =	vld [tilespmem:s11+$0xFFFFFFF0]  }
0x4d0: {  	v63 =	vld [tilespmem:s11+$0x10];
	v13 =	vadd.s32 $0x2, v13  }
0x4d1: {  	v24 =	vld.idx.msk [tilespmem:v24+s1+$0x0], $0xffff;
	v11 =	vadd.s32 $0x2, v11;
	v9 =	vmul.u32 $0x3, v9  }
0x4d2: {  	v1 =	vmul.f32 v8, v1;
	v8 =	vld [tilespmem:s11+$0x0];
	v17 =	vmul.f32 v17, v10;
	v14 =	vmul.u32 $0x3, v14  }
0x4d3: {  	v15 =	vld.idx.msk [tilespmem:v49+s1+$0x0], $0xffff  }
0x4d4: {  	v12 =	vadd.s32 $0x2, v12;
	[tilespmem:s17+$0xFFFFFFB0] =	vst v17;
	v58 =	vld [tilespmem:s16+$0x5500]  }
0x4d5: {  	v48 =	vadd.s32 $0x1, v5;
	v13 =	vld.idx.msk [tilespmem:v13+s1+$0x0], $0xffff  }
0x4d6: {  	v21 =	vadd.s32 $0x2, v21;
	v24 =	vmul.f32 v24, v16;
	v11 =	vld.idx.msk [tilespmem:v11+s1+$0x0], $0xffff  }
0x4d7: {  	v35 =	vmul.u32 $0x3, v35;
	v6 =	vadd.s32 $0x2, v6;
	v60 =	vld.idx.msk [tilespmem:v9+s1+$0x0], $0xffff  }
0x4d8: {  	v7 =	vadd.s32 $0x2, v7;
	[tilespmem:s17+$0xFFFFFFC0] =	vst v24;
	v4 =	vmul.f32 v31, v4;
	v28 =	vmul.f32 $6.999999880e-01, v57;
	v34 =	vld.idx.msk [tilespmem:v14+s1+$0x0], $0xffff  }
0x4d9: {  	s12 =	simm.s32 $0xF4D0;
	[tilespmem:s15+$0xF500] =	vst v1;
	v12 =	vld.idx.msk [tilespmem:v12+s1+$0x0], $0xffff;
	v29 =	vmul.f32 $6.999999880e-01, v58;
	v1 =	vmul.f32 v15, v0  }
0x4da: {  	[tilespmem:s12+$0x40] =	vst v4;
	v22 =	vld.idx.msk [tilespmem:v48+s1+$0x0], $0xffff;
	v28 =	vadd.f32 $3.000000120e-01, v28;
	v10 =	vmul.f32 v13, v10;
	v38 =	vadd.s32 $0x1, v9  }
0x4db: {  	v17 =	vld.idx.msk [tilespmem:v21+s1+$0x0], $0xffff;
	v29 =	vadd.f32 $3.000000120e-01, v29;
	[tilespmem:s17+$0x20] =	vst v1;
	v1 =	vmul.f32 v11, v18  }
0x4dc: {  	v21 =	vmul.u32 $0x3, v52;
	v6 =	vld.idx.msk [tilespmem:v6+s1+$0x0], $0xffff;
	[tilespmem:s12+$0xFFFFFFB0] =	vst v10;
	v39 =	vadd.s32 $0x1, v14;
	v32 =	vmul.f32 v28, v60  }
0x4dd: {  	s13 =	simm.s32 $0xA570;
	v20 =	vmul.u32 $0x3, v51;
	v7 =	vld.idx.msk [tilespmem:v7+s1+$0x0], $0xffff;
	[tilespmem:s12+$0xFFFFFFD0] =	vst v1;
	v4 =	vmul.f32 v29, v34  }
0x4de: {  	v13 =	vmul.u32 $0x3, v54;
	v10 =	vmul.f32 v12, v45;
	v12 =	vld.idx.msk [tilespmem:v35+s1+$0x0], $0xffff;
	v1 =	vmul.f32 $6.999999880e-01, v36;
	[tilespmem:s13+$0x40] =	vst v32  }
0x4df: {  	v15 =	vmul.u32 $0x3, v53;
	[tilespmem:s16+$0xA500] =	vst v4;
	v4 =	vld.idx.msk [tilespmem:v38+s1+$0x0], $0xffff  }
0x4e0: {  	v22 =	vmul.f32 v22, v3;
	v11 =	vld [tilespmem:s11+$0x20];
	v18 =	vmul.u32 $0x3, v56;
	v43 =	vadd.f32 $3.000000120e-01, v1  }
0x4e1: {  	v62 =	vld.idx.msk [tilespmem:v39+s1+$0x0], $0xffff;
	v38 =	vadd.s32 $0x2, v5;
	v5 =	vmul.f32 v17, v16;
	v16 =	vmul.u32 $0x3, v55  }
0x4e2: {  	v46 =	vmul.f32 $6.999999880e-01, v40;
	[tilespmem:s17+$0x10] =	vst v22;
	v7 =	vmul.f32 v7, v19;
	v19 =	vld.idx.msk [tilespmem:v21+s1+$0x0], $0xffff  }
0x4e3: {  	[tilespmem:s12+$0xFFFFFFE0] =	vst v10;
	v10 =	vmul.u32 $0x3, v59;
	v12 =	vmul.f32 v43, v12;
	v9 =	vadd.s32 $0x2, v9;
	v17 =	vld.idx.msk [tilespmem:v20+s1+$0x0], $0xffff  }
0x4e4: {  	v44 =	vld.idx.msk [tilespmem:v13+s1+$0x0], $0xffff;
	v14 =	vadd.s32 $0x2, v14;
	[tilespmem:s12+$0xFFFFFFC0] =	vst v5;
	v5 =	vmul.f32 $6.999999880e-01, v37;
	v4 =	vmul.f32 v4, v28  }
0x4e5: {  	s14 =	simm.s32 $0xCD70;
	v6 =	vmul.f32 v6, v33;
	v1 =	vmul.f32 $6.999999880e-01, v61;
	[tilespmem:s13+$0xFFFFFFB0] =	vst v12;
	v39 =	vld.idx.msk [tilespmem:v15+s1+$0x0], $0xffff  }
0x4e6: {  	v45 =	vadd.s32 $0x1, v35;
	v12 =	vld.idx.msk [tilespmem:v18+s1+$0x0], $0xffff;
	v24 =	vmul.f32 v62, v29;
	[tilespmem:s14+$0x40] =	vst v4;
	v4 =	vadd.f32 $3.000000120e-01, v5  }
0x4e7: {  	v8 =	vmul.f32 $6.999999880e-01, v8;
	[tilespmem:s12+$0xFFFFFFF0] =	vst v6;
	v48 =	vld.idx.msk [tilespmem:v16+s1+$0x0], $0xffff;
	v5 =	vadd.f32 $3.000000120e-01, v1;
	v1 =	vmul.f32 $6.999999880e-01, v41  }
0x4e8: {  	v42 =	vadd.s32 $0x1, v20;
	v6 =	vadd.f32 $3.000000120e-01, v46;
	[tilespmem:s16+$0xCD00] =	vst v24;
	v9 =	vld.idx.msk [tilespmem:v9+s1+$0x0], $0xffff;
	v17 =	vmul.f32 v4, v17  }
0x4e9: {  	v47 =	vadd.s32 $0x1, v21;
	[tilespmem:s12+$0x0] =	vst v7;
	v14 =	vld.idx.msk [tilespmem:v14+s1+$0x0], $0xffff;
	v7 =	vadd.f32 $3.000000120e-01, v1;
	v1 =	vmul.f32 v5, v19  }
0x4ea: {  	v8 =	vadd.f32 $3.000000120e-01, v8;
	v49 =	vadd.s32 $0x1, v15;
	v50 =	vld.idx.msk [tilespmem:v10+s1+$0x0], $0xffff;
	[tilespmem:s13+$0xFFFFFFC0] =	vst v17;
	v17 =	vmul.f32 v6, v39  }
0x4eb: {  	v22 =	vmul.f32 $6.999999880e-01, v63;
	v31 =	vld.idx.msk [tilespmem:v45+s1+$0x0], $0xffff;
	v19 =	vadd.s32 $0x1, v13;
	[tilespmem:s13+$0xFFFFFFD0] =	vst v1;
	v30 =	vmul.f32 v7, v44  }
0x4ec: {  	v11 =	vmul.f32 $6.999999880e-01, v11;
	v51 =	vadd.s32 $0x1, v16;
	v57 =	vld.idx.msk [tilespmem:v38+s1+$0x0], $0xffff;
	v55 =	vmul.f32 v8, v48;
	[tilespmem:s13+$0xFFFFFFE0] =	vst v17  }
0x4ed: {  	v52 =	vadd.s32 $0x1, v18;
	v1 =	vadd.f32 $3.000000120e-01, v22;
	v26 =	vld.idx.msk [tilespmem:v42+s1+$0x0], $0xffff;
	v17 =	vmul.f32 v9, v28;
	[tilespmem:s13+$0xFFFFFFF0] =	vst v30  }
0x4ee: {  	s15 =	simm.s32 $0xF570;
	v54 =	vadd.s32 $0x1, v10;
	v53 =	vld.idx.msk [tilespmem:v47+s1+$0x0], $0xffff;
	v14 =	vmul.f32 v14, v29;
	v9 =	vadd.f32 $3.000000120e-01, v11;
	[tilespmem:s13+$0x0] =	vst v55  }
0x4ef: {  	v12 =	vmul.f32 v1, v12;
	v11 =	vld.idx.msk [tilespmem:v49+s1+$0x0], $0xffff;
	[tilespmem:s15+$0x40] =	vst v17;
	v17 =	vadd.s32 $0x2, v35  }
0x4f0: {  	v19 =	vld.idx.msk [tilespmem:v19+s1+$0x0], $0xffff;
	[tilespmem:s16+$0xF500] =	vst v14;
	v14 =	vadd.s32 $0x2, v20;
	v56 =	vmul.f32 v9, v50  }
0x4f1: {  	v21 =	vadd.s32 $0x2, v21;
	v58 =	vmul.f32 v31, v43;
	v29 =	vld.idx.msk [tilespmem:v51+s1+$0x0], $0xffff;
	[tilespmem:s13+$0x10] =	vst v12  }
0x4f2: {  	v12 =	vadd.s32 $0x2, v15;
	v59 =	vld.idx.msk [tilespmem:v52+s1+$0x0], $0xffff;
	v15 =	vmul.f32 v26, v4;
	[tilespmem:s13+$0x20] =	vst v56  }
0x4f3: {  	[tilespmem:s14+$0xFFFFFFB0] =	vst v58;
	v62 =	vadd.s32 $0x2, v2;
	v60 =	vmul.f32 v53, v5;
	v61 =	vld.idx.msk [tilespmem:v54+s1+$0x0], $0xffff  }
0x4f4: {  	v13 =	vadd.s32 $0x2, v13;
	[tilespmem:s14+$0xFFFFFFC0] =	vst v15;
	v2 =	vmul.f32 v11, v6;
	v25 =	vld.idx.msk [tilespmem:v17+s1+$0x0], $0xffff  }
0x4f5: {  	v63 =	vadd.s32 $0x2, v16;
	[tilespmem:s14+$0xFFFFFFD0] =	vst v60;
	v16 =	vld.idx.msk [tilespmem:v14+s1+$0x0], $0xffff;
	v14 =	vmul.f32 v19, v7  }
0x4f6: {  	v11 =	vld.idx.msk [tilespmem:v21+s1+$0x0], $0xffff;
	[tilespmem:s14+$0xFFFFFFE0] =	vst v2;
	v2 =	vmul.f32 v57, v3  }
0x4f7: {  	v3 =	vmul.f32 v29, v8;
	v12 =	vld.idx.msk [tilespmem:v12+s1+$0x0], $0xffff;
	[tilespmem:s14+$0xFFFFFFF0] =	vst v14  }
0x4f8: {  	v19 =	vmul.f32 v59, v1;
	v14 =	vld.idx.msk [tilespmem:v62+s1+$0x0], $0xffff;
	[tilespmem:s12+$0x10] =	vst v2  }
0x4f9: {  	v13 =	vld.idx.msk [tilespmem:v13+s1+$0x0], $0xffff;
	[tilespmem:s14+$0x0] =	vst v3;
	v17 =	vmul.f32 v61, v9  }
0x4fa: {  	s18 =	simm.s32 $0x140;
	s17 =	simm.s32 $0x610;
	s16 =	simm.s32 $0xA;
	v2 =	vadd.s32 $0x2, v18;
	v3 =	vadd.s32 $0x2, v10;
	[tilespmem:s14+$0x10] =	vst v19;
	v10 =	vld.idx.msk [tilespmem:v63+s1+$0x0], $0xffff;
	v15 =	vmul.f32 v25, v43  }
.LBB2_14:
0x4fb: {  	s19 =	sand.u32 $0x3FE0, s18;
	v18 =	vld [tilespmem:s17+$0x40];
	s16 =	sadd.s32 $0xA, s16;
	v4 =	vmul.f32 v16, v4;
	[tilespmem:s14+$0x20] =	vst v17  }
0x4fc: {  	v5 =	vmul.f32 v11, v5;
	v16 =	vld [tilespmem:s19+$0x500];
	p0 =	slt.u32 s16, $0x276;
	[tilespmem:s15+$0xFFFFFFB0] =	vst v15  }
0x4fd: {  	v11 =	vld [tilespmem:s17+$0xFFFFFFC0];
	[tilespmem:s15+$0xFFFFFFC0] =	vst v4;
	v4 =	vmul.f32 v12, v6  }
0x4fe: {  	v6 =	vld [tilespmem:s17+$0xFFFFFFD0];
	[tilespmem:s15+$0xFFFFFFD0] =	vst v5;
	v5 =	vmul.f32 v13, v7  }
0x4ff: {  	v7 =	vld [tilespmem:s17+$0xFFFFFFE0];
	[tilespmem:s15+$0xFFFFFFE0] =	vst v4;
	v4 =	vmul.f32 v14, v0;
	v0 =	vmov v9  }
0x500: {  	v9 =	vld [tilespmem:s17+$0xFFFFFFF0];
	v17 =	vmul.u32 $0x3, v18;
	[tilespmem:s15+$0xFFFFFFF0] =	vst v5;
	v5 =	vmul.f32 v10, v8  }
0x501: {  	v8 =	vld [tilespmem:s17+$0x0];
	v16 =	vmul.u32 $0x3, v16;
	[tilespmem:s12+$0x20] =	vst v4;
	s12 =	smov.u32 s15  }
0x502: {  	s11 =	sadd.s32 $0xA0, s11;
	v18 =	vmul.u32 $0x3, v11;
	v4 =	vld [tilespmem:s17+$0x10];
	[tilespmem:s15+$0x0] =	vst v5  }
0x503: {  	v19 =	vmul.u32 $0x3, v6;
	v5 =	vld [tilespmem:s11+$0x40]  }
0x504: {  	v20 =	vadd.s32 $0x1, v18;
	v11 =	vadd.s32 $0x2, v18;
	v21 =	vmul.u32 $0x3, v7;
	v6 =	vld [tilespmem:s19+$0x5500]  }
0x505: {  	v22 =	vadd.s32 $0x1, v19;
	v12 =	vadd.s32 $0x2, v19;
	v9 =	vmul.u32 $0x3, v9;
	v7 =	vld [tilespmem:s17+$0x20]  }
0x506: {  	v23 =	vadd.s32 $0x1, v21;
	v13 =	vadd.s32 $0x2, v21;
	v24 =	vmul.u32 $0x3, v8;
	v8 =	vld.idx.msk [tilespmem:v17+s1+$0x0], $0xffff  }
0x507: {  	v25 =	vadd.s32 $0x1, v9;
	v14 =	vadd.s32 $0x2, v9;
	v26 =	vmul.u32 $0x3, v4;
	v4 =	vld.idx.msk [tilespmem:v16+s1+$0x0], $0xffff  }
0x508: {  	v27 =	vld [tilespmem:s17+$0xFFFFFFB0];
	v28 =	vadd.s32 $0x1, v24;
	v10 =	vadd.s32 $0x2, v24;
	v5 =	vmul.f32 $6.999999880e-01, v5  }
0x509: {  	v29 =	vld [tilespmem:s11+$0xFFFFFFB0];
	v30 =	vadd.s32 $0x1, v26;
	v31 =	vadd.s32 $0x2, v26;
	v6 =	vmul.f32 $6.999999880e-01, v6  }
0x50a: {  	v32 =	vld [tilespmem:s11+$0xFFFFFFC0];
	v33 =	vmul.u32 $0x3, v7;
	v34 =	vadd.f32 $3.000000120e-01, v5;
	v5 =	vadd.s32 $0x1, v17  }
0x50b: {  	v7 =	vld [tilespmem:s11+$0xFFFFFFD0];
	v35 =	vadd.f32 $3.000000120e-01, v6;
	v6 =	vadd.s32 $0x1, v16  }
0x50c: {  	v36 =	vld [tilespmem:s11+$0xFFFFFFE0];
	v37 =	vadd.s32 $0x1, v33;
	v15 =	vadd.s32 $0x2, v33;
	v8 =	vmul.f32 v34, v8  }
0x50d: {  	s13 =	sadd.s32 $0xA0, s13;
	v27 =	vmul.u32 $0x3, v27;
	v38 =	vld [tilespmem:s11+$0xFFFFFFF0];
	v4 =	vmul.f32 v35, v4  }
0x50e: {  	v29 =	vmul.f32 $6.999999880e-01, v29;
	v39 =	vld [tilespmem:s11+$0x0];
	[tilespmem:s13+$0x40] =	vst v8  }
0x50f: {  	v40 =	vadd.s32 $0x1, v27;
	v41 =	vadd.s32 $0x2, v27;
	v8 =	vmul.f32 $6.999999880e-01, v32;
	[tilespmem:s19+$0xA500] =	vst v4;
	v32 =	vld.idx.msk [tilespmem:v5+s1+$0x0], $0xffff  }
0x510: {  	v29 =	vadd.f32 $3.000000120e-01, v29;
	v5 =	vmul.f32 $6.999999880e-01, v7;
	v42 =	vld.idx.msk [tilespmem:v6+s1+$0x0], $0xffff  }
0x511: {  	v4 =	vadd.f32 $3.000000120e-01, v8;
	v6 =	vmul.f32 $6.999999880e-01, v36;
	v36 =	vld [tilespmem:s11+$0x10]  }
0x512: {  	v5 =	vadd.f32 $3.000000120e-01, v5;
	v7 =	vmul.f32 $6.999999880e-01, v38;
	v38 =	vld [tilespmem:s11+$0x20]  }
0x513: {  	v17 =	vadd.s32 $0x2, v17;
	v27 =	vld.idx.msk [tilespmem:v27+s1+$0x0], $0xffff;
	v6 =	vadd.f32 $3.000000120e-01, v6;
	v8 =	vmul.f32 $6.999999880e-01, v39  }
0x514: {  	v16 =	vadd.s32 $0x2, v16;
	v18 =	vld.idx.msk [tilespmem:v18+s1+$0x0], $0xffff;
	v7 =	vadd.f32 $3.000000120e-01, v7  }
0x515: {  	v32 =	vmul.f32 v32, v34;
	v19 =	vld.idx.msk [tilespmem:v19+s1+$0x0], $0xffff;
	v8 =	vadd.f32 $3.000000120e-01, v8  }
0x516: {  	s14 =	sadd.s32 $0xA0, s14;
	v39 =	vmul.f32 v42, v35;
	v21 =	vld.idx.msk [tilespmem:v21+s1+$0x0], $0xffff;
	v36 =	vmul.f32 $6.999999880e-01, v36  }
0x517: {  	v42 =	vld.idx.msk [tilespmem:v9+s1+$0x0], $0xffff;
	v9 =	vmul.f32 $6.999999880e-01, v38;
	[tilespmem:s14+$0x40] =	vst v32  }
0x518: {  	v32 =	vadd.f32 $3.000000120e-01, v36;
	[tilespmem:s19+$0xCD00] =	vst v39;
	v17 =	vld.idx.msk [tilespmem:v17+s1+$0x0], $0xffff  }
0x519: {  	v27 =	vmul.f32 v29, v27;
	v9 =	vadd.f32 $3.000000120e-01, v9;
	v16 =	vld.idx.msk [tilespmem:v16+s1+$0x0], $0xffff  }
0x51a: {  	v18 =	vmul.f32 v4, v18;
	v24 =	vld.idx.msk [tilespmem:v24+s1+$0x0], $0xffff  }
0x51b: {  	v19 =	vmul.f32 v5, v19;
	[tilespmem:s13+$0xFFFFFFB0] =	vst v27;
	v26 =	vld.idx.msk [tilespmem:v26+s1+$0x0], $0xffff  }
0x51c: {  	[tilespmem:s13+$0xFFFFFFC0] =	vst v18;
	v18 =	vmul.f32 v6, v21;
	v21 =	vld.idx.msk [tilespmem:v33+s1+$0x0], $0xffff  }
0x51d: {  	v27 =	vld.idx.msk [tilespmem:v40+s1+$0x0], $0xffff;
	[tilespmem:s13+$0xFFFFFFD0] =	vst v19;
	v19 =	vmul.f32 v7, v42  }
0x51e: {  	v17 =	vmul.f32 v17, v34;
	v20 =	vld.idx.msk [tilespmem:v20+s1+$0x0], $0xffff;
	[tilespmem:s13+$0xFFFFFFE0] =	vst v18  }
0x51f: {  	s15 =	sadd.s32 $0xA0, s15;
	v16 =	vmul.f32 v16, v35;
	v18 =	vld.idx.msk [tilespmem:v22+s1+$0x0], $0xffff;
	[tilespmem:s13+$0xFFFFFFF0] =	vst v19  }
0x520: {  	v22 =	vmul.f32 v8, v24;
	v19 =	vld.idx.msk [tilespmem:v23+s1+$0x0], $0xffff;
	[tilespmem:s15+$0x40] =	vst v17  }
0x521: {  	v23 =	vmul.f32 v32, v26;
	v17 =	vld.idx.msk [tilespmem:v25+s1+$0x0], $0xffff;
	[tilespmem:s19+$0xF500] =	vst v16  }
0x522: {  	v16 =	vmul.f32 v9, v21;
	[tilespmem:s13+$0x0] =	vst v22;
	v21 =	vld.idx.msk [tilespmem:v2+s1+$0x0], $0xffff;
	v2 =	vmov v31  }
0x523: {  	v22 =	vmul.f32 v27, v29;
	v24 =	vld.idx.msk [tilespmem:v28+s1+$0x0], $0xffff;
	[tilespmem:s13+$0x10] =	vst v23  }
0x524: {  	v20 =	vmul.f32 v20, v4;
	v23 =	vld.idx.msk [tilespmem:v30+s1+$0x0], $0xffff;
	[tilespmem:s13+$0x20] =	vst v16  }
0x525: {  	v18 =	vmul.f32 v18, v5;
	[tilespmem:s14+$0xFFFFFFB0] =	vst v22;
	v22 =	vld.idx.msk [tilespmem:v37+s1+$0x0], $0xffff  }
0x526: {  	v19 =	vmul.f32 v19, v6;
	v25 =	vld.idx.msk [tilespmem:v41+s1+$0x0], $0xffff;
	[tilespmem:s14+$0xFFFFFFC0] =	vst v20  }
0x527: {  	v17 =	vmul.f32 v17, v7;
	v16 =	vld.idx.msk [tilespmem:v11+s1+$0x0], $0xffff;
	[tilespmem:s14+$0xFFFFFFD0] =	vst v18  }
.Ltmp6:
0x528: {  	v18 =	vmul.f32 v21, v1;
	v1 =	vmov v32;
	v11 =	vld.idx.msk [tilespmem:v12+s1+$0x0], $0xffff;
	[tilespmem:s14+$0xFFFFFFE0] =	vst v19;
	(pc) =	sbr.rel @p0 .LBB2_14-.Ltmp6, $4  }
0x529: {  	v12 =	vld.idx.msk [tilespmem:v13+s1+$0x0], $0xffff;
	[tilespmem:s14+$0xFFFFFFF0] =	vst v17;
	v17 =	vmul.f32 v24, v8  }
0x52a: {  	v19 =	vmul.f32 v23, v1;
	v13 =	vld.idx.msk [tilespmem:v14+s1+$0x0], $0xffff;
	[tilespmem:s12+$0x10] =	vst v18  }
0x52b: {  	[tilespmem:s14+$0x0] =	vst v17;
	v17 =	vmul.f32 v22, v9;
	v14 =	vld.idx.msk [tilespmem:v3+s1+$0x0], $0xffff;
	v3 =	vmov v15  }
0x52c: {  	s18 =	sadd.s32 $0xA0, s18;
	s17 =	sadd.s32 $0xA0, s17;
	v15 =	vmul.f32 v25, v29;
	v10 =	vld.idx.msk [tilespmem:v10+s1+$0x0], $0xffff;
	[tilespmem:s14+$0x10] =	vst v19  }
0x52d: {  	_ =	sdelay $0x2  }
0x52e: {  	v4 =	vmul.f32 v16, v4;
	[tilespmem:s14+$0x20] =	vst v17  }
0x52f: {  	v5 =	vmul.f32 v11, v5;
	v2 =	vld.idx.msk [tilespmem:v2+s1+$0x0], $0xffff;
	[tilespmem:s15+$0xFFFFFFB0] =	vst v15  }
0x530: {  	v3 =	vld.idx.msk [tilespmem:v3+s1+$0x0], $0xffff;
	[tilespmem:s15+$0xFFFFFFC0] =	vst v4;
	v4 =	vmul.f32 v12, v6  }
0x531: {  	[tilespmem:s15+$0xFFFFFFD0] =	vst v5;
	v5 =	vmul.f32 v13, v7  }
0x532: {  	v0 =	vmul.f32 v14, v0;
	[tilespmem:s15+$0xFFFFFFE0] =	vst v4  }
0x533: {  	[tilespmem:s15+$0xFFFFFFF0] =	vst v5;
	v4 =	vmul.f32 v10, v8  }
0x534: {  	[tilespmem:s12+$0x20] =	vst v0;
	v0 =	vmul.f32 v2, v1  }
0x535: {  	[tilespmem:s15+$0x0] =	vst v4;
	v1 =	vmul.f32 v3, v9  }
0x536: {  	[tilespmem:s15+$0x10] =	vst v0  }
0x537: {  	[tilespmem:s15+$0x20] =	vst v1  }
0x538: {  	s12 =	rddreg [dreg:$0x17]  }
0x539: {  	s11 =	simm.s32 $0x0;
	s17 =	sld [smem:$0x7FA]  }
0x53a: {  	[hbm4b:s12+s11] =	stream.linear.scatter [tilespmem:s0], [sflag:$0x3], $0x2800, $0x38;
	[tilespmem:$0x19480] =	vst v63  }
0x53b: {  	s18 =	sld [smem:$0x7FB]  }
0x53c: {  	[hbm4b:s17+s11] =	stream.linear.scatter [tilespmem:s2], [sflag:$0x3], $0x2800, $0x38;
	[tilespmem:$0x19480] =	vst v63  }
0x53d: {  	_ = 	snop  }
0x53e: {  	[hbm4b:s18+s11] =	stream.linear.scatter [tilespmem:s3], [sflag:$0x3], $0x2800, $0x38;
	[tilespmem:$0x19480] =	vst v63  }
0x53f: {  	s19 =	rddreg [dreg:$0x1c]  }
0x540: {  	[tilespmem:s25], [sflag:$0x1] =	stream.linear.gather [hbm4b:s19+s11], $0x2800, $0x38;
	[tilespmem:$0x19480] =	vst v63  }
0x541: {  	s13 =	rddreg [dreg:$0x1e]  }
0x542: {  	[tilespmem:s26], [sflag:$0x1] =	stream.linear.gather [hbm4b:s13+s11], $0x2800, $0x38;
	[tilespmem:$0x19480] =	vst v63  }
0x543: {  	_ =	swait.ge [sflag:s4], $0x2800  }
0x544: {  	[sflag:s4] =	ssyncset.done $0x0  }
0x545: {  	[sflag:s4] =	ssyncadd.s32 $0xFFFFD800  }
0x546: {  	_ =	swait.ge [sflag:s4], $0x2800  }
0x547: {  	[sflag:s4] =	ssyncset.done $0x0  }
0x548: {  	[sflag:s4] =	ssyncadd.s32 $0xFFFFD800  }
0x549: {  	_ =	swait.ge [sflag:s9], $0x2800  }
0x54a: {  	[sflag:s9] =	ssyncset.done $0x0  }
0x54b: {  	[sflag:s9] =	ssyncadd.s32 $0xFFFFD800  }
0x54c: {  	_ =	swait.ge [sflag:s9], $0x2800  }
0x54d: {  	[sflag:s9] =	ssyncset.done $0x0  }
0x54e: {  	[sflag:s9] =	ssyncadd.s32 $0xFFFFD800  }
0x54f: {  	_ =	swait.ge [sflag:s9], $0x2800  }
0x550: {  	[sflag:s9] =	ssyncset.done $0x0  }
0x551: {  	s14 =	simm.s32 $0x2CD0;
	[sflag:s9] =	ssyncadd.s32 $0xFFFFD800  }
0x552: {  	s15 =	sand.u32 $0x3FE0, s11;
	v0 =	vld [tilespmem:s14+$0x40]  }
0x553: {  	v1 =	vld [tilespmem:s15+$0x2D00]  }
0x554: {  	v2 =	vld [tilespmem:s14+$0xFFFFFFC0]  }
0x555: {  	v3 =	vld [tilespmem:s14+$0xFFFFFFD0]  }
0x556: {  	v5 =	vld [tilespmem:s14+$0xFFFFFFE0]  }
0x557: {  	v6 =	vld [tilespmem:s14+$0xFFFFFFF0]  }
0x558: {  	v7 =	vld [tilespmem:s14+$0x0]  }
0x559: {  	v9 =	vld [tilespmem:s14+$0x10]  }
0x55a: {  	v4 =	vld [tilespmem:s15+$0x7D00]  }
0x55b: {  	v10 =	vld [tilespmem:s14+$0x20]  }
0x55c: {  	s13 =	simm.s32 $0x7CD0;
	v13 =	vld [tilespmem:s14+$0xFFFFFFB0]  }
0x55d: {  	v14 =	vld [tilespmem:s13+$0xFFFFFFB0]  }
0x55e: {  	v16 =	vld [tilespmem:s13+$0xFFFFFFC0]  }
0x55f: {  	v18 =	vld [tilespmem:s13+$0xFFFFFFD0];
	v0 =	vmul.u32 $0x3, v0  }
0x560: {  	v19 =	vld [tilespmem:s13+$0xFFFFFFE0]  }
0x561: {  	v8 =	vmul.u32 $0x3, v1;
	v1 =	vld [tilespmem:s13+$0x40]  }
0x562: {  	v20 =	vld [tilespmem:s13+$0xFFFFFFF0]  }
0x563: {  	s18 =	simm.s32 $0x2D70;
	v22 =	vld [tilespmem:s13+$0x0]  }
0x564: {  	v51 =	vld [tilespmem:s18+$0xFFFFFFC0]  }
0x565: {  	v11 =	vld.idx.msk [tilespmem:v0+s1+$0x0], $0xffff  }
0x566: {  	v52 =	vld [tilespmem:s18+$0xFFFFFFD0];
	v1 =	vmul.f32 $6.999999880e-01, v1  }
0x567: {  	v12 =	vld.idx.msk [tilespmem:v8+s1+$0x0], $0xffff  }
0x568: {  	v53 =	vld [tilespmem:s18+$0xFFFFFFE0];
	v15 =	vmul.f32 $6.999999880e-01, v4;
	v17 =	vadd.s32 $0x1, v0;
	v4 =	vadd.f32 $3.000000120e-01, v1  }
0x569: {  	v54 =	vld [tilespmem:s18+$0xFFFFFFF0];
	v13 =	vmul.u32 $0x3, v13  }
0x56a: {  	v55 =	vld [tilespmem:s18+$0x0];
	v1 =	vadd.f32 $3.000000120e-01, v15;
	v15 =	vadd.s32 $0x1, v8;
	v11 =	vmul.f32 v4, v11  }
0x56b: {  	s16 =	simm.s32 $0x11CD0;
	s11 =	simm.s32 $0x7D70;
	v56 =	vld [tilespmem:s18+$0x10];
	v6 =	vmul.u32 $0x3, v6  }
0x56c: {  	v57 =	vld [tilespmem:s11+$0x40];
	v7 =	vmul.u32 $0x3, v7;
	v12 =	vmul.f32 v1, v12;
	[tilespmem:s16+$0x40] =	vst v11  }
0x56d: {  	v21 =	vmul.u32 $0x3, v2;
	v11 =	vmul.u32 $0x3, v3;
	v2 =	vld.idx.msk [tilespmem:v17+s1+$0x0], $0xffff  }
0x56e: {  	v59 =	vld [tilespmem:s18+$0x20];
	[tilespmem:s15+$0x11D00] =	vst v12;
	v12 =	vmul.u32 $0x3, v5  }
0x56f: {  	v3 =	vld.idx.msk [tilespmem:v15+s1+$0x0], $0xffff  }
0x570: {  	v23 =	vld.idx.msk [tilespmem:v13+s1+$0x0], $0xffff;
	v0 =	vadd.s32 $0x2, v0  }
0x571: {  	v30 =	vld.idx.msk [tilespmem:v6+s1+$0x0], $0xffff  }
0x572: {  	v44 =	vld.idx.msk [tilespmem:v7+s1+$0x0], $0xffff;
	v27 =	vmul.f32 v2, v4  }
0x573: {  	s17 =	simm.s32 $0x144D0;
	v5 =	vmul.u32 $0x3, v9;
	v9 =	vld.idx.msk [tilespmem:v11+s1+$0x0], $0xffff;
	v2 =	vmul.u32 $0x3, v10;
	v10 =	vmul.f32 $6.999999880e-01, v14  }
0x574: {  	v18 =	vmul.f32 $6.999999880e-01, v18;
	v14 =	vld.idx.msk [tilespmem:v12+s1+$0x0], $0xffff;
	v3 =	vmul.f32 v3, v1;
	[tilespmem:s17+$0x40] =	vst v27  }
0x575: {  	v10 =	vadd.f32 $3.000000120e-01, v10;
	v31 =	vld.idx.msk [tilespmem:v0+s1+$0x0], $0xffff;
	v0 =	vmul.f32 $6.999999880e-01, v19  }
0x576: {  	v18 =	vadd.f32 $3.000000120e-01, v18;
	v15 =	vld [tilespmem:s13+$0x10];
	v28 =	vadd.s32 $0x1, v12;
	[tilespmem:s15+$0x14500] =	vst v3;
	v3 =	vmul.f32 $6.999999880e-01, v20  }
0x577: {  	v17 =	vld [tilespmem:s13+$0x20];
	v19 =	vmul.f32 v10, v23;
	v45 =	vadd.f32 $3.000000120e-01, v0;
	v0 =	vmul.f32 $6.999999880e-01, v22  }
0x578: {  	v35 =	vld [tilespmem:s18+$0xFFFFFFB0];
	v26 =	vadd.s32 $0x1, v11;
	v33 =	vadd.f32 $3.000000120e-01, v3;
	v9 =	vmul.f32 v18, v9  }
0x579: {  	v32 =	vadd.s32 $0x1, v7;
	v25 =	vld.idx.msk [tilespmem:v21+s1+$0x0], $0xffff;
	[tilespmem:s16+$0xFFFFFFB0] =	vst v19;
	v19 =	vadd.f32 $3.000000120e-01, v0;
	v14 =	vmul.f32 v45, v14  }
0x57a: {  	v16 =	vmul.f32 $6.999999880e-01, v16;
	v29 =	vadd.s32 $0x1, v6;
	v47 =	vld.idx.msk [tilespmem:v5+s1+$0x0], $0xffff;
	[tilespmem:s16+$0xFFFFFFD0] =	vst v9;
	v9 =	vmul.f32 v33, v30  }
0x57b: {  	v3 =	vmul.f32 $6.999999880e-01, v15;
	v15 =	vld.idx.msk [tilespmem:v2+s1+$0x0], $0xffff;
	[tilespmem:s16+$0xFFFFFFE0] =	vst v14;
	v20 =	vmul.f32 v19, v44  }
0x57c: {  	v16 =	vadd.f32 $3.000000120e-01, v16;
	v0 =	vmul.f32 $6.999999880e-01, v17;
	[tilespmem:s16+$0xFFFFFFF0] =	vst v9;
	v9 =	vld.idx.msk [tilespmem:v28+s1+$0x0], $0xffff  }
0x57d: {  	v3 =	vadd.f32 $3.000000120e-01, v3;
	v14 =	vld.idx.msk [tilespmem:v26+s1+$0x0], $0xffff;
	[tilespmem:s16+$0x0] =	vst v20  }
0x57e: {  	v8 =	vadd.s32 $0x2, v8;
	v46 =	vmul.f32 v16, v25;
	v0 =	vadd.f32 $3.000000120e-01, v0;
	v20 =	vld.idx.msk [tilespmem:v32+s1+$0x0], $0xffff  }
0x57f: {  	v43 =	vadd.s32 $0x1, v13;
	v25 =	vmul.f32 v3, v47;
	v50 =	vld.idx.msk [tilespmem:v29+s1+$0x0], $0xffff  }
0x580: {  	v36 =	vld [tilespmem:s11+$0xFFFFFFB0];
	[tilespmem:s16+$0xFFFFFFC0] =	vst v46;
	v15 =	vmul.f32 v0, v15  }
0x581: {  	v37 =	vld [tilespmem:s11+$0xFFFFFFC0];
	[tilespmem:s16+$0x10] =	vst v25;
	v9 =	vmul.f32 v9, v45  }
0x582: {  	v61 =	vld [tilespmem:s11+$0xFFFFFFD0];
	[tilespmem:s16+$0x20] =	vst v15;
	v14 =	vmul.f32 v14, v18  }
0x583: {  	v8 =	vld.idx.msk [tilespmem:v8+s1+$0x0], $0xffff;
	[tilespmem:s17+$0xFFFFFFE0] =	vst v9;
	v9 =	vmul.f32 v20, v19  }
0x584: {  	s19 =	simm.s32 $0xA0;
	v17 =	vld.idx.msk [tilespmem:v43+s1+$0x0], $0xffff;
	[tilespmem:s17+$0xFFFFFFD0] =	vst v14;
	v14 =	vmul.f32 v50, v33  }
0x585: {  	v24 =	vadd.s32 $0x1, v21;
	s16 =	sand.u32 $0x3FE0, s19;
	[tilespmem:s17+$0x0] =	vst v9;
	v9 =	vld [tilespmem:s18+$0x40]  }
0x586: {  	[tilespmem:s17+$0xFFFFFFF0] =	vst v14;
	v14 =	vld [tilespmem:s16+$0x2D00]  }
0x587: {  	v40 =	vld [tilespmem:s11+$0xFFFFFFE0];
	v49 =	vadd.s32 $0x1, v2  }
0x588: {  	v41 =	vld [tilespmem:s11+$0xFFFFFFF0]  }
0x589: {  	v63 =	vld [tilespmem:s11+$0x10];
	v13 =	vadd.s32 $0x2, v13  }
0x58a: {  	v24 =	vld.idx.msk [tilespmem:v24+s1+$0x0], $0xffff;
	v11 =	vadd.s32 $0x2, v11;
	v9 =	vmul.u32 $0x3, v9  }
0x58b: {  	v1 =	vmul.f32 v8, v1;
	v8 =	vld [tilespmem:s11+$0x0];
	v17 =	vmul.f32 v17, v10;
	v14 =	vmul.u32 $0x3, v14  }
0x58c: {  	v15 =	vld.idx.msk [tilespmem:v49+s1+$0x0], $0xffff  }
0x58d: {  	v12 =	vadd.s32 $0x2, v12;
	[tilespmem:s17+$0xFFFFFFB0] =	vst v17;
	v58 =	vld [tilespmem:s16+$0x7D00]  }
0x58e: {  	v48 =	vadd.s32 $0x1, v5;
	v13 =	vld.idx.msk [tilespmem:v13+s1+$0x0], $0xffff  }
0x58f: {  	v21 =	vadd.s32 $0x2, v21;
	v24 =	vmul.f32 v24, v16;
	v11 =	vld.idx.msk [tilespmem:v11+s1+$0x0], $0xffff  }
0x590: {  	v35 =	vmul.u32 $0x3, v35;
	v6 =	vadd.s32 $0x2, v6;
	v60 =	vld.idx.msk [tilespmem:v9+s1+$0x0], $0xffff  }
0x591: {  	v7 =	vadd.s32 $0x2, v7;
	[tilespmem:s17+$0xFFFFFFC0] =	vst v24;
	v4 =	vmul.f32 v31, v4;
	v28 =	vmul.f32 $6.999999880e-01, v57;
	v34 =	vld.idx.msk [tilespmem:v14+s1+$0x0], $0xffff  }
0x592: {  	s12 =	simm.s32 $0x16CD0;
	[tilespmem:s15+$0x16D00] =	vst v1;
	v12 =	vld.idx.msk [tilespmem:v12+s1+$0x0], $0xffff;
	v29 =	vmul.f32 $6.999999880e-01, v58;
	v1 =	vmul.f32 v15, v0  }
0x593: {  	[tilespmem:s12+$0x40] =	vst v4;
	v22 =	vld.idx.msk [tilespmem:v48+s1+$0x0], $0xffff;
	v28 =	vadd.f32 $3.000000120e-01, v28;
	v10 =	vmul.f32 v13, v10;
	v38 =	vadd.s32 $0x1, v9  }
0x594: {  	v17 =	vld.idx.msk [tilespmem:v21+s1+$0x0], $0xffff;
	v29 =	vadd.f32 $3.000000120e-01, v29;
	[tilespmem:s17+$0x20] =	vst v1;
	v1 =	vmul.f32 v11, v18  }
0x595: {  	v21 =	vmul.u32 $0x3, v52;
	v6 =	vld.idx.msk [tilespmem:v6+s1+$0x0], $0xffff;
	[tilespmem:s12+$0xFFFFFFB0] =	vst v10;
	v39 =	vadd.s32 $0x1, v14;
	v32 =	vmul.f32 v28, v60  }
0x596: {  	s13 =	simm.s32 $0x11D70;
	v20 =	vmul.u32 $0x3, v51;
	v7 =	vld.idx.msk [tilespmem:v7+s1+$0x0], $0xffff;
	[tilespmem:s12+$0xFFFFFFD0] =	vst v1;
	v4 =	vmul.f32 v29, v34  }
0x597: {  	v13 =	vmul.u32 $0x3, v54;
	v10 =	vmul.f32 v12, v45;
	v12 =	vld.idx.msk [tilespmem:v35+s1+$0x0], $0xffff;
	v1 =	vmul.f32 $6.999999880e-01, v36;
	[tilespmem:s13+$0x40] =	vst v32  }
0x598: {  	v15 =	vmul.u32 $0x3, v53;
	[tilespmem:s16+$0x11D00] =	vst v4;
	v4 =	vld.idx.msk [tilespmem:v38+s1+$0x0], $0xffff  }
0x599: {  	v22 =	vmul.f32 v22, v3;
	v11 =	vld [tilespmem:s11+$0x20];
	v18 =	vmul.u32 $0x3, v56;
	v43 =	vadd.f32 $3.000000120e-01, v1  }
0x59a: {  	v62 =	vld.idx.msk [tilespmem:v39+s1+$0x0], $0xffff;
	v38 =	vadd.s32 $0x2, v5;
	v5 =	vmul.f32 v17, v16;
	v16 =	vmul.u32 $0x3, v55  }
0x59b: {  	v46 =	vmul.f32 $6.999999880e-01, v40;
	[tilespmem:s17+$0x10] =	vst v22;
	v7 =	vmul.f32 v7, v19;
	v19 =	vld.idx.msk [tilespmem:v21+s1+$0x0], $0xffff  }
0x59c: {  	[tilespmem:s12+$0xFFFFFFE0] =	vst v10;
	v10 =	vmul.u32 $0x3, v59;
	v12 =	vmul.f32 v43, v12;
	v9 =	vadd.s32 $0x2, v9;
	v17 =	vld.idx.msk [tilespmem:v20+s1+$0x0], $0xffff  }
0x59d: {  	v44 =	vld.idx.msk [tilespmem:v13+s1+$0x0], $0xffff;
	v14 =	vadd.s32 $0x2, v14;
	[tilespmem:s12+$0xFFFFFFC0] =	vst v5;
	v5 =	vmul.f32 $6.999999880e-01, v37;
	v4 =	vmul.f32 v4, v28  }
0x59e: {  	s14 =	simm.s32 $0x14570;
	v6 =	vmul.f32 v6, v33;
	v1 =	vmul.f32 $6.999999880e-01, v61;
	[tilespmem:s13+$0xFFFFFFB0] =	vst v12;
	v39 =	vld.idx.msk [tilespmem:v15+s1+$0x0], $0xffff  }
0x59f: {  	v45 =	vadd.s32 $0x1, v35;
	v12 =	vld.idx.msk [tilespmem:v18+s1+$0x0], $0xffff;
	v24 =	vmul.f32 v62, v29;
	[tilespmem:s14+$0x40] =	vst v4;
	v4 =	vadd.f32 $3.000000120e-01, v5  }
0x5a0: {  	v8 =	vmul.f32 $6.999999880e-01, v8;
	[tilespmem:s12+$0xFFFFFFF0] =	vst v6;
	v48 =	vld.idx.msk [tilespmem:v16+s1+$0x0], $0xffff;
	v5 =	vadd.f32 $3.000000120e-01, v1;
	v1 =	vmul.f32 $6.999999880e-01, v41  }
0x5a1: {  	v42 =	vadd.s32 $0x1, v20;
	v6 =	vadd.f32 $3.000000120e-01, v46;
	[tilespmem:s16+$0x14500] =	vst v24;
	v9 =	vld.idx.msk [tilespmem:v9+s1+$0x0], $0xffff;
	v17 =	vmul.f32 v4, v17  }
0x5a2: {  	v47 =	vadd.s32 $0x1, v21;
	[tilespmem:s12+$0x0] =	vst v7;
	v14 =	vld.idx.msk [tilespmem:v14+s1+$0x0], $0xffff;
	v7 =	vadd.f32 $3.000000120e-01, v1;
	v1 =	vmul.f32 v5, v19  }
0x5a3: {  	v8 =	vadd.f32 $3.000000120e-01, v8;
	v49 =	vadd.s32 $0x1, v15;
	v50 =	vld.idx.msk [tilespmem:v10+s1+$0x0], $0xffff;
	[tilespmem:s13+$0xFFFFFFC0] =	vst v17;
	v17 =	vmul.f32 v6, v39  }
0x5a4: {  	v22 =	vmul.f32 $6.999999880e-01, v63;
	v31 =	vld.idx.msk [tilespmem:v45+s1+$0x0], $0xffff;
	v19 =	vadd.s32 $0x1, v13;
	[tilespmem:s13+$0xFFFFFFD0] =	vst v1;
	v30 =	vmul.f32 v7, v44  }
0x5a5: {  	v11 =	vmul.f32 $6.999999880e-01, v11;
	v51 =	vadd.s32 $0x1, v16;
	v57 =	vld.idx.msk [tilespmem:v38+s1+$0x0], $0xffff;
	v55 =	vmul.f32 v8, v48;
	[tilespmem:s13+$0xFFFFFFE0] =	vst v17  }
0x5a6: {  	v52 =	vadd.s32 $0x1, v18;
	v1 =	vadd.f32 $3.000000120e-01, v22;
	v26 =	vld.idx.msk [tilespmem:v42+s1+$0x0], $0xffff;
	v17 =	vmul.f32 v9, v28;
	[tilespmem:s13+$0xFFFFFFF0] =	vst v30  }
0x5a7: {  	s15 =	simm.s32 $0x16D70;
	v54 =	vadd.s32 $0x1, v10;
	v53 =	vld.idx.msk [tilespmem:v47+s1+$0x0], $0xffff;
	v14 =	vmul.f32 v14, v29;
	v9 =	vadd.f32 $3.000000120e-01, v11;
	[tilespmem:s13+$0x0] =	vst v55  }
0x5a8: {  	v12 =	vmul.f32 v1, v12;
	v11 =	vld.idx.msk [tilespmem:v49+s1+$0x0], $0xffff;
	[tilespmem:s15+$0x40] =	vst v17;
	v17 =	vadd.s32 $0x2, v35  }
0x5a9: {  	v19 =	vld.idx.msk [tilespmem:v19+s1+$0x0], $0xffff;
	[tilespmem:s16+$0x16D00] =	vst v14;
	v14 =	vadd.s32 $0x2, v20;
	v56 =	vmul.f32 v9, v50  }
0x5aa: {  	v21 =	vadd.s32 $0x2, v21;
	v58 =	vmul.f32 v31, v43;
	v29 =	vld.idx.msk [tilespmem:v51+s1+$0x0], $0xffff;
	[tilespmem:s13+$0x10] =	vst v12  }
0x5ab: {  	v12 =	vadd.s32 $0x2, v15;
	v59 =	vld.idx.msk [tilespmem:v52+s1+$0x0], $0xffff;
	v15 =	vmul.f32 v26, v4;
	[tilespmem:s13+$0x20] =	vst v56  }
0x5ac: {  	[tilespmem:s14+$0xFFFFFFB0] =	vst v58;
	v62 =	vadd.s32 $0x2, v2;
	v60 =	vmul.f32 v53, v5;
	v61 =	vld.idx.msk [tilespmem:v54+s1+$0x0], $0xffff  }
0x5ad: {  	v13 =	vadd.s32 $0x2, v13;
	[tilespmem:s14+$0xFFFFFFC0] =	vst v15;
	v2 =	vmul.f32 v11, v6;
	v25 =	vld.idx.msk [tilespmem:v17+s1+$0x0], $0xffff  }
0x5ae: {  	v63 =	vadd.s32 $0x2, v16;
	[tilespmem:s14+$0xFFFFFFD0] =	vst v60;
	v16 =	vld.idx.msk [tilespmem:v14+s1+$0x0], $0xffff;
	v14 =	vmul.f32 v19, v7  }
0x5af: {  	v11 =	vld.idx.msk [tilespmem:v21+s1+$0x0], $0xffff;
	[tilespmem:s14+$0xFFFFFFE0] =	vst v2;
	v2 =	vmul.f32 v57, v3  }
0x5b0: {  	v3 =	vmul.f32 v29, v8;
	v12 =	vld.idx.msk [tilespmem:v12+s1+$0x0], $0xffff;
	[tilespmem:s14+$0xFFFFFFF0] =	vst v14  }
0x5b1: {  	v19 =	vmul.f32 v59, v1;
	v14 =	vld.idx.msk [tilespmem:v62+s1+$0x0], $0xffff;
	[tilespmem:s12+$0x10] =	vst v2  }
0x5b2: {  	v13 =	vld.idx.msk [tilespmem:v13+s1+$0x0], $0xffff;
	[tilespmem:s14+$0x0] =	vst v3;
	v17 =	vmul.f32 v61, v9  }
0x5b3: {  	s18 =	simm.s32 $0x140;
	s17 =	simm.s32 $0x2E10;
	s16 =	simm.s32 $0xA;
	v2 =	vadd.s32 $0x2, v18;
	v3 =	vadd.s32 $0x2, v10;
	[tilespmem:s14+$0x10] =	vst v19;
	v10 =	vld.idx.msk [tilespmem:v63+s1+$0x0], $0xffff;
	v15 =	vmul.f32 v25, v43  }
.LBB2_16:
0x5b4: {  	s19 =	sand.u32 $0x3FE0, s18;
	v18 =	vld [tilespmem:s17+$0x40];
	s16 =	sadd.s32 $0xA, s16;
	v4 =	vmul.f32 v16, v4;
	[tilespmem:s14+$0x20] =	vst v17  }
0x5b5: {  	v5 =	vmul.f32 v11, v5;
	v16 =	vld [tilespmem:s19+$0x2D00];
	p0 =	slt.u32 s16, $0x276;
	[tilespmem:s15+$0xFFFFFFB0] =	vst v15  }
0x5b6: {  	v11 =	vld [tilespmem:s17+$0xFFFFFFC0];
	[tilespmem:s15+$0xFFFFFFC0] =	vst v4;
	v4 =	vmul.f32 v12, v6  }
0x5b7: {  	v6 =	vld [tilespmem:s17+$0xFFFFFFD0];
	[tilespmem:s15+$0xFFFFFFD0] =	vst v5;
	v5 =	vmul.f32 v13, v7  }
0x5b8: {  	v7 =	vld [tilespmem:s17+$0xFFFFFFE0];
	[tilespmem:s15+$0xFFFFFFE0] =	vst v4;
	v4 =	vmul.f32 v14, v0;
	v0 =	vmov v9  }
0x5b9: {  	v9 =	vld [tilespmem:s17+$0xFFFFFFF0];
	v17 =	vmul.u32 $0x3, v18;
	[tilespmem:s15+$0xFFFFFFF0] =	vst v5;
	v5 =	vmul.f32 v10, v8  }
0x5ba: {  	v8 =	vld [tilespmem:s17+$0x0];
	v16 =	vmul.u32 $0x3, v16;
	[tilespmem:s12+$0x20] =	vst v4;
	s12 =	smov.u32 s15  }
0x5bb: {  	s11 =	sadd.s32 $0xA0, s11;
	v18 =	vmul.u32 $0x3, v11;
	v4 =	vld [tilespmem:s17+$0x10];
	[tilespmem:s15+$0x0] =	vst v5  }
0x5bc: {  	v19 =	vmul.u32 $0x3, v6;
	v5 =	vld [tilespmem:s11+$0x40]  }
0x5bd: {  	v20 =	vadd.s32 $0x1, v18;
	v11 =	vadd.s32 $0x2, v18;
	v21 =	vmul.u32 $0x3, v7;
	v6 =	vld [tilespmem:s19+$0x7D00]  }
0x5be: {  	v22 =	vadd.s32 $0x1, v19;
	v12 =	vadd.s32 $0x2, v19;
	v9 =	vmul.u32 $0x3, v9;
	v7 =	vld [tilespmem:s17+$0x20]  }
0x5bf: {  	v23 =	vadd.s32 $0x1, v21;
	v13 =	vadd.s32 $0x2, v21;
	v24 =	vmul.u32 $0x3, v8;
	v8 =	vld.idx.msk [tilespmem:v17+s1+$0x0], $0xffff  }
0x5c0: {  	v25 =	vadd.s32 $0x1, v9;
	v14 =	vadd.s32 $0x2, v9;
	v26 =	vmul.u32 $0x3, v4;
	v4 =	vld.idx.msk [tilespmem:v16+s1+$0x0], $0xffff  }
0x5c1: {  	v27 =	vld [tilespmem:s17+$0xFFFFFFB0];
	v28 =	vadd.s32 $0x1, v24;
	v10 =	vadd.s32 $0x2, v24;
	v5 =	vmul.f32 $6.999999880e-01, v5  }
0x5c2: {  	v29 =	vld [tilespmem:s11+$0xFFFFFFB0];
	v30 =	vadd.s32 $0x1, v26;
	v31 =	vadd.s32 $0x2, v26;
	v6 =	vmul.f32 $6.999999880e-01, v6  }
0x5c3: {  	v32 =	vld [tilespmem:s11+$0xFFFFFFC0];
	v33 =	vmul.u32 $0x3, v7;
	v34 =	vadd.f32 $3.000000120e-01, v5;
	v5 =	vadd.s32 $0x1, v17  }
0x5c4: {  	v7 =	vld [tilespmem:s11+$0xFFFFFFD0];
	v35 =	vadd.f32 $3.000000120e-01, v6;
	v6 =	vadd.s32 $0x1, v16  }
0x5c5: {  	v36 =	vld [tilespmem:s11+$0xFFFFFFE0];
	v37 =	vadd.s32 $0x1, v33;
	v15 =	vadd.s32 $0x2, v33;
	v8 =	vmul.f32 v34, v8  }
0x5c6: {  	s13 =	sadd.s32 $0xA0, s13;
	v27 =	vmul.u32 $0x3, v27;
	v38 =	vld [tilespmem:s11+$0xFFFFFFF0];
	v4 =	vmul.f32 v35, v4  }
0x5c7: {  	v29 =	vmul.f32 $6.999999880e-01, v29;
	v39 =	vld [tilespmem:s11+$0x0];
	[tilespmem:s13+$0x40] =	vst v8  }
0x5c8: {  	v40 =	vadd.s32 $0x1, v27;
	v41 =	vadd.s32 $0x2, v27;
	v8 =	vmul.f32 $6.999999880e-01, v32;
	[tilespmem:s19+$0x11D00] =	vst v4;
	v32 =	vld.idx.msk [tilespmem:v5+s1+$0x0], $0xffff  }
0x5c9: {  	v29 =	vadd.f32 $3.000000120e-01, v29;
	v5 =	vmul.f32 $6.999999880e-01, v7;
	v42 =	vld.idx.msk [tilespmem:v6+s1+$0x0], $0xffff  }
0x5ca: {  	v4 =	vadd.f32 $3.000000120e-01, v8;
	v6 =	vmul.f32 $6.999999880e-01, v36;
	v36 =	vld [tilespmem:s11+$0x10]  }
0x5cb: {  	v5 =	vadd.f32 $3.000000120e-01, v5;
	v7 =	vmul.f32 $6.999999880e-01, v38;
	v38 =	vld [tilespmem:s11+$0x20]  }
0x5cc: {  	v17 =	vadd.s32 $0x2, v17;
	v27 =	vld.idx.msk [tilespmem:v27+s1+$0x0], $0xffff;
	v6 =	vadd.f32 $3.000000120e-01, v6;
	v8 =	vmul.f32 $6.999999880e-01, v39  }
0x5cd: {  	v16 =	vadd.s32 $0x2, v16;
	v18 =	vld.idx.msk [tilespmem:v18+s1+$0x0], $0xffff;
	v7 =	vadd.f32 $3.000000120e-01, v7  }
0x5ce: {  	v32 =	vmul.f32 v32, v34;
	v19 =	vld.idx.msk [tilespmem:v19+s1+$0x0], $0xffff;
	v8 =	vadd.f32 $3.000000120e-01, v8  }
0x5cf: {  	s14 =	sadd.s32 $0xA0, s14;
	v39 =	vmul.f32 v42, v35;
	v21 =	vld.idx.msk [tilespmem:v21+s1+$0x0], $0xffff;
	v36 =	vmul.f32 $6.999999880e-01, v36  }
0x5d0: {  	v42 =	vld.idx.msk [tilespmem:v9+s1+$0x0], $0xffff;
	v9 =	vmul.f32 $6.999999880e-01, v38;
	[tilespmem:s14+$0x40] =	vst v32  }
0x5d1: {  	v32 =	vadd.f32 $3.000000120e-01, v36;
	[tilespmem:s19+$0x14500] =	vst v39;
	v17 =	vld.idx.msk [tilespmem:v17+s1+$0x0], $0xffff  }
0x5d2: {  	v27 =	vmul.f32 v29, v27;
	v9 =	vadd.f32 $3.000000120e-01, v9;
	v16 =	vld.idx.msk [tilespmem:v16+s1+$0x0], $0xffff  }
0x5d3: {  	v18 =	vmul.f32 v4, v18;
	v24 =	vld.idx.msk [tilespmem:v24+s1+$0x0], $0xffff  }
0x5d4: {  	v19 =	vmul.f32 v5, v19;
	[tilespmem:s13+$0xFFFFFFB0] =	vst v27;
	v26 =	vld.idx.msk [tilespmem:v26+s1+$0x0], $0xffff  }
0x5d5: {  	[tilespmem:s13+$0xFFFFFFC0] =	vst v18;
	v18 =	vmul.f32 v6, v21;
	v21 =	vld.idx.msk [tilespmem:v33+s1+$0x0], $0xffff  }
0x5d6: {  	v27 =	vld.idx.msk [tilespmem:v40+s1+$0x0], $0xffff;
	[tilespmem:s13+$0xFFFFFFD0] =	vst v19;
	v19 =	vmul.f32 v7, v42  }
0x5d7: {  	v17 =	vmul.f32 v17, v34;
	v20 =	vld.idx.msk [tilespmem:v20+s1+$0x0], $0xffff;
	[tilespmem:s13+$0xFFFFFFE0] =	vst v18  }
0x5d8: {  	s15 =	sadd.s32 $0xA0, s15;
	v16 =	vmul.f32 v16, v35;
	v18 =	vld.idx.msk [tilespmem:v22+s1+$0x0], $0xffff;
	[tilespmem:s13+$0xFFFFFFF0] =	vst v19  }
0x5d9: {  	v22 =	vmul.f32 v8, v24;
	v19 =	vld.idx.msk [tilespmem:v23+s1+$0x0], $0xffff;
	[tilespmem:s15+$0x40] =	vst v17  }
0x5da: {  	v23 =	vmul.f32 v32, v26;
	v17 =	vld.idx.msk [tilespmem:v25+s1+$0x0], $0xffff;
	[tilespmem:s19+$0x16D00] =	vst v16  }
0x5db: {  	v16 =	vmul.f32 v9, v21;
	[tilespmem:s13+$0x0] =	vst v22;
	v21 =	vld.idx.msk [tilespmem:v2+s1+$0x0], $0xffff;
	v2 =	vmov v31  }
0x5dc: {  	v22 =	vmul.f32 v27, v29;
	v24 =	vld.idx.msk [tilespmem:v28+s1+$0x0], $0xffff;
	[tilespmem:s13+$0x10] =	vst v23  }
0x5dd: {  	v20 =	vmul.f32 v20, v4;
	v23 =	vld.idx.msk [tilespmem:v30+s1+$0x0], $0xffff;
	[tilespmem:s13+$0x20] =	vst v16  }
0x5de: {  	v18 =	vmul.f32 v18, v5;
	[tilespmem:s14+$0xFFFFFFB0] =	vst v22;
	v22 =	vld.idx.msk [tilespmem:v37+s1+$0x0], $0xffff  }
0x5df: {  	v19 =	vmul.f32 v19, v6;
	v25 =	vld.idx.msk [tilespmem:v41+s1+$0x0], $0xffff;
	[tilespmem:s14+$0xFFFFFFC0] =	vst v20  }
0x5e0: {  	v17 =	vmul.f32 v17, v7;
	v16 =	vld.idx.msk [tilespmem:v11+s1+$0x0], $0xffff;
	[tilespmem:s14+$0xFFFFFFD0] =	vst v18  }
.Ltmp7:
0x5e1: {  	v18 =	vmul.f32 v21, v1;
	v1 =	vmov v32;
	v11 =	vld.idx.msk [tilespmem:v12+s1+$0x0], $0xffff;
	[tilespmem:s14+$0xFFFFFFE0] =	vst v19;
	(pc) =	sbr.rel @p0 .LBB2_16-.Ltmp7, $4  }
0x5e2: {  	v12 =	vld.idx.msk [tilespmem:v13+s1+$0x0], $0xffff;
	[tilespmem:s14+$0xFFFFFFF0] =	vst v17;
	v17 =	vmul.f32 v24, v8  }
0x5e3: {  	v19 =	vmul.f32 v23, v1;
	v13 =	vld.idx.msk [tilespmem:v14+s1+$0x0], $0xffff;
	[tilespmem:s12+$0x10] =	vst v18  }
0x5e4: {  	[tilespmem:s14+$0x0] =	vst v17;
	v17 =	vmul.f32 v22, v9;
	v14 =	vld.idx.msk [tilespmem:v3+s1+$0x0], $0xffff;
	v3 =	vmov v15  }
0x5e5: {  	s18 =	sadd.s32 $0xA0, s18;
	s17 =	sadd.s32 $0xA0, s17;
	v15 =	vmul.f32 v25, v29;
	v10 =	vld.idx.msk [tilespmem:v10+s1+$0x0], $0xffff;
	[tilespmem:s14+$0x10] =	vst v19  }
0x5e6: {  	_ =	sdelay $0x2  }
0x5e7: {  	v4 =	vmul.f32 v16, v4;
	[tilespmem:s14+$0x20] =	vst v17  }
0x5e8: {  	v5 =	vmul.f32 v11, v5;
	v2 =	vld.idx.msk [tilespmem:v2+s1+$0x0], $0xffff;
	[tilespmem:s15+$0xFFFFFFB0] =	vst v15  }
0x5e9: {  	v3 =	vld.idx.msk [tilespmem:v3+s1+$0x0], $0xffff;
	[tilespmem:s15+$0xFFFFFFC0] =	vst v4;
	v4 =	vmul.f32 v12, v6  }
0x5ea: {  	[tilespmem:s15+$0xFFFFFFD0] =	vst v5;
	v5 =	vmul.f32 v13, v7  }
0x5eb: {  	v0 =	vmul.f32 v14, v0;
	[tilespmem:s15+$0xFFFFFFE0] =	vst v4  }
0x5ec: {  	[tilespmem:s15+$0xFFFFFFF0] =	vst v5;
	v4 =	vmul.f32 v10, v8  }
0x5ed: {  	[tilespmem:s12+$0x20] =	vst v0;
	v0 =	vmul.f32 v2, v1  }
0x5ee: {  	[tilespmem:s15+$0x0] =	vst v4;
	v1 =	vmul.f32 v3, v9  }
0x5ef: {  	[tilespmem:s15+$0x10] =	vst v0  }
0x5f0: {  	[tilespmem:s15+$0x20] =	vst v1  }
0x5f1: {  	s12 =	rddreg [dreg:$0x1b]  }
0x5f2: {  	s11 =	simm.s32 $0x0;
	s17 =	sld [smem:$0x7FC]  }
0x5f3: {  	[hbm4b:s12+s11] =	stream.linear.scatter [tilespmem:s5], [sflag:$0x4], $0x2800, $0x38;
	[tilespmem:$0x19480] =	vst v63  }
0x5f4: {  	s18 =	sld [smem:$0x7FD]  }
0x5f5: {  	[hbm4b:s17+s11] =	stream.linear.scatter [tilespmem:s6], [sflag:$0x4], $0x2800, $0x38;
	[tilespmem:$0x19480] =	vst v63  }
0x5f6: {  	_ = 	snop  }
0x5f7: {  	[hbm4b:s18+s11] =	stream.linear.scatter [tilespmem:s7], [sflag:$0x4], $0x2800, $0x38;
	[tilespmem:$0x19480] =	vst v63  }
0x5f8: {  	s19 =	rddreg [dreg:$0x1d]  }
0x5f9: {  	[tilespmem:s30], [sflag:$0x2] =	stream.linear.gather [hbm4b:s19+s11], $0x2800, $0x38;
	[tilespmem:$0x19480] =	vst v63  }
0x5fa: {  	s13 =	rddreg [dreg:$0x1f]  }
0x5fb: {  	[tilespmem:s31], [sflag:$0x2] =	stream.linear.gather [hbm4b:s13+s11], $0x2800, $0x38;
	[tilespmem:$0x19480] =	vst v63  }
0x5fc: {  	_ =	swait.ge [sflag:s28], $0x2800  }
0x5fd: {  	[sflag:s28] =	ssyncset.done $0x0  }
0x5fe: {  	[sflag:s28] =	ssyncadd.s32 $0xFFFFD800  }
0x5ff: {  	_ =	swait.ge [sflag:s28], $0x2800  }
0x600: {  	[sflag:s28] =	ssyncset.done $0x0  }
0x601: {  	[sflag:s28] =	ssyncadd.s32 $0xFFFFD800  }
0x602: {  	_ =	swait.ge [sflag:s8], $0x2800  }
0x603: {  	[sflag:s8] =	ssyncset.done $0x0  }
0x604: {  	[sflag:s8] =	ssyncadd.s32 $0xFFFFD800  }
0x605: {  	_ =	swait.ge [sflag:s8], $0x2800  }
0x606: {  	[sflag:s8] =	ssyncset.done $0x0  }
0x607: {  	[sflag:s8] =	ssyncadd.s32 $0xFFFFD800  }
0x608: {  	_ =	swait.ge [sflag:s8], $0x2800  }
0x609: {  	[sflag:s8] =	ssyncset.done $0x0  }
0x60a: {  	s14 =	simm.s32 $0x4D0;
	[sflag:s8] =	ssyncadd.s32 $0xFFFFD800  }
0x60b: {  	s15 =	sand.u32 $0x3FE0, s11;
	v0 =	vld [tilespmem:s14+$0x40]  }
0x60c: {  	v1 =	vld [tilespmem:s15+$0x500]  }
0x60d: {  	v2 =	vld [tilespmem:s14+$0xFFFFFFC0]  }
0x60e: {  	v3 =	vld [tilespmem:s14+$0xFFFFFFD0]  }
0x60f: {  	v5 =	vld [tilespmem:s14+$0xFFFFFFE0]  }
0x610: {  	v6 =	vld [tilespmem:s14+$0xFFFFFFF0]  }
0x611: {  	v7 =	vld [tilespmem:s14+$0x0]  }
0x612: {  	v9 =	vld [tilespmem:s14+$0x10]  }
0x613: {  	v4 =	vld [tilespmem:s15+$0x5500]  }
0x614: {  	v10 =	vld [tilespmem:s14+$0x20]  }
0x615: {  	s13 =	simm.s32 $0x54D0;
	v13 =	vld [tilespmem:s14+$0xFFFFFFB0]  }
0x616: {  	v14 =	vld [tilespmem:s13+$0xFFFFFFB0]  }
0x617: {  	v16 =	vld [tilespmem:s13+$0xFFFFFFC0]  }
0x618: {  	v18 =	vld [tilespmem:s13+$0xFFFFFFD0];
	v0 =	vmul.u32 $0x3, v0  }
0x619: {  	v19 =	vld [tilespmem:s13+$0xFFFFFFE0]  }
0x61a: {  	v8 =	vmul.u32 $0x3, v1;
	v1 =	vld [tilespmem:s13+$0x40]  }
0x61b: {  	v20 =	vld [tilespmem:s13+$0xFFFFFFF0]  }
0x61c: {  	s18 =	simm.s32 $0x570;
	v22 =	vld [tilespmem:s13+$0x0]  }
0x61d: {  	v51 =	vld [tilespmem:s18+$0xFFFFFFC0]  }
0x61e: {  	v11 =	vld.idx.msk [tilespmem:v0+s1+$0x0], $0xffff  }
0x61f: {  	v52 =	vld [tilespmem:s18+$0xFFFFFFD0];
	v1 =	vmul.f32 $6.999999880e-01, v1  }
0x620: {  	v12 =	vld.idx.msk [tilespmem:v8+s1+$0x0], $0xffff  }
0x621: {  	v53 =	vld [tilespmem:s18+$0xFFFFFFE0];
	v15 =	vmul.f32 $6.999999880e-01, v4;
	v17 =	vadd.s32 $0x1, v0;
	v4 =	vadd.f32 $3.000000120e-01, v1  }
0x622: {  	v54 =	vld [tilespmem:s18+$0xFFFFFFF0];
	v13 =	vmul.u32 $0x3, v13  }
0x623: {  	v55 =	vld [tilespmem:s18+$0x0];
	v1 =	vadd.f32 $3.000000120e-01, v15;
	v15 =	vadd.s32 $0x1, v8;
	v11 =	vmul.f32 v4, v11  }
0x624: {  	s16 =	simm.s32 $0xA4D0;
	s11 =	simm.s32 $0x5570;
	v56 =	vld [tilespmem:s18+$0x10];
	v6 =	vmul.u32 $0x3, v6  }
0x625: {  	v57 =	vld [tilespmem:s11+$0x40];
	v7 =	vmul.u32 $0x3, v7;
	v12 =	vmul.f32 v1, v12;
	[tilespmem:s16+$0x40] =	vst v11  }
0x626: {  	v21 =	vmul.u32 $0x3, v2;
	v11 =	vmul.u32 $0x3, v3;
	v2 =	vld.idx.msk [tilespmem:v17+s1+$0x0], $0xffff  }
0x627: {  	v59 =	vld [tilespmem:s18+$0x20];
	[tilespmem:s15+$0xA500] =	vst v12;
	v12 =	vmul.u32 $0x3, v5  }
0x628: {  	v3 =	vld.idx.msk [tilespmem:v15+s1+$0x0], $0xffff  }
0x629: {  	v23 =	vld.idx.msk [tilespmem:v13+s1+$0x0], $0xffff;
	v0 =	vadd.s32 $0x2, v0  }
0x62a: {  	v30 =	vld.idx.msk [tilespmem:v6+s1+$0x0], $0xffff  }
0x62b: {  	v44 =	vld.idx.msk [tilespmem:v7+s1+$0x0], $0xffff;
	v27 =	vmul.f32 v2, v4  }
0x62c: {  	s17 =	simm.s32 $0xCCD0;
	v5 =	vmul.u32 $0x3, v9;
	v9 =	vld.idx.msk [tilespmem:v11+s1+$0x0], $0xffff;
	v2 =	vmul.u32 $0x3, v10;
	v10 =	vmul.f32 $6.999999880e-01, v14  }
0x62d: {  	v18 =	vmul.f32 $6.999999880e-01, v18;
	v14 =	vld.idx.msk [tilespmem:v12+s1+$0x0], $0xffff;
	v3 =	vmul.f32 v3, v1;
	[tilespmem:s17+$0x40] =	vst v27  }
0x62e: {  	v10 =	vadd.f32 $3.000000120e-01, v10;
	v31 =	vld.idx.msk [tilespmem:v0+s1+$0x0], $0xffff;
	v0 =	vmul.f32 $6.999999880e-01, v19  }
0x62f: {  	v18 =	vadd.f32 $3.000000120e-01, v18;
	v15 =	vld [tilespmem:s13+$0x10];
	v28 =	vadd.s32 $0x1, v12;
	[tilespmem:s15+$0xCD00] =	vst v3;
	v3 =	vmul.f32 $6.999999880e-01, v20  }
0x630: {  	v17 =	vld [tilespmem:s13+$0x20];
	v19 =	vmul.f32 v10, v23;
	v45 =	vadd.f32 $3.000000120e-01, v0;
	v0 =	vmul.f32 $6.999999880e-01, v22  }
0x631: {  	v35 =	vld [tilespmem:s18+$0xFFFFFFB0];
	v26 =	vadd.s32 $0x1, v11;
	v33 =	vadd.f32 $3.000000120e-01, v3;
	v9 =	vmul.f32 v18, v9  }
0x632: {  	v32 =	vadd.s32 $0x1, v7;
	v25 =	vld.idx.msk [tilespmem:v21+s1+$0x0], $0xffff;
	[tilespmem:s16+$0xFFFFFFB0] =	vst v19;
	v19 =	vadd.f32 $3.000000120e-01, v0;
	v14 =	vmul.f32 v45, v14  }
0x633: {  	v16 =	vmul.f32 $6.999999880e-01, v16;
	v29 =	vadd.s32 $0x1, v6;
	v47 =	vld.idx.msk [tilespmem:v5+s1+$0x0], $0xffff;
	[tilespmem:s16+$0xFFFFFFD0] =	vst v9;
	v9 =	vmul.f32 v33, v30  }
0x634: {  	v3 =	vmul.f32 $6.999999880e-01, v15;
	v15 =	vld.idx.msk [tilespmem:v2+s1+$0x0], $0xffff;
	[tilespmem:s16+$0xFFFFFFE0] =	vst v14;
	v20 =	vmul.f32 v19, v44  }
0x635: {  	v16 =	vadd.f32 $3.000000120e-01, v16;
	v0 =	vmul.f32 $6.999999880e-01, v17;
	[tilespmem:s16+$0xFFFFFFF0] =	vst v9;
	v9 =	vld.idx.msk [tilespmem:v28+s1+$0x0], $0xffff  }
0x636: {  	v3 =	vadd.f32 $3.000000120e-01, v3;
	v14 =	vld.idx.msk [tilespmem:v26+s1+$0x0], $0xffff;
	[tilespmem:s16+$0x0] =	vst v20  }
0x637: {  	v8 =	vadd.s32 $0x2, v8;
	v46 =	vmul.f32 v16, v25;
	v0 =	vadd.f32 $3.000000120e-01, v0;
	v20 =	vld.idx.msk [tilespmem:v32+s1+$0x0], $0xffff  }
0x638: {  	v43 =	vadd.s32 $0x1, v13;
	v25 =	vmul.f32 v3, v47;
	v50 =	vld.idx.msk [tilespmem:v29+s1+$0x0], $0xffff  }
0x639: {  	v36 =	vld [tilespmem:s11+$0xFFFFFFB0];
	[tilespmem:s16+$0xFFFFFFC0] =	vst v46;
	v15 =	vmul.f32 v0, v15  }
0x63a: {  	v37 =	vld [tilespmem:s11+$0xFFFFFFC0];
	[tilespmem:s16+$0x10] =	vst v25;
	v9 =	vmul.f32 v9, v45  }
0x63b: {  	v61 =	vld [tilespmem:s11+$0xFFFFFFD0];
	[tilespmem:s16+$0x20] =	vst v15;
	v14 =	vmul.f32 v14, v18  }
0x63c: {  	v8 =	vld.idx.msk [tilespmem:v8+s1+$0x0], $0xffff;
	[tilespmem:s17+$0xFFFFFFE0] =	vst v9;
	v9 =	vmul.f32 v20, v19  }
0x63d: {  	s19 =	simm.s32 $0xA0;
	v17 =	vld.idx.msk [tilespmem:v43+s1+$0x0], $0xffff;
	[tilespmem:s17+$0xFFFFFFD0] =	vst v14;
	v14 =	vmul.f32 v50, v33  }
0x63e: {  	v24 =	vadd.s32 $0x1, v21;
	s16 =	sand.u32 $0x3FE0, s19;
	[tilespmem:s17+$0x0] =	vst v9;
	v9 =	vld [tilespmem:s18+$0x40]  }
0x63f: {  	[tilespmem:s17+$0xFFFFFFF0] =	vst v14;
	v14 =	vld [tilespmem:s16+$0x500]  }
0x640: {  	v40 =	vld [tilespmem:s11+$0xFFFFFFE0];
	v49 =	vadd.s32 $0x1, v2  }
0x641: {  	v41 =	vld [tilespmem:s11+$0xFFFFFFF0]  }
0x642: {  	v63 =	vld [tilespmem:s11+$0x10];
	v13 =	vadd.s32 $0x2, v13  }
0x643: {  	v24 =	vld.idx.msk [tilespmem:v24+s1+$0x0], $0xffff;
	v11 =	vadd.s32 $0x2, v11;
	v9 =	vmul.u32 $0x3, v9  }
0x644: {  	v1 =	vmul.f32 v8, v1;
	v8 =	vld [tilespmem:s11+$0x0];
	v17 =	vmul.f32 v17, v10;
	v14 =	vmul.u32 $0x3, v14  }
0x645: {  	v15 =	vld.idx.msk [tilespmem:v49+s1+$0x0], $0xffff  }
0x646: {  	v12 =	vadd.s32 $0x2, v12;
	[tilespmem:s17+$0xFFFFFFB0] =	vst v17;
	v58 =	vld [tilespmem:s16+$0x5500]  }
0x647: {  	v48 =	vadd.s32 $0x1, v5;
	v13 =	vld.idx.msk [tilespmem:v13+s1+$0x0], $0xffff  }
0x648: {  	v21 =	vadd.s32 $0x2, v21;
	v24 =	vmul.f32 v24, v16;
	v11 =	vld.idx.msk [tilespmem:v11+s1+$0x0], $0xffff  }
0x649: {  	v35 =	vmul.u32 $0x3, v35;
	v6 =	vadd.s32 $0x2, v6;
	v60 =	vld.idx.msk [tilespmem:v9+s1+$0x0], $0xffff  }
0x64a: {  	v7 =	vadd.s32 $0x2, v7;
	[tilespmem:s17+$0xFFFFFFC0] =	vst v24;
	v4 =	vmul.f32 v31, v4;
	v28 =	vmul.f32 $6.999999880e-01, v57;
	v34 =	vld.idx.msk [tilespmem:v14+s1+$0x0], $0xffff  }
0x64b: {  	s12 =	simm.s32 $0xF4D0;
	[tilespmem:s15+$0xF500] =	vst v1;
	v12 =	vld.idx.msk [tilespmem:v12+s1+$0x0], $0xffff;
	v29 =	vmul.f32 $6.999999880e-01, v58;
	v1 =	vmul.f32 v15, v0  }
0x64c: {  	[tilespmem:s12+$0x40] =	vst v4;
	v22 =	vld.idx.msk [tilespmem:v48+s1+$0x0], $0xffff;
	v28 =	vadd.f32 $3.000000120e-01, v28;
	v10 =	vmul.f32 v13, v10;
	v38 =	vadd.s32 $0x1, v9  }
0x64d: {  	v17 =	vld.idx.msk [tilespmem:v21+s1+$0x0], $0xffff;
	v29 =	vadd.f32 $3.000000120e-01, v29;
	[tilespmem:s17+$0x20] =	vst v1;
	v1 =	vmul.f32 v11, v18  }
0x64e: {  	v21 =	vmul.u32 $0x3, v52;
	v6 =	vld.idx.msk [tilespmem:v6+s1+$0x0], $0xffff;
	[tilespmem:s12+$0xFFFFFFB0] =	vst v10;
	v39 =	vadd.s32 $0x1, v14;
	v32 =	vmul.f32 v28, v60  }
0x64f: {  	s13 =	simm.s32 $0xA570;
	v20 =	vmul.u32 $0x3, v51;
	v7 =	vld.idx.msk [tilespmem:v7+s1+$0x0], $0xffff;
	[tilespmem:s12+$0xFFFFFFD0] =	vst v1;
	v4 =	vmul.f32 v29, v34  }
0x650: {  	v13 =	vmul.u32 $0x3, v54;
	v10 =	vmul.f32 v12, v45;
	v12 =	vld.idx.msk [tilespmem:v35+s1+$0x0], $0xffff;
	v1 =	vmul.f32 $6.999999880e-01, v36;
	[tilespmem:s13+$0x40] =	vst v32  }
0x651: {  	v15 =	vmul.u32 $0x3, v53;
	[tilespmem:s16+$0xA500] =	vst v4;
	v4 =	vld.idx.msk [tilespmem:v38+s1+$0x0], $0xffff  }
0x652: {  	v22 =	vmul.f32 v22, v3;
	v11 =	vld [tilespmem:s11+$0x20];
	v18 =	vmul.u32 $0x3, v56;
	v43 =	vadd.f32 $3.000000120e-01, v1  }
0x653: {  	v62 =	vld.idx.msk [tilespmem:v39+s1+$0x0], $0xffff;
	v38 =	vadd.s32 $0x2, v5;
	v5 =	vmul.f32 v17, v16;
	v16 =	vmul.u32 $0x3, v55  }
0x654: {  	v46 =	vmul.f32 $6.999999880e-01, v40;
	[tilespmem:s17+$0x10] =	vst v22;
	v7 =	vmul.f32 v7, v19;
	v19 =	vld.idx.msk [tilespmem:v21+s1+$0x0], $0xffff  }
0x655: {  	[tilespmem:s12+$0xFFFFFFE0] =	vst v10;
	v10 =	vmul.u32 $0x3, v59;
	v12 =	vmul.f32 v43, v12;
	v9 =	vadd.s32 $0x2, v9;
	v17 =	vld.idx.msk [tilespmem:v20+s1+$0x0], $0xffff  }
0x656: {  	v44 =	vld.idx.msk [tilespmem:v13+s1+$0x0], $0xffff;
	v14 =	vadd.s32 $0x2, v14;
	[tilespmem:s12+$0xFFFFFFC0] =	vst v5;
	v5 =	vmul.f32 $6.999999880e-01, v37;
	v4 =	vmul.f32 v4, v28  }
0x657: {  	s14 =	simm.s32 $0xCD70;
	v6 =	vmul.f32 v6, v33;
	v1 =	vmul.f32 $6.999999880e-01, v61;
	[tilespmem:s13+$0xFFFFFFB0] =	vst v12;
	v39 =	vld.idx.msk [tilespmem:v15+s1+$0x0], $0xffff  }
0x658: {  	v45 =	vadd.s32 $0x1, v35;
	v12 =	vld.idx.msk [tilespmem:v18+s1+$0x0], $0xffff;
	v24 =	vmul.f32 v62, v29;
	[tilespmem:s14+$0x40] =	vst v4;
	v4 =	vadd.f32 $3.000000120e-01, v5  }
0x659: {  	v8 =	vmul.f32 $6.999999880e-01, v8;
	[tilespmem:s12+$0xFFFFFFF0] =	vst v6;
	v48 =	vld.idx.msk [tilespmem:v16+s1+$0x0], $0xffff;
	v5 =	vadd.f32 $3.000000120e-01, v1;
	v1 =	vmul.f32 $6.999999880e-01, v41  }
0x65a: {  	v42 =	vadd.s32 $0x1, v20;
	v6 =	vadd.f32 $3.000000120e-01, v46;
	[tilespmem:s16+$0xCD00] =	vst v24;
	v9 =	vld.idx.msk [tilespmem:v9+s1+$0x0], $0xffff;
	v17 =	vmul.f32 v4, v17  }
0x65b: {  	v47 =	vadd.s32 $0x1, v21;
	[tilespmem:s12+$0x0] =	vst v7;
	v14 =	vld.idx.msk [tilespmem:v14+s1+$0x0], $0xffff;
	v7 =	vadd.f32 $3.000000120e-01, v1;
	v1 =	vmul.f32 v5, v19  }
0x65c: {  	v8 =	vadd.f32 $3.000000120e-01, v8;
	v49 =	vadd.s32 $0x1, v15;
	v50 =	vld.idx.msk [tilespmem:v10+s1+$0x0], $0xffff;
	[tilespmem:s13+$0xFFFFFFC0] =	vst v17;
	v17 =	vmul.f32 v6, v39  }
0x65d: {  	v22 =	vmul.f32 $6.999999880e-01, v63;
	v31 =	vld.idx.msk [tilespmem:v45+s1+$0x0], $0xffff;
	v19 =	vadd.s32 $0x1, v13;
	[tilespmem:s13+$0xFFFFFFD0] =	vst v1;
	v30 =	vmul.f32 v7, v44  }
0x65e: {  	v11 =	vmul.f32 $6.999999880e-01, v11;
	v51 =	vadd.s32 $0x1, v16;
	v57 =	vld.idx.msk [tilespmem:v38+s1+$0x0], $0xffff;
	v55 =	vmul.f32 v8, v48;
	[tilespmem:s13+$0xFFFFFFE0] =	vst v17  }
0x65f: {  	v52 =	vadd.s32 $0x1, v18;
	v1 =	vadd.f32 $3.000000120e-01, v22;
	v26 =	vld.idx.msk [tilespmem:v42+s1+$0x0], $0xffff;
	v17 =	vmul.f32 v9, v28;
	[tilespmem:s13+$0xFFFFFFF0] =	vst v30  }
0x660: {  	s15 =	simm.s32 $0xF570;
	v54 =	vadd.s32 $0x1, v10;
	v53 =	vld.idx.msk [tilespmem:v47+s1+$0x0], $0xffff;
	v14 =	vmul.f32 v14, v29;
	v9 =	vadd.f32 $3.000000120e-01, v11;
	[tilespmem:s13+$0x0] =	vst v55  }
0x661: {  	v12 =	vmul.f32 v1, v12;
	v11 =	vld.idx.msk [tilespmem:v49+s1+$0x0], $0xffff;
	[tilespmem:s15+$0x40] =	vst v17;
	v17 =	vadd.s32 $0x2, v35  }
0x662: {  	v19 =	vld.idx.msk [tilespmem:v19+s1+$0x0], $0xffff;
	[tilespmem:s16+$0xF500] =	vst v14;
	v14 =	vadd.s32 $0x2, v20;
	v56 =	vmul.f32 v9, v50  }
0x663: {  	v21 =	vadd.s32 $0x2, v21;
	v58 =	vmul.f32 v31, v43;
	v29 =	vld.idx.msk [tilespmem:v51+s1+$0x0], $0xffff;
	[tilespmem:s13+$0x10] =	vst v12  }
0x664: {  	v12 =	vadd.s32 $0x2, v15;
	v59 =	vld.idx.msk [tilespmem:v52+s1+$0x0], $0xffff;
	v15 =	vmul.f32 v26, v4;
	[tilespmem:s13+$0x20] =	vst v56  }
0x665: {  	[tilespmem:s14+$0xFFFFFFB0] =	vst v58;
	v62 =	vadd.s32 $0x2, v2;
	v60 =	vmul.f32 v53, v5;
	v61 =	vld.idx.msk [tilespmem:v54+s1+$0x0], $0xffff  }
0x666: {  	v13 =	vadd.s32 $0x2, v13;
	[tilespmem:s14+$0xFFFFFFC0] =	vst v15;
	v2 =	vmul.f32 v11, v6;
	v25 =	vld.idx.msk [tilespmem:v17+s1+$0x0], $0xffff  }
0x667: {  	v63 =	vadd.s32 $0x2, v16;
	[tilespmem:s14+$0xFFFFFFD0] =	vst v60;
	v16 =	vld.idx.msk [tilespmem:v14+s1+$0x0], $0xffff;
	v14 =	vmul.f32 v19, v7  }
0x668: {  	v11 =	vld.idx.msk [tilespmem:v21+s1+$0x0], $0xffff;
	[tilespmem:s14+$0xFFFFFFE0] =	vst v2;
	v2 =	vmul.f32 v57, v3  }
0x669: {  	v3 =	vmul.f32 v29, v8;
	v12 =	vld.idx.msk [tilespmem:v12+s1+$0x0], $0xffff;
	[tilespmem:s14+$0xFFFFFFF0] =	vst v14  }
0x66a: {  	v19 =	vmul.f32 v59, v1;
	v14 =	vld.idx.msk [tilespmem:v62+s1+$0x0], $0xffff;
	[tilespmem:s12+$0x10] =	vst v2  }
0x66b: {  	v13 =	vld.idx.msk [tilespmem:v13+s1+$0x0], $0xffff;
	[tilespmem:s14+$0x0] =	vst v3;
	v17 =	vmul.f32 v61, v9  }
0x66c: {  	s18 =	simm.s32 $0x140;
	s17 =	simm.s32 $0x610;
	s16 =	simm.s32 $0xA;
	v2 =	vadd.s32 $0x2, v18;
	v3 =	vadd.s32 $0x2, v10;
	[tilespmem:s14+$0x10] =	vst v19;
	v10 =	vld.idx.msk [tilespmem:v63+s1+$0x0], $0xffff;
	v15 =	vmul.f32 v25, v43  }
.LBB2_18:
0x66d: {  	s19 =	sand.u32 $0x3FE0, s18;
	v18 =	vld [tilespmem:s17+$0x40];
	s16 =	sadd.s32 $0xA, s16;
	v4 =	vmul.f32 v16, v4;
	[tilespmem:s14+$0x20] =	vst v17  }
0x66e: {  	v5 =	vmul.f32 v11, v5;
	v16 =	vld [tilespmem:s19+$0x500];
	p0 =	slt.u32 s16, $0x276;
	[tilespmem:s15+$0xFFFFFFB0] =	vst v15  }
0x66f: {  	v11 =	vld [tilespmem:s17+$0xFFFFFFC0];
	[tilespmem:s15+$0xFFFFFFC0] =	vst v4;
	v4 =	vmul.f32 v12, v6  }
0x670: {  	v6 =	vld [tilespmem:s17+$0xFFFFFFD0];
	[tilespmem:s15+$0xFFFFFFD0] =	vst v5;
	v5 =	vmul.f32 v13, v7  }
0x671: {  	v7 =	vld [tilespmem:s17+$0xFFFFFFE0];
	[tilespmem:s15+$0xFFFFFFE0] =	vst v4;
	v4 =	vmul.f32 v14, v0;
	v0 =	vmov v9  }
0x672: {  	v9 =	vld [tilespmem:s17+$0xFFFFFFF0];
	v17 =	vmul.u32 $0x3, v18;
	[tilespmem:s15+$0xFFFFFFF0] =	vst v5;
	v5 =	vmul.f32 v10, v8  }
0x673: {  	v8 =	vld [tilespmem:s17+$0x0];
	v16 =	vmul.u32 $0x3, v16;
	[tilespmem:s12+$0x20] =	vst v4;
	s12 =	smov.u32 s15  }
0x674: {  	s11 =	sadd.s32 $0xA0, s11;
	v18 =	vmul.u32 $0x3, v11;
	v4 =	vld [tilespmem:s17+$0x10];
	[tilespmem:s15+$0x0] =	vst v5  }
0x675: {  	v19 =	vmul.u32 $0x3, v6;
	v5 =	vld [tilespmem:s11+$0x40]  }
0x676: {  	v20 =	vadd.s32 $0x1, v18;
	v11 =	vadd.s32 $0x2, v18;
	v21 =	vmul.u32 $0x3, v7;
	v6 =	vld [tilespmem:s19+$0x5500]  }
0x677: {  	v22 =	vadd.s32 $0x1, v19;
	v12 =	vadd.s32 $0x2, v19;
	v9 =	vmul.u32 $0x3, v9;
	v7 =	vld [tilespmem:s17+$0x20]  }
0x678: {  	v23 =	vadd.s32 $0x1, v21;
	v13 =	vadd.s32 $0x2, v21;
	v24 =	vmul.u32 $0x3, v8;
	v8 =	vld.idx.msk [tilespmem:v17+s1+$0x0], $0xffff  }
0x679: {  	v25 =	vadd.s32 $0x1, v9;
	v14 =	vadd.s32 $0x2, v9;
	v26 =	vmul.u32 $0x3, v4;
	v4 =	vld.idx.msk [tilespmem:v16+s1+$0x0], $0xffff  }
0x67a: {  	v27 =	vld [tilespmem:s17+$0xFFFFFFB0];
	v28 =	vadd.s32 $0x1, v24;
	v10 =	vadd.s32 $0x2, v24;
	v5 =	vmul.f32 $6.999999880e-01, v5  }
0x67b: {  	v29 =	vld [tilespmem:s11+$0xFFFFFFB0];
	v30 =	vadd.s32 $0x1, v26;
	v31 =	vadd.s32 $0x2, v26;
	v6 =	vmul.f32 $6.999999880e-01, v6  }
0x67c: {  	v32 =	vld [tilespmem:s11+$0xFFFFFFC0];
	v33 =	vmul.u32 $0x3, v7;
	v34 =	vadd.f32 $3.000000120e-01, v5;
	v5 =	vadd.s32 $0x1, v17  }
0x67d: {  	v7 =	vld [tilespmem:s11+$0xFFFFFFD0];
	v35 =	vadd.f32 $3.000000120e-01, v6;
	v6 =	vadd.s32 $0x1, v16  }
0x67e: {  	v36 =	vld [tilespmem:s11+$0xFFFFFFE0];
	v37 =	vadd.s32 $0x1, v33;
	v15 =	vadd.s32 $0x2, v33;
	v8 =	vmul.f32 v34, v8  }
0x67f: {  	s13 =	sadd.s32 $0xA0, s13;
	v27 =	vmul.u32 $0x3, v27;
	v38 =	vld [tilespmem:s11+$0xFFFFFFF0];
	v4 =	vmul.f32 v35, v4  }
0x680: {  	v29 =	vmul.f32 $6.999999880e-01, v29;
	v39 =	vld [tilespmem:s11+$0x0];
	[tilespmem:s13+$0x40] =	vst v8  }
0x681: {  	v40 =	vadd.s32 $0x1, v27;
	v41 =	vadd.s32 $0x2, v27;
	v8 =	vmul.f32 $6.999999880e-01, v32;
	[tilespmem:s19+$0xA500] =	vst v4;
	v32 =	vld.idx.msk [tilespmem:v5+s1+$0x0], $0xffff  }
0x682: {  	v29 =	vadd.f32 $3.000000120e-01, v29;
	v5 =	vmul.f32 $6.999999880e-01, v7;
	v42 =	vld.idx.msk [tilespmem:v6+s1+$0x0], $0xffff  }
0x683: {  	v4 =	vadd.f32 $3.000000120e-01, v8;
	v6 =	vmul.f32 $6.999999880e-01, v36;
	v36 =	vld [tilespmem:s11+$0x10]  }
0x684: {  	v5 =	vadd.f32 $3.000000120e-01, v5;
	v7 =	vmul.f32 $6.999999880e-01, v38;
	v38 =	vld [tilespmem:s11+$0x20]  }
0x685: {  	v17 =	vadd.s32 $0x2, v17;
	v27 =	vld.idx.msk [tilespmem:v27+s1+$0x0], $0xffff;
	v6 =	vadd.f32 $3.000000120e-01, v6;
	v8 =	vmul.f32 $6.999999880e-01, v39  }
0x686: {  	v16 =	vadd.s32 $0x2, v16;
	v18 =	vld.idx.msk [tilespmem:v18+s1+$0x0], $0xffff;
	v7 =	vadd.f32 $3.000000120e-01, v7  }
0x687: {  	v32 =	vmul.f32 v32, v34;
	v19 =	vld.idx.msk [tilespmem:v19+s1+$0x0], $0xffff;
	v8 =	vadd.f32 $3.000000120e-01, v8  }
0x688: {  	s14 =	sadd.s32 $0xA0, s14;
	v39 =	vmul.f32 v42, v35;
	v21 =	vld.idx.msk [tilespmem:v21+s1+$0x0], $0xffff;
	v36 =	vmul.f32 $6.999999880e-01, v36  }
0x689: {  	v42 =	vld.idx.msk [tilespmem:v9+s1+$0x0], $0xffff;
	v9 =	vmul.f32 $6.999999880e-01, v38;
	[tilespmem:s14+$0x40] =	vst v32  }
0x68a: {  	v32 =	vadd.f32 $3.000000120e-01, v36;
	[tilespmem:s19+$0xCD00] =	vst v39;
	v17 =	vld.idx.msk [tilespmem:v17+s1+$0x0], $0xffff  }
0x68b: {  	v27 =	vmul.f32 v29, v27;
	v9 =	vadd.f32 $3.000000120e-01, v9;
	v16 =	vld.idx.msk [tilespmem:v16+s1+$0x0], $0xffff  }
0x68c: {  	v18 =	vmul.f32 v4, v18;
	v24 =	vld.idx.msk [tilespmem:v24+s1+$0x0], $0xffff  }
0x68d: {  	v19 =	vmul.f32 v5, v19;
	[tilespmem:s13+$0xFFFFFFB0] =	vst v27;
	v26 =	vld.idx.msk [tilespmem:v26+s1+$0x0], $0xffff  }
0x68e: {  	[tilespmem:s13+$0xFFFFFFC0] =	vst v18;
	v18 =	vmul.f32 v6, v21;
	v21 =	vld.idx.msk [tilespmem:v33+s1+$0x0], $0xffff  }
0x68f: {  	v27 =	vld.idx.msk [tilespmem:v40+s1+$0x0], $0xffff;
	[tilespmem:s13+$0xFFFFFFD0] =	vst v19;
	v19 =	vmul.f32 v7, v42  }
0x690: {  	v17 =	vmul.f32 v17, v34;
	v20 =	vld.idx.msk [tilespmem:v20+s1+$0x0], $0xffff;
	[tilespmem:s13+$0xFFFFFFE0] =	vst v18  }
0x691: {  	s15 =	sadd.s32 $0xA0, s15;
	v16 =	vmul.f32 v16, v35;
	v18 =	vld.idx.msk [tilespmem:v22+s1+$0x0], $0xffff;
	[tilespmem:s13+$0xFFFFFFF0] =	vst v19  }
0x692: {  	v22 =	vmul.f32 v8, v24;
	v19 =	vld.idx.msk [tilespmem:v23+s1+$0x0], $0xffff;
	[tilespmem:s15+$0x40] =	vst v17  }
0x693: {  	v23 =	vmul.f32 v32, v26;
	v17 =	vld.idx.msk [tilespmem:v25+s1+$0x0], $0xffff;
	[tilespmem:s19+$0xF500] =	vst v16  }
0x694: {  	v16 =	vmul.f32 v9, v21;
	[tilespmem:s13+$0x0] =	vst v22;
	v21 =	vld.idx.msk [tilespmem:v2+s1+$0x0], $0xffff;
	v2 =	vmov v31  }
0x695: {  	v22 =	vmul.f32 v27, v29;
	v24 =	vld.idx.msk [tilespmem:v28+s1+$0x0], $0xffff;
	[tilespmem:s13+$0x10] =	vst v23  }
0x696: {  	v20 =	vmul.f32 v20, v4;
	v23 =	vld.idx.msk [tilespmem:v30+s1+$0x0], $0xffff;
	[tilespmem:s13+$0x20] =	vst v16  }
0x697: {  	v18 =	vmul.f32 v18, v5;
	[tilespmem:s14+$0xFFFFFFB0] =	vst v22;
	v22 =	vld.idx.msk [tilespmem:v37+s1+$0x0], $0xffff  }
0x698: {  	v19 =	vmul.f32 v19, v6;
	v25 =	vld.idx.msk [tilespmem:v41+s1+$0x0], $0xffff;
	[tilespmem:s14+$0xFFFFFFC0] =	vst v20  }
0x699: {  	v17 =	vmul.f32 v17, v7;
	v16 =	vld.idx.msk [tilespmem:v11+s1+$0x0], $0xffff;
	[tilespmem:s14+$0xFFFFFFD0] =	vst v18  }
.Ltmp8:
0x69a: {  	v18 =	vmul.f32 v21, v1;
	v1 =	vmov v32;
	v11 =	vld.idx.msk [tilespmem:v12+s1+$0x0], $0xffff;
	[tilespmem:s14+$0xFFFFFFE0] =	vst v19;
	(pc) =	sbr.rel @p0 .LBB2_18-.Ltmp8, $4  }
0x69b: {  	v12 =	vld.idx.msk [tilespmem:v13+s1+$0x0], $0xffff;
	[tilespmem:s14+$0xFFFFFFF0] =	vst v17;
	v17 =	vmul.f32 v24, v8  }
0x69c: {  	v19 =	vmul.f32 v23, v1;
	v13 =	vld.idx.msk [tilespmem:v14+s1+$0x0], $0xffff;
	[tilespmem:s12+$0x10] =	vst v18  }
0x69d: {  	[tilespmem:s14+$0x0] =	vst v17;
	v17 =	vmul.f32 v22, v9;
	v14 =	vld.idx.msk [tilespmem:v3+s1+$0x0], $0xffff;
	v3 =	vmov v15  }
0x69e: {  	s18 =	sadd.s32 $0xA0, s18;
	s17 =	sadd.s32 $0xA0, s17;
	v15 =	vmul.f32 v25, v29;
	v10 =	vld.idx.msk [tilespmem:v10+s1+$0x0], $0xffff;
	[tilespmem:s14+$0x10] =	vst v19  }
0x69f: {  	_ =	sdelay $0x2  }
0x6a0: {  	v4 =	vmul.f32 v16, v4;
	[tilespmem:s14+$0x20] =	vst v17  }
0x6a1: {  	v5 =	vmul.f32 v11, v5;
	v2 =	vld.idx.msk [tilespmem:v2+s1+$0x0], $0xffff;
	[tilespmem:s15+$0xFFFFFFB0] =	vst v15  }
0x6a2: {  	v3 =	vld.idx.msk [tilespmem:v3+s1+$0x0], $0xffff;
	[tilespmem:s15+$0xFFFFFFC0] =	vst v4;
	v4 =	vmul.f32 v12, v6  }
0x6a3: {  	[tilespmem:s15+$0xFFFFFFD0] =	vst v5;
	v5 =	vmul.f32 v13, v7  }
0x6a4: {  	v0 =	vmul.f32 v14, v0;
	[tilespmem:s15+$0xFFFFFFE0] =	vst v4  }
0x6a5: {  	[tilespmem:s15+$0xFFFFFFF0] =	vst v5;
	v4 =	vmul.f32 v10, v8  }
0x6a6: {  	[tilespmem:s12+$0x20] =	vst v0;
	v0 =	vmul.f32 v2, v1  }
0x6a7: {  	[tilespmem:s15+$0x0] =	vst v4;
	v1 =	vmul.f32 v3, v9  }
0x6a8: {  	[tilespmem:s15+$0x10] =	vst v0  }
0x6a9: {  	[tilespmem:s15+$0x20] =	vst v1  }
0x6aa: {  	s12 =	sld [smem:$0x7EA];
	_ =	sdelay $0x1  }
0x6ab: {  	s11 =	simm.s32 $0x0  }
0x6ac: {  	[hbm4b:s12+s11] =	stream.linear.scatter [tilespmem:s0], [sflag:$0x3], $0x2800, $0x38;
	[tilespmem:$0x19480] =	vst v63  }
0x6ad: {  	_ = 	snop  }
0x6ae: {  	[hbm4b:s20+s11] =	stream.linear.scatter [tilespmem:s2], [sflag:$0x3], $0x2800, $0x38;
	[tilespmem:$0x19480] =	vst v63  }
0x6af: {  	_ = 	snop  }
0x6b0: {  	[hbm4b:s21+s11] =	stream.linear.scatter [tilespmem:s3], [sflag:$0x3], $0x2800, $0x38;
	[tilespmem:$0x19480] =	vst v63  }
0x6b1: {  	_ =	swait.ge [sflag:s4], $0x2800  }
0x6b2: {  	[sflag:s4] =	ssyncset.done $0x0  }
0x6b3: {  	[sflag:s4] =	ssyncadd.s32 $0xFFFFD800  }
0x6b4: {  	_ =	swait.ge [sflag:s4], $0x2800  }
0x6b5: {  	[sflag:s4] =	ssyncset.done $0x0  }
0x6b6: {  	[sflag:s4] =	ssyncadd.s32 $0xFFFFD800  }
0x6b7: {  	_ =	swait.ge [sflag:s9], $0x2800  }
0x6b8: {  	[sflag:s9] =	ssyncset.done $0x0  }
0x6b9: {  	[sflag:s9] =	ssyncadd.s32 $0xFFFFD800  }
0x6ba: {  	_ =	swait.ge [sflag:s9], $0x2800  }
0x6bb: {  	[sflag:s9] =	ssyncset.done $0x0  }
0x6bc: {  	[sflag:s9] =	ssyncadd.s32 $0xFFFFD800  }
0x6bd: {  	_ =	swait.ge [sflag:s9], $0x2800  }
0x6be: {  	[sflag:s9] =	ssyncset.done $0x0  }
0x6bf: {  	s14 =	simm.s32 $0x2CD0;
	[sflag:s9] =	ssyncadd.s32 $0xFFFFD800  }
0x6c0: {  	s15 =	sand.u32 $0x3FE0, s11;
	v0 =	vld [tilespmem:s14+$0x40]  }
0x6c1: {  	v1 =	vld [tilespmem:s15+$0x2D00]  }
0x6c2: {  	v2 =	vld [tilespmem:s14+$0xFFFFFFC0]  }
0x6c3: {  	v3 =	vld [tilespmem:s14+$0xFFFFFFD0]  }
0x6c4: {  	v5 =	vld [tilespmem:s14+$0xFFFFFFE0]  }
0x6c5: {  	v6 =	vld [tilespmem:s14+$0xFFFFFFF0]  }
0x6c6: {  	v7 =	vld [tilespmem:s14+$0x0]  }
0x6c7: {  	v9 =	vld [tilespmem:s14+$0x10]  }
0x6c8: {  	v4 =	vld [tilespmem:s15+$0x7D00]  }
0x6c9: {  	v10 =	vld [tilespmem:s14+$0x20]  }
0x6ca: {  	s13 =	simm.s32 $0x7CD0;
	v13 =	vld [tilespmem:s14+$0xFFFFFFB0]  }
0x6cb: {  	v14 =	vld [tilespmem:s13+$0xFFFFFFB0]  }
0x6cc: {  	v16 =	vld [tilespmem:s13+$0xFFFFFFC0]  }
0x6cd: {  	v18 =	vld [tilespmem:s13+$0xFFFFFFD0];
	v0 =	vmul.u32 $0x3, v0  }
0x6ce: {  	v19 =	vld [tilespmem:s13+$0xFFFFFFE0]  }
0x6cf: {  	v8 =	vmul.u32 $0x3, v1;
	v1 =	vld [tilespmem:s13+$0x40]  }
0x6d0: {  	v20 =	vld [tilespmem:s13+$0xFFFFFFF0]  }
0x6d1: {  	s18 =	simm.s32 $0x2D70;
	v22 =	vld [tilespmem:s13+$0x0]  }
0x6d2: {  	v51 =	vld [tilespmem:s18+$0xFFFFFFC0]  }
0x6d3: {  	v11 =	vld.idx.msk [tilespmem:v0+s1+$0x0], $0xffff  }
0x6d4: {  	v52 =	vld [tilespmem:s18+$0xFFFFFFD0];
	v1 =	vmul.f32 $6.999999880e-01, v1  }
0x6d5: {  	v12 =	vld.idx.msk [tilespmem:v8+s1+$0x0], $0xffff  }
0x6d6: {  	v53 =	vld [tilespmem:s18+$0xFFFFFFE0];
	v15 =	vmul.f32 $6.999999880e-01, v4;
	v17 =	vadd.s32 $0x1, v0;
	v4 =	vadd.f32 $3.000000120e-01, v1  }
0x6d7: {  	v54 =	vld [tilespmem:s18+$0xFFFFFFF0];
	v13 =	vmul.u32 $0x3, v13  }
0x6d8: {  	v55 =	vld [tilespmem:s18+$0x0];
	v1 =	vadd.f32 $3.000000120e-01, v15;
	v15 =	vadd.s32 $0x1, v8;
	v11 =	vmul.f32 v4, v11  }
0x6d9: {  	s16 =	simm.s32 $0x11CD0;
	s11 =	simm.s32 $0x7D70;
	v56 =	vld [tilespmem:s18+$0x10];
	v6 =	vmul.u32 $0x3, v6  }
0x6da: {  	v57 =	vld [tilespmem:s11+$0x40];
	v7 =	vmul.u32 $0x3, v7;
	v12 =	vmul.f32 v1, v12;
	[tilespmem:s16+$0x40] =	vst v11  }
0x6db: {  	v21 =	vmul.u32 $0x3, v2;
	v11 =	vmul.u32 $0x3, v3;
	v2 =	vld.idx.msk [tilespmem:v17+s1+$0x0], $0xffff  }
0x6dc: {  	v59 =	vld [tilespmem:s18+$0x20];
	[tilespmem:s15+$0x11D00] =	vst v12;
	v12 =	vmul.u32 $0x3, v5  }
0x6dd: {  	v3 =	vld.idx.msk [tilespmem:v15+s1+$0x0], $0xffff  }
0x6de: {  	v23 =	vld.idx.msk [tilespmem:v13+s1+$0x0], $0xffff;
	v0 =	vadd.s32 $0x2, v0  }
0x6df: {  	v30 =	vld.idx.msk [tilespmem:v6+s1+$0x0], $0xffff  }
0x6e0: {  	v44 =	vld.idx.msk [tilespmem:v7+s1+$0x0], $0xffff;
	v27 =	vmul.f32 v2, v4  }
0x6e1: {  	s17 =	simm.s32 $0x144D0;
	v5 =	vmul.u32 $0x3, v9;
	v9 =	vld.idx.msk [tilespmem:v11+s1+$0x0], $0xffff;
	v2 =	vmul.u32 $0x3, v10;
	v10 =	vmul.f32 $6.999999880e-01, v14  }
0x6e2: {  	v18 =	vmul.f32 $6.999999880e-01, v18;
	v14 =	vld.idx.msk [tilespmem:v12+s1+$0x0], $0xffff;
	v3 =	vmul.f32 v3, v1;
	[tilespmem:s17+$0x40] =	vst v27  }
0x6e3: {  	v10 =	vadd.f32 $3.000000120e-01, v10;
	v31 =	vld.idx.msk [tilespmem:v0+s1+$0x0], $0xffff;
	v0 =	vmul.f32 $6.999999880e-01, v19  }
0x6e4: {  	v18 =	vadd.f32 $3.000000120e-01, v18;
	v15 =	vld [tilespmem:s13+$0x10];
	v28 =	vadd.s32 $0x1, v12;
	[tilespmem:s15+$0x14500] =	vst v3;
	v3 =	vmul.f32 $6.999999880e-01, v20  }
0x6e5: {  	v17 =	vld [tilespmem:s13+$0x20];
	v19 =	vmul.f32 v10, v23;
	v45 =	vadd.f32 $3.000000120e-01, v0;
	v0 =	vmul.f32 $6.999999880e-01, v22  }
0x6e6: {  	v35 =	vld [tilespmem:s18+$0xFFFFFFB0];
	v26 =	vadd.s32 $0x1, v11;
	v33 =	vadd.f32 $3.000000120e-01, v3;
	v9 =	vmul.f32 v18, v9  }
0x6e7: {  	v32 =	vadd.s32 $0x1, v7;
	v25 =	vld.idx.msk [tilespmem:v21+s1+$0x0], $0xffff;
	[tilespmem:s16+$0xFFFFFFB0] =	vst v19;
	v19 =	vadd.f32 $3.000000120e-01, v0;
	v14 =	vmul.f32 v45, v14  }
0x6e8: {  	v16 =	vmul.f32 $6.999999880e-01, v16;
	v29 =	vadd.s32 $0x1, v6;
	v47 =	vld.idx.msk [tilespmem:v5+s1+$0x0], $0xffff;
	[tilespmem:s16+$0xFFFFFFD0] =	vst v9;
	v9 =	vmul.f32 v33, v30  }
0x6e9: {  	v3 =	vmul.f32 $6.999999880e-01, v15;
	v15 =	vld.idx.msk [tilespmem:v2+s1+$0x0], $0xffff;
	[tilespmem:s16+$0xFFFFFFE0] =	vst v14;
	v20 =	vmul.f32 v19, v44  }
0x6ea: {  	v16 =	vadd.f32 $3.000000120e-01, v16;
	v0 =	vmul.f32 $6.999999880e-01, v17;
	[tilespmem:s16+$0xFFFFFFF0] =	vst v9;
	v9 =	vld.idx.msk [tilespmem:v28+s1+$0x0], $0xffff  }
0x6eb: {  	v3 =	vadd.f32 $3.000000120e-01, v3;
	v14 =	vld.idx.msk [tilespmem:v26+s1+$0x0], $0xffff;
	[tilespmem:s16+$0x0] =	vst v20  }
0x6ec: {  	v8 =	vadd.s32 $0x2, v8;
	v46 =	vmul.f32 v16, v25;
	v0 =	vadd.f32 $3.000000120e-01, v0;
	v20 =	vld.idx.msk [tilespmem:v32+s1+$0x0], $0xffff  }
0x6ed: {  	v43 =	vadd.s32 $0x1, v13;
	v25 =	vmul.f32 v3, v47;
	v50 =	vld.idx.msk [tilespmem:v29+s1+$0x0], $0xffff  }
0x6ee: {  	v36 =	vld [tilespmem:s11+$0xFFFFFFB0];
	[tilespmem:s16+$0xFFFFFFC0] =	vst v46;
	v15 =	vmul.f32 v0, v15  }
0x6ef: {  	v37 =	vld [tilespmem:s11+$0xFFFFFFC0];
	[tilespmem:s16+$0x10] =	vst v25;
	v9 =	vmul.f32 v9, v45  }
0x6f0: {  	v61 =	vld [tilespmem:s11+$0xFFFFFFD0];
	[tilespmem:s16+$0x20] =	vst v15;
	v14 =	vmul.f32 v14, v18  }
0x6f1: {  	v8 =	vld.idx.msk [tilespmem:v8+s1+$0x0], $0xffff;
	[tilespmem:s17+$0xFFFFFFE0] =	vst v9;
	v9 =	vmul.f32 v20, v19  }
0x6f2: {  	s19 =	simm.s32 $0xA0;
	v17 =	vld.idx.msk [tilespmem:v43+s1+$0x0], $0xffff;
	[tilespmem:s17+$0xFFFFFFD0] =	vst v14;
	v14 =	vmul.f32 v50, v33  }
0x6f3: {  	v24 =	vadd.s32 $0x1, v21;
	s16 =	sand.u32 $0x3FE0, s19;
	[tilespmem:s17+$0x0] =	vst v9;
	v9 =	vld [tilespmem:s18+$0x40]  }
0x6f4: {  	[tilespmem:s17+$0xFFFFFFF0] =	vst v14;
	v14 =	vld [tilespmem:s16+$0x2D00]  }
0x6f5: {  	v40 =	vld [tilespmem:s11+$0xFFFFFFE0];
	v49 =	vadd.s32 $0x1, v2  }
0x6f6: {  	v41 =	vld [tilespmem:s11+$0xFFFFFFF0]  }
0x6f7: {  	v63 =	vld [tilespmem:s11+$0x10];
	v13 =	vadd.s32 $0x2, v13  }
0x6f8: {  	v24 =	vld.idx.msk [tilespmem:v24+s1+$0x0], $0xffff;
	v11 =	vadd.s32 $0x2, v11;
	v9 =	vmul.u32 $0x3, v9  }
0x6f9: {  	v1 =	vmul.f32 v8, v1;
	v8 =	vld [tilespmem:s11+$0x0];
	v17 =	vmul.f32 v17, v10;
	v14 =	vmul.u32 $0x3, v14  }
0x6fa: {  	v15 =	vld.idx.msk [tilespmem:v49+s1+$0x0], $0xffff  }
0x6fb: {  	v12 =	vadd.s32 $0x2, v12;
	[tilespmem:s17+$0xFFFFFFB0] =	vst v17;
	v58 =	vld [tilespmem:s16+$0x7D00]  }
0x6fc: {  	v48 =	vadd.s32 $0x1, v5;
	v13 =	vld.idx.msk [tilespmem:v13+s1+$0x0], $0xffff  }
0x6fd: {  	v21 =	vadd.s32 $0x2, v21;
	v24 =	vmul.f32 v24, v16;
	v11 =	vld.idx.msk [tilespmem:v11+s1+$0x0], $0xffff  }
0x6fe: {  	v35 =	vmul.u32 $0x3, v35;
	v6 =	vadd.s32 $0x2, v6;
	v60 =	vld.idx.msk [tilespmem:v9+s1+$0x0], $0xffff  }
0x6ff: {  	v7 =	vadd.s32 $0x2, v7;
	[tilespmem:s17+$0xFFFFFFC0] =	vst v24;
	v4 =	vmul.f32 v31, v4;
	v28 =	vmul.f32 $6.999999880e-01, v57;
	v34 =	vld.idx.msk [tilespmem:v14+s1+$0x0], $0xffff  }
0x700: {  	s12 =	simm.s32 $0x16CD0;
	[tilespmem:s15+$0x16D00] =	vst v1;
	v12 =	vld.idx.msk [tilespmem:v12+s1+$0x0], $0xffff;
	v29 =	vmul.f32 $6.999999880e-01, v58;
	v1 =	vmul.f32 v15, v0  }
0x701: {  	[tilespmem:s12+$0x40] =	vst v4;
	v22 =	vld.idx.msk [tilespmem:v48+s1+$0x0], $0xffff;
	v28 =	vadd.f32 $3.000000120e-01, v28;
	v10 =	vmul.f32 v13, v10;
	v38 =	vadd.s32 $0x1, v9  }
0x702: {  	v17 =	vld.idx.msk [tilespmem:v21+s1+$0x0], $0xffff;
	v29 =	vadd.f32 $3.000000120e-01, v29;
	[tilespmem:s17+$0x20] =	vst v1;
	v1 =	vmul.f32 v11, v18  }
0x703: {  	v21 =	vmul.u32 $0x3, v52;
	v6 =	vld.idx.msk [tilespmem:v6+s1+$0x0], $0xffff;
	[tilespmem:s12+$0xFFFFFFB0] =	vst v10;
	v39 =	vadd.s32 $0x1, v14;
	v32 =	vmul.f32 v28, v60  }
0x704: {  	s13 =	simm.s32 $0x11D70;
	v20 =	vmul.u32 $0x3, v51;
	v7 =	vld.idx.msk [tilespmem:v7+s1+$0x0], $0xffff;
	[tilespmem:s12+$0xFFFFFFD0] =	vst v1;
	v4 =	vmul.f32 v29, v34  }
0x705: {  	v13 =	vmul.u32 $0x3, v54;
	v10 =	vmul.f32 v12, v45;
	v12 =	vld.idx.msk [tilespmem:v35+s1+$0x0], $0xffff;
	v1 =	vmul.f32 $6.999999880e-01, v36;
	[tilespmem:s13+$0x40] =	vst v32  }
0x706: {  	v15 =	vmul.u32 $0x3, v53;
	[tilespmem:s16+$0x11D00] =	vst v4;
	v4 =	vld.idx.msk [tilespmem:v38+s1+$0x0], $0xffff  }
0x707: {  	v22 =	vmul.f32 v22, v3;
	v11 =	vld [tilespmem:s11+$0x20];
	v18 =	vmul.u32 $0x3, v56;
	v43 =	vadd.f32 $3.000000120e-01, v1  }
0x708: {  	v62 =	vld.idx.msk [tilespmem:v39+s1+$0x0], $0xffff;
	v38 =	vadd.s32 $0x2, v5;
	v5 =	vmul.f32 v17, v16;
	v16 =	vmul.u32 $0x3, v55  }
0x709: {  	v46 =	vmul.f32 $6.999999880e-01, v40;
	[tilespmem:s17+$0x10] =	vst v22;
	v7 =	vmul.f32 v7, v19;
	v19 =	vld.idx.msk [tilespmem:v21+s1+$0x0], $0xffff  }
0x70a: {  	[tilespmem:s12+$0xFFFFFFE0] =	vst v10;
	v10 =	vmul.u32 $0x3, v59;
	v12 =	vmul.f32 v43, v12;
	v9 =	vadd.s32 $0x2, v9;
	v17 =	vld.idx.msk [tilespmem:v20+s1+$0x0], $0xffff  }
0x70b: {  	v44 =	vld.idx.msk [tilespmem:v13+s1+$0x0], $0xffff;
	v14 =	vadd.s32 $0x2, v14;
	[tilespmem:s12+$0xFFFFFFC0] =	vst v5;
	v5 =	vmul.f32 $6.999999880e-01, v37;
	v4 =	vmul.f32 v4, v28  }
0x70c: {  	s14 =	simm.s32 $0x14570;
	v6 =	vmul.f32 v6, v33;
	v1 =	vmul.f32 $6.999999880e-01, v61;
	[tilespmem:s13+$0xFFFFFFB0] =	vst v12;
	v39 =	vld.idx.msk [tilespmem:v15+s1+$0x0], $0xffff  }
0x70d: {  	v45 =	vadd.s32 $0x1, v35;
	v12 =	vld.idx.msk [tilespmem:v18+s1+$0x0], $0xffff;
	v24 =	vmul.f32 v62, v29;
	[tilespmem:s14+$0x40] =	vst v4;
	v4 =	vadd.f32 $3.000000120e-01, v5  }
0x70e: {  	v8 =	vmul.f32 $6.999999880e-01, v8;
	[tilespmem:s12+$0xFFFFFFF0] =	vst v6;
	v48 =	vld.idx.msk [tilespmem:v16+s1+$0x0], $0xffff;
	v5 =	vadd.f32 $3.000000120e-01, v1;
	v1 =	vmul.f32 $6.999999880e-01, v41  }
0x70f: {  	v42 =	vadd.s32 $0x1, v20;
	v6 =	vadd.f32 $3.000000120e-01, v46;
	[tilespmem:s16+$0x14500] =	vst v24;
	v9 =	vld.idx.msk [tilespmem:v9+s1+$0x0], $0xffff;
	v17 =	vmul.f32 v4, v17  }
0x710: {  	v47 =	vadd.s32 $0x1, v21;
	[tilespmem:s12+$0x0] =	vst v7;
	v14 =	vld.idx.msk [tilespmem:v14+s1+$0x0], $0xffff;
	v7 =	vadd.f32 $3.000000120e-01, v1;
	v1 =	vmul.f32 v5, v19  }
0x711: {  	v8 =	vadd.f32 $3.000000120e-01, v8;
	v49 =	vadd.s32 $0x1, v15;
	v50 =	vld.idx.msk [tilespmem:v10+s1+$0x0], $0xffff;
	[tilespmem:s13+$0xFFFFFFC0] =	vst v17;
	v17 =	vmul.f32 v6, v39  }
0x712: {  	v22 =	vmul.f32 $6.999999880e-01, v63;
	v31 =	vld.idx.msk [tilespmem:v45+s1+$0x0], $0xffff;
	v19 =	vadd.s32 $0x1, v13;
	[tilespmem:s13+$0xFFFFFFD0] =	vst v1;
	v30 =	vmul.f32 v7, v44  }
0x713: {  	v11 =	vmul.f32 $6.999999880e-01, v11;
	v51 =	vadd.s32 $0x1, v16;
	v57 =	vld.idx.msk [tilespmem:v38+s1+$0x0], $0xffff;
	v55 =	vmul.f32 v8, v48;
	[tilespmem:s13+$0xFFFFFFE0] =	vst v17  }
0x714: {  	v52 =	vadd.s32 $0x1, v18;
	v1 =	vadd.f32 $3.000000120e-01, v22;
	v26 =	vld.idx.msk [tilespmem:v42+s1+$0x0], $0xffff;
	v17 =	vmul.f32 v9, v28;
	[tilespmem:s13+$0xFFFFFFF0] =	vst v30  }
0x715: {  	s15 =	simm.s32 $0x16D70;
	v54 =	vadd.s32 $0x1, v10;
	v53 =	vld.idx.msk [tilespmem:v47+s1+$0x0], $0xffff;
	v14 =	vmul.f32 v14, v29;
	v9 =	vadd.f32 $3.000000120e-01, v11;
	[tilespmem:s13+$0x0] =	vst v55  }
0x716: {  	v12 =	vmul.f32 v1, v12;
	v11 =	vld.idx.msk [tilespmem:v49+s1+$0x0], $0xffff;
	[tilespmem:s15+$0x40] =	vst v17;
	v17 =	vadd.s32 $0x2, v35  }
0x717: {  	v19 =	vld.idx.msk [tilespmem:v19+s1+$0x0], $0xffff;
	[tilespmem:s16+$0x16D00] =	vst v14;
	v14 =	vadd.s32 $0x2, v20;
	v56 =	vmul.f32 v9, v50  }
0x718: {  	v21 =	vadd.s32 $0x2, v21;
	v58 =	vmul.f32 v31, v43;
	v29 =	vld.idx.msk [tilespmem:v51+s1+$0x0], $0xffff;
	[tilespmem:s13+$0x10] =	vst v12  }
0x719: {  	v12 =	vadd.s32 $0x2, v15;
	v59 =	vld.idx.msk [tilespmem:v52+s1+$0x0], $0xffff;
	v15 =	vmul.f32 v26, v4;
	[tilespmem:s13+$0x20] =	vst v56  }
0x71a: {  	[tilespmem:s14+$0xFFFFFFB0] =	vst v58;
	v62 =	vadd.s32 $0x2, v2;
	v60 =	vmul.f32 v53, v5;
	v61 =	vld.idx.msk [tilespmem:v54+s1+$0x0], $0xffff  }
0x71b: {  	v13 =	vadd.s32 $0x2, v13;
	[tilespmem:s14+$0xFFFFFFC0] =	vst v15;
	v2 =	vmul.f32 v11, v6;
	v25 =	vld.idx.msk [tilespmem:v17+s1+$0x0], $0xffff  }
0x71c: {  	v63 =	vadd.s32 $0x2, v16;
	[tilespmem:s14+$0xFFFFFFD0] =	vst v60;
	v16 =	vld.idx.msk [tilespmem:v14+s1+$0x0], $0xffff;
	v14 =	vmul.f32 v19, v7  }
0x71d: {  	v11 =	vld.idx.msk [tilespmem:v21+s1+$0x0], $0xffff;
	[tilespmem:s14+$0xFFFFFFE0] =	vst v2;
	v2 =	vmul.f32 v57, v3  }
0x71e: {  	v3 =	vmul.f32 v29, v8;
	v12 =	vld.idx.msk [tilespmem:v12+s1+$0x0], $0xffff;
	[tilespmem:s14+$0xFFFFFFF0] =	vst v14  }
0x71f: {  	v19 =	vmul.f32 v59, v1;
	v14 =	vld.idx.msk [tilespmem:v62+s1+$0x0], $0xffff;
	[tilespmem:s12+$0x10] =	vst v2  }
0x720: {  	v13 =	vld.idx.msk [tilespmem:v13+s1+$0x0], $0xffff;
	[tilespmem:s14+$0x0] =	vst v3;
	v17 =	vmul.f32 v61, v9  }
0x721: {  	s18 =	simm.s32 $0x140;
	s17 =	simm.s32 $0x2E10;
	s16 =	simm.s32 $0xA;
	v2 =	vadd.s32 $0x2, v18;
	v3 =	vadd.s32 $0x2, v10;
	[tilespmem:s14+$0x10] =	vst v19;
	v10 =	vld.idx.msk [tilespmem:v63+s1+$0x0], $0xffff;
	v15 =	vmul.f32 v25, v43  }
.LBB2_20:
0x722: {  	s19 =	sand.u32 $0x3FE0, s18;
	v18 =	vld [tilespmem:s17+$0x40];
	s16 =	sadd.s32 $0xA, s16;
	v4 =	vmul.f32 v16, v4;
	[tilespmem:s14+$0x20] =	vst v17  }
0x723: {  	v5 =	vmul.f32 v11, v5;
	v16 =	vld [tilespmem:s19+$0x2D00];
	p0 =	slt.u32 s16, $0x276;
	[tilespmem:s15+$0xFFFFFFB0] =	vst v15  }
0x724: {  	v11 =	vld [tilespmem:s17+$0xFFFFFFC0];
	[tilespmem:s15+$0xFFFFFFC0] =	vst v4;
	v4 =	vmul.f32 v12, v6  }
0x725: {  	v6 =	vld [tilespmem:s17+$0xFFFFFFD0];
	[tilespmem:s15+$0xFFFFFFD0] =	vst v5;
	v5 =	vmul.f32 v13, v7  }
0x726: {  	v7 =	vld [tilespmem:s17+$0xFFFFFFE0];
	[tilespmem:s15+$0xFFFFFFE0] =	vst v4;
	v4 =	vmul.f32 v14, v0;
	v0 =	vmov v9  }
0x727: {  	v9 =	vld [tilespmem:s17+$0xFFFFFFF0];
	v17 =	vmul.u32 $0x3, v18;
	[tilespmem:s15+$0xFFFFFFF0] =	vst v5;
	v5 =	vmul.f32 v10, v8  }
0x728: {  	v8 =	vld [tilespmem:s17+$0x0];
	v16 =	vmul.u32 $0x3, v16;
	[tilespmem:s12+$0x20] =	vst v4;
	s12 =	smov.u32 s15  }
0x729: {  	s11 =	sadd.s32 $0xA0, s11;
	v18 =	vmul.u32 $0x3, v11;
	v4 =	vld [tilespmem:s17+$0x10];
	[tilespmem:s15+$0x0] =	vst v5  }
0x72a: {  	v19 =	vmul.u32 $0x3, v6;
	v5 =	vld [tilespmem:s11+$0x40]  }
0x72b: {  	v20 =	vadd.s32 $0x1, v18;
	v11 =	vadd.s32 $0x2, v18;
	v21 =	vmul.u32 $0x3, v7;
	v6 =	vld [tilespmem:s19+$0x7D00]  }
0x72c: {  	v22 =	vadd.s32 $0x1, v19;
	v12 =	vadd.s32 $0x2, v19;
	v9 =	vmul.u32 $0x3, v9;
	v7 =	vld [tilespmem:s17+$0x20]  }
0x72d: {  	v23 =	vadd.s32 $0x1, v21;
	v13 =	vadd.s32 $0x2, v21;
	v24 =	vmul.u32 $0x3, v8;
	v8 =	vld.idx.msk [tilespmem:v17+s1+$0x0], $0xffff  }
0x72e: {  	v25 =	vadd.s32 $0x1, v9;
	v14 =	vadd.s32 $0x2, v9;
	v26 =	vmul.u32 $0x3, v4;
	v4 =	vld.idx.msk [tilespmem:v16+s1+$0x0], $0xffff  }
0x72f: {  	v27 =	vld [tilespmem:s17+$0xFFFFFFB0];
	v28 =	vadd.s32 $0x1, v24;
	v10 =	vadd.s32 $0x2, v24;
	v5 =	vmul.f32 $6.999999880e-01, v5  }
0x730: {  	v29 =	vld [tilespmem:s11+$0xFFFFFFB0];
	v30 =	vadd.s32 $0x1, v26;
	v31 =	vadd.s32 $0x2, v26;
	v6 =	vmul.f32 $6.999999880e-01, v6  }
0x731: {  	v32 =	vld [tilespmem:s11+$0xFFFFFFC0];
	v33 =	vmul.u32 $0x3, v7;
	v34 =	vadd.f32 $3.000000120e-01, v5;
	v5 =	vadd.s32 $0x1, v17  }
0x732: {  	v7 =	vld [tilespmem:s11+$0xFFFFFFD0];
	v35 =	vadd.f32 $3.000000120e-01, v6;
	v6 =	vadd.s32 $0x1, v16  }
0x733: {  	v36 =	vld [tilespmem:s11+$0xFFFFFFE0];
	v37 =	vadd.s32 $0x1, v33;
	v15 =	vadd.s32 $0x2, v33;
	v8 =	vmul.f32 v34, v8  }
0x734: {  	s13 =	sadd.s32 $0xA0, s13;
	v27 =	vmul.u32 $0x3, v27;
	v38 =	vld [tilespmem:s11+$0xFFFFFFF0];
	v4 =	vmul.f32 v35, v4  }
0x735: {  	v29 =	vmul.f32 $6.999999880e-01, v29;
	v39 =	vld [tilespmem:s11+$0x0];
	[tilespmem:s13+$0x40] =	vst v8  }
0x736: {  	v40 =	vadd.s32 $0x1, v27;
	v41 =	vadd.s32 $0x2, v27;
	v8 =	vmul.f32 $6.999999880e-01, v32;
	[tilespmem:s19+$0x11D00] =	vst v4;
	v32 =	vld.idx.msk [tilespmem:v5+s1+$0x0], $0xffff  }
0x737: {  	v29 =	vadd.f32 $3.000000120e-01, v29;
	v5 =	vmul.f32 $6.999999880e-01, v7;
	v42 =	vld.idx.msk [tilespmem:v6+s1+$0x0], $0xffff  }
0x738: {  	v4 =	vadd.f32 $3.000000120e-01, v8;
	v6 =	vmul.f32 $6.999999880e-01, v36;
	v36 =	vld [tilespmem:s11+$0x10]  }
0x739: {  	v5 =	vadd.f32 $3.000000120e-01, v5;
	v7 =	vmul.f32 $6.999999880e-01, v38;
	v38 =	vld [tilespmem:s11+$0x20]  }
0x73a: {  	v17 =	vadd.s32 $0x2, v17;
	v27 =	vld.idx.msk [tilespmem:v27+s1+$0x0], $0xffff;
	v6 =	vadd.f32 $3.000000120e-01, v6;
	v8 =	vmul.f32 $6.999999880e-01, v39  }
0x73b: {  	v16 =	vadd.s32 $0x2, v16;
	v18 =	vld.idx.msk [tilespmem:v18+s1+$0x0], $0xffff;
	v7 =	vadd.f32 $3.000000120e-01, v7  }
0x73c: {  	v32 =	vmul.f32 v32, v34;
	v19 =	vld.idx.msk [tilespmem:v19+s1+$0x0], $0xffff;
	v8 =	vadd.f32 $3.000000120e-01, v8  }
0x73d: {  	s14 =	sadd.s32 $0xA0, s14;
	v39 =	vmul.f32 v42, v35;
	v21 =	vld.idx.msk [tilespmem:v21+s1+$0x0], $0xffff;
	v36 =	vmul.f32 $6.999999880e-01, v36  }
0x73e: {  	v42 =	vld.idx.msk [tilespmem:v9+s1+$0x0], $0xffff;
	v9 =	vmul.f32 $6.999999880e-01, v38;
	[tilespmem:s14+$0x40] =	vst v32  }
0x73f: {  	v32 =	vadd.f32 $3.000000120e-01, v36;
	[tilespmem:s19+$0x14500] =	vst v39;
	v17 =	vld.idx.msk [tilespmem:v17+s1+$0x0], $0xffff  }
0x740: {  	v27 =	vmul.f32 v29, v27;
	v9 =	vadd.f32 $3.000000120e-01, v9;
	v16 =	vld.idx.msk [tilespmem:v16+s1+$0x0], $0xffff  }
0x741: {  	v18 =	vmul.f32 v4, v18;
	v24 =	vld.idx.msk [tilespmem:v24+s1+$0x0], $0xffff  }
0x742: {  	v19 =	vmul.f32 v5, v19;
	[tilespmem:s13+$0xFFFFFFB0] =	vst v27;
	v26 =	vld.idx.msk [tilespmem:v26+s1+$0x0], $0xffff  }
0x743: {  	[tilespmem:s13+$0xFFFFFFC0] =	vst v18;
	v18 =	vmul.f32 v6, v21;
	v21 =	vld.idx.msk [tilespmem:v33+s1+$0x0], $0xffff  }
0x744: {  	v27 =	vld.idx.msk [tilespmem:v40+s1+$0x0], $0xffff;
	[tilespmem:s13+$0xFFFFFFD0] =	vst v19;
	v19 =	vmul.f32 v7, v42  }
0x745: {  	v17 =	vmul.f32 v17, v34;
	v20 =	vld.idx.msk [tilespmem:v20+s1+$0x0], $0xffff;
	[tilespmem:s13+$0xFFFFFFE0] =	vst v18  }
0x746: {  	s15 =	sadd.s32 $0xA0, s15;
	v16 =	vmul.f32 v16, v35;
	v18 =	vld.idx.msk [tilespmem:v22+s1+$0x0], $0xffff;
	[tilespmem:s13+$0xFFFFFFF0] =	vst v19  }
0x747: {  	v22 =	vmul.f32 v8, v24;
	v19 =	vld.idx.msk [tilespmem:v23+s1+$0x0], $0xffff;
	[tilespmem:s15+$0x40] =	vst v17  }
0x748: {  	v23 =	vmul.f32 v32, v26;
	v17 =	vld.idx.msk [tilespmem:v25+s1+$0x0], $0xffff;
	[tilespmem:s19+$0x16D00] =	vst v16  }
0x749: {  	v16 =	vmul.f32 v9, v21;
	[tilespmem:s13+$0x0] =	vst v22;
	v21 =	vld.idx.msk [tilespmem:v2+s1+$0x0], $0xffff;
	v2 =	vmov v31  }
0x74a: {  	v22 =	vmul.f32 v27, v29;
	v24 =	vld.idx.msk [tilespmem:v28+s1+$0x0], $0xffff;
	[tilespmem:s13+$0x10] =	vst v23  }
0x74b: {  	v20 =	vmul.f32 v20, v4;
	v23 =	vld.idx.msk [tilespmem:v30+s1+$0x0], $0xffff;
	[tilespmem:s13+$0x20] =	vst v16  }
0x74c: {  	v18 =	vmul.f32 v18, v5;
	[tilespmem:s14+$0xFFFFFFB0] =	vst v22;
	v22 =	vld.idx.msk [tilespmem:v37+s1+$0x0], $0xffff  }
0x74d: {  	v19 =	vmul.f32 v19, v6;
	v25 =	vld.idx.msk [tilespmem:v41+s1+$0x0], $0xffff;
	[tilespmem:s14+$0xFFFFFFC0] =	vst v20  }
0x74e: {  	v17 =	vmul.f32 v17, v7;
	v16 =	vld.idx.msk [tilespmem:v11+s1+$0x0], $0xffff;
	[tilespmem:s14+$0xFFFFFFD0] =	vst v18  }
.Ltmp9:
0x74f: {  	v18 =	vmul.f32 v21, v1;
	v1 =	vmov v32;
	v11 =	vld.idx.msk [tilespmem:v12+s1+$0x0], $0xffff;
	[tilespmem:s14+$0xFFFFFFE0] =	vst v19;
	(pc) =	sbr.rel @p0 .LBB2_20-.Ltmp9, $4  }
0x750: {  	v12 =	vld.idx.msk [tilespmem:v13+s1+$0x0], $0xffff;
	[tilespmem:s14+$0xFFFFFFF0] =	vst v17;
	v17 =	vmul.f32 v24, v8  }
0x751: {  	v19 =	vmul.f32 v23, v1;
	v13 =	vld.idx.msk [tilespmem:v14+s1+$0x0], $0xffff;
	[tilespmem:s12+$0x10] =	vst v18  }
0x752: {  	[tilespmem:s14+$0x0] =	vst v17;
	v17 =	vmul.f32 v22, v9;
	v14 =	vld.idx.msk [tilespmem:v3+s1+$0x0], $0xffff;
	v3 =	vmov v15  }
0x753: {  	s18 =	sadd.s32 $0xA0, s18;
	s17 =	sadd.s32 $0xA0, s17;
	v15 =	vmul.f32 v25, v29;
	v10 =	vld.idx.msk [tilespmem:v10+s1+$0x0], $0xffff;
	[tilespmem:s14+$0x10] =	vst v19  }
0x754: {  	_ =	sdelay $0x2  }
0x755: {  	v4 =	vmul.f32 v16, v4;
	[tilespmem:s14+$0x20] =	vst v17  }
0x756: {  	v5 =	vmul.f32 v11, v5;
	v2 =	vld.idx.msk [tilespmem:v2+s1+$0x0], $0xffff;
	[tilespmem:s15+$0xFFFFFFB0] =	vst v15  }
0x757: {  	v59 =	vmul.f32 v12, v6;
	v3 =	vld.idx.msk [tilespmem:v3+s1+$0x0], $0xffff;
	[tilespmem:s15+$0xFFFFFFC0] =	vst v4  }
0x758: {  	[tilespmem:s15+$0xFFFFFFD0] =	vst v5;
	v60 =	vmul.f32 v13, v7  }
0x759: {  	[tilespmem:s15+$0xFFFFFFE0] =	vst v59;
	v0 =	vmul.f32 v14, v0  }
0x75a: {  	[tilespmem:s15+$0xFFFFFFF0] =	vst v60;
	v61 =	vmul.f32 v10, v8  }
0x75b: {  	[tilespmem:s12+$0x20] =	vst v0;
	v62 =	vmul.f32 v2, v1  }
0x75c: {  	[tilespmem:s15+$0x0] =	vst v61;
	v63 =	vmul.f32 v3, v9  }
0x75d: {  	[tilespmem:s15+$0x10] =	vst v62  }
0x75e: {  	[tilespmem:s15+$0x20] =	vst v63  }
0x75f: {  	s11 =	sld [smem:$0x7EB];
	_ =	sdelay $0x2  }
0x760: {  	[hbm4b:s11+s1] =	stream.linear.scatter [tilespmem:s5], [sflag:$0x4], $0x2800, $0x38;
	[tilespmem:$0x19480] =	vst v63  }
0x761: {  	_ = 	snop  }
0x762: {  	[hbm4b:s23+s1] =	stream.linear.scatter [tilespmem:s6], [sflag:$0x4], $0x2800, $0x38;
	[tilespmem:$0x19480] =	vst v63  }
0x763: {  	_ = 	snop  }
0x764: {  	[hbm4b:s24+s1] =	stream.linear.scatter [tilespmem:s7], [sflag:$0x4], $0x2800, $0x38;
	[tilespmem:$0x19480] =	vst v63  }
0x765: {  	_ =	swait.ge [sflag:s8], $0x2800  }
0x766: {  	[sflag:s8] =	ssyncset.done $0x0  }
0x767: {  	[sflag:s8] =	ssyncadd.s32 $0xFFFFD800  }
0x768: {  	_ =	swait.ge [sflag:s8], $0x2800  }
0x769: {  	[sflag:s8] =	ssyncset.done $0x0  }
0x76a: {  	[sflag:s8] =	ssyncadd.s32 $0xFFFFD800  }
0x76b: {  	_ =	swait.ge [sflag:s8], $0x2800  }
0x76c: {  	[sflag:s8] =	ssyncset.done $0x0  }
0x76d: {  	[sflag:s8] =	ssyncadd.s32 $0xFFFFD800  }
0x76e: {  	_ =	swait.ge [sflag:s9], $0x2800  }
0x76f: {  	[sflag:s9] =	ssyncset.done $0x0  }
0x770: {  	[sflag:s9] =	ssyncadd.s32 $0xFFFFD800  }
0x771: {  	_ =	swait.ge [sflag:s9], $0x2800  }
0x772: {  	[sflag:s9] =	ssyncset.done $0x0  }
0x773: {  	[sflag:s9] =	ssyncadd.s32 $0xFFFFD800  }
0x774: {  	_ =	swait.ge [sflag:s9], $0x2800  }
0x775: {  	s19 =	sld [smem:$0x7ED];
	_ =	sdelay $0x1  }
0x776: {  	s10 =	sadd.s32 $0x1, s10  }
0x777: {  	p0 =	sne.s32 s10, s19  }
.Ltmp10:
0x778: {  	_ = 	snop;
	(pc) =	sbr.rel @p0 .LBB2_1-.Ltmp10, $3  }
0x779: {  	_ =	sdelay $0x1  }
0x77a: {  	[sflag:s9] =	ssyncset.done $0x0  }
0x77b: {  	[sflag:s9] =	ssyncadd.s32 $0xFFFFD800  }
0x77c: {  	_ =	sfence.sel $0x180000  }
0x77d: {  	[bflag:$0x0] =	sbarrier.arrive $0xFFFF  }
0x77e: {  	_ =	strace $0x90000047  }
0x77f: {  	s0 =	stileid.u32;
	[bflag:$0x2] =	sbarrier.arrive $0xFFFF  }
0x780: {  	p0 =	sne.s32 s0, $0x0;
	s0 =	rddreg [dreg:$0x4]  }
0x781: {  	s0 =	sadd.s32 @!p0 $0x100000, s0  }
0x782: {  	[sflag:s0] =	ssyncadd.tile.s32 @!p0 $0x1;
	_ =	shalt  }
.Lfunc_end2:
_tile_overlayer_lowered:
.L_overlay_start_2:
0x783: {  	(tag) =	ssettag $0x2  }
0x784: {  	s0 =	rddreg [dreg:$0x0];
	s2 =	stileid.u32  }
0x785: {  	s1 =	rddreg [dreg:$0x1];
	p0 =	sne.s32 s2, $0x0  }
0x786: {  	s3 =	rddreg [dreg:$0x2];
	[bflag:$0x3] =	sbarrier.arrive $0xFFFF;
	s2 =	simm.s32 @!p0 $0x1C05  }
0x787: {  	[timem:s3], [sflag:s2] =	dma.local @!p0 [hbm:s0], s1  }
0x788: {  	s0 =	simm.s32 @!p0 $0x5  }
0x789: {  	_ =	swait.ge @!p0 [sflag:s0], s1  }
0x78a: {  	s1 =	ssub.s32 @!p0 $0x0, s1;
	[sflag:s0] =	ssyncset.done @!p0 $0x0  }
0x78b: {  	[sflag:s0] =	ssyncadd.s32 @!p0 s1  }
0x78c: {  	[bflag:$0x3] =	sbarrier.arrive $0xFFFF  }
0x78d: {  	_ =	shalt  }

</sc_bundles>
